<compile_context>
chip_gen: v7x
topology: tpu7x:2x2x1
jax: 0.10.2.dev20260603
libtpu: 0.0.44.dev20260713+nightly
codegen_flags: <defaults>
</compile_context>

<pallas_src>
import functools

import jax
import jax.numpy as jnp
from jax import lax
from jax.experimental import pallas as pl
from jax.experimental.pallas import tpu as pltpu
from jax.experimental.pallas import tpu_sc as plsc

B = 1024
N_REL = 237
HIDDEN = 64
NS = 8
N_ENT = 100000
N_EDGE = 3200000

NW = 32
CB = B // NW
CE = CB * 2


N1 = CE * NS
N2 = N1 * 2 * NS
L = 16

_SC_PARAMS = pltpu.CompilerParams(needs_layout_passes=False)


def _mesh():
    return plsc.VectorSubcoreMesh(core_axis_name="c", subcore_axis_name="s")


def _expand(lane, src_ref, dst_ref, n_src, w, table_len):
    pos0 = lane * w
    for i in range(n_src // L):
        chunk = src_ref[pl.ds(i * L, L)]
        for j in range(w):
            plsc.store_scatter(dst_ref, [pos0 + (i * L * w + j)],
                               chunk + j * table_len)


def _sc_hop1():
    @functools.partial(
        pl.kernel,
        out_type=[
            jax.ShapeDtypeStruct((NW, N1), jnp.int32),
            jax.ShapeDtypeStruct((NW, N1), jnp.int32),
        ],
        mesh=_mesh(),
        compiler_params=_SC_PARAMS,
        scratch_types=[
            pltpu.VMEM((CE,), jnp.int32),
            pltpu.VMEM((N1,), jnp.int32),
            pltpu.VMEM((N1,), jnp.int32),
            pltpu.VMEM((N1,), jnp.int32),
            pltpu.SemaphoreType.DMA,
        ],
    )
    def hop1(ep_hbm, e2e_hbm, e2r_hbm, out_e1, out_r1,
             ep_v, idx1_v, e1_v, r1_v, sem):
        wid = lax.axis_index("s") * 2 + lax.axis_index("c")
        lane = lax.iota(jnp.int32, L)
        pltpu.sync_copy(ep_hbm.at[pl.ds(wid * CE, CE)], ep_v)
        _expand(lane, ep_v, idx1_v, CE, NS, N_ENT)
        pltpu.async_copy(e2e_hbm.at[idx1_v], e1_v, sem).wait()
        pltpu.async_copy(e2r_hbm.at[e1_v], r1_v, sem).wait()
        pltpu.sync_copy(e1_v, out_e1.at[wid])
        pltpu.sync_copy(r1_v, out_r1.at[wid])

    return hop1


def _sc_hop2():
    @functools.partial(
        pl.kernel,
        out_type=[
            jax.ShapeDtypeStruct((NW, N2), jnp.int32),
            jax.ShapeDtypeStruct((NW, N2), jnp.int32),
        ],
        mesh=_mesh(),
        compiler_params=_SC_PARAMS,
        scratch_types=[
            pltpu.VMEM((N1,), jnp.int32),
            pltpu.VMEM((N1,), jnp.int32),
            pltpu.VMEM((2 * N1,), jnp.int32),
            pltpu.VMEM((N2,), jnp.int32),
            pltpu.VMEM((N2,), jnp.int32),
            pltpu.VMEM((N2,), jnp.int32),
            pltpu.SemaphoreType.DMA,
        ],
    )
    def hop2(ents0_hbm, ents1_hbm, e2e_hbm, e2r_hbm, out_e2, out_r2,
             entA_v, entB_v, ent_v, idx2_v, e2_v, r2_v, sem):
        wid = lax.axis_index("s") * 2 + lax.axis_index("c")
        lane = lax.iota(jnp.int32, L)
        base = wid * N1
        pltpu.sync_copy(ents0_hbm.at[pl.ds(base, N1)], entA_v)
        pltpu.sync_copy(ents1_hbm.at[pl.ds(base, N1)], entB_v)
        pos0 = lane * 2
        for i in range(N1 // L):
            plsc.store_scatter(ent_v, [pos0 + i * 2 * L], entA_v[pl.ds(i * L, L)])
            plsc.store_scatter(ent_v, [pos0 + (i * 2 * L + 1)], entB_v[pl.ds(i * L, L)])
        _expand(lane, ent_v, idx2_v, 2 * N1, NS, N_ENT)
        pltpu.async_copy(e2e_hbm.at[idx2_v], e2_v, sem).wait()
        pltpu.async_copy(e2r_hbm.at[e2_v], r2_v, sem).wait()
        pltpu.sync_copy(e2_v, out_e2.at[wid])
        pltpu.sync_copy(r2_v, out_r2.at[wid])

    return hop2


BB = 128
R = BB * 16


def _tc_body(rel1_r, e1_r, rel2_r, e2_r, te_r,
             w1a_r, w1b_r, w1c_r, b1_r, w2a_r, w2b_r, b2_r, out_r):
    te_b = te_r[...]
    te = jnp.broadcast_to(te_b[:, None, :], (BB, 16, 1)).reshape(R, 1)
    m0 = (e1_r[...] != te).astype(jnp.float32)
    m1 = (e2_r[...] != te).astype(jnp.float32)
    rel2 = rel2_r[...]
    iota = lax.broadcasted_iota(jnp.int32, (R, N_REL), 1)
    x_self = (iota == rel1_r[...]).astype(jnp.float32)
    acc0 = jnp.zeros((R, N_REL), jnp.float32)
    acc1 = jnp.zeros((R, N_REL), jnp.float32)
    for c in range(NS):
        acc0 += jnp.where(iota == rel2[:, c:c + 1], m1[:, c:c + 1], 0.0)
    for c in range(NS, 2 * NS):
        acc1 += jnp.where(iota == rel2[:, c:c + 1], m1[:, c:c + 1], 0.0)
    pre = (jnp.dot(x_self, w1a_r[...], preferred_element_type=jnp.float32)
           + jnp.dot(acc0, w1b_r[...], preferred_element_type=jnp.float32)
           + jnp.dot(acc1, w1c_r[...], preferred_element_type=jnp.float32)
           + b1_r[...])
    v1 = jnp.maximum(pre, 0.0)
    v1m = (v1 * m0 * 0.125).reshape(BB, 2, NS, HIDDEN)
    h = jnp.sum(v1m, axis=2)
    out_r[...] = (jnp.dot(h[:, 0, :], w2a_r[...], preferred_element_type=jnp.float32)
                  + jnp.dot(h[:, 1, :], w2b_r[...], preferred_element_type=jnp.float32)
                  + b2_r[...])


def _tc_compute(rel1_rows, e1_rows, rel2_rows, e2_rows, te_col,
                W1a, W1b, W1c, b1, W2a, W2b, b2):
    n_rows = B * 16
    grid = (B // BB,)
    full = lambda shape: pl.BlockSpec(shape, lambda g: (0, 0))
    rows = lambda w: pl.BlockSpec((R, w), lambda g: (g, 0))
    return pl.pallas_call(
        _tc_body,
        grid=grid,
        in_specs=[
            rows(1),
            rows(1),
            rows(16),
            rows(16),
            pl.BlockSpec((BB, 1), lambda g: (g, 0)),
            full((N_REL, HIDDEN)),
            full((N_REL, HIDDEN)),
            full((N_REL, HIDDEN)),
            full((1, HIDDEN)),
            full((HIDDEN, N_REL)),
            full((HIDDEN, N_REL)),
            full((1, N_REL)),
        ],
        out_specs=pl.BlockSpec((BB, N_REL), lambda g: (g, 0)),
        out_shape=jax.ShapeDtypeStruct((B, N_REL), jnp.float32),
    )(rel1_rows.reshape(n_rows, 1), e1_rows.reshape(n_rows, 1),
      rel2_rows, e2_rows, te_col,
      W1a, W1b, W1c, b1.reshape(1, HIDDEN), W2a, W2b, b2.reshape(1, N_REL))


def kernel(entity_pairs, train_edges, labels, entity2edges, edge2entities,
           edge2relation, relation_features, W1, b1, W2, b2):
    del labels, relation_features
    ep_flat = entity_pairs.reshape(-1)

    e2e_cm = entity2edges.T.reshape(-1)

    out_e1, out_r1 = _sc_hop1()(ep_flat, e2e_cm, edge2relation)
    ents = jnp.take(edge2entities, out_e1.reshape(-1), axis=0)
    out_e2, out_r2 = _sc_hop2()(ents[:, 0], ents[:, 1], e2e_cm, edge2relation)

    e1_rows = out_e1.reshape(B, 16)
    r1_rows = out_r1.reshape(B, 16)
    e2_rows = out_e2.reshape(B * 16, 16)
    r2_rows = out_r2.reshape(B * 16, 16)
    te_col = train_edges[:, None]

    W1a = W1[:N_REL]
    W1b = W1[N_REL:2 * N_REL] * 0.125
    W1c = W1[2 * N_REL:] * 0.125
    W2a, W2b = W2[:HIDDEN], W2[HIDDEN:]
    return _tc_compute(r1_rows, e1_rows, r2_rows, e2_rows, te_col,
                       W1a, W1b, W1c, b1, W2a, W2b, b2)

# --- scband reference (transcript-rebuilt; emitter-appended) ---
"""Pipeline reference for scband-path-con-76235669504153 (READ-ONLY COPY).

The authoritative reference and input builder live on the scoring server;
editing this copy changes nothing except your own understanding.
"""

import jax, jax.numpy as jnp
import numpy as np

N_ENT = 100000
N_EDGE = 3200000
N_REL = 237
NEIGHBOR_SAMPLES = 8
HOPS = 2
B = 1024
HIDDEN = 64


def setup_inputs(seed: int = 0):
    key = jax.random.key(seed)
    ks = jax.random.split(key, 12)
    inp = {}
    # forward batch
    inp['entity_pairs'] = jax.random.randint(ks[0], (B, 2), 0, N_ENT)
    inp['train_edges'] = jax.random.randint(ks[1], (B,), 0, N_EDGE)
    inp['labels'] = jax.random.randint(ks[2], (B,), 0, N_REL)
    # graph buffers (params_for_neighbors): sampled adjacency tables
    inp['entity2edges'] = jax.random.randint(ks[3], (N_ENT, NEIGHBOR_SAMPLES), 0, N_EDGE)
    inp['edge2entities'] = jax.random.randint(ks[4], (N_EDGE + 1, 2), 0, N_ENT)
    e2r = jax.random.randint(ks[5], (N_EDGE + 1,), 0, N_REL)
    inp['edge2relation'] = e2r.at[-1].set(N_REL)  # last edge is the null edge -> null relation
    # feature_type == 'id': identity relation features + zero row for null relation
    inp['relation_features'] = jnp.concatenate(
        [jnp.eye(N_REL, dtype=jnp.float32), jnp.zeros((1, N_REL), jnp.float32)], axis=0)
    # ConcatAggregator 0: input_dim=N_REL, output_dim=HIDDEN, self_included=True (multiplier 3), act=relu
    lim1 = float(np.sqrt(6.0 / (3 * N_REL + HIDDEN)))
    inp['W1'] = jax.random.uniform(ks[6], (3 * N_REL, HIDDEN), jnp.float32, -lim1, lim1)
    inp['b1'] = jnp.zeros((HIDDEN,), jnp.float32)
    # ConcatAggregator 1: input_dim=HIDDEN, output_dim=N_REL, self_included=False (multiplier 2), act=identity
    lim2 = float(np.sqrt(6.0 / (2 * HIDDEN + N_REL)))
    inp['W2'] = jax.random.uniform(ks[7], (2 * HIDDEN, N_REL), jnp.float32, -lim2, lim2)
    inp['b2'] = jnp.zeros((N_REL,), jnp.float32)
    return inp


def _forward(entity_pairs, train_edges, labels, entity2edges, edge2entities,
             edge2relation, relation_features, W1, b1, W2, b2):
    # ---- _get_neighbors_and_masks ----
    edges_list = [labels]
    masks = []
    te = train_edges[:, None]
    for i in range(HOPS):
        if i == 0:
            neighbor_entities = entity_pairs
        else:
            neighbor_entities = jnp.take(edge2entities, edges_list[-1].reshape(-1), axis=0).reshape(B, -1)
        neighbor_edges = jnp.take(entity2edges, neighbor_entities.reshape(-1), axis=0).reshape(B, -1)
        edges_list.append(neighbor_edges)
        masks.append((neighbor_edges - te != 0).astype(jnp.float32))
    # ---- translate edges -> relation feature vectors ----
    edge_vectors = [jnp.take(relation_features, edges_list[0], axis=0)]
    for edges in edges_list[1:]:
        rels = jnp.take(edge2relation, edges.reshape(-1), axis=0).reshape(edges.shape)
        edge_vectors.append(jnp.take(relation_features, rels.reshape(-1), axis=0).reshape(rels.shape + (N_REL,)))
    # ---- iterative neighbor aggregation (ConcatAggregator) ----
    aggs = [(N_REL, W1, b1, True, jax.nn.relu), (HIDDEN, W2, b2, False, (lambda x: x))]
    for i in range(HOPS):
        input_dim, W, b, self_inc, act = aggs[i]
        next_vectors = []
        for hop in range(HOPS - i):
            self_vec = edge_vectors[hop].reshape(B, -1, input_dim)
            neigh = edge_vectors[hop + 1].reshape(B, -1, 2, NEIGHBOR_SAMPLES, input_dim)
            m = masks[hop].reshape(B, -1, 2, NEIGHBOR_SAMPLES, 1)
            entity_vectors = jnp.mean(neigh * m, axis=-2)  # [B, -1, 2, input_dim]
            out = entity_vectors.reshape(-1, 2 * input_dim)
            if self_inc:
                out = jnp.concatenate([self_vec.reshape(-1, input_dim), out], axis=-1)
            out = out @ W + b
            out = act(out.reshape(B, -1, W.shape[1]))
            next_vectors.append(out)
        edge_vectors = next_vectors
    scores = edge_vectors[0].reshape(B, N_REL)
    return scores


def reference(entity_pairs, train_edges, labels, entity2edges, edge2entities,
              edge2relation, relation_features, W1, b1, W2, b2):
    return _forward(entity_pairs, train_edges, labels, entity2edges, edge2entities,
                    edge2relation, relation_features, W1, b1, W2, b2)

if __name__ == "__main__":
    import jax
    _d = setup_inputs()
    print(jax.jit(kernel)(*tuple(_d.values())))

</pallas_src>

<mosaic_0001>
#map = affine_map<(d0, d1) -> (0)>
#map1 = affine_map<(d0, d1) -> (0, 0)>
module attributes {stable_mosaic.version = 14 : i64} {
  func.func @hop2(%arg0: i32, %arg1: i32, %arg2: memref<16384xi32, #tpu.memory_space<hbm>>, %arg3: memref<16384xi32, #tpu.memory_space<hbm>>, %arg4: memref<800000xi32, #tpu.memory_space<hbm>>, %arg5: memref<3200001xi32, #tpu.memory_space<hbm>>, %arg6: memref<32x8192xi32, #tpu.memory_space<hbm>>, %arg7: memref<32x8192xi32, #tpu.memory_space<hbm>>, %arg8: memref<512xi32, #tpu.memory_space<vmem>>, %arg9: memref<512xi32, #tpu.memory_space<vmem>>, %arg10: memref<1024xi32, #tpu.memory_space<vmem>>, %arg11: memref<8192xi32, #tpu.memory_space<vmem>>, %arg12: memref<8192xi32, #tpu.memory_space<vmem>>, %arg13: memref<8192xi32, #tpu.memory_space<vmem>>, %arg14: memref<!tpu.dma_semaphore, #tpu.memory_space<semaphore_mem>>) attributes {dimension_semantics = [#tpu.dimension_semantics<core_parallel>, #tpu.dimension_semantics<subcore_parallel>], iteration_bounds = array<i64: 2, 16>, scalar_prefetch = 0 : i64, scratch_operands = 7 : i64, tpu.core_type = #tpu.core_type<sc_vector_subcore>, window_params = [{transform_indices = #map}, {transform_indices = #map}, {transform_indices = #map}, {transform_indices = #map}, {transform_indices = #map1}, {transform_indices = #map1}]} {
    %mul3A = arith.constant 2 : i32
    %mul3A_0 = arith.muli %arg1, %mul3A : i32
    %add3A = arith.addi %mul3A_0, %arg0 : i32
    %iota3A = tpu.iota {dimensions = array<i32: 0>} : vector<16xi32>
    %mul3A_1 = arith.constant 512 : i32
    %mul3A_2 = arith.muli %add3A, %mul3A_1 : i32
    "tpu.region"() ({
      %run_scoped3A = tpu.sem_alloc : memref<!tpu.dma_semaphore, #tpu.memory_space<semaphore_mem>>
      %dma_start3A_3534 = tpu.memref_slice %arg2[%mul3A_2] : memref<16384xi32, #tpu.memory_space<hbm>> -> memref<512xi32, #tpu.memory_space<hbm>>
      %dma_start3A_3535 = tpu.memref_slice %arg2[%mul3A_2] : memref<16384xi32, #tpu.memory_space<hbm>> -> memref<512xi32, #tpu.memory_space<hbm>>
      tpu.enqueue_dma source(%dma_start3A_3535 : memref<512xi32, #tpu.memory_space<hbm>>) target(%arg8 : memref<512xi32, #tpu.memory_space<vmem>>) target_semaphore(%run_scoped3A : memref<!tpu.dma_semaphore, #tpu.memory_space<semaphore_mem>>)
      %dma_wait3A_3536 = tpu.memref_slice %arg2[%mul3A_2] : memref<16384xi32, #tpu.memory_space<hbm>> -> memref<512xi32, #tpu.memory_space<hbm>>
      %dma_wait3A_3537 = tpu.memref_slice %arg2[%mul3A_2] : memref<16384xi32, #tpu.memory_space<hbm>> -> memref<512xi32, #tpu.memory_space<hbm>>
      tpu.wait_dma2 semaphore(%run_scoped3A : memref<!tpu.dma_semaphore, #tpu.memory_space<semaphore_mem>>) src(%dma_wait3A_3537 : memref<512xi32, #tpu.memory_space<hbm>>) dst(%arg8 : memref<512xi32, #tpu.memory_space<vmem>>)
      tpu.yield
    }) : () -> ()
    "tpu.region"() ({
      %run_scoped3A = tpu.sem_alloc : memref<!tpu.dma_semaphore, #tpu.memory_space<semaphore_mem>>
      %dma_start3A_3534 = tpu.memref_slice %arg3[%mul3A_2] : memref<16384xi32, #tpu.memory_space<hbm>> -> memref<512xi32, #tpu.memory_space<hbm>>
      %dma_start3A_3535 = tpu.memref_slice %arg3[%mul3A_2] : memref<16384xi32, #tpu.memory_space<hbm>> -> memref<512xi32, #tpu.memory_space<hbm>>
      tpu.enqueue_dma source(%dma_start3A_3535 : memref<512xi32, #tpu.memory_space<hbm>>) target(%arg9 : memref<512xi32, #tpu.memory_space<vmem>>) target_semaphore(%run_scoped3A : memref<!tpu.dma_semaphore, #tpu.memory_space<semaphore_mem>>)
      %dma_wait3A_3536 = tpu.memref_slice %arg3[%mul3A_2] : memref<16384xi32, #tpu.memory_space<hbm>> -> memref<512xi32, #tpu.memory_space<hbm>>
      %dma_wait3A_3537 = tpu.memref_slice %arg3[%mul3A_2] : memref<16384xi32, #tpu.memory_space<hbm>> -> memref<512xi32, #tpu.memory_space<hbm>>
      tpu.wait_dma2 semaphore(%run_scoped3A : memref<!tpu.dma_semaphore, #tpu.memory_space<semaphore_mem>>) src(%dma_wait3A_3537 : memref<512xi32, #tpu.memory_space<hbm>>) dst(%arg9 : memref<512xi32, #tpu.memory_space<vmem>>)
      tpu.yield
    }) : () -> ()
    %mul3A_3 = arith.constant 2 : i32
    %mul3A_4 = vector.broadcast %mul3A_3 : i32 to vector<16xi32>
    %mul3A_5 = arith.muli %iota3A, %mul3A_4 : vector<16xi32>
    %add3A_6 = arith.constant 0 : i32
    %add3A_7 = vector.broadcast %add3A_6 : i32 to vector<16xi32>
    %add3A_8 = arith.addi %mul3A_5, %add3A_7 : vector<16xi32>
    %get3A = arith.constant 0 : index
    %get3A_9 = tpu.vector_load %arg8[%get3A] {strides = array<i32>} : memref<512xi32, #tpu.memory_space<vmem>>, vector<16xi32>,
    tpu.vector_store_idx %arg10[%add3A_8], %get3A_9 : memref<1024xi32, #tpu.memory_space<vmem>>[vector<16xi32>], vector<16xi32>,
    %add3A_10 = arith.constant 1 : i32
    %add3A_11 = vector.broadcast %add3A_10 : i32 to vector<16xi32>
    %add3A_12 = arith.addi %mul3A_5, %add3A_11 : vector<16xi32>
    %get3A_13 = arith.constant 0 : index
    %get3A_14 = tpu.vector_load %arg9[%get3A_13] {strides = array<i32>} : memref<512xi32, #tpu.memory_space<vmem>>, vector<16xi32>,
    tpu.vector_store_idx %arg10[%add3A_12], %get3A_14 : memref<1024xi32, #tpu.memory_space<vmem>>[vector<16xi32>], vector<16xi32>,
    %add3A_15 = arith.constant 32 : i32
    %add3A_16 = vector.broadcast %add3A_15 : i32 to vector<16xi32>
    %add3A_17 = arith.addi %mul3A_5, %add3A_16 : vector<16xi32>
    %get3A_18 = arith.constant 16 : index
    %get3A_19 = tpu.vector_load %arg8[%get3A_18] {strides = array<i32>} : memref<512xi32, #tpu.memory_space<vmem>>, vector<16xi32>,
    tpu.vector_store_idx %arg10[%add3A_17], %get3A_19 : memref<1024xi32, #tpu.memory_space<vmem>>[vector<16xi32>], vector<16xi32>,
    %add3A_20 = arith.constant 33 : i32
    %add3A_21 = vector.broadcast %add3A_20 : i32 to vector<16xi32>
    %add3A_22 = arith.addi %mul3A_5, %add3A_21 : vector<16xi32>
    %get3A_23 = arith.constant 16 : index
    %get3A_24 = tpu.vector_load %arg9[%get3A_23] {strides = array<i32>} : memref<512xi32, #tpu.memory_space<vmem>>, vector<16xi32>,
    tpu.vector_store_idx %arg10[%add3A_22], %get3A_24 : memref<1024xi32, #tpu.memory_space<vmem>>[vector<16xi32>], vector<16xi32>,
    %add3A_25 = arith.constant 64 : i32
    %add3A_26 = vector.broadcast %add3A_25 : i32 to vector<16xi32>
    %add3A_27 = arith.addi %mul3A_5, %add3A_26 : vector<16xi32>
    %get3A_28 = arith.constant 32 : index
    %get3A_29 = tpu.vector_load %arg8[%get3A_28] {strides = array<i32>} : memref<512xi32, #tpu.memory_space<vmem>>, vector<16xi32>,
    tpu.vector_store_idx %arg10[%add3A_27], %get3A_29 : memref<1024xi32, #tpu.memory_space<vmem>>[vector<16xi32>], vector<16xi32>,
    %add3A_30 = arith.constant 65 : i32
    %add3A_31 = vector.broadcast %add3A_30 : i32 to vector<16xi32>
    %add3A_32 = arith.addi %mul3A_5, %add3A_31 : vector<16xi32>
    %get3A_33 = arith.constant 32 : index
    %get3A_34 = tpu.vector_load %arg9[%get3A_33] {strides = array<i32>} : memref<512xi32, #tpu.memory_space<vmem>>, vector<16xi32>,
    tpu.vector_store_idx %arg10[%add3A_32], %get3A_34 : memref<1024xi32, #tpu.memory_space<vmem>>[vector<16xi32>], vector<16xi32>,
    %add3A_35 = arith.constant 96 : i32
    %add3A_36 = vector.broadcast %add3A_35 : i32 to vector<16xi32>
    %add3A_37 = arith.addi %mul3A_5, %add3A_36 : vector<16xi32>
    %get3A_38 = arith.constant 48 : index
    %get3A_39 = tpu.vector_load %arg8[%get3A_38] {strides = array<i32>} : memref<512xi32, #tpu.memory_space<vmem>>, vector<16xi32>,
    tpu.vector_store_idx %arg10[%add3A_37], %get3A_39 : memref<1024xi32, #tpu.memory_space<vmem>>[vector<16xi32>], vector<16xi32>,
    %add3A_40 = arith.constant 97 : i32
    %add3A_41 = vector.broadcast %add3A_40 : i32 to vector<16xi32>
    %add3A_42 = arith.addi %mul3A_5, %add3A_41 : vector<16xi32>
    %get3A_43 = arith.constant 48 : index
    %get3A_44 = tpu.vector_load %arg9[%get3A_43] {strides = array<i32>} : memref<512xi32, #tpu.memory_space<vmem>>, vector<16xi32>,
    tpu.vector_store_idx %arg10[%add3A_42], %get3A_44 : memref<1024xi32, #tpu.memory_space<vmem>>[vector<16xi32>], vector<16xi32>,
    %add3A_45 = arith.constant 128 : i32
    %add3A_46 = vector.broadcast %add3A_45 : i32 to vector<16xi32>
    %add3A_47 = arith.addi %mul3A_5, %add3A_46 : vector<16xi32>
    %get3A_48 = arith.constant 64 : index
    %get3A_49 = tpu.vector_load %arg8[%get3A_48] {strides = array<i32>} : memref<512xi32, #tpu.memory_space<vmem>>, vector<16xi32>,
    tpu.vector_store_idx %arg10[%add3A_47], %get3A_49 : memref<1024xi32, #tpu.memory_space<vmem>>[vector<16xi32>], vector<16xi32>,
    %add3A_50 = arith.constant 129 : i32
    %add3A_51 = vector.broadcast %add3A_50 : i32 to vector<16xi32>
    %add3A_52 = arith.addi %mul3A_5, %add3A_51 : vector<16xi32>
    %get3A_53 = arith.constant 64 : index
    %get3A_54 = tpu.vector_load %arg9[%get3A_53] {strides = array<i32>} : memref<512xi32, #tpu.memory_space<vmem>>, vector<16xi32>,
    tpu.vector_store_idx %arg10[%add3A_52], %get3A_54 : memref<1024xi32, #tpu.memory_space<vmem>>[vector<16xi32>], vector<16xi32>,
    %add3A_55 = arith.constant 160 : i32
    %add3A_56 = vector.broadcast %add3A_55 : i32 to vector<16xi32>
    %add3A_57 = arith.addi %mul3A_5, %add3A_56 : vector<16xi32>
    %get3A_58 = arith.constant 80 : index
    %get3A_59 = tpu.vector_load %arg8[%get3A_58] {strides = array<i32>} : memref<512xi32, #tpu.memory_space<vmem>>, vector<16xi32>,
    tpu.vector_store_idx %arg10[%add3A_57], %get3A_59 : memref<1024xi32, #tpu.memory_space<vmem>>[vector<16xi32>], vector<16xi32>,
    %add3A_60 = arith.constant 161 : i32
    %add3A_61 = vector.broadcast %add3A_60 : i32 to vector<16xi32>
    %add3A_62 = arith.addi %mul3A_5, %add3A_61 : vector<16xi32>
    %get3A_63 = arith.constant 80 : index
    %get3A_64 = tpu.vector_load %arg9[%get3A_63] {strides = array<i32>} : memref<512xi32, #tpu.memory_space<vmem>>, vector<16xi32>,
    tpu.vector_store_idx %arg10[%add3A_62], %get3A_64 : memref<1024xi32, #tpu.memory_space<vmem>>[vector<16xi32>], vector<16xi32>,
    %add3A_65 = arith.constant 192 : i32
    %add3A_66 = vector.broadcast %add3A_65 : i32 to vector<16xi32>
    %add3A_67 = arith.addi %mul3A_5, %add3A_66 : vector<16xi32>
    %get3A_68 = arith.constant 96 : index
    %get3A_69 = tpu.vector_load %arg8[%get3A_68] {strides = array<i32>} : memref<512xi32, #tpu.memory_space<vmem>>, vector<16xi32>,
    tpu.vector_store_idx %arg10[%add3A_67], %get3A_69 : memref<1024xi32, #tpu.memory_space<vmem>>[vector<16xi32>], vector<16xi32>,
    %add3A_70 = arith.constant 193 : i32
    %add3A_71 = vector.broadcast %add3A_70 : i32 to vector<16xi32>
    %add3A_72 = arith.addi %mul3A_5, %add3A_71 : vector<16xi32>
    %get3A_73 = arith.constant 96 : index
    %get3A_74 = tpu.vector_load %arg9[%get3A_73] {strides = array<i32>} : memref<512xi32, #tpu.memory_space<vmem>>, vector<16xi32>,
    tpu.vector_store_idx %arg10[%add3A_72], %get3A_74 : memref<1024xi32, #tpu.memory_space<vmem>>[vector<16xi32>], vector<16xi32>,
    %add3A_75 = arith.constant 224 : i32
    %add3A_76 = vector.broadcast %add3A_75 : i32 to vector<16xi32>
    %add3A_77 = arith.addi %mul3A_5, %add3A_76 : vector<16xi32>
    %get3A_78 = arith.constant 112 : index
    %get3A_79 = tpu.vector_load %arg8[%get3A_78] {strides = array<i32>} : memref<512xi32, #tpu.memory_space<vmem>>, vector<16xi32>,
    tpu.vector_store_idx %arg10[%add3A_77], %get3A_79 : memref<1024xi32, #tpu.memory_space<vmem>>[vector<16xi32>], vector<16xi32>,
    %add3A_80 = arith.constant 225 : i32
    %add3A_81 = vector.broadcast %add3A_80 : i32 to vector<16xi32>
    %add3A_82 = arith.addi %mul3A_5, %add3A_81 : vector<16xi32>
    %get3A_83 = arith.constant 112 : index
    %get3A_84 = tpu.vector_load %arg9[%get3A_83] {strides = array<i32>} : memref<512xi32, #tpu.memory_space<vmem>>, vector<16xi32>,
    tpu.vector_store_idx %arg10[%add3A_82], %get3A_84 : memref<1024xi32, #tpu.memory_space<vmem>>[vector<16xi32>], vector<16xi32>,
    %add3A_85 = arith.constant 256 : i32
    %add3A_86 = vector.broadcast %add3A_85 : i32 to vector<16xi32>
    %add3A_87 = arith.addi %mul3A_5, %add3A_86 : vector<16xi32>
    %get3A_88 = arith.constant 128 : index
    %get3A_89 = tpu.vector_load %arg8[%get3A_88] {strides = array<i32>} : memref<512xi32, #tpu.memory_space<vmem>>, vector<16xi32>,
    tpu.vector_store_idx %arg10[%add3A_87], %get3A_89 : memref<1024xi32, #tpu.memory_space<vmem>>[vector<16xi32>], vector<16xi32>,
    %add3A_90 = arith.constant 257 : i32
    %add3A_91 = vector.broadcast %add3A_90 : i32 to vector<16xi32>
    %add3A_92 = arith.addi %mul3A_5, %add3A_91 : vector<16xi32>
    %get3A_93 = arith.constant 128 : index
    %get3A_94 = tpu.vector_load %arg9[%get3A_93] {strides = array<i32>} : memref<512xi32, #tpu.memory_space<vmem>>, vector<16xi32>,
    tpu.vector_store_idx %arg10[%add3A_92], %get3A_94 : memref<1024xi32, #tpu.memory_space<vmem>>[vector<16xi32>], vector<16xi32>,
    %add3A_95 = arith.constant 288 : i32
    %add3A_96 = vector.broadcast %add3A_95 : i32 to vector<16xi32>
    %add3A_97 = arith.addi %mul3A_5, %add3A_96 : vector<16xi32>
    %get3A_98 = arith.constant 144 : index
    %get3A_99 = tpu.vector_load %arg8[%get3A_98] {strides = array<i32>} : memref<512xi32, #tpu.memory_space<vmem>>, vector<16xi32>,
    tpu.vector_store_idx %arg10[%add3A_97], %get3A_99 : memref<1024xi32, #tpu.memory_space<vmem>>[vector<16xi32>], vector<16xi32>,
    %add3A_100 = arith.constant 289 : i32
    %add3A_101 = vector.broadcast %add3A_100 : i32 to vector<16xi32>
    %add3A_102 = arith.addi %mul3A_5, %add3A_101 : vector<16xi32>
    %get3A_103 = arith.constant 144 : index
    %get3A_104 = tpu.vector_load %arg9[%get3A_103] {strides = array<i32>} : memref<512xi32, #tpu.memory_space<vmem>>, vector<16xi32>,
    tpu.vector_store_idx %arg10[%add3A_102], %get3A_104 : memref<1024xi32, #tpu.memory_space<vmem>>[vector<16xi32>], vector<16xi32>,
    %add3A_105 = arith.constant 320 : i32
    %add3A_106 = vector.broadcast %add3A_105 : i32 to vector<16xi32>
    %add3A_107 = arith.addi %mul3A_5, %add3A_106 : vector<16xi32>
    %get3A_108 = arith.constant 160 : index
    %get3A_109 = tpu.vector_load %arg8[%get3A_108] {strides = array<i32>} : memref<512xi32, #tpu.memory_space<vmem>>, vector<16xi32>,
    tpu.vector_store_idx %arg10[%add3A_107], %get3A_109 : memref<1024xi32, #tpu.memory_space<vmem>>[vector<16xi32>], vector<16xi32>,
    %add3A_110 = arith.constant 321 : i32
    %add3A_111 = vector.broadcast %add3A_110 : i32 to vector<16xi32>
    %add3A_112 = arith.addi %mul3A_5, %add3A_111 : vector<16xi32>
    %get3A_113 = arith.constant 160 : index
    %get3A_114 = tpu.vector_load %arg9[%get3A_113] {strides = array<i32>} : memref<512xi32, #tpu.memory_space<vmem>>, vector<16xi32>,
    tpu.vector_store_idx %arg10[%add3A_112], %get3A_114 : memref<1024xi32, #tpu.memory_space<vmem>>[vector<16xi32>], vector<16xi32>,
    %add3A_115 = arith.constant 352 : i32
    %add3A_116 = vector.broadcast %add3A_115 : i32 to vector<16xi32>
    %add3A_117 = arith.addi %mul3A_5, %add3A_116 : vector<16xi32>
    %get3A_118 = arith.constant 176 : index
    %get3A_119 = tpu.vector_load %arg8[%get3A_118] {strides = array<i32>} : memref<512xi32, #tpu.memory_space<vmem>>, vector<16xi32>,
    tpu.vector_store_idx %arg10[%add3A_117], %get3A_119 : memref<1024xi32, #tpu.memory_space<vmem>>[vector<16xi32>], vector<16xi32>,
    %add3A_120 = arith.constant 353 : i32
    %add3A_121 = vector.broadcast %add3A_120 : i32 to vector<16xi32>
    %add3A_122 = arith.addi %mul3A_5, %add3A_121 : vector<16xi32>
    %get3A_123 = arith.constant 176 : index
    %get3A_124 = tpu.vector_load %arg9[%get3A_123] {strides = array<i32>} : memref<512xi32, #tpu.memory_space<vmem>>, vector<16xi32>,
    tpu.vector_store_idx %arg10[%add3A_122], %get3A_124 : memref<1024xi32, #tpu.memory_space<vmem>>[vector<16xi32>], vector<16xi32>,
    %add3A_125 = arith.constant 384 : i32
    %add3A_126 = vector.broadcast %add3A_125 : i32 to vector<16xi32>
    %add3A_127 = arith.addi %mul3A_5, %add3A_126 : vector<16xi32>
    %get3A_128 = arith.constant 192 : index
    %get3A_129 = tpu.vector_load %arg8[%get3A_128] {strides = array<i32>} : memref<512xi32, #tpu.memory_space<vmem>>, vector<16xi32>,
    tpu.vector_store_idx %arg10[%add3A_127], %get3A_129 : memref<1024xi32, #tpu.memory_space<vmem>>[vector<16xi32>], vector<16xi32>,
    %add3A_130 = arith.constant 385 : i32
    %add3A_131 = vector.broadcast %add3A_130 : i32 to vector<16xi32>
    %add3A_132 = arith.addi %mul3A_5, %add3A_131 : vector<16xi32>
    %get3A_133 = arith.constant 192 : index
    %get3A_134 = tpu.vector_load %arg9[%get3A_133] {strides = array<i32>} : memref<512xi32, #tpu.memory_space<vmem>>, vector<16xi32>,
    tpu.vector_store_idx %arg10[%add3A_132], %get3A_134 : memref<1024xi32, #tpu.memory_space<vmem>>[vector<16xi32>], vector<16xi32>,
    %add3A_135 = arith.constant 416 : i32
    %add3A_136 = vector.broadcast %add3A_135 : i32 to vector<16xi32>
    %add3A_137 = arith.addi %mul3A_5, %add3A_136 : vector<16xi32>
    %get3A_138 = arith.constant 208 : index
    %get3A_139 = tpu.vector_load %arg8[%get3A_138] {strides = array<i32>} : memref<512xi32, #tpu.memory_space<vmem>>, vector<16xi32>,
    tpu.vector_store_idx %arg10[%add3A_137], %get3A_139 : memref<1024xi32, #tpu.memory_space<vmem>>[vector<16xi32>], vector<16xi32>,
    %add3A_140 = arith.constant 417 : i32
    %add3A_141 = vector.broadcast %add3A_140 : i32 to vector<16xi32>
    %add3A_142 = arith.addi %mul3A_5, %add3A_141 : vector<16xi32>
    %get3A_143 = arith.constant 208 : index
    %get3A_144 = tpu.vector_load %arg9[%get3A_143] {strides = array<i32>} : memref<512xi32, #tpu.memory_space<vmem>>, vector<16xi32>,
    tpu.vector_store_idx %arg10[%add3A_142], %get3A_144 : memref<1024xi32, #tpu.memory_space<vmem>>[vector<16xi32>], vector<16xi32>,
    %add3A_145 = arith.constant 448 : i32
    %add3A_146 = vector.broadcast %add3A_145 : i32 to vector<16xi32>
    %add3A_147 = arith.addi %mul3A_5, %add3A_146 : vector<16xi32>
    %get3A_148 = arith.constant 224 : index
    %get3A_149 = tpu.vector_load %arg8[%get3A_148] {strides = array<i32>} : memref<512xi32, #tpu.memory_space<vmem>>, vector<16xi32>,
    tpu.vector_store_idx %arg10[%add3A_147], %get3A_149 : memref<1024xi32, #tpu.memory_space<vmem>>[vector<16xi32>], vector<16xi32>,
    %add3A_150 = arith.constant 449 : i32
    %add3A_151 = vector.broadcast %add3A_150 : i32 to vector<16xi32>
    %add3A_152 = arith.addi %mul3A_5, %add3A_151 : vector<16xi32>
    %get3A_153 = arith.constant 224 : index
    %get3A_154 = tpu.vector_load %arg9[%get3A_153] {strides = array<i32>} : memref<512xi32, #tpu.memory_space<vmem>>, vector<16xi32>,
    tpu.vector_store_idx %arg10[%add3A_152], %get3A_154 : memref<1024xi32, #tpu.memory_space<vmem>>[vector<16xi32>], vector<16xi32>,
    %add3A_155 = arith.constant 480 : i32
    %add3A_156 = vector.broadcast %add3A_155 : i32 to vector<16xi32>
    %add3A_157 = arith.addi %mul3A_5, %add3A_156 : vector<16xi32>
    %get3A_158 = arith.constant 240 : index
    %get3A_159 = tpu.vector_load %arg8[%get3A_158] {strides = array<i32>} : memref<512xi32, #tpu.memory_space<vmem>>, vector<16xi32>,
    tpu.vector_store_idx %arg10[%add3A_157], %get3A_159 : memref<1024xi32, #tpu.memory_space<vmem>>[vector<16xi32>], vector<16xi32>,
    %add3A_160 = arith.constant 481 : i32
    %add3A_161 = vector.broadcast %add3A_160 : i32 to vector<16xi32>
    %add3A_162 = arith.addi %mul3A_5, %add3A_161 : vector<16xi32>
    %get3A_163 = arith.constant 240 : index
    %get3A_164 = tpu.vector_load %arg9[%get3A_163] {strides = array<i32>} : memref<512xi32, #tpu.memory_space<vmem>>, vector<16xi32>,
    tpu.vector_store_idx %arg10[%add3A_162], %get3A_164 : memref<1024xi32, #tpu.memory_space<vmem>>[vector<16xi32>], vector<16xi32>,
    %add3A_165 = arith.constant 512 : i32
    %add3A_166 = vector.broadcast %add3A_165 : i32 to vector<16xi32>
    %add3A_167 = arith.addi %mul3A_5, %add3A_166 : vector<16xi32>
    %get3A_168 = arith.constant 256 : index
    %get3A_169 = tpu.vector_load %arg8[%get3A_168] {strides = array<i32>} : memref<512xi32, #tpu.memory_space<vmem>>, vector<16xi32>,
    tpu.vector_store_idx %arg10[%add3A_167], %get3A_169 : memref<1024xi32, #tpu.memory_space<vmem>>[vector<16xi32>], vector<16xi32>,
    %add3A_170 = arith.constant 513 : i32
    %add3A_171 = vector.broadcast %add3A_170 : i32 to vector<16xi32>
    %add3A_172 = arith.addi %mul3A_5, %add3A_171 : vector<16xi32>
    %get3A_173 = arith.constant 256 : index
    %get3A_174 = tpu.vector_load %arg9[%get3A_173] {strides = array<i32>} : memref<512xi32, #tpu.memory_space<vmem>>, vector<16xi32>,
    tpu.vector_store_idx %arg10[%add3A_172], %get3A_174 : memref<1024xi32, #tpu.memory_space<vmem>>[vector<16xi32>], vector<16xi32>,
    %add3A_175 = arith.constant 544 : i32
    %add3A_176 = vector.broadcast %add3A_175 : i32 to vector<16xi32>
    %add3A_177 = arith.addi %mul3A_5, %add3A_176 : vector<16xi32>
    %get3A_178 = arith.constant 272 : index
    %get3A_179 = tpu.vector_load %arg8[%get3A_178] {strides = array<i32>} : memref<512xi32, #tpu.memory_space<vmem>>, vector<16xi32>,
    tpu.vector_store_idx %arg10[%add3A_177], %get3A_179 : memref<1024xi32, #tpu.memory_space<vmem>>[vector<16xi32>], vector<16xi32>,
    %add3A_180 = arith.constant 545 : i32
    %add3A_181 = vector.broadcast %add3A_180 : i32 to vector<16xi32>
    %add3A_182 = arith.addi %mul3A_5, %add3A_181 : vector<16xi32>
    %get3A_183 = arith.constant 272 : index
    %get3A_184 = tpu.vector_load %arg9[%get3A_183] {strides = array<i32>} : memref<512xi32, #tpu.memory_space<vmem>>, vector<16xi32>,
    tpu.vector_store_idx %arg10[%add3A_182], %get3A_184 : memref<1024xi32, #tpu.memory_space<vmem>>[vector<16xi32>], vector<16xi32>,
    %add3A_185 = arith.constant 576 : i32
    %add3A_186 = vector.broadcast %add3A_185 : i32 to vector<16xi32>
    %add3A_187 = arith.addi %mul3A_5, %add3A_186 : vector<16xi32>
    %get3A_188 = arith.constant 288 : index
    %get3A_189 = tpu.vector_load %arg8[%get3A_188] {strides = array<i32>} : memref<512xi32, #tpu.memory_space<vmem>>, vector<16xi32>,
    tpu.vector_store_idx %arg10[%add3A_187], %get3A_189 : memref<1024xi32, #tpu.memory_space<vmem>>[vector<16xi32>], vector<16xi32>,
    %add3A_190 = arith.constant 577 : i32
    %add3A_191 = vector.broadcast %add3A_190 : i32 to vector<16xi32>
    %add3A_192 = arith.addi %mul3A_5, %add3A_191 : vector<16xi32>
    %get3A_193 = arith.constant 288 : index
    %get3A_194 = tpu.vector_load %arg9[%get3A_193] {strides = array<i32>} : memref<512xi32, #tpu.memory_space<vmem>>, vector<16xi32>,
    tpu.vector_store_idx %arg10[%add3A_192], %get3A_194 : memref<1024xi32, #tpu.memory_space<vmem>>[vector<16xi32>], vector<16xi32>,
    %add3A_195 = arith.constant 608 : i32
    %add3A_196 = vector.broadcast %add3A_195 : i32 to vector<16xi32>
    %add3A_197 = arith.addi %mul3A_5, %add3A_196 : vector<16xi32>
    %get3A_198 = arith.constant 304 : index
    %get3A_199 = tpu.vector_load %arg8[%get3A_198] {strides = array<i32>} : memref<512xi32, #tpu.memory_space<vmem>>, vector<16xi32>,
    tpu.vector_store_idx %arg10[%add3A_197], %get3A_199 : memref<1024xi32, #tpu.memory_space<vmem>>[vector<16xi32>], vector<16xi32>,
    %add3A_200 = arith.constant 609 : i32
    %add3A_201 = vector.broadcast %add3A_200 : i32 to vector<16xi32>
    %add3A_202 = arith.addi %mul3A_5, %add3A_201 : vector<16xi32>
    %get3A_203 = arith.constant 304 : index
    %get3A_204 = tpu.vector_load %arg9[%get3A_203] {strides = array<i32>} : memref<512xi32, #tpu.memory_space<vmem>>, vector<16xi32>,
    tpu.vector_store_idx %arg10[%add3A_202], %get3A_204 : memref<1024xi32, #tpu.memory_space<vmem>>[vector<16xi32>], vector<16xi32>,
    %add3A_205 = arith.constant 640 : i32
    %add3A_206 = vector.broadcast %add3A_205 : i32 to vector<16xi32>
    %add3A_207 = arith.addi %mul3A_5, %add3A_206 : vector<16xi32>
    %get3A_208 = arith.constant 320 : index
    %get3A_209 = tpu.vector_load %arg8[%get3A_208] {strides = array<i32>} : memref<512xi32, #tpu.memory_space<vmem>>, vector<16xi32>,
    tpu.vector_store_idx %arg10[%add3A_207], %get3A_209 : memref<1024xi32, #tpu.memory_space<vmem>>[vector<16xi32>], vector<16xi32>,
    %add3A_210 = arith.constant 641 : i32
    %add3A_211 = vector.broadcast %add3A_210 : i32 to vector<16xi32>
    %add3A_212 = arith.addi %mul3A_5, %add3A_211 : vector<16xi32>
    %get3A_213 = arith.constant 320 : index
    %get3A_214 = tpu.vector_load %arg9[%get3A_213] {strides = array<i32>} : memref<512xi32, #tpu.memory_space<vmem>>, vector<16xi32>,
    tpu.vector_store_idx %arg10[%add3A_212], %get3A_214 : memref<1024xi32, #tpu.memory_space<vmem>>[vector<16xi32>], vector<16xi32>,
    %add3A_215 = arith.constant 672 : i32
    %add3A_216 = vector.broadcast %add3A_215 : i32 to vector<16xi32>
    %add3A_217 = arith.addi %mul3A_5, %add3A_216 : vector<16xi32>
    %get3A_218 = arith.constant 336 : index
    %get3A_219 = tpu.vector_load %arg8[%get3A_218] {strides = array<i32>} : memref<512xi32, #tpu.memory_space<vmem>>, vector<16xi32>,
    tpu.vector_store_idx %arg10[%add3A_217], %get3A_219 : memref<1024xi32, #tpu.memory_space<vmem>>[vector<16xi32>], vector<16xi32>,
    %add3A_220 = arith.constant 673 : i32
    %add3A_221 = vector.broadcast %add3A_220 : i32 to vector<16xi32>
    %add3A_222 = arith.addi %mul3A_5, %add3A_221 : vector<16xi32>
    %get3A_223 = arith.constant 336 : index
    %get3A_224 = tpu.vector_load %arg9[%get3A_223] {strides = array<i32>} : memref<512xi32, #tpu.memory_space<vmem>>, vector<16xi32>,
    tpu.vector_store_idx %arg10[%add3A_222], %get3A_224 : memref<1024xi32, #tpu.memory_space<vmem>>[vector<16xi32>], vector<16xi32>,
    %add3A_225 = arith.constant 704 : i32
    %add3A_226 = vector.broadcast %add3A_225 : i32 to vector<16xi32>
    %add3A_227 = arith.addi %mul3A_5, %add3A_226 : vector<16xi32>
    %get3A_228 = arith.constant 352 : index
    %get3A_229 = tpu.vector_load %arg8[%get3A_228] {strides = array<i32>} : memref<512xi32, #tpu.memory_space<vmem>>, vector<16xi32>,
    tpu.vector_store_idx %arg10[%add3A_227], %get3A_229 : memref<1024xi32, #tpu.memory_space<vmem>>[vector<16xi32>], vector<16xi32>,
    %add3A_230 = arith.constant 705 : i32
    %add3A_231 = vector.broadcast %add3A_230 : i32 to vector<16xi32>
    %add3A_232 = arith.addi %mul3A_5, %add3A_231 : vector<16xi32>
    %get3A_233 = arith.constant 352 : index
    %get3A_234 = tpu.vector_load %arg9[%get3A_233] {strides = array<i32>} : memref<512xi32, #tpu.memory_space<vmem>>, vector<16xi32>,
    tpu.vector_store_idx %arg10[%add3A_232], %get3A_234 : memref<1024xi32, #tpu.memory_space<vmem>>[vector<16xi32>], vector<16xi32>,
    %add3A_235 = arith.constant 736 : i32
    %add3A_236 = vector.broadcast %add3A_235 : i32 to vector<16xi32>
    %add3A_237 = arith.addi %mul3A_5, %add3A_236 : vector<16xi32>
    %get3A_238 = arith.constant 368 : index
    %get3A_239 = tpu.vector_load %arg8[%get3A_238] {strides = array<i32>} : memref<512xi32, #tpu.memory_space<vmem>>, vector<16xi32>,
    tpu.vector_store_idx %arg10[%add3A_237], %get3A_239 : memref<1024xi32, #tpu.memory_space<vmem>>[vector<16xi32>], vector<16xi32>,
    %add3A_240 = arith.constant 737 : i32
    %add3A_241 = vector.broadcast %add3A_240 : i32 to vector<16xi32>
    %add3A_242 = arith.addi %mul3A_5, %add3A_241 : vector<16xi32>
    %get3A_243 = arith.constant 368 : index
    %get3A_244 = tpu.vector_load %arg9[%get3A_243] {strides = array<i32>} : memref<512xi32, #tpu.memory_space<vmem>>, vector<16xi32>,
    tpu.vector_store_idx %arg10[%add3A_242], %get3A_244 : memref<1024xi32, #tpu.memory_space<vmem>>[vector<16xi32>], vector<16xi32>,
    %add3A_245 = arith.constant 768 : i32
    %add3A_246 = vector.broadcast %add3A_245 : i32 to vector<16xi32>
    %add3A_247 = arith.addi %mul3A_5, %add3A_246 : vector<16xi32>
    %get3A_248 = arith.constant 384 : index
    %get3A_249 = tpu.vector_load %arg8[%get3A_248] {strides = array<i32>} : memref<512xi32, #tpu.memory_space<vmem>>, vector<16xi32>,
    tpu.vector_store_idx %arg10[%add3A_247], %get3A_249 : memref<1024xi32, #tpu.memory_space<vmem>>[vector<16xi32>], vector<16xi32>,
    %add3A_250 = arith.constant 769 : i32
    %add3A_251 = vector.broadcast %add3A_250 : i32 to vector<16xi32>
    %add3A_252 = arith.addi %mul3A_5, %add3A_251 : vector<16xi32>
    %get3A_253 = arith.constant 384 : index
    %get3A_254 = tpu.vector_load %arg9[%get3A_253] {strides = array<i32>} : memref<512xi32, #tpu.memory_space<vmem>>, vector<16xi32>,
    tpu.vector_store_idx %arg10[%add3A_252], %get3A_254 : memref<1024xi32, #tpu.memory_space<vmem>>[vector<16xi32>], vector<16xi32>,
    %add3A_255 = arith.constant 800 : i32
    %add3A_256 = vector.broadcast %add3A_255 : i32 to vector<16xi32>
    %add3A_257 = arith.addi %mul3A_5, %add3A_256 : vector<16xi32>
    %get3A_258 = arith.constant 400 : index
    %get3A_259 = tpu.vector_load %arg8[%get3A_258] {strides = array<i32>} : memref<512xi32, #tpu.memory_space<vmem>>, vector<16xi32>,
    tpu.vector_store_idx %arg10[%add3A_257], %get3A_259 : memref<1024xi32, #tpu.memory_space<vmem>>[vector<16xi32>], vector<16xi32>,
    %add3A_260 = arith.constant 801 : i32
    %add3A_261 = vector.broadcast %add3A_260 : i32 to vector<16xi32>
    %add3A_262 = arith.addi %mul3A_5, %add3A_261 : vector<16xi32>
    %get3A_263 = arith.constant 400 : index
    %get3A_264 = tpu.vector_load %arg9[%get3A_263] {strides = array<i32>} : memref<512xi32, #tpu.memory_space<vmem>>, vector<16xi32>,
    tpu.vector_store_idx %arg10[%add3A_262], %get3A_264 : memref<1024xi32, #tpu.memory_space<vmem>>[vector<16xi32>], vector<16xi32>,
    %add3A_265 = arith.constant 832 : i32
    %add3A_266 = vector.broadcast %add3A_265 : i32 to vector<16xi32>
    %add3A_267 = arith.addi %mul3A_5, %add3A_266 : vector<16xi32>
    %get3A_268 = arith.constant 416 : index
    %get3A_269 = tpu.vector_load %arg8[%get3A_268] {strides = array<i32>} : memref<512xi32, #tpu.memory_space<vmem>>, vector<16xi32>,
    tpu.vector_store_idx %arg10[%add3A_267], %get3A_269 : memref<1024xi32, #tpu.memory_space<vmem>>[vector<16xi32>], vector<16xi32>,
    %add3A_270 = arith.constant 833 : i32
    %add3A_271 = vector.broadcast %add3A_270 : i32 to vector<16xi32>
    %add3A_272 = arith.addi %mul3A_5, %add3A_271 : vector<16xi32>
    %get3A_273 = arith.constant 416 : index
    %get3A_274 = tpu.vector_load %arg9[%get3A_273] {strides = array<i32>} : memref<512xi32, #tpu.memory_space<vmem>>, vector<16xi32>,
    tpu.vector_store_idx %arg10[%add3A_272], %get3A_274 : memref<1024xi32, #tpu.memory_space<vmem>>[vector<16xi32>], vector<16xi32>,
    %add3A_275 = arith.constant 864 : i32
    %add3A_276 = vector.broadcast %add3A_275 : i32 to vector<16xi32>
    %add3A_277 = arith.addi %mul3A_5, %add3A_276 : vector<16xi32>
    %get3A_278 = arith.constant 432 : index
    %get3A_279 = tpu.vector_load %arg8[%get3A_278] {strides = array<i32>} : memref<512xi32, #tpu.memory_space<vmem>>, vector<16xi32>,
    tpu.vector_store_idx %arg10[%add3A_277], %get3A_279 : memref<1024xi32, #tpu.memory_space<vmem>>[vector<16xi32>], vector<16xi32>,
    %add3A_280 = arith.constant 865 : i32
    %add3A_281 = vector.broadcast %add3A_280 : i32 to vector<16xi32>
    %add3A_282 = arith.addi %mul3A_5, %add3A_281 : vector<16xi32>
    %get3A_283 = arith.constant 432 : index
    %get3A_284 = tpu.vector_load %arg9[%get3A_283] {strides = array<i32>} : memref<512xi32, #tpu.memory_space<vmem>>, vector<16xi32>,
    tpu.vector_store_idx %arg10[%add3A_282], %get3A_284 : memref<1024xi32, #tpu.memory_space<vmem>>[vector<16xi32>], vector<16xi32>,
    %add3A_285 = arith.constant 896 : i32
    %add3A_286 = vector.broadcast %add3A_285 : i32 to vector<16xi32>
    %add3A_287 = arith.addi %mul3A_5, %add3A_286 : vector<16xi32>
    %get3A_288 = arith.constant 448 : index
    %get3A_289 = tpu.vector_load %arg8[%get3A_288] {strides = array<i32>} : memref<512xi32, #tpu.memory_space<vmem>>, vector<16xi32>,
    tpu.vector_store_idx %arg10[%add3A_287], %get3A_289 : memref<1024xi32, #tpu.memory_space<vmem>>[vector<16xi32>], vector<16xi32>,
    %add3A_290 = arith.constant 897 : i32
    %add3A_291 = vector.broadcast %add3A_290 : i32 to vector<16xi32>
    %add3A_292 = arith.addi %mul3A_5, %add3A_291 : vector<16xi32>
    %get3A_293 = arith.constant 448 : index
    %get3A_294 = tpu.vector_load %arg9[%get3A_293] {strides = array<i32>} : memref<512xi32, #tpu.memory_space<vmem>>, vector<16xi32>,
    tpu.vector_store_idx %arg10[%add3A_292], %get3A_294 : memref<1024xi32, #tpu.memory_space<vmem>>[vector<16xi32>], vector<16xi32>,
    %add3A_295 = arith.constant 928 : i32
    %add3A_296 = vector.broadcast %add3A_295 : i32 to vector<16xi32>
    %add3A_297 = arith.addi %mul3A_5, %add3A_296 : vector<16xi32>
    %get3A_298 = arith.constant 464 : index
    %get3A_299 = tpu.vector_load %arg8[%get3A_298] {strides = array<i32>} : memref<512xi32, #tpu.memory_space<vmem>>, vector<16xi32>,
    tpu.vector_store_idx %arg10[%add3A_297], %get3A_299 : memref<1024xi32, #tpu.memory_space<vmem>>[vector<16xi32>], vector<16xi32>,
    %add3A_300 = arith.constant 929 : i32
    %add3A_301 = vector.broadcast %add3A_300 : i32 to vector<16xi32>
    %add3A_302 = arith.addi %mul3A_5, %add3A_301 : vector<16xi32>
    %get3A_303 = arith.constant 464 : index
    %get3A_304 = tpu.vector_load %arg9[%get3A_303] {strides = array<i32>} : memref<512xi32, #tpu.memory_space<vmem>>, vector<16xi32>,
    tpu.vector_store_idx %arg10[%add3A_302], %get3A_304 : memref<1024xi32, #tpu.memory_space<vmem>>[vector<16xi32>], vector<16xi32>,
    %add3A_305 = arith.constant 960 : i32
    %add3A_306 = vector.broadcast %add3A_305 : i32 to vector<16xi32>
    %add3A_307 = arith.addi %mul3A_5, %add3A_306 : vector<16xi32>
    %get3A_308 = arith.constant 480 : index
    %get3A_309 = tpu.vector_load %arg8[%get3A_308] {strides = array<i32>} : memref<512xi32, #tpu.memory_space<vmem>>, vector<16xi32>,
    tpu.vector_store_idx %arg10[%add3A_307], %get3A_309 : memref<1024xi32, #tpu.memory_space<vmem>>[vector<16xi32>], vector<16xi32>,
    %add3A_310 = arith.constant 961 : i32
    %add3A_311 = vector.broadcast %add3A_310 : i32 to vector<16xi32>
    %add3A_312 = arith.addi %mul3A_5, %add3A_311 : vector<16xi32>
    %get3A_313 = arith.constant 480 : index
    %get3A_314 = tpu.vector_load %arg9[%get3A_313] {strides = array<i32>} : memref<512xi32, #tpu.memory_space<vmem>>, vector<16xi32>,
    tpu.vector_store_idx %arg10[%add3A_312], %get3A_314 : memref<1024xi32, #tpu.memory_space<vmem>>[vector<16xi32>], vector<16xi32>,
    %add3A_315 = arith.constant 992 : i32
    %add3A_316 = vector.broadcast %add3A_315 : i32 to vector<16xi32>
    %add3A_317 = arith.addi %mul3A_5, %add3A_316 : vector<16xi32>
    %get3A_318 = arith.constant 496 : index
    %get3A_319 = tpu.vector_load %arg8[%get3A_318] {strides = array<i32>} : memref<512xi32, #tpu.memory_space<vmem>>, vector<16xi32>,
    tpu.vector_store_idx %arg10[%add3A_317], %get3A_319 : memref<1024xi32, #tpu.memory_space<vmem>>[vector<16xi32>], vector<16xi32>,
    %add3A_320 = arith.constant 993 : i32
    %add3A_321 = vector.broadcast %add3A_320 : i32 to vector<16xi32>
    %add3A_322 = arith.addi %mul3A_5, %add3A_321 : vector<16xi32>
    %get3A_323 = arith.constant 496 : index
    %get3A_324 = tpu.vector_load %arg9[%get3A_323] {strides = array<i32>} : memref<512xi32, #tpu.memory_space<vmem>>, vector<16xi32>,
    tpu.vector_store_idx %arg10[%add3A_322], %get3A_324 : memref<1024xi32, #tpu.memory_space<vmem>>[vector<16xi32>], vector<16xi32>,
    %mul3A_325 = arith.constant 8 : i32
    %mul3A_326 = vector.broadcast %mul3A_325 : i32 to vector<16xi32>
    %mul3A_327 = arith.muli %iota3A, %mul3A_326 : vector<16xi32>
    %get3A_328 = arith.constant 0 : index
    %get3A_329 = tpu.vector_load %arg10[%get3A_328] {strides = array<i32>} : memref<1024xi32, #tpu.memory_space<vmem>>, vector<16xi32>,
    %add3A_330 = arith.constant 0 : i32
    %add3A_331 = vector.broadcast %add3A_330 : i32 to vector<16xi32>
    %add3A_332 = arith.addi %mul3A_327, %add3A_331 : vector<16xi32>
    %add3A_333 = arith.constant 0 : i32
    %add3A_334 = vector.broadcast %add3A_333 : i32 to vector<16xi32>
    %add3A_335 = arith.addi %get3A_329, %add3A_334 : vector<16xi32>
    tpu.vector_store_idx %arg11[%add3A_332], %add3A_335 : memref<8192xi32, #tpu.memory_space<vmem>>[vector<16xi32>], vector<16xi32>,
    %add3A_336 = arith.constant 1 : i32
    %add3A_337 = vector.broadcast %add3A_336 : i32 to vector<16xi32>
    %add3A_338 = arith.addi %mul3A_327, %add3A_337 : vector<16xi32>
    %add3A_339 = arith.constant 100000 : i32
    %add3A_340 = vector.broadcast %add3A_339 : i32 to vector<16xi32>
    %add3A_341 = arith.addi %get3A_329, %add3A_340 : vector<16xi32>
    tpu.vector_store_idx %arg11[%add3A_338], %add3A_341 : memref<8192xi32, #tpu.memory_space<vmem>>[vector<16xi32>], vector<16xi32>,
    %add3A_342 = arith.constant 2 : i32
    %add3A_343 = vector.broadcast %add3A_342 : i32 to vector<16xi32>
    %add3A_344 = arith.addi %mul3A_327, %add3A_343 : vector<16xi32>
    %add3A_345 = arith.constant 200000 : i32
    %add3A_346 = vector.broadcast %add3A_345 : i32 to vector<16xi32>
    %add3A_347 = arith.addi %get3A_329, %add3A_346 : vector<16xi32>
    tpu.vector_store_idx %arg11[%add3A_344], %add3A_347 : memref<8192xi32, #tpu.memory_space<vmem>>[vector<16xi32>], vector<16xi32>,
    %add3A_348 = arith.constant 3 : i32
    %add3A_349 = vector.broadcast %add3A_348 : i32 to vector<16xi32>
    %add3A_350 = arith.addi %mul3A_327, %add3A_349 : vector<16xi32>
    %add3A_351 = arith.constant 300000 : i32
    %add3A_352 = vector.broadcast %add3A_351 : i32 to vector<16xi32>
    %add3A_353 = arith.addi %get3A_329, %add3A_352 : vector<16xi32>
    tpu.vector_store_idx %arg11[%add3A_350], %add3A_353 : memref<8192xi32, #tpu.memory_space<vmem>>[vector<16xi32>], vector<16xi32>,
    %add3A_354 = arith.constant 4 : i32
    %add3A_355 = vector.broadcast %add3A_354 : i32 to vector<16xi32>
    %add3A_356 = arith.addi %mul3A_327, %add3A_355 : vector<16xi32>
    %add3A_357 = arith.constant 400000 : i32
    %add3A_358 = vector.broadcast %add3A_357 : i32 to vector<16xi32>
    %add3A_359 = arith.addi %get3A_329, %add3A_358 : vector<16xi32>
    tpu.vector_store_idx %arg11[%add3A_356], %add3A_359 : memref<8192xi32, #tpu.memory_space<vmem>>[vector<16xi32>], vector<16xi32>,
    %add3A_360 = arith.constant 5 : i32
    %add3A_361 = vector.broadcast %add3A_360 : i32 to vector<16xi32>
    %add3A_362 = arith.addi %mul3A_327, %add3A_361 : vector<16xi32>
    %add3A_363 = arith.constant 500000 : i32
    %add3A_364 = vector.broadcast %add3A_363 : i32 to vector<16xi32>
    %add3A_365 = arith.addi %get3A_329, %add3A_364 : vector<16xi32>
    tpu.vector_store_idx %arg11[%add3A_362], %add3A_365 : memref<8192xi32, #tpu.memory_space<vmem>>[vector<16xi32>], vector<16xi32>,
    %add3A_366 = arith.constant 6 : i32
    %add3A_367 = vector.broadcast %add3A_366 : i32 to vector<16xi32>
    %add3A_368 = arith.addi %mul3A_327, %add3A_367 : vector<16xi32>
    %add3A_369 = arith.constant 600000 : i32
    %add3A_370 = vector.broadcast %add3A_369 : i32 to vector<16xi32>
    %add3A_371 = arith.addi %get3A_329, %add3A_370 : vector<16xi32>
    tpu.vector_store_idx %arg11[%add3A_368], %add3A_371 : memref<8192xi32, #tpu.memory_space<vmem>>[vector<16xi32>], vector<16xi32>,
    %add3A_372 = arith.constant 7 : i32
    %add3A_373 = vector.broadcast %add3A_372 : i32 to vector<16xi32>
    %add3A_374 = arith.addi %mul3A_327, %add3A_373 : vector<16xi32>
    %add3A_375 = arith.constant 700000 : i32
    %add3A_376 = vector.broadcast %add3A_375 : i32 to vector<16xi32>
    %add3A_377 = arith.addi %get3A_329, %add3A_376 : vector<16xi32>
    tpu.vector_store_idx %arg11[%add3A_374], %add3A_377 : memref<8192xi32, #tpu.memory_space<vmem>>[vector<16xi32>], vector<16xi32>,
    %get3A_378 = arith.constant 16 : index
    %get3A_379 = tpu.vector_load %arg10[%get3A_378] {strides = array<i32>} : memref<1024xi32, #tpu.memory_space<vmem>>, vector<16xi32>,
    %add3A_380 = arith.constant 128 : i32
    %add3A_381 = vector.broadcast %add3A_380 : i32 to vector<16xi32>
    %add3A_382 = arith.addi %mul3A_327, %add3A_381 : vector<16xi32>
    %add3A_383 = arith.constant 0 : i32
    %add3A_384 = vector.broadcast %add3A_383 : i32 to vector<16xi32>
    %add3A_385 = arith.addi %get3A_379, %add3A_384 : vector<16xi32>
    tpu.vector_store_idx %arg11[%add3A_382], %add3A_385 : memref<8192xi32, #tpu.memory_space<vmem>>[vector<16xi32>], vector<16xi32>,
    %add3A_386 = arith.constant 129 : i32
    %add3A_387 = vector.broadcast %add3A_386 : i32 to vector<16xi32>
    %add3A_388 = arith.addi %mul3A_327, %add3A_387 : vector<16xi32>
    %add3A_389 = arith.constant 100000 : i32
    %add3A_390 = vector.broadcast %add3A_389 : i32 to vector<16xi32>
    %add3A_391 = arith.addi %get3A_379, %add3A_390 : vector<16xi32>
    tpu.vector_store_idx %arg11[%add3A_388], %add3A_391 : memref<8192xi32, #tpu.memory_space<vmem>>[vector<16xi32>], vector<16xi32>,
    %add3A_392 = arith.constant 130 : i32
    %add3A_393 = vector.broadcast %add3A_392 : i32 to vector<16xi32>
    %add3A_394 = arith.addi %mul3A_327, %add3A_393 : vector<16xi32>
    %add3A_395 = arith.constant 200000 : i32
    %add3A_396 = vector.broadcast %add3A_395 : i32 to vector<16xi32>
    %add3A_397 = arith.addi %get3A_379, %add3A_396 : vector<16xi32>
    tpu.vector_store_idx %arg11[%add3A_394], %add3A_397 : memref<8192xi32, #tpu.memory_space<vmem>>[vector<16xi32>], vector<16xi32>,
    %add3A_398 = arith.constant 131 : i32
    %add3A_399 = vector.broadcast %add3A_398 : i32 to vector<16xi32>
    %add3A_400 = arith.addi %mul3A_327, %add3A_399 : vector<16xi32>
    %add3A_401 = arith.constant 300000 : i32
    %add3A_402 = vector.broadcast %add3A_401 : i32 to vector<16xi32>
    %add3A_403 = arith.addi %get3A_379, %add3A_402 : vector<16xi32>
    tpu.vector_store_idx %arg11[%add3A_400], %add3A_403 : memref<8192xi32, #tpu.memory_space<vmem>>[vector<16xi32>], vector<16xi32>,
    %add3A_404 = arith.constant 132 : i32
    %add3A_405 = vector.broadcast %add3A_404 : i32 to vector<16xi32>
    %add3A_406 = arith.addi %mul3A_327, %add3A_405 : vector<16xi32>
    %add3A_407 = arith.constant 400000 : i32
    %add3A_408 = vector.broadcast %add3A_407 : i32 to vector<16xi32>
    %add3A_409 = arith.addi %get3A_379, %add3A_408 : vector<16xi32>
    tpu.vector_store_idx %arg11[%add3A_406], %add3A_409 : memref<8192xi32, #tpu.memory_space<vmem>>[vector<16xi32>], vector<16xi32>,
    %add3A_410 = arith.constant 133 : i32
    %add3A_411 = vector.broadcast %add3A_410 : i32 to vector<16xi32>
    %add3A_412 = arith.addi %mul3A_327, %add3A_411 : vector<16xi32>
    %add3A_413 = arith.constant 500000 : i32
    %add3A_414 = vector.broadcast %add3A_413 : i32 to vector<16xi32>
    %add3A_415 = arith.addi %get3A_379, %add3A_414 : vector<16xi32>
    tpu.vector_store_idx %arg11[%add3A_412], %add3A_415 : memref<8192xi32, #tpu.memory_space<vmem>>[vector<16xi32>], vector<16xi32>,
    %add3A_416 = arith.constant 134 : i32
    %add3A_417 = vector.broadcast %add3A_416 : i32 to vector<16xi32>
    %add3A_418 = arith.addi %mul3A_327, %add3A_417 : vector<16xi32>
    %add3A_419 = arith.constant 600000 : i32
    %add3A_420 = vector.broadcast %add3A_419 : i32 to vector<16xi32>
    %add3A_421 = arith.addi %get3A_379, %add3A_420 : vector<16xi32>
    tpu.vector_store_idx %arg11[%add3A_418], %add3A_421 : memref<8192xi32, #tpu.memory_space<vmem>>[vector<16xi32>], vector<16xi32>,
    %add3A_422 = arith.constant 135 : i32
    %add3A_423 = vector.broadcast %add3A_422 : i32 to vector<16xi32>
    %add3A_424 = arith.addi %mul3A_327, %add3A_423 : vector<16xi32>
    %add3A_425 = arith.constant 700000 : i32
    %add3A_426 = vector.broadcast %add3A_425 : i32 to vector<16xi32>
    %add3A_427 = arith.addi %get3A_379, %add3A_426 : vector<16xi32>
    tpu.vector_store_idx %arg11[%add3A_424], %add3A_427 : memref<8192xi32, #tpu.memory_space<vmem>>[vector<16xi32>], vector<16xi32>,
    %get3A_428 = arith.constant 32 : index
    %get3A_429 = tpu.vector_load %arg10[%get3A_428] {strides = array<i32>} : memref<1024xi32, #tpu.memory_space<vmem>>, vector<16xi32>,
    %add3A_430 = arith.constant 256 : i32
    %add3A_431 = vector.broadcast %add3A_430 : i32 to vector<16xi32>
    %add3A_432 = arith.addi %mul3A_327, %add3A_431 : vector<16xi32>
    %add3A_433 = arith.constant 0 : i32
    %add3A_434 = vector.broadcast %add3A_433 : i32 to vector<16xi32>
    %add3A_435 = arith.addi %get3A_429, %add3A_434 : vector<16xi32>
    tpu.vector_store_idx %arg11[%add3A_432], %add3A_435 : memref<8192xi32, #tpu.memory_space<vmem>>[vector<16xi32>], vector<16xi32>,
    %add3A_436 = arith.constant 257 : i32
    %add3A_437 = vector.broadcast %add3A_436 : i32 to vector<16xi32>
    %add3A_438 = arith.addi %mul3A_327, %add3A_437 : vector<16xi32>
    %add3A_439 = arith.constant 100000 : i32
    %add3A_440 = vector.broadcast %add3A_439 : i32 to vector<16xi32>
    %add3A_441 = arith.addi %get3A_429, %add3A_440 : vector<16xi32>
    tpu.vector_store_idx %arg11[%add3A_438], %add3A_441 : memref<8192xi32, #tpu.memory_space<vmem>>[vector<16xi32>], vector<16xi32>,
    %add3A_442 = arith.constant 258 : i32
    %add3A_443 = vector.broadcast %add3A_442 : i32 to vector<16xi32>
    %add3A_444 = arith.addi %mul3A_327, %add3A_443 : vector<16xi32>
    %add3A_445 = arith.constant 200000 : i32
    %add3A_446 = vector.broadcast %add3A_445 : i32 to vector<16xi32>
    %add3A_447 = arith.addi %get3A_429, %add3A_446 : vector<16xi32>
    tpu.vector_store_idx %arg11[%add3A_444], %add3A_447 : memref<8192xi32, #tpu.memory_space<vmem>>[vector<16xi32>], vector<16xi32>,
    %add3A_448 = arith.constant 259 : i32
    %add3A_449 = vector.broadcast %add3A_448 : i32 to vector<16xi32>
    %add3A_450 = arith.addi %mul3A_327, %add3A_449 : vector<16xi32>
    %add3A_451 = arith.constant 300000 : i32
    %add3A_452 = vector.broadcast %add3A_451 : i32 to vector<16xi32>
    %add3A_453 = arith.addi %get3A_429, %add3A_452 : vector<16xi32>
    tpu.vector_store_idx %arg11[%add3A_450], %add3A_453 : memref<8192xi32, #tpu.memory_space<vmem>>[vector<16xi32>], vector<16xi32>,
    %add3A_454 = arith.constant 260 : i32
    %add3A_455 = vector.broadcast %add3A_454 : i32 to vector<16xi32>
    %add3A_456 = arith.addi %mul3A_327, %add3A_455 : vector<16xi32>
    %add3A_457 = arith.constant 400000 : i32
    %add3A_458 = vector.broadcast %add3A_457 : i32 to vector<16xi32>
    %add3A_459 = arith.addi %get3A_429, %add3A_458 : vector<16xi32>
    tpu.vector_store_idx %arg11[%add3A_456], %add3A_459 : memref<8192xi32, #tpu.memory_space<vmem>>[vector<16xi32>], vector<16xi32>,
    %add3A_460 = arith.constant 261 : i32
    %add3A_461 = vector.broadcast %add3A_460 : i32 to vector<16xi32>
    %add3A_462 = arith.addi %mul3A_327, %add3A_461 : vector<16xi32>
    %add3A_463 = arith.constant 500000 : i32
    %add3A_464 = vector.broadcast %add3A_463 : i32 to vector<16xi32>
    %add3A_465 = arith.addi %get3A_429, %add3A_464 : vector<16xi32>
    tpu.vector_store_idx %arg11[%add3A_462], %add3A_465 : memref<8192xi32, #tpu.memory_space<vmem>>[vector<16xi32>], vector<16xi32>,
    %add3A_466 = arith.constant 262 : i32
    %add3A_467 = vector.broadcast %add3A_466 : i32 to vector<16xi32>
    %add3A_468 = arith.addi %mul3A_327, %add3A_467 : vector<16xi32>
    %add3A_469 = arith.constant 600000 : i32
    %add3A_470 = vector.broadcast %add3A_469 : i32 to vector<16xi32>
    %add3A_471 = arith.addi %get3A_429, %add3A_470 : vector<16xi32>
    tpu.vector_store_idx %arg11[%add3A_468], %add3A_471 : memref<8192xi32, #tpu.memory_space<vmem>>[vector<16xi32>], vector<16xi32>,
    %add3A_472 = arith.constant 263 : i32
    %add3A_473 = vector.broadcast %add3A_472 : i32 to vector<16xi32>
    %add3A_474 = arith.addi %mul3A_327, %add3A_473 : vector<16xi32>
    %add3A_475 = arith.constant 700000 : i32
    %add3A_476 = vector.broadcast %add3A_475 : i32 to vector<16xi32>
    %add3A_477 = arith.addi %get3A_429, %add3A_476 : vector<16xi32>
    tpu.vector_store_idx %arg11[%add3A_474], %add3A_477 : memref<8192xi32, #tpu.memory_space<vmem>>[vector<16xi32>], vector<16xi32>,
    %get3A_478 = arith.constant 48 : index
    %get3A_479 = tpu.vector_load %arg10[%get3A_478] {strides = array<i32>} : memref<1024xi32, #tpu.memory_space<vmem>>, vector<16xi32>,
    %add3A_480 = arith.constant 384 : i32
    %add3A_481 = vector.broadcast %add3A_480 : i32 to vector<16xi32>
    %add3A_482 = arith.addi %mul3A_327, %add3A_481 : vector<16xi32>
    %add3A_483 = arith.constant 0 : i32
    %add3A_484 = vector.broadcast %add3A_483 : i32 to vector<16xi32>
    %add3A_485 = arith.addi %get3A_479, %add3A_484 : vector<16xi32>
    tpu.vector_store_idx %arg11[%add3A_482], %add3A_485 : memref<8192xi32, #tpu.memory_space<vmem>>[vector<16xi32>], vector<16xi32>,
    %add3A_486 = arith.constant 385 : i32
    %add3A_487 = vector.broadcast %add3A_486 : i32 to vector<16xi32>
    %add3A_488 = arith.addi %mul3A_327, %add3A_487 : vector<16xi32>
    %add3A_489 = arith.constant 100000 : i32
    %add3A_490 = vector.broadcast %add3A_489 : i32 to vector<16xi32>
    %add3A_491 = arith.addi %get3A_479, %add3A_490 : vector<16xi32>
    tpu.vector_store_idx %arg11[%add3A_488], %add3A_491 : memref<8192xi32, #tpu.memory_space<vmem>>[vector<16xi32>], vector<16xi32>,
    %add3A_492 = arith.constant 386 : i32
    %add3A_493 = vector.broadcast %add3A_492 : i32 to vector<16xi32>
    %add3A_494 = arith.addi %mul3A_327, %add3A_493 : vector<16xi32>
    %add3A_495 = arith.constant 200000 : i32
    %add3A_496 = vector.broadcast %add3A_495 : i32 to vector<16xi32>
    %add3A_497 = arith.addi %get3A_479, %add3A_496 : vector<16xi32>
    tpu.vector_store_idx %arg11[%add3A_494], %add3A_497 : memref<8192xi32, #tpu.memory_space<vmem>>[vector<16xi32>], vector<16xi32>,
    %add3A_498 = arith.constant 387 : i32
    %add3A_499 = vector.broadcast %add3A_498 : i32 to vector<16xi32>
    %add3A_500 = arith.addi %mul3A_327, %add3A_499 : vector<16xi32>
    %add3A_501 = arith.constant 300000 : i32
    %add3A_502 = vector.broadcast %add3A_501 : i32 to vector<16xi32>
    %add3A_503 = arith.addi %get3A_479, %add3A_502 : vector<16xi32>
    tpu.vector_store_idx %arg11[%add3A_500], %add3A_503 : memref<8192xi32, #tpu.memory_space<vmem>>[vector<16xi32>], vector<16xi32>,
    %add3A_504 = arith.constant 388 : i32
    %add3A_505 = vector.broadcast %add3A_504 : i32 to vector<16xi32>
    %add3A_506 = arith.addi %mul3A_327, %add3A_505 : vector<16xi32>
    %add3A_507 = arith.constant 400000 : i32
    %add3A_508 = vector.broadcast %add3A_507 : i32 to vector<16xi32>
    %add3A_509 = arith.addi %get3A_479, %add3A_508 : vector<16xi32>
    tpu.vector_store_idx %arg11[%add3A_506], %add3A_509 : memref<8192xi32, #tpu.memory_space<vmem>>[vector<16xi32>], vector<16xi32>,
    %add3A_510 = arith.constant 389 : i32
    %add3A_511 = vector.broadcast %add3A_510 : i32 to vector<16xi32>
    %add3A_512 = arith.addi %mul3A_327, %add3A_511 : vector<16xi32>
    %add3A_513 = arith.constant 500000 : i32
    %add3A_514 = vector.broadcast %add3A_513 : i32 to vector<16xi32>
    %add3A_515 = arith.addi %get3A_479, %add3A_514 : vector<16xi32>
    tpu.vector_store_idx %arg11[%add3A_512], %add3A_515 : memref<8192xi32, #tpu.memory_space<vmem>>[vector<16xi32>], vector<16xi32>,
    %add3A_516 = arith.constant 390 : i32
    %add3A_517 = vector.broadcast %add3A_516 : i32 to vector<16xi32>
    %add3A_518 = arith.addi %mul3A_327, %add3A_517 : vector<16xi32>
    %add3A_519 = arith.constant 600000 : i32
    %add3A_520 = vector.broadcast %add3A_519 : i32 to vector<16xi32>
    %add3A_521 = arith.addi %get3A_479, %add3A_520 : vector<16xi32>
    tpu.vector_store_idx %arg11[%add3A_518], %add3A_521 : memref<8192xi32, #tpu.memory_space<vmem>>[vector<16xi32>], vector<16xi32>,
    %add3A_522 = arith.constant 391 : i32
    %add3A_523 = vector.broadcast %add3A_522 : i32 to vector<16xi32>
    %add3A_524 = arith.addi %mul3A_327, %add3A_523 : vector<16xi32>
    %add3A_525 = arith.constant 700000 : i32
    %add3A_526 = vector.broadcast %add3A_525 : i32 to vector<16xi32>
    %add3A_527 = arith.addi %get3A_479, %add3A_526 : vector<16xi32>
    tpu.vector_store_idx %arg11[%add3A_524], %add3A_527 : memref<8192xi32, #tpu.memory_space<vmem>>[vector<16xi32>], vector<16xi32>,
    %get3A_528 = arith.constant 64 : index
    %get3A_529 = tpu.vector_load %arg10[%get3A_528] {strides = array<i32>} : memref<1024xi32, #tpu.memory_space<vmem>>, vector<16xi32>,
    %add3A_530 = arith.constant 512 : i32
    %add3A_531 = vector.broadcast %add3A_530 : i32 to vector<16xi32>
    %add3A_532 = arith.addi %mul3A_327, %add3A_531 : vector<16xi32>
    %add3A_533 = arith.constant 0 : i32
    %add3A_534 = vector.broadcast %add3A_533 : i32 to vector<16xi32>
    %add3A_535 = arith.addi %get3A_529, %add3A_534 : vector<16xi32>
    tpu.vector_store_idx %arg11[%add3A_532], %add3A_535 : memref<8192xi32, #tpu.memory_space<vmem>>[vector<16xi32>], vector<16xi32>,
    %add3A_536 = arith.constant 513 : i32
    %add3A_537 = vector.broadcast %add3A_536 : i32 to vector<16xi32>
    %add3A_538 = arith.addi %mul3A_327, %add3A_537 : vector<16xi32>
    %add3A_539 = arith.constant 100000 : i32
    %add3A_540 = vector.broadcast %add3A_539 : i32 to vector<16xi32>
    %add3A_541 = arith.addi %get3A_529, %add3A_540 : vector<16xi32>
    tpu.vector_store_idx %arg11[%add3A_538], %add3A_541 : memref<8192xi32, #tpu.memory_space<vmem>>[vector<16xi32>], vector<16xi32>,
    %add3A_542 = arith.constant 514 : i32
    %add3A_543 = vector.broadcast %add3A_542 : i32 to vector<16xi32>
    %add3A_544 = arith.addi %mul3A_327, %add3A_543 : vector<16xi32>
    %add3A_545 = arith.constant 200000 : i32
    %add3A_546 = vector.broadcast %add3A_545 : i32 to vector<16xi32>
    %add3A_547 = arith.addi %get3A_529, %add3A_546 : vector<16xi32>
    tpu.vector_store_idx %arg11[%add3A_544], %add3A_547 : memref<8192xi32, #tpu.memory_space<vmem>>[vector<16xi32>], vector<16xi32>,
    %add3A_548 = arith.constant 515 : i32
    %add3A_549 = vector.broadcast %add3A_548 : i32 to vector<16xi32>
    %add3A_550 = arith.addi %mul3A_327, %add3A_549 : vector<16xi32>
    %add3A_551 = arith.constant 300000 : i32
    %add3A_552 = vector.broadcast %add3A_551 : i32 to vector<16xi32>
    %add3A_553 = arith.addi %get3A_529, %add3A_552 : vector<16xi32>
    tpu.vector_store_idx %arg11[%add3A_550], %add3A_553 : memref<8192xi32, #tpu.memory_space<vmem>>[vector<16xi32>], vector<16xi32>,
    %add3A_554 = arith.constant 516 : i32
    %add3A_555 = vector.broadcast %add3A_554 : i32 to vector<16xi32>
    %add3A_556 = arith.addi %mul3A_327, %add3A_555 : vector<16xi32>
    %add3A_557 = arith.constant 400000 : i32
    %add3A_558 = vector.broadcast %add3A_557 : i32 to vector<16xi32>
    %add3A_559 = arith.addi %get3A_529, %add3A_558 : vector<16xi32>
    tpu.vector_store_idx %arg11[%add3A_556], %add3A_559 : memref<8192xi32, #tpu.memory_space<vmem>>[vector<16xi32>], vector<16xi32>,
    %add3A_560 = arith.constant 517 : i32
    %add3A_561 = vector.broadcast %add3A_560 : i32 to vector<16xi32>
    %add3A_562 = arith.addi %mul3A_327, %add3A_561 : vector<16xi32>
    %add3A_563 = arith.constant 500000 : i32
    %add3A_564 = vector.broadcast %add3A_563 : i32 to vector<16xi32>
    %add3A_565 = arith.addi %get3A_529, %add3A_564 : vector<16xi32>
    tpu.vector_store_idx %arg11[%add3A_562], %add3A_565 : memref<8192xi32, #tpu.memory_space<vmem>>[vector<16xi32>], vector<16xi32>,
    %add3A_566 = arith.constant 518 : i32
    %add3A_567 = vector.broadcast %add3A_566 : i32 to vector<16xi32>
    %add3A_568 = arith.addi %mul3A_327, %add3A_567 : vector<16xi32>
    %add3A_569 = arith.constant 600000 : i32
    %add3A_570 = vector.broadcast %add3A_569 : i32 to vector<16xi32>
    %add3A_571 = arith.addi %get3A_529, %add3A_570 : vector<16xi32>
    tpu.vector_store_idx %arg11[%add3A_568], %add3A_571 : memref<8192xi32, #tpu.memory_space<vmem>>[vector<16xi32>], vector<16xi32>,
    %add3A_572 = arith.constant 519 : i32
    %add3A_573 = vector.broadcast %add3A_572 : i32 to vector<16xi32>
    %add3A_574 = arith.addi %mul3A_327, %add3A_573 : vector<16xi32>
    %add3A_575 = arith.constant 700000 : i32
    %add3A_576 = vector.broadcast %add3A_575 : i32 to vector<16xi32>
    %add3A_577 = arith.addi %get3A_529, %add3A_576 : vector<16xi32>
    tpu.vector_store_idx %arg11[%add3A_574], %add3A_577 : memref<8192xi32, #tpu.memory_space<vmem>>[vector<16xi32>], vector<16xi32>,
    %get3A_578 = arith.constant 80 : index
    %get3A_579 = tpu.vector_load %arg10[%get3A_578] {strides = array<i32>} : memref<1024xi32, #tpu.memory_space<vmem>>, vector<16xi32>,
    %add3A_580 = arith.constant 640 : i32
    %add3A_581 = vector.broadcast %add3A_580 : i32 to vector<16xi32>
    %add3A_582 = arith.addi %mul3A_327, %add3A_581 : vector<16xi32>
    %add3A_583 = arith.constant 0 : i32
    %add3A_584 = vector.broadcast %add3A_583 : i32 to vector<16xi32>
    %add3A_585 = arith.addi %get3A_579, %add3A_584 : vector<16xi32>
    tpu.vector_store_idx %arg11[%add3A_582], %add3A_585 : memref<8192xi32, #tpu.memory_space<vmem>>[vector<16xi32>], vector<16xi32>,
    %add3A_586 = arith.constant 641 : i32
    %add3A_587 = vector.broadcast %add3A_586 : i32 to vector<16xi32>
    %add3A_588 = arith.addi %mul3A_327, %add3A_587 : vector<16xi32>
    %add3A_589 = arith.constant 100000 : i32
    %add3A_590 = vector.broadcast %add3A_589 : i32 to vector<16xi32>
    %add3A_591 = arith.addi %get3A_579, %add3A_590 : vector<16xi32>
    tpu.vector_store_idx %arg11[%add3A_588], %add3A_591 : memref<8192xi32, #tpu.memory_space<vmem>>[vector<16xi32>], vector<16xi32>,
    %add3A_592 = arith.constant 642 : i32
    %add3A_593 = vector.broadcast %add3A_592 : i32 to vector<16xi32>
    %add3A_594 = arith.addi %mul3A_327, %add3A_593 : vector<16xi32>
    %add3A_595 = arith.constant 200000 : i32
    %add3A_596 = vector.broadcast %add3A_595 : i32 to vector<16xi32>
    %add3A_597 = arith.addi %get3A_579, %add3A_596 : vector<16xi32>
    tpu.vector_store_idx %arg11[%add3A_594], %add3A_597 : memref<8192xi32, #tpu.memory_space<vmem>>[vector<16xi32>], vector<16xi32>,
    %add3A_598 = arith.constant 643 : i32
    %add3A_599 = vector.broadcast %add3A_598 : i32 to vector<16xi32>
    %add3A_600 = arith.addi %mul3A_327, %add3A_599 : vector<16xi32>
    %add3A_601 = arith.constant 300000 : i32
    %add3A_602 = vector.broadcast %add3A_601 : i32 to vector<16xi32>
    %add3A_603 = arith.addi %get3A_579, %add3A_602 : vector<16xi32>
    tpu.vector_store_idx %arg11[%add3A_600], %add3A_603 : memref<8192xi32, #tpu.memory_space<vmem>>[vector<16xi32>], vector<16xi32>,
    %add3A_604 = arith.constant 644 : i32
    %add3A_605 = vector.broadcast %add3A_604 : i32 to vector<16xi32>
    %add3A_606 = arith.addi %mul3A_327, %add3A_605 : vector<16xi32>
    %add3A_607 = arith.constant 400000 : i32
    %add3A_608 = vector.broadcast %add3A_607 : i32 to vector<16xi32>
    %add3A_609 = arith.addi %get3A_579, %add3A_608 : vector<16xi32>
    tpu.vector_store_idx %arg11[%add3A_606], %add3A_609 : memref<8192xi32, #tpu.memory_space<vmem>>[vector<16xi32>], vector<16xi32>,
    %add3A_610 = arith.constant 645 : i32
    %add3A_611 = vector.broadcast %add3A_610 : i32 to vector<16xi32>
    %add3A_612 = arith.addi %mul3A_327, %add3A_611 : vector<16xi32>
    %add3A_613 = arith.constant 500000 : i32
    %add3A_614 = vector.broadcast %add3A_613 : i32 to vector<16xi32>
    %add3A_615 = arith.addi %get3A_579, %add3A_614 : vector<16xi32>
    tpu.vector_store_idx %arg11[%add3A_612], %add3A_615 : memref<8192xi32, #tpu.memory_space<vmem>>[vector<16xi32>], vector<16xi32>,
    %add3A_616 = arith.constant 646 : i32
    %add3A_617 = vector.broadcast %add3A_616 : i32 to vector<16xi32>
    %add3A_618 = arith.addi %mul3A_327, %add3A_617 : vector<16xi32>
    %add3A_619 = arith.constant 600000 : i32
    %add3A_620 = vector.broadcast %add3A_619 : i32 to vector<16xi32>
    %add3A_621 = arith.addi %get3A_579, %add3A_620 : vector<16xi32>
    tpu.vector_store_idx %arg11[%add3A_618], %add3A_621 : memref<8192xi32, #tpu.memory_space<vmem>>[vector<16xi32>], vector<16xi32>,
    %add3A_622 = arith.constant 647 : i32
    %add3A_623 = vector.broadcast %add3A_622 : i32 to vector<16xi32>
    %add3A_624 = arith.addi %mul3A_327, %add3A_623 : vector<16xi32>
    %add3A_625 = arith.constant 700000 : i32
    %add3A_626 = vector.broadcast %add3A_625 : i32 to vector<16xi32>
    %add3A_627 = arith.addi %get3A_579, %add3A_626 : vector<16xi32>
    tpu.vector_store_idx %arg11[%add3A_624], %add3A_627 : memref<8192xi32, #tpu.memory_space<vmem>>[vector<16xi32>], vector<16xi32>,
    %get3A_628 = arith.constant 96 : index
    %get3A_629 = tpu.vector_load %arg10[%get3A_628] {strides = array<i32>} : memref<1024xi32, #tpu.memory_space<vmem>>, vector<16xi32>,
    %add3A_630 = arith.constant 768 : i32
    %add3A_631 = vector.broadcast %add3A_630 : i32 to vector<16xi32>
    %add3A_632 = arith.addi %mul3A_327, %add3A_631 : vector<16xi32>
    %add3A_633 = arith.constant 0 : i32
    %add3A_634 = vector.broadcast %add3A_633 : i32 to vector<16xi32>
    %add3A_635 = arith.addi %get3A_629, %add3A_634 : vector<16xi32>
    tpu.vector_store_idx %arg11[%add3A_632], %add3A_635 : memref<8192xi32, #tpu.memory_space<vmem>>[vector<16xi32>], vector<16xi32>,
    %add3A_636 = arith.constant 769 : i32
    %add3A_637 = vector.broadcast %add3A_636 : i32 to vector<16xi32>
    %add3A_638 = arith.addi %mul3A_327, %add3A_637 : vector<16xi32>
    %add3A_639 = arith.constant 100000 : i32
    %add3A_640 = vector.broadcast %add3A_639 : i32 to vector<16xi32>
    %add3A_641 = arith.addi %get3A_629, %add3A_640 : vector<16xi32>
    tpu.vector_store_idx %arg11[%add3A_638], %add3A_641 : memref<8192xi32, #tpu.memory_space<vmem>>[vector<16xi32>], vector<16xi32>,
    %add3A_642 = arith.constant 770 : i32
    %add3A_643 = vector.broadcast %add3A_642 : i32 to vector<16xi32>
    %add3A_644 = arith.addi %mul3A_327, %add3A_643 : vector<16xi32>
    %add3A_645 = arith.constant 200000 : i32
    %add3A_646 = vector.broadcast %add3A_645 : i32 to vector<16xi32>
    %add3A_647 = arith.addi %get3A_629, %add3A_646 : vector<16xi32>
    tpu.vector_store_idx %arg11[%add3A_644], %add3A_647 : memref<8192xi32, #tpu.memory_space<vmem>>[vector<16xi32>], vector<16xi32>,
    %add3A_648 = arith.constant 771 : i32
    %add3A_649 = vector.broadcast %add3A_648 : i32 to vector<16xi32>
    %add3A_650 = arith.addi %mul3A_327, %add3A_649 : vector<16xi32>
    %add3A_651 = arith.constant 300000 : i32
    %add3A_652 = vector.broadcast %add3A_651 : i32 to vector<16xi32>
    %add3A_653 = arith.addi %get3A_629, %add3A_652 : vector<16xi32>
    tpu.vector_store_idx %arg11[%add3A_650], %add3A_653 : memref<8192xi32, #tpu.memory_space<vmem>>[vector<16xi32>], vector<16xi32>,
    %add3A_654 = arith.constant 772 : i32
    %add3A_655 = vector.broadcast %add3A_654 : i32 to vector<16xi32>
    %add3A_656 = arith.addi %mul3A_327, %add3A_655 : vector<16xi32>
    %add3A_657 = arith.constant 400000 : i32
    %add3A_658 = vector.broadcast %add3A_657 : i32 to vector<16xi32>
    %add3A_659 = arith.addi %get3A_629, %add3A_658 : vector<16xi32>
    tpu.vector_store_idx %arg11[%add3A_656], %add3A_659 : memref<8192xi32, #tpu.memory_space<vmem>>[vector<16xi32>], vector<16xi32>,
    %add3A_660 = arith.constant 773 : i32
    %add3A_661 = vector.broadcast %add3A_660 : i32 to vector<16xi32>
    %add3A_662 = arith.addi %mul3A_327, %add3A_661 : vector<16xi32>
    %add3A_663 = arith.constant 500000 : i32
    %add3A_664 = vector.broadcast %add3A_663 : i32 to vector<16xi32>
    %add3A_665 = arith.addi %get3A_629, %add3A_664 : vector<16xi32>
    tpu.vector_store_idx %arg11[%add3A_662], %add3A_665 : memref<8192xi32, #tpu.memory_space<vmem>>[vector<16xi32>], vector<16xi32>,
    %add3A_666 = arith.constant 774 : i32
    %add3A_667 = vector.broadcast %add3A_666 : i32 to vector<16xi32>
    %add3A_668 = arith.addi %mul3A_327, %add3A_667 : vector<16xi32>
    %add3A_669 = arith.constant 600000 : i32
    %add3A_670 = vector.broadcast %add3A_669 : i32 to vector<16xi32>
    %add3A_671 = arith.addi %get3A_629, %add3A_670 : vector<16xi32>
    tpu.vector_store_idx %arg11[%add3A_668], %add3A_671 : memref<8192xi32, #tpu.memory_space<vmem>>[vector<16xi32>], vector<16xi32>,
    %add3A_672 = arith.constant 775 : i32
    %add3A_673 = vector.broadcast %add3A_672 : i32 to vector<16xi32>
    %add3A_674 = arith.addi %mul3A_327, %add3A_673 : vector<16xi32>
    %add3A_675 = arith.constant 700000 : i32
    %add3A_676 = vector.broadcast %add3A_675 : i32 to vector<16xi32>
    %add3A_677 = arith.addi %get3A_629, %add3A_676 : vector<16xi32>
    tpu.vector_store_idx %arg11[%add3A_674], %add3A_677 : memref<8192xi32, #tpu.memory_space<vmem>>[vector<16xi32>], vector<16xi32>,
    %get3A_678 = arith.constant 112 : index
    %get3A_679 = tpu.vector_load %arg10[%get3A_678] {strides = array<i32>} : memref<1024xi32, #tpu.memory_space<vmem>>, vector<16xi32>,
    %add3A_680 = arith.constant 896 : i32
    %add3A_681 = vector.broadcast %add3A_680 : i32 to vector<16xi32>
    %add3A_682 = arith.addi %mul3A_327, %add3A_681 : vector<16xi32>
    %add3A_683 = arith.constant 0 : i32
    %add3A_684 = vector.broadcast %add3A_683 : i32 to vector<16xi32>
    %add3A_685 = arith.addi %get3A_679, %add3A_684 : vector<16xi32>
    tpu.vector_store_idx %arg11[%add3A_682], %add3A_685 : memref<8192xi32, #tpu.memory_space<vmem>>[vector<16xi32>], vector<16xi32>,
    %add3A_686 = arith.constant 897 : i32
    %add3A_687 = vector.broadcast %add3A_686 : i32 to vector<16xi32>
    %add3A_688 = arith.addi %mul3A_327, %add3A_687 : vector<16xi32>
    %add3A_689 = arith.constant 100000 : i32
    %add3A_690 = vector.broadcast %add3A_689 : i32 to vector<16xi32>
    %add3A_691 = arith.addi %get3A_679, %add3A_690 : vector<16xi32>
    tpu.vector_store_idx %arg11[%add3A_688], %add3A_691 : memref<8192xi32, #tpu.memory_space<vmem>>[vector<16xi32>], vector<16xi32>,
    %add3A_692 = arith.constant 898 : i32
    %add3A_693 = vector.broadcast %add3A_692 : i32 to vector<16xi32>
    %add3A_694 = arith.addi %mul3A_327, %add3A_693 : vector<16xi32>
    %add3A_695 = arith.constant 200000 : i32
    %add3A_696 = vector.broadcast %add3A_695 : i32 to vector<16xi32>
    %add3A_697 = arith.addi %get3A_679, %add3A_696 : vector<16xi32>
    tpu.vector_store_idx %arg11[%add3A_694], %add3A_697 : memref<8192xi32, #tpu.memory_space<vmem>>[vector<16xi32>], vector<16xi32>,
    %add3A_698 = arith.constant 899 : i32
    %add3A_699 = vector.broadcast %add3A_698 : i32 to vector<16xi32>
    %add3A_700 = arith.addi %mul3A_327, %add3A_699 : vector<16xi32>
    %add3A_701 = arith.constant 300000 : i32
    %add3A_702 = vector.broadcast %add3A_701 : i32 to vector<16xi32>
    %add3A_703 = arith.addi %get3A_679, %add3A_702 : vector<16xi32>
    tpu.vector_store_idx %arg11[%add3A_700], %add3A_703 : memref<8192xi32, #tpu.memory_space<vmem>>[vector<16xi32>], vector<16xi32>,
    %add3A_704 = arith.constant 900 : i32
    %add3A_705 = vector.broadcast %add3A_704 : i32 to vector<16xi32>
    %add3A_706 = arith.addi %mul3A_327, %add3A_705 : vector<16xi32>
    %add3A_707 = arith.constant 400000 : i32
    %add3A_708 = vector.broadcast %add3A_707 : i32 to vector<16xi32>
    %add3A_709 = arith.addi %get3A_679, %add3A_708 : vector<16xi32>
    tpu.vector_store_idx %arg11[%add3A_706], %add3A_709 : memref<8192xi32, #tpu.memory_space<vmem>>[vector<16xi32>], vector<16xi32>,
    %add3A_710 = arith.constant 901 : i32
    %add3A_711 = vector.broadcast %add3A_710 : i32 to vector<16xi32>
    %add3A_712 = arith.addi %mul3A_327, %add3A_711 : vector<16xi32>
    %add3A_713 = arith.constant 500000 : i32
    %add3A_714 = vector.broadcast %add3A_713 : i32 to vector<16xi32>
    %add3A_715 = arith.addi %get3A_679, %add3A_714 : vector<16xi32>
    tpu.vector_store_idx %arg11[%add3A_712], %add3A_715 : memref<8192xi32, #tpu.memory_space<vmem>>[vector<16xi32>], vector<16xi32>,
    %add3A_716 = arith.constant 902 : i32
    %add3A_717 = vector.broadcast %add3A_716 : i32 to vector<16xi32>
    %add3A_718 = arith.addi %mul3A_327, %add3A_717 : vector<16xi32>
    %add3A_719 = arith.constant 600000 : i32
    %add3A_720 = vector.broadcast %add3A_719 : i32 to vector<16xi32>
    %add3A_721 = arith.addi %get3A_679, %add3A_720 : vector<16xi32>
    tpu.vector_store_idx %arg11[%add3A_718], %add3A_721 : memref<8192xi32, #tpu.memory_space<vmem>>[vector<16xi32>], vector<16xi32>,
    %add3A_722 = arith.constant 903 : i32
    %add3A_723 = vector.broadcast %add3A_722 : i32 to vector<16xi32>
    %add3A_724 = arith.addi %mul3A_327, %add3A_723 : vector<16xi32>
    %add3A_725 = arith.constant 700000 : i32
    %add3A_726 = vector.broadcast %add3A_725 : i32 to vector<16xi32>
    %add3A_727 = arith.addi %get3A_679, %add3A_726 : vector<16xi32>
    tpu.vector_store_idx %arg11[%add3A_724], %add3A_727 : memref<8192xi32, #tpu.memory_space<vmem>>[vector<16xi32>], vector<16xi32>,
    %get3A_728 = arith.constant 128 : index
    %get3A_729 = tpu.vector_load %arg10[%get3A_728] {strides = array<i32>} : memref<1024xi32, #tpu.memory_space<vmem>>, vector<16xi32>,
    %add3A_730 = arith.constant 1024 : i32
    %add3A_731 = vector.broadcast %add3A_730 : i32 to vector<16xi32>
    %add3A_732 = arith.addi %mul3A_327, %add3A_731 : vector<16xi32>
    %add3A_733 = arith.constant 0 : i32
    %add3A_734 = vector.broadcast %add3A_733 : i32 to vector<16xi32>
    %add3A_735 = arith.addi %get3A_729, %add3A_734 : vector<16xi32>
    tpu.vector_store_idx %arg11[%add3A_732], %add3A_735 : memref<8192xi32, #tpu.memory_space<vmem>>[vector<16xi32>], vector<16xi32>,
    %add3A_736 = arith.constant 1025 : i32
    %add3A_737 = vector.broadcast %add3A_736 : i32 to vector<16xi32>
    %add3A_738 = arith.addi %mul3A_327, %add3A_737 : vector<16xi32>
    %add3A_739 = arith.constant 100000 : i32
    %add3A_740 = vector.broadcast %add3A_739 : i32 to vector<16xi32>
    %add3A_741 = arith.addi %get3A_729, %add3A_740 : vector<16xi32>
    tpu.vector_store_idx %arg11[%add3A_738], %add3A_741 : memref<8192xi32, #tpu.memory_space<vmem>>[vector<16xi32>], vector<16xi32>,
    %add3A_742 = arith.constant 1026 : i32
    %add3A_743 = vector.broadcast %add3A_742 : i32 to vector<16xi32>
    %add3A_744 = arith.addi %mul3A_327, %add3A_743 : vector<16xi32>
    %add3A_745 = arith.constant 200000 : i32
    %add3A_746 = vector.broadcast %add3A_745 : i32 to vector<16xi32>
    %add3A_747 = arith.addi %get3A_729, %add3A_746 : vector<16xi32>
    tpu.vector_store_idx %arg11[%add3A_744], %add3A_747 : memref<8192xi32, #tpu.memory_space<vmem>>[vector<16xi32>], vector<16xi32>,
    %add3A_748 = arith.constant 1027 : i32
    %add3A_749 = vector.broadcast %add3A_748 : i32 to vector<16xi32>
    %add3A_750 = arith.addi %mul3A_327, %add3A_749 : vector<16xi32>
    %add3A_751 = arith.constant 300000 : i32
    %add3A_752 = vector.broadcast %add3A_751 : i32 to vector<16xi32>
    %add3A_753 = arith.addi %get3A_729, %add3A_752 : vector<16xi32>
    tpu.vector_store_idx %arg11[%add3A_750], %add3A_753 : memref<8192xi32, #tpu.memory_space<vmem>>[vector<16xi32>], vector<16xi32>,
    %add3A_754 = arith.constant 1028 : i32
    %add3A_755 = vector.broadcast %add3A_754 : i32 to vector<16xi32>
    %add3A_756 = arith.addi %mul3A_327, %add3A_755 : vector<16xi32>
    %add3A_757 = arith.constant 400000 : i32
    %add3A_758 = vector.broadcast %add3A_757 : i32 to vector<16xi32>
    %add3A_759 = arith.addi %get3A_729, %add3A_758 : vector<16xi32>
    tpu.vector_store_idx %arg11[%add3A_756], %add3A_759 : memref<8192xi32, #tpu.memory_space<vmem>>[vector<16xi32>], vector<16xi32>,
    %add3A_760 = arith.constant 1029 : i32
    %add3A_761 = vector.broadcast %add3A_760 : i32 to vector<16xi32>
    %add3A_762 = arith.addi %mul3A_327, %add3A_761 : vector<16xi32>
    %add3A_763 = arith.constant 500000 : i32
    %add3A_764 = vector.broadcast %add3A_763 : i32 to vector<16xi32>
    %add3A_765 = arith.addi %get3A_729, %add3A_764 : vector<16xi32>
    tpu.vector_store_idx %arg11[%add3A_762], %add3A_765 : memref<8192xi32, #tpu.memory_space<vmem>>[vector<16xi32>], vector<16xi32>,
    %add3A_766 = arith.constant 1030 : i32
    %add3A_767 = vector.broadcast %add3A_766 : i32 to vector<16xi32>
    %add3A_768 = arith.addi %mul3A_327, %add3A_767 : vector<16xi32>
    %add3A_769 = arith.constant 600000 : i32
    %add3A_770 = vector.broadcast %add3A_769 : i32 to vector<16xi32>
    %add3A_771 = arith.addi %get3A_729, %add3A_770 : vector<16xi32>
    tpu.vector_store_idx %arg11[%add3A_768], %add3A_771 : memref<8192xi32, #tpu.memory_space<vmem>>[vector<16xi32>], vector<16xi32>,
    %add3A_772 = arith.constant 1031 : i32
    %add3A_773 = vector.broadcast %add3A_772 : i32 to vector<16xi32>
    %add3A_774 = arith.addi %mul3A_327, %add3A_773 : vector<16xi32>
    %add3A_775 = arith.constant 700000 : i32
    %add3A_776 = vector.broadcast %add3A_775 : i32 to vector<16xi32>
    %add3A_777 = arith.addi %get3A_729, %add3A_776 : vector<16xi32>
    tpu.vector_store_idx %arg11[%add3A_774], %add3A_777 : memref<8192xi32, #tpu.memory_space<vmem>>[vector<16xi32>], vector<16xi32>,
    %get3A_778 = arith.constant 144 : index
    %get3A_779 = tpu.vector_load %arg10[%get3A_778] {strides = array<i32>} : memref<1024xi32, #tpu.memory_space<vmem>>, vector<16xi32>,
    %add3A_780 = arith.constant 1152 : i32
    %add3A_781 = vector.broadcast %add3A_780 : i32 to vector<16xi32>
    %add3A_782 = arith.addi %mul3A_327, %add3A_781 : vector<16xi32>
    %add3A_783 = arith.constant 0 : i32
    %add3A_784 = vector.broadcast %add3A_783 : i32 to vector<16xi32>
    %add3A_785 = arith.addi %get3A_779, %add3A_784 : vector<16xi32>
    tpu.vector_store_idx %arg11[%add3A_782], %add3A_785 : memref<8192xi32, #tpu.memory_space<vmem>>[vector<16xi32>], vector<16xi32>,
    %add3A_786 = arith.constant 1153 : i32
    %add3A_787 = vector.broadcast %add3A_786 : i32 to vector<16xi32>
    %add3A_788 = arith.addi %mul3A_327, %add3A_787 : vector<16xi32>
    %add3A_789 = arith.constant 100000 : i32
    %add3A_790 = vector.broadcast %add3A_789 : i32 to vector<16xi32>
    %add3A_791 = arith.addi %get3A_779, %add3A_790 : vector<16xi32>
    tpu.vector_store_idx %arg11[%add3A_788], %add3A_791 : memref<8192xi32, #tpu.memory_space<vmem>>[vector<16xi32>], vector<16xi32>,
    %add3A_792 = arith.constant 1154 : i32
    %add3A_793 = vector.broadcast %add3A_792 : i32 to vector<16xi32>
    %add3A_794 = arith.addi %mul3A_327, %add3A_793 : vector<16xi32>
    %add3A_795 = arith.constant 200000 : i32
    %add3A_796 = vector.broadcast %add3A_795 : i32 to vector<16xi32>
    %add3A_797 = arith.addi %get3A_779, %add3A_796 : vector<16xi32>
    tpu.vector_store_idx %arg11[%add3A_794], %add3A_797 : memref<8192xi32, #tpu.memory_space<vmem>>[vector<16xi32>], vector<16xi32>,
    %add3A_798 = arith.constant 1155 : i32
    %add3A_799 = vector.broadcast %add3A_798 : i32 to vector<16xi32>
    %add3A_800 = arith.addi %mul3A_327, %add3A_799 : vector<16xi32>
    %add3A_801 = arith.constant 300000 : i32
    %add3A_802 = vector.broadcast %add3A_801 : i32 to vector<16xi32>
    %add3A_803 = arith.addi %get3A_779, %add3A_802 : vector<16xi32>
    tpu.vector_store_idx %arg11[%add3A_800], %add3A_803 : memref<8192xi32, #tpu.memory_space<vmem>>[vector<16xi32>], vector<16xi32>,
    %add3A_804 = arith.constant 1156 : i32
    %add3A_805 = vector.broadcast %add3A_804 : i32 to vector<16xi32>
    %add3A_806 = arith.addi %mul3A_327, %add3A_805 : vector<16xi32>
    %add3A_807 = arith.constant 400000 : i32
    %add3A_808 = vector.broadcast %add3A_807 : i32 to vector<16xi32>
    %add3A_809 = arith.addi %get3A_779, %add3A_808 : vector<16xi32>
    tpu.vector_store_idx %arg11[%add3A_806], %add3A_809 : memref<8192xi32, #tpu.memory_space<vmem>>[vector<16xi32>], vector<16xi32>,
    %add3A_810 = arith.constant 1157 : i32
    %add3A_811 = vector.broadcast %add3A_810 : i32 to vector<16xi32>
    %add3A_812 = arith.addi %mul3A_327, %add3A_811 : vector<16xi32>
    %add3A_813 = arith.constant 500000 : i32
    %add3A_814 = vector.broadcast %add3A_813 : i32 to vector<16xi32>
    %add3A_815 = arith.addi %get3A_779, %add3A_814 : vector<16xi32>
    tpu.vector_store_idx %arg11[%add3A_812], %add3A_815 : memref<8192xi32, #tpu.memory_space<vmem>>[vector<16xi32>], vector<16xi32>,
    %add3A_816 = arith.constant 1158 : i32
    %add3A_817 = vector.broadcast %add3A_816 : i32 to vector<16xi32>
    %add3A_818 = arith.addi %mul3A_327, %add3A_817 : vector<16xi32>
    %add3A_819 = arith.constant 600000 : i32
    %add3A_820 = vector.broadcast %add3A_819 : i32 to vector<16xi32>
    %add3A_821 = arith.addi %get3A_779, %add3A_820 : vector<16xi32>
    tpu.vector_store_idx %arg11[%add3A_818], %add3A_821 : memref<8192xi32, #tpu.memory_space<vmem>>[vector<16xi32>], vector<16xi32>,
    %add3A_822 = arith.constant 1159 : i32
    %add3A_823 = vector.broadcast %add3A_822 : i32 to vector<16xi32>
    %add3A_824 = arith.addi %mul3A_327, %add3A_823 : vector<16xi32>
    %add3A_825 = arith.constant 700000 : i32
    %add3A_826 = vector.broadcast %add3A_825 : i32 to vector<16xi32>
    %add3A_827 = arith.addi %get3A_779, %add3A_826 : vector<16xi32>
    tpu.vector_store_idx %arg11[%add3A_824], %add3A_827 : memref<8192xi32, #tpu.memory_space<vmem>>[vector<16xi32>], vector<16xi32>,
    %get3A_828 = arith.constant 160 : index
    %get3A_829 = tpu.vector_load %arg10[%get3A_828] {strides = array<i32>} : memref<1024xi32, #tpu.memory_space<vmem>>, vector<16xi32>,
    %add3A_830 = arith.constant 1280 : i32
    %add3A_831 = vector.broadcast %add3A_830 : i32 to vector<16xi32>
    %add3A_832 = arith.addi %mul3A_327, %add3A_831 : vector<16xi32>
    %add3A_833 = arith.constant 0 : i32
    %add3A_834 = vector.broadcast %add3A_833 : i32 to vector<16xi32>
    %add3A_835 = arith.addi %get3A_829, %add3A_834 : vector<16xi32>
    tpu.vector_store_idx %arg11[%add3A_832], %add3A_835 : memref<8192xi32, #tpu.memory_space<vmem>>[vector<16xi32>], vector<16xi32>,
    %add3A_836 = arith.constant 1281 : i32
    %add3A_837 = vector.broadcast %add3A_836 : i32 to vector<16xi32>
    %add3A_838 = arith.addi %mul3A_327, %add3A_837 : vector<16xi32>
    %add3A_839 = arith.constant 100000 : i32
    %add3A_840 = vector.broadcast %add3A_839 : i32 to vector<16xi32>
    %add3A_841 = arith.addi %get3A_829, %add3A_840 : vector<16xi32>
    tpu.vector_store_idx %arg11[%add3A_838], %add3A_841 : memref<8192xi32, #tpu.memory_space<vmem>>[vector<16xi32>], vector<16xi32>,
    %add3A_842 = arith.constant 1282 : i32
    %add3A_843 = vector.broadcast %add3A_842 : i32 to vector<16xi32>
    %add3A_844 = arith.addi %mul3A_327, %add3A_843 : vector<16xi32>
    %add3A_845 = arith.constant 200000 : i32
    %add3A_846 = vector.broadcast %add3A_845 : i32 to vector<16xi32>
    %add3A_847 = arith.addi %get3A_829, %add3A_846 : vector<16xi32>
    tpu.vector_store_idx %arg11[%add3A_844], %add3A_847 : memref<8192xi32, #tpu.memory_space<vmem>>[vector<16xi32>], vector<16xi32>,
    %add3A_848 = arith.constant 1283 : i32
    %add3A_849 = vector.broadcast %add3A_848 : i32 to vector<16xi32>
    %add3A_850 = arith.addi %mul3A_327, %add3A_849 : vector<16xi32>
    %add3A_851 = arith.constant 300000 : i32
    %add3A_852 = vector.broadcast %add3A_851 : i32 to vector<16xi32>
    %add3A_853 = arith.addi %get3A_829, %add3A_852 : vector<16xi32>
    tpu.vector_store_idx %arg11[%add3A_850], %add3A_853 : memref<8192xi32, #tpu.memory_space<vmem>>[vector<16xi32>], vector<16xi32>,
    %add3A_854 = arith.constant 1284 : i32
    %add3A_855 = vector.broadcast %add3A_854 : i32 to vector<16xi32>
    %add3A_856 = arith.addi %mul3A_327, %add3A_855 : vector<16xi32>
    %add3A_857 = arith.constant 400000 : i32
    %add3A_858 = vector.broadcast %add3A_857 : i32 to vector<16xi32>
    %add3A_859 = arith.addi %get3A_829, %add3A_858 : vector<16xi32>
    tpu.vector_store_idx %arg11[%add3A_856], %add3A_859 : memref<8192xi32, #tpu.memory_space<vmem>>[vector<16xi32>], vector<16xi32>,
    %add3A_860 = arith.constant 1285 : i32
    %add3A_861 = vector.broadcast %add3A_860 : i32 to vector<16xi32>
    %add3A_862 = arith.addi %mul3A_327, %add3A_861 : vector<16xi32>
    %add3A_863 = arith.constant 500000 : i32
    %add3A_864 = vector.broadcast %add3A_863 : i32 to vector<16xi32>
    %add3A_865 = arith.addi %get3A_829, %add3A_864 : vector<16xi32>
    tpu.vector_store_idx %arg11[%add3A_862], %add3A_865 : memref<8192xi32, #tpu.memory_space<vmem>>[vector<16xi32>], vector<16xi32>,
    %add3A_866 = arith.constant 1286 : i32
    %add3A_867 = vector.broadcast %add3A_866 : i32 to vector<16xi32>
    %add3A_868 = arith.addi %mul3A_327, %add3A_867 : vector<16xi32>
    %add3A_869 = arith.constant 600000 : i32
    %add3A_870 = vector.broadcast %add3A_869 : i32 to vector<16xi32>
    %add3A_871 = arith.addi %get3A_829, %add3A_870 : vector<16xi32>
    tpu.vector_store_idx %arg11[%add3A_868], %add3A_871 : memref<8192xi32, #tpu.memory_space<vmem>>[vector<16xi32>], vector<16xi32>,
    %add3A_872 = arith.constant 1287 : i32
    %add3A_873 = vector.broadcast %add3A_872 : i32 to vector<16xi32>
    %add3A_874 = arith.addi %mul3A_327, %add3A_873 : vector<16xi32>
    %add3A_875 = arith.constant 700000 : i32
    %add3A_876 = vector.broadcast %add3A_875 : i32 to vector<16xi32>
    %add3A_877 = arith.addi %get3A_829, %add3A_876 : vector<16xi32>
    tpu.vector_store_idx %arg11[%add3A_874], %add3A_877 : memref<8192xi32, #tpu.memory_space<vmem>>[vector<16xi32>], vector<16xi32>,
    %get3A_878 = arith.constant 176 : index
    %get3A_879 = tpu.vector_load %arg10[%get3A_878] {strides = array<i32>} : memref<1024xi32, #tpu.memory_space<vmem>>, vector<16xi32>,
    %add3A_880 = arith.constant 1408 : i32
    %add3A_881 = vector.broadcast %add3A_880 : i32 to vector<16xi32>
    %add3A_882 = arith.addi %mul3A_327, %add3A_881 : vector<16xi32>
    %add3A_883 = arith.constant 0 : i32
    %add3A_884 = vector.broadcast %add3A_883 : i32 to vector<16xi32>
    %add3A_885 = arith.addi %get3A_879, %add3A_884 : vector<16xi32>
    tpu.vector_store_idx %arg11[%add3A_882], %add3A_885 : memref<8192xi32, #tpu.memory_space<vmem>>[vector<16xi32>], vector<16xi32>,
    %add3A_886 = arith.constant 1409 : i32
    %add3A_887 = vector.broadcast %add3A_886 : i32 to vector<16xi32>
    %add3A_888 = arith.addi %mul3A_327, %add3A_887 : vector<16xi32>
    %add3A_889 = arith.constant 100000 : i32
    %add3A_890 = vector.broadcast %add3A_889 : i32 to vector<16xi32>
    %add3A_891 = arith.addi %get3A_879, %add3A_890 : vector<16xi32>
    tpu.vector_store_idx %arg11[%add3A_888], %add3A_891 : memref<8192xi32, #tpu.memory_space<vmem>>[vector<16xi32>], vector<16xi32>,
    %add3A_892 = arith.constant 1410 : i32
    %add3A_893 = vector.broadcast %add3A_892 : i32 to vector<16xi32>
    %add3A_894 = arith.addi %mul3A_327, %add3A_893 : vector<16xi32>
    %add3A_895 = arith.constant 200000 : i32
    %add3A_896 = vector.broadcast %add3A_895 : i32 to vector<16xi32>
    %add3A_897 = arith.addi %get3A_879, %add3A_896 : vector<16xi32>
    tpu.vector_store_idx %arg11[%add3A_894], %add3A_897 : memref<8192xi32, #tpu.memory_space<vmem>>[vector<16xi32>], vector<16xi32>,
    %add3A_898 = arith.constant 1411 : i32
    %add3A_899 = vector.broadcast %add3A_898 : i32 to vector<16xi32>
    %add3A_900 = arith.addi %mul3A_327, %add3A_899 : vector<16xi32>
    %add3A_901 = arith.constant 300000 : i32
    %add3A_902 = vector.broadcast %add3A_901 : i32 to vector<16xi32>
    %add3A_903 = arith.addi %get3A_879, %add3A_902 : vector<16xi32>
    tpu.vector_store_idx %arg11[%add3A_900], %add3A_903 : memref<8192xi32, #tpu.memory_space<vmem>>[vector<16xi32>], vector<16xi32>,
    %add3A_904 = arith.constant 1412 : i32
    %add3A_905 = vector.broadcast %add3A_904 : i32 to vector<16xi32>
    %add3A_906 = arith.addi %mul3A_327, %add3A_905 : vector<16xi32>
    %add3A_907 = arith.constant 400000 : i32
    %add3A_908 = vector.broadcast %add3A_907 : i32 to vector<16xi32>
    %add3A_909 = arith.addi %get3A_879, %add3A_908 : vector<16xi32>
    tpu.vector_store_idx %arg11[%add3A_906], %add3A_909 : memref<8192xi32, #tpu.memory_space<vmem>>[vector<16xi32>], vector<16xi32>,
    %add3A_910 = arith.constant 1413 : i32
    %add3A_911 = vector.broadcast %add3A_910 : i32 to vector<16xi32>
    %add3A_912 = arith.addi %mul3A_327, %add3A_911 : vector<16xi32>
    %add3A_913 = arith.constant 500000 : i32
    %add3A_914 = vector.broadcast %add3A_913 : i32 to vector<16xi32>
    %add3A_915 = arith.addi %get3A_879, %add3A_914 : vector<16xi32>
    tpu.vector_store_idx %arg11[%add3A_912], %add3A_915 : memref<8192xi32, #tpu.memory_space<vmem>>[vector<16xi32>], vector<16xi32>,
    %add3A_916 = arith.constant 1414 : i32
    %add3A_917 = vector.broadcast %add3A_916 : i32 to vector<16xi32>
    %add3A_918 = arith.addi %mul3A_327, %add3A_917 : vector<16xi32>
    %add3A_919 = arith.constant 600000 : i32
    %add3A_920 = vector.broadcast %add3A_919 : i32 to vector<16xi32>
    %add3A_921 = arith.addi %get3A_879, %add3A_920 : vector<16xi32>
    tpu.vector_store_idx %arg11[%add3A_918], %add3A_921 : memref<8192xi32, #tpu.memory_space<vmem>>[vector<16xi32>], vector<16xi32>,
    %add3A_922 = arith.constant 1415 : i32
    %add3A_923 = vector.broadcast %add3A_922 : i32 to vector<16xi32>
    %add3A_924 = arith.addi %mul3A_327, %add3A_923 : vector<16xi32>
    %add3A_925 = arith.constant 700000 : i32
    %add3A_926 = vector.broadcast %add3A_925 : i32 to vector<16xi32>
    %add3A_927 = arith.addi %get3A_879, %add3A_926 : vector<16xi32>
    tpu.vector_store_idx %arg11[%add3A_924], %add3A_927 : memref<8192xi32, #tpu.memory_space<vmem>>[vector<16xi32>], vector<16xi32>,
    %get3A_928 = arith.constant 192 : index
    %get3A_929 = tpu.vector_load %arg10[%get3A_928] {strides = array<i32>} : memref<1024xi32, #tpu.memory_space<vmem>>, vector<16xi32>,
    %add3A_930 = arith.constant 1536 : i32
    %add3A_931 = vector.broadcast %add3A_930 : i32 to vector<16xi32>
    %add3A_932 = arith.addi %mul3A_327, %add3A_931 : vector<16xi32>
    %add3A_933 = arith.constant 0 : i32
    %add3A_934 = vector.broadcast %add3A_933 : i32 to vector<16xi32>
    %add3A_935 = arith.addi %get3A_929, %add3A_934 : vector<16xi32>
    tpu.vector_store_idx %arg11[%add3A_932], %add3A_935 : memref<8192xi32, #tpu.memory_space<vmem>>[vector<16xi32>], vector<16xi32>,
    %add3A_936 = arith.constant 1537 : i32
    %add3A_937 = vector.broadcast %add3A_936 : i32 to vector<16xi32>
    %add3A_938 = arith.addi %mul3A_327, %add3A_937 : vector<16xi32>
    %add3A_939 = arith.constant 100000 : i32
    %add3A_940 = vector.broadcast %add3A_939 : i32 to vector<16xi32>
    %add3A_941 = arith.addi %get3A_929, %add3A_940 : vector<16xi32>
    tpu.vector_store_idx %arg11[%add3A_938], %add3A_941 : memref<8192xi32, #tpu.memory_space<vmem>>[vector<16xi32>], vector<16xi32>,
    %add3A_942 = arith.constant 1538 : i32
    %add3A_943 = vector.broadcast %add3A_942 : i32 to vector<16xi32>
    %add3A_944 = arith.addi %mul3A_327, %add3A_943 : vector<16xi32>
    %add3A_945 = arith.constant 200000 : i32
    %add3A_946 = vector.broadcast %add3A_945 : i32 to vector<16xi32>
    %add3A_947 = arith.addi %get3A_929, %add3A_946 : vector<16xi32>
    tpu.vector_store_idx %arg11[%add3A_944], %add3A_947 : memref<8192xi32, #tpu.memory_space<vmem>>[vector<16xi32>], vector<16xi32>,
    %add3A_948 = arith.constant 1539 : i32
    %add3A_949 = vector.broadcast %add3A_948 : i32 to vector<16xi32>
    %add3A_950 = arith.addi %mul3A_327, %add3A_949 : vector<16xi32>
    %add3A_951 = arith.constant 300000 : i32
    %add3A_952 = vector.broadcast %add3A_951 : i32 to vector<16xi32>
    %add3A_953 = arith.addi %get3A_929, %add3A_952 : vector<16xi32>
    tpu.vector_store_idx %arg11[%add3A_950], %add3A_953 : memref<8192xi32, #tpu.memory_space<vmem>>[vector<16xi32>], vector<16xi32>,
    %add3A_954 = arith.constant 1540 : i32
    %add3A_955 = vector.broadcast %add3A_954 : i32 to vector<16xi32>
    %add3A_956 = arith.addi %mul3A_327, %add3A_955 : vector<16xi32>
    %add3A_957 = arith.constant 400000 : i32
    %add3A_958 = vector.broadcast %add3A_957 : i32 to vector<16xi32>
    %add3A_959 = arith.addi %get3A_929, %add3A_958 : vector<16xi32>
    tpu.vector_store_idx %arg11[%add3A_956], %add3A_959 : memref<8192xi32, #tpu.memory_space<vmem>>[vector<16xi32>], vector<16xi32>,
    %add3A_960 = arith.constant 1541 : i32
    %add3A_961 = vector.broadcast %add3A_960 : i32 to vector<16xi32>
    %add3A_962 = arith.addi %mul3A_327, %add3A_961 : vector<16xi32>
    %add3A_963 = arith.constant 500000 : i32
    %add3A_964 = vector.broadcast %add3A_963 : i32 to vector<16xi32>
    %add3A_965 = arith.addi %get3A_929, %add3A_964 : vector<16xi32>
    tpu.vector_store_idx %arg11[%add3A_962], %add3A_965 : memref<8192xi32, #tpu.memory_space<vmem>>[vector<16xi32>], vector<16xi32>,
    %add3A_966 = arith.constant 1542 : i32
    %add3A_967 = vector.broadcast %add3A_966 : i32 to vector<16xi32>
    %add3A_968 = arith.addi %mul3A_327, %add3A_967 : vector<16xi32>
    %add3A_969 = arith.constant 600000 : i32
    %add3A_970 = vector.broadcast %add3A_969 : i32 to vector<16xi32>
    %add3A_971 = arith.addi %get3A_929, %add3A_970 : vector<16xi32>
    tpu.vector_store_idx %arg11[%add3A_968], %add3A_971 : memref<8192xi32, #tpu.memory_space<vmem>>[vector<16xi32>], vector<16xi32>,
    %add3A_972 = arith.constant 1543 : i32
    %add3A_973 = vector.broadcast %add3A_972 : i32 to vector<16xi32>
    %add3A_974 = arith.addi %mul3A_327, %add3A_973 : vector<16xi32>
    %add3A_975 = arith.constant 700000 : i32
    %add3A_976 = vector.broadcast %add3A_975 : i32 to vector<16xi32>
    %add3A_977 = arith.addi %get3A_929, %add3A_976 : vector<16xi32>
    tpu.vector_store_idx %arg11[%add3A_974], %add3A_977 : memref<8192xi32, #tpu.memory_space<vmem>>[vector<16xi32>], vector<16xi32>,
    %get3A_978 = arith.constant 208 : index
    %get3A_979 = tpu.vector_load %arg10[%get3A_978] {strides = array<i32>} : memref<1024xi32, #tpu.memory_space<vmem>>, vector<16xi32>,
    %add3A_980 = arith.constant 1664 : i32
    %add3A_981 = vector.broadcast %add3A_980 : i32 to vector<16xi32>
    %add3A_982 = arith.addi %mul3A_327, %add3A_981 : vector<16xi32>
    %add3A_983 = arith.constant 0 : i32
    %add3A_984 = vector.broadcast %add3A_983 : i32 to vector<16xi32>
    %add3A_985 = arith.addi %get3A_979, %add3A_984 : vector<16xi32>
    tpu.vector_store_idx %arg11[%add3A_982], %add3A_985 : memref<8192xi32, #tpu.memory_space<vmem>>[vector<16xi32>], vector<16xi32>,
    %add3A_986 = arith.constant 1665 : i32
    %add3A_987 = vector.broadcast %add3A_986 : i32 to vector<16xi32>
    %add3A_988 = arith.addi %mul3A_327, %add3A_987 : vector<16xi32>
    %add3A_989 = arith.constant 100000 : i32
    %add3A_990 = vector.broadcast %add3A_989 : i32 to vector<16xi32>
    %add3A_991 = arith.addi %get3A_979, %add3A_990 : vector<16xi32>
    tpu.vector_store_idx %arg11[%add3A_988], %add3A_991 : memref<8192xi32, #tpu.memory_space<vmem>>[vector<16xi32>], vector<16xi32>,
    %add3A_992 = arith.constant 1666 : i32
    %add3A_993 = vector.broadcast %add3A_992 : i32 to vector<16xi32>
    %add3A_994 = arith.addi %mul3A_327, %add3A_993 : vector<16xi32>
    %add3A_995 = arith.constant 200000 : i32
    %add3A_996 = vector.broadcast %add3A_995 : i32 to vector<16xi32>
    %add3A_997 = arith.addi %get3A_979, %add3A_996 : vector<16xi32>
    tpu.vector_store_idx %arg11[%add3A_994], %add3A_997 : memref<8192xi32, #tpu.memory_space<vmem>>[vector<16xi32>], vector<16xi32>,
    %add3A_998 = arith.constant 1667 : i32
    %add3A_999 = vector.broadcast %add3A_998 : i32 to vector<16xi32>
    %add3A_1000 = arith.addi %mul3A_327, %add3A_999 : vector<16xi32>
    %add3A_1001 = arith.constant 300000 : i32
    %add3A_1002 = vector.broadcast %add3A_1001 : i32 to vector<16xi32>
    %add3A_1003 = arith.addi %get3A_979, %add3A_1002 : vector<16xi32>
    tpu.vector_store_idx %arg11[%add3A_1000], %add3A_1003 : memref<8192xi32, #tpu.memory_space<vmem>>[vector<16xi32>], vector<16xi32>,
    %add3A_1004 = arith.constant 1668 : i32
    %add3A_1005 = vector.broadcast %add3A_1004 : i32 to vector<16xi32>
    %add3A_1006 = arith.addi %mul3A_327, %add3A_1005 : vector<16xi32>
    %add3A_1007 = arith.constant 400000 : i32
    %add3A_1008 = vector.broadcast %add3A_1007 : i32 to vector<16xi32>
    %add3A_1009 = arith.addi %get3A_979, %add3A_1008 : vector<16xi32>
    tpu.vector_store_idx %arg11[%add3A_1006], %add3A_1009 : memref<8192xi32, #tpu.memory_space<vmem>>[vector<16xi32>], vector<16xi32>,
    %add3A_1010 = arith.constant 1669 : i32
    %add3A_1011 = vector.broadcast %add3A_1010 : i32 to vector<16xi32>
    %add3A_1012 = arith.addi %mul3A_327, %add3A_1011 : vector<16xi32>
    %add3A_1013 = arith.constant 500000 : i32
    %add3A_1014 = vector.broadcast %add3A_1013 : i32 to vector<16xi32>
    %add3A_1015 = arith.addi %get3A_979, %add3A_1014 : vector<16xi32>
    tpu.vector_store_idx %arg11[%add3A_1012], %add3A_1015 : memref<8192xi32, #tpu.memory_space<vmem>>[vector<16xi32>], vector<16xi32>,
    %add3A_1016 = arith.constant 1670 : i32
    %add3A_1017 = vector.broadcast %add3A_1016 : i32 to vector<16xi32>
    %add3A_1018 = arith.addi %mul3A_327, %add3A_1017 : vector<16xi32>
    %add3A_1019 = arith.constant 600000 : i32
    %add3A_1020 = vector.broadcast %add3A_1019 : i32 to vector<16xi32>
    %add3A_1021 = arith.addi %get3A_979, %add3A_1020 : vector<16xi32>
    tpu.vector_store_idx %arg11[%add3A_1018], %add3A_1021 : memref<8192xi32, #tpu.memory_space<vmem>>[vector<16xi32>], vector<16xi32>,
    %add3A_1022 = arith.constant 1671 : i32
    %add3A_1023 = vector.broadcast %add3A_1022 : i32 to vector<16xi32>
    %add3A_1024 = arith.addi %mul3A_327, %add3A_1023 : vector<16xi32>
    %add3A_1025 = arith.constant 700000 : i32
    %add3A_1026 = vector.broadcast %add3A_1025 : i32 to vector<16xi32>
    %add3A_1027 = arith.addi %get3A_979, %add3A_1026 : vector<16xi32>
    tpu.vector_store_idx %arg11[%add3A_1024], %add3A_1027 : memref<8192xi32, #tpu.memory_space<vmem>>[vector<16xi32>], vector<16xi32>,
    %get3A_1028 = arith.constant 224 : index
    %get3A_1029 = tpu.vector_load %arg10[%get3A_1028] {strides = array<i32>} : memref<1024xi32, #tpu.memory_space<vmem>>, vector<16xi32>,
    %add3A_1030 = arith.constant 1792 : i32
    %add3A_1031 = vector.broadcast %add3A_1030 : i32 to vector<16xi32>
    %add3A_1032 = arith.addi %mul3A_327, %add3A_1031 : vector<16xi32>
    %add3A_1033 = arith.constant 0 : i32
    %add3A_1034 = vector.broadcast %add3A_1033 : i32 to vector<16xi32>
    %add3A_1035 = arith.addi %get3A_1029, %add3A_1034 : vector<16xi32>
    tpu.vector_store_idx %arg11[%add3A_1032], %add3A_1035 : memref<8192xi32, #tpu.memory_space<vmem>>[vector<16xi32>], vector<16xi32>,
    %add3A_1036 = arith.constant 1793 : i32
    %add3A_1037 = vector.broadcast %add3A_1036 : i32 to vector<16xi32>
    %add3A_1038 = arith.addi %mul3A_327, %add3A_1037 : vector<16xi32>
    %add3A_1039 = arith.constant 100000 : i32
    %add3A_1040 = vector.broadcast %add3A_1039 : i32 to vector<16xi32>
    %add3A_1041 = arith.addi %get3A_1029, %add3A_1040 : vector<16xi32>
    tpu.vector_store_idx %arg11[%add3A_1038], %add3A_1041 : memref<8192xi32, #tpu.memory_space<vmem>>[vector<16xi32>], vector<16xi32>,
    %add3A_1042 = arith.constant 1794 : i32
    %add3A_1043 = vector.broadcast %add3A_1042 : i32 to vector<16xi32>
    %add3A_1044 = arith.addi %mul3A_327, %add3A_1043 : vector<16xi32>
    %add3A_1045 = arith.constant 200000 : i32
    %add3A_1046 = vector.broadcast %add3A_1045 : i32 to vector<16xi32>
    %add3A_1047 = arith.addi %get3A_1029, %add3A_1046 : vector<16xi32>
    tpu.vector_store_idx %arg11[%add3A_1044], %add3A_1047 : memref<8192xi32, #tpu.memory_space<vmem>>[vector<16xi32>], vector<16xi32>,
    %add3A_1048 = arith.constant 1795 : i32
    %add3A_1049 = vector.broadcast %add3A_1048 : i32 to vector<16xi32>
    %add3A_1050 = arith.addi %mul3A_327, %add3A_1049 : vector<16xi32>
    %add3A_1051 = arith.constant 300000 : i32
    %add3A_1052 = vector.broadcast %add3A_1051 : i32 to vector<16xi32>
    %add3A_1053 = arith.addi %get3A_1029, %add3A_1052 : vector<16xi32>
    tpu.vector_store_idx %arg11[%add3A_1050], %add3A_1053 : memref<8192xi32, #tpu.memory_space<vmem>>[vector<16xi32>], vector<16xi32>,
    %add3A_1054 = arith.constant 1796 : i32
    %add3A_1055 = vector.broadcast %add3A_1054 : i32 to vector<16xi32>
    %add3A_1056 = arith.addi %mul3A_327, %add3A_1055 : vector<16xi32>
    %add3A_1057 = arith.constant 400000 : i32
    %add3A_1058 = vector.broadcast %add3A_1057 : i32 to vector<16xi32>
    %add3A_1059 = arith.addi %get3A_1029, %add3A_1058 : vector<16xi32>
    tpu.vector_store_idx %arg11[%add3A_1056], %add3A_1059 : memref<8192xi32, #tpu.memory_space<vmem>>[vector<16xi32>], vector<16xi32>,
    %add3A_1060 = arith.constant 1797 : i32
    %add3A_1061 = vector.broadcast %add3A_1060 : i32 to vector<16xi32>
    %add3A_1062 = arith.addi %mul3A_327, %add3A_1061 : vector<16xi32>
    %add3A_1063 = arith.constant 500000 : i32
    %add3A_1064 = vector.broadcast %add3A_1063 : i32 to vector<16xi32>
    %add3A_1065 = arith.addi %get3A_1029, %add3A_1064 : vector<16xi32>
    tpu.vector_store_idx %arg11[%add3A_1062], %add3A_1065 : memref<8192xi32, #tpu.memory_space<vmem>>[vector<16xi32>], vector<16xi32>,
    %add3A_1066 = arith.constant 1798 : i32
    %add3A_1067 = vector.broadcast %add3A_1066 : i32 to vector<16xi32>
    %add3A_1068 = arith.addi %mul3A_327, %add3A_1067 : vector<16xi32>
    %add3A_1069 = arith.constant 600000 : i32
    %add3A_1070 = vector.broadcast %add3A_1069 : i32 to vector<16xi32>
    %add3A_1071 = arith.addi %get3A_1029, %add3A_1070 : vector<16xi32>
    tpu.vector_store_idx %arg11[%add3A_1068], %add3A_1071 : memref<8192xi32, #tpu.memory_space<vmem>>[vector<16xi32>], vector<16xi32>,
    %add3A_1072 = arith.constant 1799 : i32
    %add3A_1073 = vector.broadcast %add3A_1072 : i32 to vector<16xi32>
    %add3A_1074 = arith.addi %mul3A_327, %add3A_1073 : vector<16xi32>
    %add3A_1075 = arith.constant 700000 : i32
    %add3A_1076 = vector.broadcast %add3A_1075 : i32 to vector<16xi32>
    %add3A_1077 = arith.addi %get3A_1029, %add3A_1076 : vector<16xi32>
    tpu.vector_store_idx %arg11[%add3A_1074], %add3A_1077 : memref<8192xi32, #tpu.memory_space<vmem>>[vector<16xi32>], vector<16xi32>,
    %get3A_1078 = arith.constant 240 : index
    %get3A_1079 = tpu.vector_load %arg10[%get3A_1078] {strides = array<i32>} : memref<1024xi32, #tpu.memory_space<vmem>>, vector<16xi32>,
    %add3A_1080 = arith.constant 1920 : i32
    %add3A_1081 = vector.broadcast %add3A_1080 : i32 to vector<16xi32>
    %add3A_1082 = arith.addi %mul3A_327, %add3A_1081 : vector<16xi32>
    %add3A_1083 = arith.constant 0 : i32
    %add3A_1084 = vector.broadcast %add3A_1083 : i32 to vector<16xi32>
    %add3A_1085 = arith.addi %get3A_1079, %add3A_1084 : vector<16xi32>
    tpu.vector_store_idx %arg11[%add3A_1082], %add3A_1085 : memref<8192xi32, #tpu.memory_space<vmem>>[vector<16xi32>], vector<16xi32>,
    %add3A_1086 = arith.constant 1921 : i32
    %add3A_1087 = vector.broadcast %add3A_1086 : i32 to vector<16xi32>
    %add3A_1088 = arith.addi %mul3A_327, %add3A_1087 : vector<16xi32>
    %add3A_1089 = arith.constant 100000 : i32
    %add3A_1090 = vector.broadcast %add3A_1089 : i32 to vector<16xi32>
    %add3A_1091 = arith.addi %get3A_1079, %add3A_1090 : vector<16xi32>
    tpu.vector_store_idx %arg11[%add3A_1088], %add3A_1091 : memref<8192xi32, #tpu.memory_space<vmem>>[vector<16xi32>], vector<16xi32>,
    %add3A_1092 = arith.constant 1922 : i32
    %add3A_1093 = vector.broadcast %add3A_1092 : i32 to vector<16xi32>
    %add3A_1094 = arith.addi %mul3A_327, %add3A_1093 : vector<16xi32>
    %add3A_1095 = arith.constant 200000 : i32
    %add3A_1096 = vector.broadcast %add3A_1095 : i32 to vector<16xi32>
    %add3A_1097 = arith.addi %get3A_1079, %add3A_1096 : vector<16xi32>
    tpu.vector_store_idx %arg11[%add3A_1094], %add3A_1097 : memref<8192xi32, #tpu.memory_space<vmem>>[vector<16xi32>], vector<16xi32>,
    %add3A_1098 = arith.constant 1923 : i32
    %add3A_1099 = vector.broadcast %add3A_1098 : i32 to vector<16xi32>
    %add3A_1100 = arith.addi %mul3A_327, %add3A_1099 : vector<16xi32>
    %add3A_1101 = arith.constant 300000 : i32
    %add3A_1102 = vector.broadcast %add3A_1101 : i32 to vector<16xi32>
    %add3A_1103 = arith.addi %get3A_1079, %add3A_1102 : vector<16xi32>
    tpu.vector_store_idx %arg11[%add3A_1100], %add3A_1103 : memref<8192xi32, #tpu.memory_space<vmem>>[vector<16xi32>], vector<16xi32>,
    %add3A_1104 = arith.constant 1924 : i32
    %add3A_1105 = vector.broadcast %add3A_1104 : i32 to vector<16xi32>
    %add3A_1106 = arith.addi %mul3A_327, %add3A_1105 : vector<16xi32>
    %add3A_1107 = arith.constant 400000 : i32
    %add3A_1108 = vector.broadcast %add3A_1107 : i32 to vector<16xi32>
    %add3A_1109 = arith.addi %get3A_1079, %add3A_1108 : vector<16xi32>
    tpu.vector_store_idx %arg11[%add3A_1106], %add3A_1109 : memref<8192xi32, #tpu.memory_space<vmem>>[vector<16xi32>], vector<16xi32>,
    %add3A_1110 = arith.constant 1925 : i32
    %add3A_1111 = vector.broadcast %add3A_1110 : i32 to vector<16xi32>
    %add3A_1112 = arith.addi %mul3A_327, %add3A_1111 : vector<16xi32>
    %add3A_1113 = arith.constant 500000 : i32
    %add3A_1114 = vector.broadcast %add3A_1113 : i32 to vector<16xi32>
    %add3A_1115 = arith.addi %get3A_1079, %add3A_1114 : vector<16xi32>
    tpu.vector_store_idx %arg11[%add3A_1112], %add3A_1115 : memref<8192xi32, #tpu.memory_space<vmem>>[vector<16xi32>], vector<16xi32>,
    %add3A_1116 = arith.constant 1926 : i32
    %add3A_1117 = vector.broadcast %add3A_1116 : i32 to vector<16xi32>
    %add3A_1118 = arith.addi %mul3A_327, %add3A_1117 : vector<16xi32>
    %add3A_1119 = arith.constant 600000 : i32
    %add3A_1120 = vector.broadcast %add3A_1119 : i32 to vector<16xi32>
    %add3A_1121 = arith.addi %get3A_1079, %add3A_1120 : vector<16xi32>
    tpu.vector_store_idx %arg11[%add3A_1118], %add3A_1121 : memref<8192xi32, #tpu.memory_space<vmem>>[vector<16xi32>], vector<16xi32>,
    %add3A_1122 = arith.constant 1927 : i32
    %add3A_1123 = vector.broadcast %add3A_1122 : i32 to vector<16xi32>
    %add3A_1124 = arith.addi %mul3A_327, %add3A_1123 : vector<16xi32>
    %add3A_1125 = arith.constant 700000 : i32
    %add3A_1126 = vector.broadcast %add3A_1125 : i32 to vector<16xi32>
    %add3A_1127 = arith.addi %get3A_1079, %add3A_1126 : vector<16xi32>
    tpu.vector_store_idx %arg11[%add3A_1124], %add3A_1127 : memref<8192xi32, #tpu.memory_space<vmem>>[vector<16xi32>], vector<16xi32>,
    %get3A_1128 = arith.constant 256 : index
    %get3A_1129 = tpu.vector_load %arg10[%get3A_1128] {strides = array<i32>} : memref<1024xi32, #tpu.memory_space<vmem>>, vector<16xi32>,
    %add3A_1130 = arith.constant 2048 : i32
    %add3A_1131 = vector.broadcast %add3A_1130 : i32 to vector<16xi32>
    %add3A_1132 = arith.addi %mul3A_327, %add3A_1131 : vector<16xi32>
    %add3A_1133 = arith.constant 0 : i32
    %add3A_1134 = vector.broadcast %add3A_1133 : i32 to vector<16xi32>
    %add3A_1135 = arith.addi %get3A_1129, %add3A_1134 : vector<16xi32>
    tpu.vector_store_idx %arg11[%add3A_1132], %add3A_1135 : memref<8192xi32, #tpu.memory_space<vmem>>[vector<16xi32>], vector<16xi32>,
    %add3A_1136 = arith.constant 2049 : i32
    %add3A_1137 = vector.broadcast %add3A_1136 : i32 to vector<16xi32>
    %add3A_1138 = arith.addi %mul3A_327, %add3A_1137 : vector<16xi32>
    %add3A_1139 = arith.constant 100000 : i32
    %add3A_1140 = vector.broadcast %add3A_1139 : i32 to vector<16xi32>
    %add3A_1141 = arith.addi %get3A_1129, %add3A_1140 : vector<16xi32>
    tpu.vector_store_idx %arg11[%add3A_1138], %add3A_1141 : memref<8192xi32, #tpu.memory_space<vmem>>[vector<16xi32>], vector<16xi32>,
    %add3A_1142 = arith.constant 2050 : i32
    %add3A_1143 = vector.broadcast %add3A_1142 : i32 to vector<16xi32>
    %add3A_1144 = arith.addi %mul3A_327, %add3A_1143 : vector<16xi32>
    %add3A_1145 = arith.constant 200000 : i32
    %add3A_1146 = vector.broadcast %add3A_1145 : i32 to vector<16xi32>
    %add3A_1147 = arith.addi %get3A_1129, %add3A_1146 : vector<16xi32>
    tpu.vector_store_idx %arg11[%add3A_1144], %add3A_1147 : memref<8192xi32, #tpu.memory_space<vmem>>[vector<16xi32>], vector<16xi32>,
    %add3A_1148 = arith.constant 2051 : i32
    %add3A_1149 = vector.broadcast %add3A_1148 : i32 to vector<16xi32>
    %add3A_1150 = arith.addi %mul3A_327, %add3A_1149 : vector<16xi32>
    %add3A_1151 = arith.constant 300000 : i32
    %add3A_1152 = vector.broadcast %add3A_1151 : i32 to vector<16xi32>
    %add3A_1153 = arith.addi %get3A_1129, %add3A_1152 : vector<16xi32>
    tpu.vector_store_idx %arg11[%add3A_1150], %add3A_1153 : memref<8192xi32, #tpu.memory_space<vmem>>[vector<16xi32>], vector<16xi32>,
    %add3A_1154 = arith.constant 2052 : i32
    %add3A_1155 = vector.broadcast %add3A_1154 : i32 to vector<16xi32>
    %add3A_1156 = arith.addi %mul3A_327, %add3A_1155 : vector<16xi32>
    %add3A_1157 = arith.constant 400000 : i32
    %add3A_1158 = vector.broadcast %add3A_1157 : i32 to vector<16xi32>
    %add3A_1159 = arith.addi %get3A_1129, %add3A_1158 : vector<16xi32>
    tpu.vector_store_idx %arg11[%add3A_1156], %add3A_1159 : memref<8192xi32, #tpu.memory_space<vmem>>[vector<16xi32>], vector<16xi32>,
    %add3A_1160 = arith.constant 2053 : i32
    %add3A_1161 = vector.broadcast %add3A_1160 : i32 to vector<16xi32>
    %add3A_1162 = arith.addi %mul3A_327, %add3A_1161 : vector<16xi32>
    %add3A_1163 = arith.constant 500000 : i32
    %add3A_1164 = vector.broadcast %add3A_1163 : i32 to vector<16xi32>
    %add3A_1165 = arith.addi %get3A_1129, %add3A_1164 : vector<16xi32>
    tpu.vector_store_idx %arg11[%add3A_1162], %add3A_1165 : memref<8192xi32, #tpu.memory_space<vmem>>[vector<16xi32>], vector<16xi32>,
    %add3A_1166 = arith.constant 2054 : i32
    %add3A_1167 = vector.broadcast %add3A_1166 : i32 to vector<16xi32>
    %add3A_1168 = arith.addi %mul3A_327, %add3A_1167 : vector<16xi32>
    %add3A_1169 = arith.constant 600000 : i32
    %add3A_1170 = vector.broadcast %add3A_1169 : i32 to vector<16xi32>
    %add3A_1171 = arith.addi %get3A_1129, %add3A_1170 : vector<16xi32>
    tpu.vector_store_idx %arg11[%add3A_1168], %add3A_1171 : memref<8192xi32, #tpu.memory_space<vmem>>[vector<16xi32>], vector<16xi32>,
    %add3A_1172 = arith.constant 2055 : i32
    %add3A_1173 = vector.broadcast %add3A_1172 : i32 to vector<16xi32>
    %add3A_1174 = arith.addi %mul3A_327, %add3A_1173 : vector<16xi32>
    %add3A_1175 = arith.constant 700000 : i32
    %add3A_1176 = vector.broadcast %add3A_1175 : i32 to vector<16xi32>
    %add3A_1177 = arith.addi %get3A_1129, %add3A_1176 : vector<16xi32>
    tpu.vector_store_idx %arg11[%add3A_1174], %add3A_1177 : memref<8192xi32, #tpu.memory_space<vmem>>[vector<16xi32>], vector<16xi32>,
    %get3A_1178 = arith.constant 272 : index
    %get3A_1179 = tpu.vector_load %arg10[%get3A_1178] {strides = array<i32>} : memref<1024xi32, #tpu.memory_space<vmem>>, vector<16xi32>,
    %add3A_1180 = arith.constant 2176 : i32
    %add3A_1181 = vector.broadcast %add3A_1180 : i32 to vector<16xi32>
    %add3A_1182 = arith.addi %mul3A_327, %add3A_1181 : vector<16xi32>
    %add3A_1183 = arith.constant 0 : i32
    %add3A_1184 = vector.broadcast %add3A_1183 : i32 to vector<16xi32>
    %add3A_1185 = arith.addi %get3A_1179, %add3A_1184 : vector<16xi32>
    tpu.vector_store_idx %arg11[%add3A_1182], %add3A_1185 : memref<8192xi32, #tpu.memory_space<vmem>>[vector<16xi32>], vector<16xi32>,
    %add3A_1186 = arith.constant 2177 : i32
    %add3A_1187 = vector.broadcast %add3A_1186 : i32 to vector<16xi32>
    %add3A_1188 = arith.addi %mul3A_327, %add3A_1187 : vector<16xi32>
    %add3A_1189 = arith.constant 100000 : i32
    %add3A_1190 = vector.broadcast %add3A_1189 : i32 to vector<16xi32>
    %add3A_1191 = arith.addi %get3A_1179, %add3A_1190 : vector<16xi32>
    tpu.vector_store_idx %arg11[%add3A_1188], %add3A_1191 : memref<8192xi32, #tpu.memory_space<vmem>>[vector<16xi32>], vector<16xi32>,
    %add3A_1192 = arith.constant 2178 : i32
    %add3A_1193 = vector.broadcast %add3A_1192 : i32 to vector<16xi32>
    %add3A_1194 = arith.addi %mul3A_327, %add3A_1193 : vector<16xi32>
    %add3A_1195 = arith.constant 200000 : i32
    %add3A_1196 = vector.broadcast %add3A_1195 : i32 to vector<16xi32>
    %add3A_1197 = arith.addi %get3A_1179, %add3A_1196 : vector<16xi32>
    tpu.vector_store_idx %arg11[%add3A_1194], %add3A_1197 : memref<8192xi32, #tpu.memory_space<vmem>>[vector<16xi32>], vector<16xi32>,
    %add3A_1198 = arith.constant 2179 : i32
    %add3A_1199 = vector.broadcast %add3A_1198 : i32 to vector<16xi32>
    %add3A_1200 = arith.addi %mul3A_327, %add3A_1199 : vector<16xi32>
    %add3A_1201 = arith.constant 300000 : i32
    %add3A_1202 = vector.broadcast %add3A_1201 : i32 to vector<16xi32>
    %add3A_1203 = arith.addi %get3A_1179, %add3A_1202 : vector<16xi32>
    tpu.vector_store_idx %arg11[%add3A_1200], %add3A_1203 : memref<8192xi32, #tpu.memory_space<vmem>>[vector<16xi32>], vector<16xi32>,
    %add3A_1204 = arith.constant 2180 : i32
    %add3A_1205 = vector.broadcast %add3A_1204 : i32 to vector<16xi32>
    %add3A_1206 = arith.addi %mul3A_327, %add3A_1205 : vector<16xi32>
    %add3A_1207 = arith.constant 400000 : i32
    %add3A_1208 = vector.broadcast %add3A_1207 : i32 to vector<16xi32>
    %add3A_1209 = arith.addi %get3A_1179, %add3A_1208 : vector<16xi32>
    tpu.vector_store_idx %arg11[%add3A_1206], %add3A_1209 : memref<8192xi32, #tpu.memory_space<vmem>>[vector<16xi32>], vector<16xi32>,
    %add3A_1210 = arith.constant 2181 : i32
    %add3A_1211 = vector.broadcast %add3A_1210 : i32 to vector<16xi32>
    %add3A_1212 = arith.addi %mul3A_327, %add3A_1211 : vector<16xi32>
    %add3A_1213 = arith.constant 500000 : i32
    %add3A_1214 = vector.broadcast %add3A_1213 : i32 to vector<16xi32>
    %add3A_1215 = arith.addi %get3A_1179, %add3A_1214 : vector<16xi32>
    tpu.vector_store_idx %arg11[%add3A_1212], %add3A_1215 : memref<8192xi32, #tpu.memory_space<vmem>>[vector<16xi32>], vector<16xi32>,
    %add3A_1216 = arith.constant 2182 : i32
    %add3A_1217 = vector.broadcast %add3A_1216 : i32 to vector<16xi32>
    %add3A_1218 = arith.addi %mul3A_327, %add3A_1217 : vector<16xi32>
    %add3A_1219 = arith.constant 600000 : i32
    %add3A_1220 = vector.broadcast %add3A_1219 : i32 to vector<16xi32>
    %add3A_1221 = arith.addi %get3A_1179, %add3A_1220 : vector<16xi32>
    tpu.vector_store_idx %arg11[%add3A_1218], %add3A_1221 : memref<8192xi32, #tpu.memory_space<vmem>>[vector<16xi32>], vector<16xi32>,
    %add3A_1222 = arith.constant 2183 : i32
    %add3A_1223 = vector.broadcast %add3A_1222 : i32 to vector<16xi32>
    %add3A_1224 = arith.addi %mul3A_327, %add3A_1223 : vector<16xi32>
    %add3A_1225 = arith.constant 700000 : i32
    %add3A_1226 = vector.broadcast %add3A_1225 : i32 to vector<16xi32>
    %add3A_1227 = arith.addi %get3A_1179, %add3A_1226 : vector<16xi32>
    tpu.vector_store_idx %arg11[%add3A_1224], %add3A_1227 : memref<8192xi32, #tpu.memory_space<vmem>>[vector<16xi32>], vector<16xi32>,
    %get3A_1228 = arith.constant 288 : index
    %get3A_1229 = tpu.vector_load %arg10[%get3A_1228] {strides = array<i32>} : memref<1024xi32, #tpu.memory_space<vmem>>, vector<16xi32>,
    %add3A_1230 = arith.constant 2304 : i32
    %add3A_1231 = vector.broadcast %add3A_1230 : i32 to vector<16xi32>
    %add3A_1232 = arith.addi %mul3A_327, %add3A_1231 : vector<16xi32>
    %add3A_1233 = arith.constant 0 : i32
    %add3A_1234 = vector.broadcast %add3A_1233 : i32 to vector<16xi32>
    %add3A_1235 = arith.addi %get3A_1229, %add3A_1234 : vector<16xi32>
    tpu.vector_store_idx %arg11[%add3A_1232], %add3A_1235 : memref<8192xi32, #tpu.memory_space<vmem>>[vector<16xi32>], vector<16xi32>,
    %add3A_1236 = arith.constant 2305 : i32
    %add3A_1237 = vector.broadcast %add3A_1236 : i32 to vector<16xi32>
    %add3A_1238 = arith.addi %mul3A_327, %add3A_1237 : vector<16xi32>
    %add3A_1239 = arith.constant 100000 : i32
    %add3A_1240 = vector.broadcast %add3A_1239 : i32 to vector<16xi32>
    %add3A_1241 = arith.addi %get3A_1229, %add3A_1240 : vector<16xi32>
    tpu.vector_store_idx %arg11[%add3A_1238], %add3A_1241 : memref<8192xi32, #tpu.memory_space<vmem>>[vector<16xi32>], vector<16xi32>,
    %add3A_1242 = arith.constant 2306 : i32
    %add3A_1243 = vector.broadcast %add3A_1242 : i32 to vector<16xi32>
    %add3A_1244 = arith.addi %mul3A_327, %add3A_1243 : vector<16xi32>
    %add3A_1245 = arith.constant 200000 : i32
    %add3A_1246 = vector.broadcast %add3A_1245 : i32 to vector<16xi32>
    %add3A_1247 = arith.addi %get3A_1229, %add3A_1246 : vector<16xi32>
    tpu.vector_store_idx %arg11[%add3A_1244], %add3A_1247 : memref<8192xi32, #tpu.memory_space<vmem>>[vector<16xi32>], vector<16xi32>,
    %add3A_1248 = arith.constant 2307 : i32
    %add3A_1249 = vector.broadcast %add3A_1248 : i32 to vector<16xi32>
    %add3A_1250 = arith.addi %mul3A_327, %add3A_1249 : vector<16xi32>
    %add3A_1251 = arith.constant 300000 : i32
    %add3A_1252 = vector.broadcast %add3A_1251 : i32 to vector<16xi32>
    %add3A_1253 = arith.addi %get3A_1229, %add3A_1252 : vector<16xi32>
    tpu.vector_store_idx %arg11[%add3A_1250], %add3A_1253 : memref<8192xi32, #tpu.memory_space<vmem>>[vector<16xi32>], vector<16xi32>,
    %add3A_1254 = arith.constant 2308 : i32
    %add3A_1255 = vector.broadcast %add3A_1254 : i32 to vector<16xi32>
    %add3A_1256 = arith.addi %mul3A_327, %add3A_1255 : vector<16xi32>
    %add3A_1257 = arith.constant 400000 : i32
    %add3A_1258 = vector.broadcast %add3A_1257 : i32 to vector<16xi32>
    %add3A_1259 = arith.addi %get3A_1229, %add3A_1258 : vector<16xi32>
    tpu.vector_store_idx %arg11[%add3A_1256], %add3A_1259 : memref<8192xi32, #tpu.memory_space<vmem>>[vector<16xi32>], vector<16xi32>,
    %add3A_1260 = arith.constant 2309 : i32
    %add3A_1261 = vector.broadcast %add3A_1260 : i32 to vector<16xi32>
    %add3A_1262 = arith.addi %mul3A_327, %add3A_1261 : vector<16xi32>
    %add3A_1263 = arith.constant 500000 : i32
    %add3A_1264 = vector.broadcast %add3A_1263 : i32 to vector<16xi32>
    %add3A_1265 = arith.addi %get3A_1229, %add3A_1264 : vector<16xi32>
    tpu.vector_store_idx %arg11[%add3A_1262], %add3A_1265 : memref<8192xi32, #tpu.memory_space<vmem>>[vector<16xi32>], vector<16xi32>,
    %add3A_1266 = arith.constant 2310 : i32
    %add3A_1267 = vector.broadcast %add3A_1266 : i32 to vector<16xi32>
    %add3A_1268 = arith.addi %mul3A_327, %add3A_1267 : vector<16xi32>
    %add3A_1269 = arith.constant 600000 : i32
    %add3A_1270 = vector.broadcast %add3A_1269 : i32 to vector<16xi32>
    %add3A_1271 = arith.addi %get3A_1229, %add3A_1270 : vector<16xi32>
    tpu.vector_store_idx %arg11[%add3A_1268], %add3A_1271 : memref<8192xi32, #tpu.memory_space<vmem>>[vector<16xi32>], vector<16xi32>,
    %add3A_1272 = arith.constant 2311 : i32
    %add3A_1273 = vector.broadcast %add3A_1272 : i32 to vector<16xi32>
    %add3A_1274 = arith.addi %mul3A_327, %add3A_1273 : vector<16xi32>
    %add3A_1275 = arith.constant 700000 : i32
    %add3A_1276 = vector.broadcast %add3A_1275 : i32 to vector<16xi32>
    %add3A_1277 = arith.addi %get3A_1229, %add3A_1276 : vector<16xi32>
    tpu.vector_store_idx %arg11[%add3A_1274], %add3A_1277 : memref<8192xi32, #tpu.memory_space<vmem>>[vector<16xi32>], vector<16xi32>,
    %get3A_1278 = arith.constant 304 : index
    %get3A_1279 = tpu.vector_load %arg10[%get3A_1278] {strides = array<i32>} : memref<1024xi32, #tpu.memory_space<vmem>>, vector<16xi32>,
    %add3A_1280 = arith.constant 2432 : i32
    %add3A_1281 = vector.broadcast %add3A_1280 : i32 to vector<16xi32>
    %add3A_1282 = arith.addi %mul3A_327, %add3A_1281 : vector<16xi32>
    %add3A_1283 = arith.constant 0 : i32
    %add3A_1284 = vector.broadcast %add3A_1283 : i32 to vector<16xi32>
    %add3A_1285 = arith.addi %get3A_1279, %add3A_1284 : vector<16xi32>
    tpu.vector_store_idx %arg11[%add3A_1282], %add3A_1285 : memref<8192xi32, #tpu.memory_space<vmem>>[vector<16xi32>], vector<16xi32>,
    %add3A_1286 = arith.constant 2433 : i32
    %add3A_1287 = vector.broadcast %add3A_1286 : i32 to vector<16xi32>
    %add3A_1288 = arith.addi %mul3A_327, %add3A_1287 : vector<16xi32>
    %add3A_1289 = arith.constant 100000 : i32
    %add3A_1290 = vector.broadcast %add3A_1289 : i32 to vector<16xi32>
    %add3A_1291 = arith.addi %get3A_1279, %add3A_1290 : vector<16xi32>
    tpu.vector_store_idx %arg11[%add3A_1288], %add3A_1291 : memref<8192xi32, #tpu.memory_space<vmem>>[vector<16xi32>], vector<16xi32>,
    %add3A_1292 = arith.constant 2434 : i32
    %add3A_1293 = vector.broadcast %add3A_1292 : i32 to vector<16xi32>
    %add3A_1294 = arith.addi %mul3A_327, %add3A_1293 : vector<16xi32>
    %add3A_1295 = arith.constant 200000 : i32
    %add3A_1296 = vector.broadcast %add3A_1295 : i32 to vector<16xi32>
    %add3A_1297 = arith.addi %get3A_1279, %add3A_1296 : vector<16xi32>
    tpu.vector_store_idx %arg11[%add3A_1294], %add3A_1297 : memref<8192xi32, #tpu.memory_space<vmem>>[vector<16xi32>], vector<16xi32>,
    %add3A_1298 = arith.constant 2435 : i32
    %add3A_1299 = vector.broadcast %add3A_1298 : i32 to vector<16xi32>
    %add3A_1300 = arith.addi %mul3A_327, %add3A_1299 : vector<16xi32>
    %add3A_1301 = arith.constant 300000 : i32
    %add3A_1302 = vector.broadcast %add3A_1301 : i32 to vector<16xi32>
    %add3A_1303 = arith.addi %get3A_1279, %add3A_1302 : vector<16xi32>
    tpu.vector_store_idx %arg11[%add3A_1300], %add3A_1303 : memref<8192xi32, #tpu.memory_space<vmem>>[vector<16xi32>], vector<16xi32>,
    %add3A_1304 = arith.constant 2436 : i32
    %add3A_1305 = vector.broadcast %add3A_1304 : i32 to vector<16xi32>
    %add3A_1306 = arith.addi %mul3A_327, %add3A_1305 : vector<16xi32>
    %add3A_1307 = arith.constant 400000 : i32
    %add3A_1308 = vector.broadcast %add3A_1307 : i32 to vector<16xi32>
    %add3A_1309 = arith.addi %get3A_1279, %add3A_1308 : vector<16xi32>
    tpu.vector_store_idx %arg11[%add3A_1306], %add3A_1309 : memref<8192xi32, #tpu.memory_space<vmem>>[vector<16xi32>], vector<16xi32>,
    %add3A_1310 = arith.constant 2437 : i32
    %add3A_1311 = vector.broadcast %add3A_1310 : i32 to vector<16xi32>
    %add3A_1312 = arith.addi %mul3A_327, %add3A_1311 : vector<16xi32>
    %add3A_1313 = arith.constant 500000 : i32
    %add3A_1314 = vector.broadcast %add3A_1313 : i32 to vector<16xi32>
    %add3A_1315 = arith.addi %get3A_1279, %add3A_1314 : vector<16xi32>
    tpu.vector_store_idx %arg11[%add3A_1312], %add3A_1315 : memref<8192xi32, #tpu.memory_space<vmem>>[vector<16xi32>], vector<16xi32>,
    %add3A_1316 = arith.constant 2438 : i32
    %add3A_1317 = vector.broadcast %add3A_1316 : i32 to vector<16xi32>
    %add3A_1318 = arith.addi %mul3A_327, %add3A_1317 : vector<16xi32>
    %add3A_1319 = arith.constant 600000 : i32
    %add3A_1320 = vector.broadcast %add3A_1319 : i32 to vector<16xi32>
    %add3A_1321 = arith.addi %get3A_1279, %add3A_1320 : vector<16xi32>
    tpu.vector_store_idx %arg11[%add3A_1318], %add3A_1321 : memref<8192xi32, #tpu.memory_space<vmem>>[vector<16xi32>], vector<16xi32>,
    %add3A_1322 = arith.constant 2439 : i32
    %add3A_1323 = vector.broadcast %add3A_1322 : i32 to vector<16xi32>
    %add3A_1324 = arith.addi %mul3A_327, %add3A_1323 : vector<16xi32>
    %add3A_1325 = arith.constant 700000 : i32
    %add3A_1326 = vector.broadcast %add3A_1325 : i32 to vector<16xi32>
    %add3A_1327 = arith.addi %get3A_1279, %add3A_1326 : vector<16xi32>
    tpu.vector_store_idx %arg11[%add3A_1324], %add3A_1327 : memref<8192xi32, #tpu.memory_space<vmem>>[vector<16xi32>], vector<16xi32>,
    %get3A_1328 = arith.constant 320 : index
    %get3A_1329 = tpu.vector_load %arg10[%get3A_1328] {strides = array<i32>} : memref<1024xi32, #tpu.memory_space<vmem>>, vector<16xi32>,
    %add3A_1330 = arith.constant 2560 : i32
    %add3A_1331 = vector.broadcast %add3A_1330 : i32 to vector<16xi32>
    %add3A_1332 = arith.addi %mul3A_327, %add3A_1331 : vector<16xi32>
    %add3A_1333 = arith.constant 0 : i32
    %add3A_1334 = vector.broadcast %add3A_1333 : i32 to vector<16xi32>
    %add3A_1335 = arith.addi %get3A_1329, %add3A_1334 : vector<16xi32>
    tpu.vector_store_idx %arg11[%add3A_1332], %add3A_1335 : memref<8192xi32, #tpu.memory_space<vmem>>[vector<16xi32>], vector<16xi32>,
    %add3A_1336 = arith.constant 2561 : i32
    %add3A_1337 = vector.broadcast %add3A_1336 : i32 to vector<16xi32>
    %add3A_1338 = arith.addi %mul3A_327, %add3A_1337 : vector<16xi32>
    %add3A_1339 = arith.constant 100000 : i32
    %add3A_1340 = vector.broadcast %add3A_1339 : i32 to vector<16xi32>
    %add3A_1341 = arith.addi %get3A_1329, %add3A_1340 : vector<16xi32>
    tpu.vector_store_idx %arg11[%add3A_1338], %add3A_1341 : memref<8192xi32, #tpu.memory_space<vmem>>[vector<16xi32>], vector<16xi32>,
    %add3A_1342 = arith.constant 2562 : i32
    %add3A_1343 = vector.broadcast %add3A_1342 : i32 to vector<16xi32>
    %add3A_1344 = arith.addi %mul3A_327, %add3A_1343 : vector<16xi32>
    %add3A_1345 = arith.constant 200000 : i32
    %add3A_1346 = vector.broadcast %add3A_1345 : i32 to vector<16xi32>
    %add3A_1347 = arith.addi %get3A_1329, %add3A_1346 : vector<16xi32>
    tpu.vector_store_idx %arg11[%add3A_1344], %add3A_1347 : memref<8192xi32, #tpu.memory_space<vmem>>[vector<16xi32>], vector<16xi32>,
    %add3A_1348 = arith.constant 2563 : i32
    %add3A_1349 = vector.broadcast %add3A_1348 : i32 to vector<16xi32>
    %add3A_1350 = arith.addi %mul3A_327, %add3A_1349 : vector<16xi32>
    %add3A_1351 = arith.constant 300000 : i32
    %add3A_1352 = vector.broadcast %add3A_1351 : i32 to vector<16xi32>
    %add3A_1353 = arith.addi %get3A_1329, %add3A_1352 : vector<16xi32>
    tpu.vector_store_idx %arg11[%add3A_1350], %add3A_1353 : memref<8192xi32, #tpu.memory_space<vmem>>[vector<16xi32>], vector<16xi32>,
    %add3A_1354 = arith.constant 2564 : i32
    %add3A_1355 = vector.broadcast %add3A_1354 : i32 to vector<16xi32>
    %add3A_1356 = arith.addi %mul3A_327, %add3A_1355 : vector<16xi32>
    %add3A_1357 = arith.constant 400000 : i32
    %add3A_1358 = vector.broadcast %add3A_1357 : i32 to vector<16xi32>
    %add3A_1359 = arith.addi %get3A_1329, %add3A_1358 : vector<16xi32>
    tpu.vector_store_idx %arg11[%add3A_1356], %add3A_1359 : memref<8192xi32, #tpu.memory_space<vmem>>[vector<16xi32>], vector<16xi32>,
    %add3A_1360 = arith.constant 2565 : i32
    %add3A_1361 = vector.broadcast %add3A_1360 : i32 to vector<16xi32>
    %add3A_1362 = arith.addi %mul3A_327, %add3A_1361 : vector<16xi32>
    %add3A_1363 = arith.constant 500000 : i32
    %add3A_1364 = vector.broadcast %add3A_1363 : i32 to vector<16xi32>
    %add3A_1365 = arith.addi %get3A_1329, %add3A_1364 : vector<16xi32>
    tpu.vector_store_idx %arg11[%add3A_1362], %add3A_1365 : memref<8192xi32, #tpu.memory_space<vmem>>[vector<16xi32>], vector<16xi32>,
    %add3A_1366 = arith.constant 2566 : i32
    %add3A_1367 = vector.broadcast %add3A_1366 : i32 to vector<16xi32>
    %add3A_1368 = arith.addi %mul3A_327, %add3A_1367 : vector<16xi32>
    %add3A_1369 = arith.constant 600000 : i32
    %add3A_1370 = vector.broadcast %add3A_1369 : i32 to vector<16xi32>
    %add3A_1371 = arith.addi %get3A_1329, %add3A_1370 : vector<16xi32>
    tpu.vector_store_idx %arg11[%add3A_1368], %add3A_1371 : memref<8192xi32, #tpu.memory_space<vmem>>[vector<16xi32>], vector<16xi32>,
    %add3A_1372 = arith.constant 2567 : i32
    %add3A_1373 = vector.broadcast %add3A_1372 : i32 to vector<16xi32>
    %add3A_1374 = arith.addi %mul3A_327, %add3A_1373 : vector<16xi32>
    %add3A_1375 = arith.constant 700000 : i32
    %add3A_1376 = vector.broadcast %add3A_1375 : i32 to vector<16xi32>
    %add3A_1377 = arith.addi %get3A_1329, %add3A_1376 : vector<16xi32>
    tpu.vector_store_idx %arg11[%add3A_1374], %add3A_1377 : memref<8192xi32, #tpu.memory_space<vmem>>[vector<16xi32>], vector<16xi32>,
    %get3A_1378 = arith.constant 336 : index
    %get3A_1379 = tpu.vector_load %arg10[%get3A_1378] {strides = array<i32>} : memref<1024xi32, #tpu.memory_space<vmem>>, vector<16xi32>,
    %add3A_1380 = arith.constant 2688 : i32
    %add3A_1381 = vector.broadcast %add3A_1380 : i32 to vector<16xi32>
    %add3A_1382 = arith.addi %mul3A_327, %add3A_1381 : vector<16xi32>
    %add3A_1383 = arith.constant 0 : i32
    %add3A_1384 = vector.broadcast %add3A_1383 : i32 to vector<16xi32>
    %add3A_1385 = arith.addi %get3A_1379, %add3A_1384 : vector<16xi32>
    tpu.vector_store_idx %arg11[%add3A_1382], %add3A_1385 : memref<8192xi32, #tpu.memory_space<vmem>>[vector<16xi32>], vector<16xi32>,
    %add3A_1386 = arith.constant 2689 : i32
    %add3A_1387 = vector.broadcast %add3A_1386 : i32 to vector<16xi32>
    %add3A_1388 = arith.addi %mul3A_327, %add3A_1387 : vector<16xi32>
    %add3A_1389 = arith.constant 100000 : i32
    %add3A_1390 = vector.broadcast %add3A_1389 : i32 to vector<16xi32>
    %add3A_1391 = arith.addi %get3A_1379, %add3A_1390 : vector<16xi32>
    tpu.vector_store_idx %arg11[%add3A_1388], %add3A_1391 : memref<8192xi32, #tpu.memory_space<vmem>>[vector<16xi32>], vector<16xi32>,
    %add3A_1392 = arith.constant 2690 : i32
    %add3A_1393 = vector.broadcast %add3A_1392 : i32 to vector<16xi32>
    %add3A_1394 = arith.addi %mul3A_327, %add3A_1393 : vector<16xi32>
    %add3A_1395 = arith.constant 200000 : i32
    %add3A_1396 = vector.broadcast %add3A_1395 : i32 to vector<16xi32>
    %add3A_1397 = arith.addi %get3A_1379, %add3A_1396 : vector<16xi32>
    tpu.vector_store_idx %arg11[%add3A_1394], %add3A_1397 : memref<8192xi32, #tpu.memory_space<vmem>>[vector<16xi32>], vector<16xi32>,
    %add3A_1398 = arith.constant 2691 : i32
    %add3A_1399 = vector.broadcast %add3A_1398 : i32 to vector<16xi32>
    %add3A_1400 = arith.addi %mul3A_327, %add3A_1399 : vector<16xi32>
    %add3A_1401 = arith.constant 300000 : i32
    %add3A_1402 = vector.broadcast %add3A_1401 : i32 to vector<16xi32>
    %add3A_1403 = arith.addi %get3A_1379, %add3A_1402 : vector<16xi32>
    tpu.vector_store_idx %arg11[%add3A_1400], %add3A_1403 : memref<8192xi32, #tpu.memory_space<vmem>>[vector<16xi32>], vector<16xi32>,
    %add3A_1404 = arith.constant 2692 : i32
    %add3A_1405 = vector.broadcast %add3A_1404 : i32 to vector<16xi32>
    %add3A_1406 = arith.addi %mul3A_327, %add3A_1405 : vector<16xi32>
    %add3A_1407 = arith.constant 400000 : i32
    %add3A_1408 = vector.broadcast %add3A_1407 : i32 to vector<16xi32>
    %add3A_1409 = arith.addi %get3A_1379, %add3A_1408 : vector<16xi32>
    tpu.vector_store_idx %arg11[%add3A_1406], %add3A_1409 : memref<8192xi32, #tpu.memory_space<vmem>>[vector<16xi32>], vector<16xi32>,
    %add3A_1410 = arith.constant 2693 : i32
    %add3A_1411 = vector.broadcast %add3A_1410 : i32 to vector<16xi32>
    %add3A_1412 = arith.addi %mul3A_327, %add3A_1411 : vector<16xi32>
    %add3A_1413 = arith.constant 500000 : i32
    %add3A_1414 = vector.broadcast %add3A_1413 : i32 to vector<16xi32>
    %add3A_1415 = arith.addi %get3A_1379, %add3A_1414 : vector<16xi32>
    tpu.vector_store_idx %arg11[%add3A_1412], %add3A_1415 : memref<8192xi32, #tpu.memory_space<vmem>>[vector<16xi32>], vector<16xi32>,
    %add3A_1416 = arith.constant 2694 : i32
    %add3A_1417 = vector.broadcast %add3A_1416 : i32 to vector<16xi32>
    %add3A_1418 = arith.addi %mul3A_327, %add3A_1417 : vector<16xi32>
    %add3A_1419 = arith.constant 600000 : i32
    %add3A_1420 = vector.broadcast %add3A_1419 : i32 to vector<16xi32>
    %add3A_1421 = arith.addi %get3A_1379, %add3A_1420 : vector<16xi32>
    tpu.vector_store_idx %arg11[%add3A_1418], %add3A_1421 : memref<8192xi32, #tpu.memory_space<vmem>>[vector<16xi32>], vector<16xi32>,
    %add3A_1422 = arith.constant 2695 : i32
    %add3A_1423 = vector.broadcast %add3A_1422 : i32 to vector<16xi32>
    %add3A_1424 = arith.addi %mul3A_327, %add3A_1423 : vector<16xi32>
    %add3A_1425 = arith.constant 700000 : i32
    %add3A_1426 = vector.broadcast %add3A_1425 : i32 to vector<16xi32>
    %add3A_1427 = arith.addi %get3A_1379, %add3A_1426 : vector<16xi32>
    tpu.vector_store_idx %arg11[%add3A_1424], %add3A_1427 : memref<8192xi32, #tpu.memory_space<vmem>>[vector<16xi32>], vector<16xi32>,
    %get3A_1428 = arith.constant 352 : index
    %get3A_1429 = tpu.vector_load %arg10[%get3A_1428] {strides = array<i32>} : memref<1024xi32, #tpu.memory_space<vmem>>, vector<16xi32>,
    %add3A_1430 = arith.constant 2816 : i32
    %add3A_1431 = vector.broadcast %add3A_1430 : i32 to vector<16xi32>
    %add3A_1432 = arith.addi %mul3A_327, %add3A_1431 : vector<16xi32>
    %add3A_1433 = arith.constant 0 : i32
    %add3A_1434 = vector.broadcast %add3A_1433 : i32 to vector<16xi32>
    %add3A_1435 = arith.addi %get3A_1429, %add3A_1434 : vector<16xi32>
    tpu.vector_store_idx %arg11[%add3A_1432], %add3A_1435 : memref<8192xi32, #tpu.memory_space<vmem>>[vector<16xi32>], vector<16xi32>,
    %add3A_1436 = arith.constant 2817 : i32
    %add3A_1437 = vector.broadcast %add3A_1436 : i32 to vector<16xi32>
    %add3A_1438 = arith.addi %mul3A_327, %add3A_1437 : vector<16xi32>
    %add3A_1439 = arith.constant 100000 : i32
    %add3A_1440 = vector.broadcast %add3A_1439 : i32 to vector<16xi32>
    %add3A_1441 = arith.addi %get3A_1429, %add3A_1440 : vector<16xi32>
    tpu.vector_store_idx %arg11[%add3A_1438], %add3A_1441 : memref<8192xi32, #tpu.memory_space<vmem>>[vector<16xi32>], vector<16xi32>,
    %add3A_1442 = arith.constant 2818 : i32
    %add3A_1443 = vector.broadcast %add3A_1442 : i32 to vector<16xi32>
    %add3A_1444 = arith.addi %mul3A_327, %add3A_1443 : vector<16xi32>
    %add3A_1445 = arith.constant 200000 : i32
    %add3A_1446 = vector.broadcast %add3A_1445 : i32 to vector<16xi32>
    %add3A_1447 = arith.addi %get3A_1429, %add3A_1446 : vector<16xi32>
    tpu.vector_store_idx %arg11[%add3A_1444], %add3A_1447 : memref<8192xi32, #tpu.memory_space<vmem>>[vector<16xi32>], vector<16xi32>,
    %add3A_1448 = arith.constant 2819 : i32
    %add3A_1449 = vector.broadcast %add3A_1448 : i32 to vector<16xi32>
    %add3A_1450 = arith.addi %mul3A_327, %add3A_1449 : vector<16xi32>
    %add3A_1451 = arith.constant 300000 : i32
    %add3A_1452 = vector.broadcast %add3A_1451 : i32 to vector<16xi32>
    %add3A_1453 = arith.addi %get3A_1429, %add3A_1452 : vector<16xi32>
    tpu.vector_store_idx %arg11[%add3A_1450], %add3A_1453 : memref<8192xi32, #tpu.memory_space<vmem>>[vector<16xi32>], vector<16xi32>,
    %add3A_1454 = arith.constant 2820 : i32
    %add3A_1455 = vector.broadcast %add3A_1454 : i32 to vector<16xi32>
    %add3A_1456 = arith.addi %mul3A_327, %add3A_1455 : vector<16xi32>
    %add3A_1457 = arith.constant 400000 : i32
    %add3A_1458 = vector.broadcast %add3A_1457 : i32 to vector<16xi32>
    %add3A_1459 = arith.addi %get3A_1429, %add3A_1458 : vector<16xi32>
    tpu.vector_store_idx %arg11[%add3A_1456], %add3A_1459 : memref<8192xi32, #tpu.memory_space<vmem>>[vector<16xi32>], vector<16xi32>,
    %add3A_1460 = arith.constant 2821 : i32
    %add3A_1461 = vector.broadcast %add3A_1460 : i32 to vector<16xi32>
    %add3A_1462 = arith.addi %mul3A_327, %add3A_1461 : vector<16xi32>
    %add3A_1463 = arith.constant 500000 : i32
    %add3A_1464 = vector.broadcast %add3A_1463 : i32 to vector<16xi32>
    %add3A_1465 = arith.addi %get3A_1429, %add3A_1464 : vector<16xi32>
    tpu.vector_store_idx %arg11[%add3A_1462], %add3A_1465 : memref<8192xi32, #tpu.memory_space<vmem>>[vector<16xi32>], vector<16xi32>,
    %add3A_1466 = arith.constant 2822 : i32
    %add3A_1467 = vector.broadcast %add3A_1466 : i32 to vector<16xi32>
    %add3A_1468 = arith.addi %mul3A_327, %add3A_1467 : vector<16xi32>
    %add3A_1469 = arith.constant 600000 : i32
    %add3A_1470 = vector.broadcast %add3A_1469 : i32 to vector<16xi32>
    %add3A_1471 = arith.addi %get3A_1429, %add3A_1470 : vector<16xi32>
    tpu.vector_store_idx %arg11[%add3A_1468], %add3A_1471 : memref<8192xi32, #tpu.memory_space<vmem>>[vector<16xi32>], vector<16xi32>,
    %add3A_1472 = arith.constant 2823 : i32
    %add3A_1473 = vector.broadcast %add3A_1472 : i32 to vector<16xi32>
    %add3A_1474 = arith.addi %mul3A_327, %add3A_1473 : vector<16xi32>
    %add3A_1475 = arith.constant 700000 : i32
    %add3A_1476 = vector.broadcast %add3A_1475 : i32 to vector<16xi32>
    %add3A_1477 = arith.addi %get3A_1429, %add3A_1476 : vector<16xi32>
    tpu.vector_store_idx %arg11[%add3A_1474], %add3A_1477 : memref<8192xi32, #tpu.memory_space<vmem>>[vector<16xi32>], vector<16xi32>,
    %get3A_1478 = arith.constant 368 : index
    %get3A_1479 = tpu.vector_load %arg10[%get3A_1478] {strides = array<i32>} : memref<1024xi32, #tpu.memory_space<vmem>>, vector<16xi32>,
    %add3A_1480 = arith.constant 2944 : i32
    %add3A_1481 = vector.broadcast %add3A_1480 : i32 to vector<16xi32>
    %add3A_1482 = arith.addi %mul3A_327, %add3A_1481 : vector<16xi32>
    %add3A_1483 = arith.constant 0 : i32
    %add3A_1484 = vector.broadcast %add3A_1483 : i32 to vector<16xi32>
    %add3A_1485 = arith.addi %get3A_1479, %add3A_1484 : vector<16xi32>
    tpu.vector_store_idx %arg11[%add3A_1482], %add3A_1485 : memref<8192xi32, #tpu.memory_space<vmem>>[vector<16xi32>], vector<16xi32>,
    %add3A_1486 = arith.constant 2945 : i32
    %add3A_1487 = vector.broadcast %add3A_1486 : i32 to vector<16xi32>
    %add3A_1488 = arith.addi %mul3A_327, %add3A_1487 : vector<16xi32>
    %add3A_1489 = arith.constant 100000 : i32
    %add3A_1490 = vector.broadcast %add3A_1489 : i32 to vector<16xi32>
    %add3A_1491 = arith.addi %get3A_1479, %add3A_1490 : vector<16xi32>
    tpu.vector_store_idx %arg11[%add3A_1488], %add3A_1491 : memref<8192xi32, #tpu.memory_space<vmem>>[vector<16xi32>], vector<16xi32>,
    %add3A_1492 = arith.constant 2946 : i32
    %add3A_1493 = vector.broadcast %add3A_1492 : i32 to vector<16xi32>
    %add3A_1494 = arith.addi %mul3A_327, %add3A_1493 : vector<16xi32>
    %add3A_1495 = arith.constant 200000 : i32
    %add3A_1496 = vector.broadcast %add3A_1495 : i32 to vector<16xi32>
    %add3A_1497 = arith.addi %get3A_1479, %add3A_1496 : vector<16xi32>
    tpu.vector_store_idx %arg11[%add3A_1494], %add3A_1497 : memref<8192xi32, #tpu.memory_space<vmem>>[vector<16xi32>], vector<16xi32>,
    %add3A_1498 = arith.constant 2947 : i32
    %add3A_1499 = vector.broadcast %add3A_1498 : i32 to vector<16xi32>
    %add3A_1500 = arith.addi %mul3A_327, %add3A_1499 : vector<16xi32>
    %add3A_1501 = arith.constant 300000 : i32
    %add3A_1502 = vector.broadcast %add3A_1501 : i32 to vector<16xi32>
    %add3A_1503 = arith.addi %get3A_1479, %add3A_1502 : vector<16xi32>
    tpu.vector_store_idx %arg11[%add3A_1500], %add3A_1503 : memref<8192xi32, #tpu.memory_space<vmem>>[vector<16xi32>], vector<16xi32>,
    %add3A_1504 = arith.constant 2948 : i32
    %add3A_1505 = vector.broadcast %add3A_1504 : i32 to vector<16xi32>
    %add3A_1506 = arith.addi %mul3A_327, %add3A_1505 : vector<16xi32>
    %add3A_1507 = arith.constant 400000 : i32
    %add3A_1508 = vector.broadcast %add3A_1507 : i32 to vector<16xi32>
    %add3A_1509 = arith.addi %get3A_1479, %add3A_1508 : vector<16xi32>
    tpu.vector_store_idx %arg11[%add3A_1506], %add3A_1509 : memref<8192xi32, #tpu.memory_space<vmem>>[vector<16xi32>], vector<16xi32>,
    %add3A_1510 = arith.constant 2949 : i32
    %add3A_1511 = vector.broadcast %add3A_1510 : i32 to vector<16xi32>
    %add3A_1512 = arith.addi %mul3A_327, %add3A_1511 : vector<16xi32>
    %add3A_1513 = arith.constant 500000 : i32
    %add3A_1514 = vector.broadcast %add3A_1513 : i32 to vector<16xi32>
    %add3A_1515 = arith.addi %get3A_1479, %add3A_1514 : vector<16xi32>
    tpu.vector_store_idx %arg11[%add3A_1512], %add3A_1515 : memref<8192xi32, #tpu.memory_space<vmem>>[vector<16xi32>], vector<16xi32>,
    %add3A_1516 = arith.constant 2950 : i32
    %add3A_1517 = vector.broadcast %add3A_1516 : i32 to vector<16xi32>
    %add3A_1518 = arith.addi %mul3A_327, %add3A_1517 : vector<16xi32>
    %add3A_1519 = arith.constant 600000 : i32
    %add3A_1520 = vector.broadcast %add3A_1519 : i32 to vector<16xi32>
    %add3A_1521 = arith.addi %get3A_1479, %add3A_1520 : vector<16xi32>
    tpu.vector_store_idx %arg11[%add3A_1518], %add3A_1521 : memref<8192xi32, #tpu.memory_space<vmem>>[vector<16xi32>], vector<16xi32>,
    %add3A_1522 = arith.constant 2951 : i32
    %add3A_1523 = vector.broadcast %add3A_1522 : i32 to vector<16xi32>
    %add3A_1524 = arith.addi %mul3A_327, %add3A_1523 : vector<16xi32>
    %add3A_1525 = arith.constant 700000 : i32
    %add3A_1526 = vector.broadcast %add3A_1525 : i32 to vector<16xi32>
    %add3A_1527 = arith.addi %get3A_1479, %add3A_1526 : vector<16xi32>
    tpu.vector_store_idx %arg11[%add3A_1524], %add3A_1527 : memref<8192xi32, #tpu.memory_space<vmem>>[vector<16xi32>], vector<16xi32>,
    %get3A_1528 = arith.constant 384 : index
    %get3A_1529 = tpu.vector_load %arg10[%get3A_1528] {strides = array<i32>} : memref<1024xi32, #tpu.memory_space<vmem>>, vector<16xi32>,
    %add3A_1530 = arith.constant 3072 : i32
    %add3A_1531 = vector.broadcast %add3A_1530 : i32 to vector<16xi32>
    %add3A_1532 = arith.addi %mul3A_327, %add3A_1531 : vector<16xi32>
    %add3A_1533 = arith.constant 0 : i32
    %add3A_1534 = vector.broadcast %add3A_1533 : i32 to vector<16xi32>
    %add3A_1535 = arith.addi %get3A_1529, %add3A_1534 : vector<16xi32>
    tpu.vector_store_idx %arg11[%add3A_1532], %add3A_1535 : memref<8192xi32, #tpu.memory_space<vmem>>[vector<16xi32>], vector<16xi32>,
    %add3A_1536 = arith.constant 3073 : i32
    %add3A_1537 = vector.broadcast %add3A_1536 : i32 to vector<16xi32>
    %add3A_1538 = arith.addi %mul3A_327, %add3A_1537 : vector<16xi32>
    %add3A_1539 = arith.constant 100000 : i32
    %add3A_1540 = vector.broadcast %add3A_1539 : i32 to vector<16xi32>
    %add3A_1541 = arith.addi %get3A_1529, %add3A_1540 : vector<16xi32>
    tpu.vector_store_idx %arg11[%add3A_1538], %add3A_1541 : memref<8192xi32, #tpu.memory_space<vmem>>[vector<16xi32>], vector<16xi32>,
    %add3A_1542 = arith.constant 3074 : i32
    %add3A_1543 = vector.broadcast %add3A_1542 : i32 to vector<16xi32>
    %add3A_1544 = arith.addi %mul3A_327, %add3A_1543 : vector<16xi32>
    %add3A_1545 = arith.constant 200000 : i32
    %add3A_1546 = vector.broadcast %add3A_1545 : i32 to vector<16xi32>
    %add3A_1547 = arith.addi %get3A_1529, %add3A_1546 : vector<16xi32>
    tpu.vector_store_idx %arg11[%add3A_1544], %add3A_1547 : memref<8192xi32, #tpu.memory_space<vmem>>[vector<16xi32>], vector<16xi32>,
    %add3A_1548 = arith.constant 3075 : i32
    %add3A_1549 = vector.broadcast %add3A_1548 : i32 to vector<16xi32>
    %add3A_1550 = arith.addi %mul3A_327, %add3A_1549 : vector<16xi32>
    %add3A_1551 = arith.constant 300000 : i32
    %add3A_1552 = vector.broadcast %add3A_1551 : i32 to vector<16xi32>
    %add3A_1553 = arith.addi %get3A_1529, %add3A_1552 : vector<16xi32>
    tpu.vector_store_idx %arg11[%add3A_1550], %add3A_1553 : memref<8192xi32, #tpu.memory_space<vmem>>[vector<16xi32>], vector<16xi32>,
    %add3A_1554 = arith.constant 3076 : i32
    %add3A_1555 = vector.broadcast %add3A_1554 : i32 to vector<16xi32>
    %add3A_1556 = arith.addi %mul3A_327, %add3A_1555 : vector<16xi32>
    %add3A_1557 = arith.constant 400000 : i32
    %add3A_1558 = vector.broadcast %add3A_1557 : i32 to vector<16xi32>
    %add3A_1559 = arith.addi %get3A_1529, %add3A_1558 : vector<16xi32>
    tpu.vector_store_idx %arg11[%add3A_1556], %add3A_1559 : memref<8192xi32, #tpu.memory_space<vmem>>[vector<16xi32>], vector<16xi32>,
    %add3A_1560 = arith.constant 3077 : i32
    %add3A_1561 = vector.broadcast %add3A_1560 : i32 to vector<16xi32>
    %add3A_1562 = arith.addi %mul3A_327, %add3A_1561 : vector<16xi32>
    %add3A_1563 = arith.constant 500000 : i32
    %add3A_1564 = vector.broadcast %add3A_1563 : i32 to vector<16xi32>
    %add3A_1565 = arith.addi %get3A_1529, %add3A_1564 : vector<16xi32>
    tpu.vector_store_idx %arg11[%add3A_1562], %add3A_1565 : memref<8192xi32, #tpu.memory_space<vmem>>[vector<16xi32>], vector<16xi32>,
    %add3A_1566 = arith.constant 3078 : i32
    %add3A_1567 = vector.broadcast %add3A_1566 : i32 to vector<16xi32>
    %add3A_1568 = arith.addi %mul3A_327, %add3A_1567 : vector<16xi32>
    %add3A_1569 = arith.constant 600000 : i32
    %add3A_1570 = vector.broadcast %add3A_1569 : i32 to vector<16xi32>
    %add3A_1571 = arith.addi %get3A_1529, %add3A_1570 : vector<16xi32>
    tpu.vector_store_idx %arg11[%add3A_1568], %add3A_1571 : memref<8192xi32, #tpu.memory_space<vmem>>[vector<16xi32>], vector<16xi32>,
    %add3A_1572 = arith.constant 3079 : i32
    %add3A_1573 = vector.broadcast %add3A_1572 : i32 to vector<16xi32>
    %add3A_1574 = arith.addi %mul3A_327, %add3A_1573 : vector<16xi32>
    %add3A_1575 = arith.constant 700000 : i32
    %add3A_1576 = vector.broadcast %add3A_1575 : i32 to vector<16xi32>
    %add3A_1577 = arith.addi %get3A_1529, %add3A_1576 : vector<16xi32>
    tpu.vector_store_idx %arg11[%add3A_1574], %add3A_1577 : memref<8192xi32, #tpu.memory_space<vmem>>[vector<16xi32>], vector<16xi32>,
    %get3A_1578 = arith.constant 400 : index
    %get3A_1579 = tpu.vector_load %arg10[%get3A_1578] {strides = array<i32>} : memref<1024xi32, #tpu.memory_space<vmem>>, vector<16xi32>,
    %add3A_1580 = arith.constant 3200 : i32
    %add3A_1581 = vector.broadcast %add3A_1580 : i32 to vector<16xi32>
    %add3A_1582 = arith.addi %mul3A_327, %add3A_1581 : vector<16xi32>
    %add3A_1583 = arith.constant 0 : i32
    %add3A_1584 = vector.broadcast %add3A_1583 : i32 to vector<16xi32>
    %add3A_1585 = arith.addi %get3A_1579, %add3A_1584 : vector<16xi32>
    tpu.vector_store_idx %arg11[%add3A_1582], %add3A_1585 : memref<8192xi32, #tpu.memory_space<vmem>>[vector<16xi32>], vector<16xi32>,
    %add3A_1586 = arith.constant 3201 : i32
    %add3A_1587 = vector.broadcast %add3A_1586 : i32 to vector<16xi32>
    %add3A_1588 = arith.addi %mul3A_327, %add3A_1587 : vector<16xi32>
    %add3A_1589 = arith.constant 100000 : i32
    %add3A_1590 = vector.broadcast %add3A_1589 : i32 to vector<16xi32>
    %add3A_1591 = arith.addi %get3A_1579, %add3A_1590 : vector<16xi32>
    tpu.vector_store_idx %arg11[%add3A_1588], %add3A_1591 : memref<8192xi32, #tpu.memory_space<vmem>>[vector<16xi32>], vector<16xi32>,
    %add3A_1592 = arith.constant 3202 : i32
    %add3A_1593 = vector.broadcast %add3A_1592 : i32 to vector<16xi32>
    %add3A_1594 = arith.addi %mul3A_327, %add3A_1593 : vector<16xi32>
    %add3A_1595 = arith.constant 200000 : i32
    %add3A_1596 = vector.broadcast %add3A_1595 : i32 to vector<16xi32>
    %add3A_1597 = arith.addi %get3A_1579, %add3A_1596 : vector<16xi32>
    tpu.vector_store_idx %arg11[%add3A_1594], %add3A_1597 : memref<8192xi32, #tpu.memory_space<vmem>>[vector<16xi32>], vector<16xi32>,
    %add3A_1598 = arith.constant 3203 : i32
    %add3A_1599 = vector.broadcast %add3A_1598 : i32 to vector<16xi32>
    %add3A_1600 = arith.addi %mul3A_327, %add3A_1599 : vector<16xi32>
    %add3A_1601 = arith.constant 300000 : i32
    %add3A_1602 = vector.broadcast %add3A_1601 : i32 to vector<16xi32>
    %add3A_1603 = arith.addi %get3A_1579, %add3A_1602 : vector<16xi32>
    tpu.vector_store_idx %arg11[%add3A_1600], %add3A_1603 : memref<8192xi32, #tpu.memory_space<vmem>>[vector<16xi32>], vector<16xi32>,
    %add3A_1604 = arith.constant 3204 : i32
    %add3A_1605 = vector.broadcast %add3A_1604 : i32 to vector<16xi32>
    %add3A_1606 = arith.addi %mul3A_327, %add3A_1605 : vector<16xi32>
    %add3A_1607 = arith.constant 400000 : i32
    %add3A_1608 = vector.broadcast %add3A_1607 : i32 to vector<16xi32>
    %add3A_1609 = arith.addi %get3A_1579, %add3A_1608 : vector<16xi32>
    tpu.vector_store_idx %arg11[%add3A_1606], %add3A_1609 : memref<8192xi32, #tpu.memory_space<vmem>>[vector<16xi32>], vector<16xi32>,
    %add3A_1610 = arith.constant 3205 : i32
    %add3A_1611 = vector.broadcast %add3A_1610 : i32 to vector<16xi32>
    %add3A_1612 = arith.addi %mul3A_327, %add3A_1611 : vector<16xi32>
    %add3A_1613 = arith.constant 500000 : i32
    %add3A_1614 = vector.broadcast %add3A_1613 : i32 to vector<16xi32>
    %add3A_1615 = arith.addi %get3A_1579, %add3A_1614 : vector<16xi32>
    tpu.vector_store_idx %arg11[%add3A_1612], %add3A_1615 : memref<8192xi32, #tpu.memory_space<vmem>>[vector<16xi32>], vector<16xi32>,
    %add3A_1616 = arith.constant 3206 : i32
    %add3A_1617 = vector.broadcast %add3A_1616 : i32 to vector<16xi32>
    %add3A_1618 = arith.addi %mul3A_327, %add3A_1617 : vector<16xi32>
    %add3A_1619 = arith.constant 600000 : i32
    %add3A_1620 = vector.broadcast %add3A_1619 : i32 to vector<16xi32>
    %add3A_1621 = arith.addi %get3A_1579, %add3A_1620 : vector<16xi32>
    tpu.vector_store_idx %arg11[%add3A_1618], %add3A_1621 : memref<8192xi32, #tpu.memory_space<vmem>>[vector<16xi32>], vector<16xi32>,
    %add3A_1622 = arith.constant 3207 : i32
    %add3A_1623 = vector.broadcast %add3A_1622 : i32 to vector<16xi32>
    %add3A_1624 = arith.addi %mul3A_327, %add3A_1623 : vector<16xi32>
    %add3A_1625 = arith.constant 700000 : i32
    %add3A_1626 = vector.broadcast %add3A_1625 : i32 to vector<16xi32>
    %add3A_1627 = arith.addi %get3A_1579, %add3A_1626 : vector<16xi32>
    tpu.vector_store_idx %arg11[%add3A_1624], %add3A_1627 : memref<8192xi32, #tpu.memory_space<vmem>>[vector<16xi32>], vector<16xi32>,
    %get3A_1628 = arith.constant 416 : index
    %get3A_1629 = tpu.vector_load %arg10[%get3A_1628] {strides = array<i32>} : memref<1024xi32, #tpu.memory_space<vmem>>, vector<16xi32>,
    %add3A_1630 = arith.constant 3328 : i32
    %add3A_1631 = vector.broadcast %add3A_1630 : i32 to vector<16xi32>
    %add3A_1632 = arith.addi %mul3A_327, %add3A_1631 : vector<16xi32>
    %add3A_1633 = arith.constant 0 : i32
    %add3A_1634 = vector.broadcast %add3A_1633 : i32 to vector<16xi32>
    %add3A_1635 = arith.addi %get3A_1629, %add3A_1634 : vector<16xi32>
    tpu.vector_store_idx %arg11[%add3A_1632], %add3A_1635 : memref<8192xi32, #tpu.memory_space<vmem>>[vector<16xi32>], vector<16xi32>,
    %add3A_1636 = arith.constant 3329 : i32
    %add3A_1637 = vector.broadcast %add3A_1636 : i32 to vector<16xi32>
    %add3A_1638 = arith.addi %mul3A_327, %add3A_1637 : vector<16xi32>
    %add3A_1639 = arith.constant 100000 : i32
    %add3A_1640 = vector.broadcast %add3A_1639 : i32 to vector<16xi32>
    %add3A_1641 = arith.addi %get3A_1629, %add3A_1640 : vector<16xi32>
    tpu.vector_store_idx %arg11[%add3A_1638], %add3A_1641 : memref<8192xi32, #tpu.memory_space<vmem>>[vector<16xi32>], vector<16xi32>,
    %add3A_1642 = arith.constant 3330 : i32
    %add3A_1643 = vector.broadcast %add3A_1642 : i32 to vector<16xi32>
    %add3A_1644 = arith.addi %mul3A_327, %add3A_1643 : vector<16xi32>
    %add3A_1645 = arith.constant 200000 : i32
    %add3A_1646 = vector.broadcast %add3A_1645 : i32 to vector<16xi32>
    %add3A_1647 = arith.addi %get3A_1629, %add3A_1646 : vector<16xi32>
    tpu.vector_store_idx %arg11[%add3A_1644], %add3A_1647 : memref<8192xi32, #tpu.memory_space<vmem>>[vector<16xi32>], vector<16xi32>,
    %add3A_1648 = arith.constant 3331 : i32
    %add3A_1649 = vector.broadcast %add3A_1648 : i32 to vector<16xi32>
    %add3A_1650 = arith.addi %mul3A_327, %add3A_1649 : vector<16xi32>
    %add3A_1651 = arith.constant 300000 : i32
    %add3A_1652 = vector.broadcast %add3A_1651 : i32 to vector<16xi32>
    %add3A_1653 = arith.addi %get3A_1629, %add3A_1652 : vector<16xi32>
    tpu.vector_store_idx %arg11[%add3A_1650], %add3A_1653 : memref<8192xi32, #tpu.memory_space<vmem>>[vector<16xi32>], vector<16xi32>,
    %add3A_1654 = arith.constant 3332 : i32
    %add3A_1655 = vector.broadcast %add3A_1654 : i32 to vector<16xi32>
    %add3A_1656 = arith.addi %mul3A_327, %add3A_1655 : vector<16xi32>
    %add3A_1657 = arith.constant 400000 : i32
    %add3A_1658 = vector.broadcast %add3A_1657 : i32 to vector<16xi32>
    %add3A_1659 = arith.addi %get3A_1629, %add3A_1658 : vector<16xi32>
    tpu.vector_store_idx %arg11[%add3A_1656], %add3A_1659 : memref<8192xi32, #tpu.memory_space<vmem>>[vector<16xi32>], vector<16xi32>,
    %add3A_1660 = arith.constant 3333 : i32
    %add3A_1661 = vector.broadcast %add3A_1660 : i32 to vector<16xi32>
    %add3A_1662 = arith.addi %mul3A_327, %add3A_1661 : vector<16xi32>
    %add3A_1663 = arith.constant 500000 : i32
    %add3A_1664 = vector.broadcast %add3A_1663 : i32 to vector<16xi32>
    %add3A_1665 = arith.addi %get3A_1629, %add3A_1664 : vector<16xi32>
    tpu.vector_store_idx %arg11[%add3A_1662], %add3A_1665 : memref<8192xi32, #tpu.memory_space<vmem>>[vector<16xi32>], vector<16xi32>,
    %add3A_1666 = arith.constant 3334 : i32
    %add3A_1667 = vector.broadcast %add3A_1666 : i32 to vector<16xi32>
    %add3A_1668 = arith.addi %mul3A_327, %add3A_1667 : vector<16xi32>
    %add3A_1669 = arith.constant 600000 : i32
    %add3A_1670 = vector.broadcast %add3A_1669 : i32 to vector<16xi32>
    %add3A_1671 = arith.addi %get3A_1629, %add3A_1670 : vector<16xi32>
    tpu.vector_store_idx %arg11[%add3A_1668], %add3A_1671 : memref<8192xi32, #tpu.memory_space<vmem>>[vector<16xi32>], vector<16xi32>,
    %add3A_1672 = arith.constant 3335 : i32
    %add3A_1673 = vector.broadcast %add3A_1672 : i32 to vector<16xi32>
    %add3A_1674 = arith.addi %mul3A_327, %add3A_1673 : vector<16xi32>
    %add3A_1675 = arith.constant 700000 : i32
    %add3A_1676 = vector.broadcast %add3A_1675 : i32 to vector<16xi32>
    %add3A_1677 = arith.addi %get3A_1629, %add3A_1676 : vector<16xi32>
    tpu.vector_store_idx %arg11[%add3A_1674], %add3A_1677 : memref<8192xi32, #tpu.memory_space<vmem>>[vector<16xi32>], vector<16xi32>,
    %get3A_1678 = arith.constant 432 : index
    %get3A_1679 = tpu.vector_load %arg10[%get3A_1678] {strides = array<i32>} : memref<1024xi32, #tpu.memory_space<vmem>>, vector<16xi32>,
    %add3A_1680 = arith.constant 3456 : i32
    %add3A_1681 = vector.broadcast %add3A_1680 : i32 to vector<16xi32>
    %add3A_1682 = arith.addi %mul3A_327, %add3A_1681 : vector<16xi32>
    %add3A_1683 = arith.constant 0 : i32
    %add3A_1684 = vector.broadcast %add3A_1683 : i32 to vector<16xi32>
    %add3A_1685 = arith.addi %get3A_1679, %add3A_1684 : vector<16xi32>
    tpu.vector_store_idx %arg11[%add3A_1682], %add3A_1685 : memref<8192xi32, #tpu.memory_space<vmem>>[vector<16xi32>], vector<16xi32>,
    %add3A_1686 = arith.constant 3457 : i32
    %add3A_1687 = vector.broadcast %add3A_1686 : i32 to vector<16xi32>
    %add3A_1688 = arith.addi %mul3A_327, %add3A_1687 : vector<16xi32>
    %add3A_1689 = arith.constant 100000 : i32
    %add3A_1690 = vector.broadcast %add3A_1689 : i32 to vector<16xi32>
    %add3A_1691 = arith.addi %get3A_1679, %add3A_1690 : vector<16xi32>
    tpu.vector_store_idx %arg11[%add3A_1688], %add3A_1691 : memref<8192xi32, #tpu.memory_space<vmem>>[vector<16xi32>], vector<16xi32>,
    %add3A_1692 = arith.constant 3458 : i32
    %add3A_1693 = vector.broadcast %add3A_1692 : i32 to vector<16xi32>
    %add3A_1694 = arith.addi %mul3A_327, %add3A_1693 : vector<16xi32>
    %add3A_1695 = arith.constant 200000 : i32
    %add3A_1696 = vector.broadcast %add3A_1695 : i32 to vector<16xi32>
    %add3A_1697 = arith.addi %get3A_1679, %add3A_1696 : vector<16xi32>
    tpu.vector_store_idx %arg11[%add3A_1694], %add3A_1697 : memref<8192xi32, #tpu.memory_space<vmem>>[vector<16xi32>], vector<16xi32>,
    %add3A_1698 = arith.constant 3459 : i32
    %add3A_1699 = vector.broadcast %add3A_1698 : i32 to vector<16xi32>
    %add3A_1700 = arith.addi %mul3A_327, %add3A_1699 : vector<16xi32>
    %add3A_1701 = arith.constant 300000 : i32
    %add3A_1702 = vector.broadcast %add3A_1701 : i32 to vector<16xi32>
    %add3A_1703 = arith.addi %get3A_1679, %add3A_1702 : vector<16xi32>
    tpu.vector_store_idx %arg11[%add3A_1700], %add3A_1703 : memref<8192xi32, #tpu.memory_space<vmem>>[vector<16xi32>], vector<16xi32>,
    %add3A_1704 = arith.constant 3460 : i32
    %add3A_1705 = vector.broadcast %add3A_1704 : i32 to vector<16xi32>
    %add3A_1706 = arith.addi %mul3A_327, %add3A_1705 : vector<16xi32>
    %add3A_1707 = arith.constant 400000 : i32
    %add3A_1708 = vector.broadcast %add3A_1707 : i32 to vector<16xi32>
    %add3A_1709 = arith.addi %get3A_1679, %add3A_1708 : vector<16xi32>
    tpu.vector_store_idx %arg11[%add3A_1706], %add3A_1709 : memref<8192xi32, #tpu.memory_space<vmem>>[vector<16xi32>], vector<16xi32>,
    %add3A_1710 = arith.constant 3461 : i32
    %add3A_1711 = vector.broadcast %add3A_1710 : i32 to vector<16xi32>
    %add3A_1712 = arith.addi %mul3A_327, %add3A_1711 : vector<16xi32>
    %add3A_1713 = arith.constant 500000 : i32
    %add3A_1714 = vector.broadcast %add3A_1713 : i32 to vector<16xi32>
    %add3A_1715 = arith.addi %get3A_1679, %add3A_1714 : vector<16xi32>
    tpu.vector_store_idx %arg11[%add3A_1712], %add3A_1715 : memref<8192xi32, #tpu.memory_space<vmem>>[vector<16xi32>], vector<16xi32>,
    %add3A_1716 = arith.constant 3462 : i32
    %add3A_1717 = vector.broadcast %add3A_1716 : i32 to vector<16xi32>
    %add3A_1718 = arith.addi %mul3A_327, %add3A_1717 : vector<16xi32>
    %add3A_1719 = arith.constant 600000 : i32
    %add3A_1720 = vector.broadcast %add3A_1719 : i32 to vector<16xi32>
    %add3A_1721 = arith.addi %get3A_1679, %add3A_1720 : vector<16xi32>
    tpu.vector_store_idx %arg11[%add3A_1718], %add3A_1721 : memref<8192xi32, #tpu.memory_space<vmem>>[vector<16xi32>], vector<16xi32>,
    %add3A_1722 = arith.constant 3463 : i32
    %add3A_1723 = vector.broadcast %add3A_1722 : i32 to vector<16xi32>
    %add3A_1724 = arith.addi %mul3A_327, %add3A_1723 : vector<16xi32>
    %add3A_1725 = arith.constant 700000 : i32
    %add3A_1726 = vector.broadcast %add3A_1725 : i32 to vector<16xi32>
    %add3A_1727 = arith.addi %get3A_1679, %add3A_1726 : vector<16xi32>
    tpu.vector_store_idx %arg11[%add3A_1724], %add3A_1727 : memref<8192xi32, #tpu.memory_space<vmem>>[vector<16xi32>], vector<16xi32>,
    %get3A_1728 = arith.constant 448 : index
    %get3A_1729 = tpu.vector_load %arg10[%get3A_1728] {strides = array<i32>} : memref<1024xi32, #tpu.memory_space<vmem>>, vector<16xi32>,
    %add3A_1730 = arith.constant 3584 : i32
    %add3A_1731 = vector.broadcast %add3A_1730 : i32 to vector<16xi32>
    %add3A_1732 = arith.addi %mul3A_327, %add3A_1731 : vector<16xi32>
    %add3A_1733 = arith.constant 0 : i32
    %add3A_1734 = vector.broadcast %add3A_1733 : i32 to vector<16xi32>
    %add3A_1735 = arith.addi %get3A_1729, %add3A_1734 : vector<16xi32>
    tpu.vector_store_idx %arg11[%add3A_1732], %add3A_1735 : memref<8192xi32, #tpu.memory_space<vmem>>[vector<16xi32>], vector<16xi32>,
    %add3A_1736 = arith.constant 3585 : i32
    %add3A_1737 = vector.broadcast %add3A_1736 : i32 to vector<16xi32>
    %add3A_1738 = arith.addi %mul3A_327, %add3A_1737 : vector<16xi32>
    %add3A_1739 = arith.constant 100000 : i32
    %add3A_1740 = vector.broadcast %add3A_1739 : i32 to vector<16xi32>
    %add3A_1741 = arith.addi %get3A_1729, %add3A_1740 : vector<16xi32>
    tpu.vector_store_idx %arg11[%add3A_1738], %add3A_1741 : memref<8192xi32, #tpu.memory_space<vmem>>[vector<16xi32>], vector<16xi32>,
    %add3A_1742 = arith.constant 3586 : i32
    %add3A_1743 = vector.broadcast %add3A_1742 : i32 to vector<16xi32>
    %add3A_1744 = arith.addi %mul3A_327, %add3A_1743 : vector<16xi32>
    %add3A_1745 = arith.constant 200000 : i32
    %add3A_1746 = vector.broadcast %add3A_1745 : i32 to vector<16xi32>
    %add3A_1747 = arith.addi %get3A_1729, %add3A_1746 : vector<16xi32>
    tpu.vector_store_idx %arg11[%add3A_1744], %add3A_1747 : memref<8192xi32, #tpu.memory_space<vmem>>[vector<16xi32>], vector<16xi32>,
    %add3A_1748 = arith.constant 3587 : i32
    %add3A_1749 = vector.broadcast %add3A_1748 : i32 to vector<16xi32>
    %add3A_1750 = arith.addi %mul3A_327, %add3A_1749 : vector<16xi32>
    %add3A_1751 = arith.constant 300000 : i32
    %add3A_1752 = vector.broadcast %add3A_1751 : i32 to vector<16xi32>
    %add3A_1753 = arith.addi %get3A_1729, %add3A_1752 : vector<16xi32>
    tpu.vector_store_idx %arg11[%add3A_1750], %add3A_1753 : memref<8192xi32, #tpu.memory_space<vmem>>[vector<16xi32>], vector<16xi32>,
    %add3A_1754 = arith.constant 3588 : i32
    %add3A_1755 = vector.broadcast %add3A_1754 : i32 to vector<16xi32>
    %add3A_1756 = arith.addi %mul3A_327, %add3A_1755 : vector<16xi32>
    %add3A_1757 = arith.constant 400000 : i32
    %add3A_1758 = vector.broadcast %add3A_1757 : i32 to vector<16xi32>
    %add3A_1759 = arith.addi %get3A_1729, %add3A_1758 : vector<16xi32>
    tpu.vector_store_idx %arg11[%add3A_1756], %add3A_1759 : memref<8192xi32, #tpu.memory_space<vmem>>[vector<16xi32>], vector<16xi32>,
    %add3A_1760 = arith.constant 3589 : i32
    %add3A_1761 = vector.broadcast %add3A_1760 : i32 to vector<16xi32>
    %add3A_1762 = arith.addi %mul3A_327, %add3A_1761 : vector<16xi32>
    %add3A_1763 = arith.constant 500000 : i32
    %add3A_1764 = vector.broadcast %add3A_1763 : i32 to vector<16xi32>
    %add3A_1765 = arith.addi %get3A_1729, %add3A_1764 : vector<16xi32>
    tpu.vector_store_idx %arg11[%add3A_1762], %add3A_1765 : memref<8192xi32, #tpu.memory_space<vmem>>[vector<16xi32>], vector<16xi32>,
    %add3A_1766 = arith.constant 3590 : i32
    %add3A_1767 = vector.broadcast %add3A_1766 : i32 to vector<16xi32>
    %add3A_1768 = arith.addi %mul3A_327, %add3A_1767 : vector<16xi32>
    %add3A_1769 = arith.constant 600000 : i32
    %add3A_1770 = vector.broadcast %add3A_1769 : i32 to vector<16xi32>
    %add3A_1771 = arith.addi %get3A_1729, %add3A_1770 : vector<16xi32>
    tpu.vector_store_idx %arg11[%add3A_1768], %add3A_1771 : memref<8192xi32, #tpu.memory_space<vmem>>[vector<16xi32>], vector<16xi32>,
    %add3A_1772 = arith.constant 3591 : i32
    %add3A_1773 = vector.broadcast %add3A_1772 : i32 to vector<16xi32>
    %add3A_1774 = arith.addi %mul3A_327, %add3A_1773 : vector<16xi32>
    %add3A_1775 = arith.constant 700000 : i32
    %add3A_1776 = vector.broadcast %add3A_1775 : i32 to vector<16xi32>
    %add3A_1777 = arith.addi %get3A_1729, %add3A_1776 : vector<16xi32>
    tpu.vector_store_idx %arg11[%add3A_1774], %add3A_1777 : memref<8192xi32, #tpu.memory_space<vmem>>[vector<16xi32>], vector<16xi32>,
    %get3A_1778 = arith.constant 464 : index
    %get3A_1779 = tpu.vector_load %arg10[%get3A_1778] {strides = array<i32>} : memref<1024xi32, #tpu.memory_space<vmem>>, vector<16xi32>,
    %add3A_1780 = arith.constant 3712 : i32
    %add3A_1781 = vector.broadcast %add3A_1780 : i32 to vector<16xi32>
    %add3A_1782 = arith.addi %mul3A_327, %add3A_1781 : vector<16xi32>
    %add3A_1783 = arith.constant 0 : i32
    %add3A_1784 = vector.broadcast %add3A_1783 : i32 to vector<16xi32>
    %add3A_1785 = arith.addi %get3A_1779, %add3A_1784 : vector<16xi32>
    tpu.vector_store_idx %arg11[%add3A_1782], %add3A_1785 : memref<8192xi32, #tpu.memory_space<vmem>>[vector<16xi32>], vector<16xi32>,
    %add3A_1786 = arith.constant 3713 : i32
    %add3A_1787 = vector.broadcast %add3A_1786 : i32 to vector<16xi32>
    %add3A_1788 = arith.addi %mul3A_327, %add3A_1787 : vector<16xi32>
    %add3A_1789 = arith.constant 100000 : i32
    %add3A_1790 = vector.broadcast %add3A_1789 : i32 to vector<16xi32>
    %add3A_1791 = arith.addi %get3A_1779, %add3A_1790 : vector<16xi32>
    tpu.vector_store_idx %arg11[%add3A_1788], %add3A_1791 : memref<8192xi32, #tpu.memory_space<vmem>>[vector<16xi32>], vector<16xi32>,
    %add3A_1792 = arith.constant 3714 : i32
    %add3A_1793 = vector.broadcast %add3A_1792 : i32 to vector<16xi32>
    %add3A_1794 = arith.addi %mul3A_327, %add3A_1793 : vector<16xi32>
    %add3A_1795 = arith.constant 200000 : i32
    %add3A_1796 = vector.broadcast %add3A_1795 : i32 to vector<16xi32>
    %add3A_1797 = arith.addi %get3A_1779, %add3A_1796 : vector<16xi32>
    tpu.vector_store_idx %arg11[%add3A_1794], %add3A_1797 : memref<8192xi32, #tpu.memory_space<vmem>>[vector<16xi32>], vector<16xi32>,
    %add3A_1798 = arith.constant 3715 : i32
    %add3A_1799 = vector.broadcast %add3A_1798 : i32 to vector<16xi32>
    %add3A_1800 = arith.addi %mul3A_327, %add3A_1799 : vector<16xi32>
    %add3A_1801 = arith.constant 300000 : i32
    %add3A_1802 = vector.broadcast %add3A_1801 : i32 to vector<16xi32>
    %add3A_1803 = arith.addi %get3A_1779, %add3A_1802 : vector<16xi32>
    tpu.vector_store_idx %arg11[%add3A_1800], %add3A_1803 : memref<8192xi32, #tpu.memory_space<vmem>>[vector<16xi32>], vector<16xi32>,
    %add3A_1804 = arith.constant 3716 : i32
    %add3A_1805 = vector.broadcast %add3A_1804 : i32 to vector<16xi32>
    %add3A_1806 = arith.addi %mul3A_327, %add3A_1805 : vector<16xi32>
    %add3A_1807 = arith.constant 400000 : i32
    %add3A_1808 = vector.broadcast %add3A_1807 : i32 to vector<16xi32>
    %add3A_1809 = arith.addi %get3A_1779, %add3A_1808 : vector<16xi32>
    tpu.vector_store_idx %arg11[%add3A_1806], %add3A_1809 : memref<8192xi32, #tpu.memory_space<vmem>>[vector<16xi32>], vector<16xi32>,
    %add3A_1810 = arith.constant 3717 : i32
    %add3A_1811 = vector.broadcast %add3A_1810 : i32 to vector<16xi32>
    %add3A_1812 = arith.addi %mul3A_327, %add3A_1811 : vector<16xi32>
    %add3A_1813 = arith.constant 500000 : i32
    %add3A_1814 = vector.broadcast %add3A_1813 : i32 to vector<16xi32>
    %add3A_1815 = arith.addi %get3A_1779, %add3A_1814 : vector<16xi32>
    tpu.vector_store_idx %arg11[%add3A_1812], %add3A_1815 : memref<8192xi32, #tpu.memory_space<vmem>>[vector<16xi32>], vector<16xi32>,
    %add3A_1816 = arith.constant 3718 : i32
    %add3A_1817 = vector.broadcast %add3A_1816 : i32 to vector<16xi32>
    %add3A_1818 = arith.addi %mul3A_327, %add3A_1817 : vector<16xi32>
    %add3A_1819 = arith.constant 600000 : i32
    %add3A_1820 = vector.broadcast %add3A_1819 : i32 to vector<16xi32>
    %add3A_1821 = arith.addi %get3A_1779, %add3A_1820 : vector<16xi32>
    tpu.vector_store_idx %arg11[%add3A_1818], %add3A_1821 : memref<8192xi32, #tpu.memory_space<vmem>>[vector<16xi32>], vector<16xi32>,
    %add3A_1822 = arith.constant 3719 : i32
    %add3A_1823 = vector.broadcast %add3A_1822 : i32 to vector<16xi32>
    %add3A_1824 = arith.addi %mul3A_327, %add3A_1823 : vector<16xi32>
    %add3A_1825 = arith.constant 700000 : i32
    %add3A_1826 = vector.broadcast %add3A_1825 : i32 to vector<16xi32>
    %add3A_1827 = arith.addi %get3A_1779, %add3A_1826 : vector<16xi32>
    tpu.vector_store_idx %arg11[%add3A_1824], %add3A_1827 : memref<8192xi32, #tpu.memory_space<vmem>>[vector<16xi32>], vector<16xi32>,
    %get3A_1828 = arith.constant 480 : index
    %get3A_1829 = tpu.vector_load %arg10[%get3A_1828] {strides = array<i32>} : memref<1024xi32, #tpu.memory_space<vmem>>, vector<16xi32>,
    %add3A_1830 = arith.constant 3840 : i32
    %add3A_1831 = vector.broadcast %add3A_1830 : i32 to vector<16xi32>
    %add3A_1832 = arith.addi %mul3A_327, %add3A_1831 : vector<16xi32>
    %add3A_1833 = arith.constant 0 : i32
    %add3A_1834 = vector.broadcast %add3A_1833 : i32 to vector<16xi32>
    %add3A_1835 = arith.addi %get3A_1829, %add3A_1834 : vector<16xi32>
    tpu.vector_store_idx %arg11[%add3A_1832], %add3A_1835 : memref<8192xi32, #tpu.memory_space<vmem>>[vector<16xi32>], vector<16xi32>,
    %add3A_1836 = arith.constant 3841 : i32
    %add3A_1837 = vector.broadcast %add3A_1836 : i32 to vector<16xi32>
    %add3A_1838 = arith.addi %mul3A_327, %add3A_1837 : vector<16xi32>
    %add3A_1839 = arith.constant 100000 : i32
    %add3A_1840 = vector.broadcast %add3A_1839 : i32 to vector<16xi32>
    %add3A_1841 = arith.addi %get3A_1829, %add3A_1840 : vector<16xi32>
    tpu.vector_store_idx %arg11[%add3A_1838], %add3A_1841 : memref<8192xi32, #tpu.memory_space<vmem>>[vector<16xi32>], vector<16xi32>,
    %add3A_1842 = arith.constant 3842 : i32
    %add3A_1843 = vector.broadcast %add3A_1842 : i32 to vector<16xi32>
    %add3A_1844 = arith.addi %mul3A_327, %add3A_1843 : vector<16xi32>
    %add3A_1845 = arith.constant 200000 : i32
    %add3A_1846 = vector.broadcast %add3A_1845 : i32 to vector<16xi32>
    %add3A_1847 = arith.addi %get3A_1829, %add3A_1846 : vector<16xi32>
    tpu.vector_store_idx %arg11[%add3A_1844], %add3A_1847 : memref<8192xi32, #tpu.memory_space<vmem>>[vector<16xi32>], vector<16xi32>,
    %add3A_1848 = arith.constant 3843 : i32
    %add3A_1849 = vector.broadcast %add3A_1848 : i32 to vector<16xi32>
    %add3A_1850 = arith.addi %mul3A_327, %add3A_1849 : vector<16xi32>
    %add3A_1851 = arith.constant 300000 : i32
    %add3A_1852 = vector.broadcast %add3A_1851 : i32 to vector<16xi32>
    %add3A_1853 = arith.addi %get3A_1829, %add3A_1852 : vector<16xi32>
    tpu.vector_store_idx %arg11[%add3A_1850], %add3A_1853 : memref<8192xi32, #tpu.memory_space<vmem>>[vector<16xi32>], vector<16xi32>,
    %add3A_1854 = arith.constant 3844 : i32
    %add3A_1855 = vector.broadcast %add3A_1854 : i32 to vector<16xi32>
    %add3A_1856 = arith.addi %mul3A_327, %add3A_1855 : vector<16xi32>
    %add3A_1857 = arith.constant 400000 : i32
    %add3A_1858 = vector.broadcast %add3A_1857 : i32 to vector<16xi32>
    %add3A_1859 = arith.addi %get3A_1829, %add3A_1858 : vector<16xi32>
    tpu.vector_store_idx %arg11[%add3A_1856], %add3A_1859 : memref<8192xi32, #tpu.memory_space<vmem>>[vector<16xi32>], vector<16xi32>,
    %add3A_1860 = arith.constant 3845 : i32
    %add3A_1861 = vector.broadcast %add3A_1860 : i32 to vector<16xi32>
    %add3A_1862 = arith.addi %mul3A_327, %add3A_1861 : vector<16xi32>
    %add3A_1863 = arith.constant 500000 : i32
    %add3A_1864 = vector.broadcast %add3A_1863 : i32 to vector<16xi32>
    %add3A_1865 = arith.addi %get3A_1829, %add3A_1864 : vector<16xi32>
    tpu.vector_store_idx %arg11[%add3A_1862], %add3A_1865 : memref<8192xi32, #tpu.memory_space<vmem>>[vector<16xi32>], vector<16xi32>,
    %add3A_1866 = arith.constant 3846 : i32
    %add3A_1867 = vector.broadcast %add3A_1866 : i32 to vector<16xi32>
    %add3A_1868 = arith.addi %mul3A_327, %add3A_1867 : vector<16xi32>
    %add3A_1869 = arith.constant 600000 : i32
    %add3A_1870 = vector.broadcast %add3A_1869 : i32 to vector<16xi32>
    %add3A_1871 = arith.addi %get3A_1829, %add3A_1870 : vector<16xi32>
    tpu.vector_store_idx %arg11[%add3A_1868], %add3A_1871 : memref<8192xi32, #tpu.memory_space<vmem>>[vector<16xi32>], vector<16xi32>,
    %add3A_1872 = arith.constant 3847 : i32
    %add3A_1873 = vector.broadcast %add3A_1872 : i32 to vector<16xi32>
    %add3A_1874 = arith.addi %mul3A_327, %add3A_1873 : vector<16xi32>
    %add3A_1875 = arith.constant 700000 : i32
    %add3A_1876 = vector.broadcast %add3A_1875 : i32 to vector<16xi32>
    %add3A_1877 = arith.addi %get3A_1829, %add3A_1876 : vector<16xi32>
    tpu.vector_store_idx %arg11[%add3A_1874], %add3A_1877 : memref<8192xi32, #tpu.memory_space<vmem>>[vector<16xi32>], vector<16xi32>,
    %get3A_1878 = arith.constant 496 : index
    %get3A_1879 = tpu.vector_load %arg10[%get3A_1878] {strides = array<i32>} : memref<1024xi32, #tpu.memory_space<vmem>>, vector<16xi32>,
    %add3A_1880 = arith.constant 3968 : i32
    %add3A_1881 = vector.broadcast %add3A_1880 : i32 to vector<16xi32>
    %add3A_1882 = arith.addi %mul3A_327, %add3A_1881 : vector<16xi32>
    %add3A_1883 = arith.constant 0 : i32
    %add3A_1884 = vector.broadcast %add3A_1883 : i32 to vector<16xi32>
    %add3A_1885 = arith.addi %get3A_1879, %add3A_1884 : vector<16xi32>
    tpu.vector_store_idx %arg11[%add3A_1882], %add3A_1885 : memref<8192xi32, #tpu.memory_space<vmem>>[vector<16xi32>], vector<16xi32>,
    %add3A_1886 = arith.constant 3969 : i32
    %add3A_1887 = vector.broadcast %add3A_1886 : i32 to vector<16xi32>
    %add3A_1888 = arith.addi %mul3A_327, %add3A_1887 : vector<16xi32>
    %add3A_1889 = arith.constant 100000 : i32
    %add3A_1890 = vector.broadcast %add3A_1889 : i32 to vector<16xi32>
    %add3A_1891 = arith.addi %get3A_1879, %add3A_1890 : vector<16xi32>
    tpu.vector_store_idx %arg11[%add3A_1888], %add3A_1891 : memref<8192xi32, #tpu.memory_space<vmem>>[vector<16xi32>], vector<16xi32>,
    %add3A_1892 = arith.constant 3970 : i32
    %add3A_1893 = vector.broadcast %add3A_1892 : i32 to vector<16xi32>
    %add3A_1894 = arith.addi %mul3A_327, %add3A_1893 : vector<16xi32>
    %add3A_1895 = arith.constant 200000 : i32
    %add3A_1896 = vector.broadcast %add3A_1895 : i32 to vector<16xi32>
    %add3A_1897 = arith.addi %get3A_1879, %add3A_1896 : vector<16xi32>
    tpu.vector_store_idx %arg11[%add3A_1894], %add3A_1897 : memref<8192xi32, #tpu.memory_space<vmem>>[vector<16xi32>], vector<16xi32>,
    %add3A_1898 = arith.constant 3971 : i32
    %add3A_1899 = vector.broadcast %add3A_1898 : i32 to vector<16xi32>
    %add3A_1900 = arith.addi %mul3A_327, %add3A_1899 : vector<16xi32>
    %add3A_1901 = arith.constant 300000 : i32
    %add3A_1902 = vector.broadcast %add3A_1901 : i32 to vector<16xi32>
    %add3A_1903 = arith.addi %get3A_1879, %add3A_1902 : vector<16xi32>
    tpu.vector_store_idx %arg11[%add3A_1900], %add3A_1903 : memref<8192xi32, #tpu.memory_space<vmem>>[vector<16xi32>], vector<16xi32>,
    %add3A_1904 = arith.constant 3972 : i32
    %add3A_1905 = vector.broadcast %add3A_1904 : i32 to vector<16xi32>
    %add3A_1906 = arith.addi %mul3A_327, %add3A_1905 : vector<16xi32>
    %add3A_1907 = arith.constant 400000 : i32
    %add3A_1908 = vector.broadcast %add3A_1907 : i32 to vector<16xi32>
    %add3A_1909 = arith.addi %get3A_1879, %add3A_1908 : vector<16xi32>
    tpu.vector_store_idx %arg11[%add3A_1906], %add3A_1909 : memref<8192xi32, #tpu.memory_space<vmem>>[vector<16xi32>], vector<16xi32>,
    %add3A_1910 = arith.constant 3973 : i32
    %add3A_1911 = vector.broadcast %add3A_1910 : i32 to vector<16xi32>
    %add3A_1912 = arith.addi %mul3A_327, %add3A_1911 : vector<16xi32>
    %add3A_1913 = arith.constant 500000 : i32
    %add3A_1914 = vector.broadcast %add3A_1913 : i32 to vector<16xi32>
    %add3A_1915 = arith.addi %get3A_1879, %add3A_1914 : vector<16xi32>
    tpu.vector_store_idx %arg11[%add3A_1912], %add3A_1915 : memref<8192xi32, #tpu.memory_space<vmem>>[vector<16xi32>], vector<16xi32>,
    %add3A_1916 = arith.constant 3974 : i32
    %add3A_1917 = vector.broadcast %add3A_1916 : i32 to vector<16xi32>
    %add3A_1918 = arith.addi %mul3A_327, %add3A_1917 : vector<16xi32>
    %add3A_1919 = arith.constant 600000 : i32
    %add3A_1920 = vector.broadcast %add3A_1919 : i32 to vector<16xi32>
    %add3A_1921 = arith.addi %get3A_1879, %add3A_1920 : vector<16xi32>
    tpu.vector_store_idx %arg11[%add3A_1918], %add3A_1921 : memref<8192xi32, #tpu.memory_space<vmem>>[vector<16xi32>], vector<16xi32>,
    %add3A_1922 = arith.constant 3975 : i32
    %add3A_1923 = vector.broadcast %add3A_1922 : i32 to vector<16xi32>
    %add3A_1924 = arith.addi %mul3A_327, %add3A_1923 : vector<16xi32>
    %add3A_1925 = arith.constant 700000 : i32
    %add3A_1926 = vector.broadcast %add3A_1925 : i32 to vector<16xi32>
    %add3A_1927 = arith.addi %get3A_1879, %add3A_1926 : vector<16xi32>
    tpu.vector_store_idx %arg11[%add3A_1924], %add3A_1927 : memref<8192xi32, #tpu.memory_space<vmem>>[vector<16xi32>], vector<16xi32>,
    %get3A_1928 = arith.constant 512 : index
    %get3A_1929 = tpu.vector_load %arg10[%get3A_1928] {strides = array<i32>} : memref<1024xi32, #tpu.memory_space<vmem>>, vector<16xi32>,
    %add3A_1930 = arith.constant 4096 : i32
    %add3A_1931 = vector.broadcast %add3A_1930 : i32 to vector<16xi32>
    %add3A_1932 = arith.addi %mul3A_327, %add3A_1931 : vector<16xi32>
    %add3A_1933 = arith.constant 0 : i32
    %add3A_1934 = vector.broadcast %add3A_1933 : i32 to vector<16xi32>
    %add3A_1935 = arith.addi %get3A_1929, %add3A_1934 : vector<16xi32>
    tpu.vector_store_idx %arg11[%add3A_1932], %add3A_1935 : memref<8192xi32, #tpu.memory_space<vmem>>[vector<16xi32>], vector<16xi32>,
    %add3A_1936 = arith.constant 4097 : i32
    %add3A_1937 = vector.broadcast %add3A_1936 : i32 to vector<16xi32>
    %add3A_1938 = arith.addi %mul3A_327, %add3A_1937 : vector<16xi32>
    %add3A_1939 = arith.constant 100000 : i32
    %add3A_1940 = vector.broadcast %add3A_1939 : i32 to vector<16xi32>
    %add3A_1941 = arith.addi %get3A_1929, %add3A_1940 : vector<16xi32>
    tpu.vector_store_idx %arg11[%add3A_1938], %add3A_1941 : memref<8192xi32, #tpu.memory_space<vmem>>[vector<16xi32>], vector<16xi32>,
    %add3A_1942 = arith.constant 4098 : i32
    %add3A_1943 = vector.broadcast %add3A_1942 : i32 to vector<16xi32>
    %add3A_1944 = arith.addi %mul3A_327, %add3A_1943 : vector<16xi32>
    %add3A_1945 = arith.constant 200000 : i32
    %add3A_1946 = vector.broadcast %add3A_1945 : i32 to vector<16xi32>
    %add3A_1947 = arith.addi %get3A_1929, %add3A_1946 : vector<16xi32>
    tpu.vector_store_idx %arg11[%add3A_1944], %add3A_1947 : memref<8192xi32, #tpu.memory_space<vmem>>[vector<16xi32>], vector<16xi32>,
    %add3A_1948 = arith.constant 4099 : i32
    %add3A_1949 = vector.broadcast %add3A_1948 : i32 to vector<16xi32>
    %add3A_1950 = arith.addi %mul3A_327, %add3A_1949 : vector<16xi32>
    %add3A_1951 = arith.constant 300000 : i32
    %add3A_1952 = vector.broadcast %add3A_1951 : i32 to vector<16xi32>
    %add3A_1953 = arith.addi %get3A_1929, %add3A_1952 : vector<16xi32>
    tpu.vector_store_idx %arg11[%add3A_1950], %add3A_1953 : memref<8192xi32, #tpu.memory_space<vmem>>[vector<16xi32>], vector<16xi32>,
    %add3A_1954 = arith.constant 4100 : i32
    %add3A_1955 = vector.broadcast %add3A_1954 : i32 to vector<16xi32>
    %add3A_1956 = arith.addi %mul3A_327, %add3A_1955 : vector<16xi32>
    %add3A_1957 = arith.constant 400000 : i32
    %add3A_1958 = vector.broadcast %add3A_1957 : i32 to vector<16xi32>
    %add3A_1959 = arith.addi %get3A_1929, %add3A_1958 : vector<16xi32>
    tpu.vector_store_idx %arg11[%add3A_1956], %add3A_1959 : memref<8192xi32, #tpu.memory_space<vmem>>[vector<16xi32>], vector<16xi32>,
    %add3A_1960 = arith.constant 4101 : i32
    %add3A_1961 = vector.broadcast %add3A_1960 : i32 to vector<16xi32>
    %add3A_1962 = arith.addi %mul3A_327, %add3A_1961 : vector<16xi32>
    %add3A_1963 = arith.constant 500000 : i32
    %add3A_1964 = vector.broadcast %add3A_1963 : i32 to vector<16xi32>
    %add3A_1965 = arith.addi %get3A_1929, %add3A_1964 : vector<16xi32>
    tpu.vector_store_idx %arg11[%add3A_1962], %add3A_1965 : memref<8192xi32, #tpu.memory_space<vmem>>[vector<16xi32>], vector<16xi32>,
    %add3A_1966 = arith.constant 4102 : i32
    %add3A_1967 = vector.broadcast %add3A_1966 : i32 to vector<16xi32>
    %add3A_1968 = arith.addi %mul3A_327, %add3A_1967 : vector<16xi32>
    %add3A_1969 = arith.constant 600000 : i32
    %add3A_1970 = vector.broadcast %add3A_1969 : i32 to vector<16xi32>
    %add3A_1971 = arith.addi %get3A_1929, %add3A_1970 : vector<16xi32>
    tpu.vector_store_idx %arg11[%add3A_1968], %add3A_1971 : memref<8192xi32, #tpu.memory_space<vmem>>[vector<16xi32>], vector<16xi32>,
    %add3A_1972 = arith.constant 4103 : i32
    %add3A_1973 = vector.broadcast %add3A_1972 : i32 to vector<16xi32>
    %add3A_1974 = arith.addi %mul3A_327, %add3A_1973 : vector<16xi32>
    %add3A_1975 = arith.constant 700000 : i32
    %add3A_1976 = vector.broadcast %add3A_1975 : i32 to vector<16xi32>
    %add3A_1977 = arith.addi %get3A_1929, %add3A_1976 : vector<16xi32>
    tpu.vector_store_idx %arg11[%add3A_1974], %add3A_1977 : memref<8192xi32, #tpu.memory_space<vmem>>[vector<16xi32>], vector<16xi32>,
    %get3A_1978 = arith.constant 528 : index
    %get3A_1979 = tpu.vector_load %arg10[%get3A_1978] {strides = array<i32>} : memref<1024xi32, #tpu.memory_space<vmem>>, vector<16xi32>,
    %add3A_1980 = arith.constant 4224 : i32
    %add3A_1981 = vector.broadcast %add3A_1980 : i32 to vector<16xi32>
    %add3A_1982 = arith.addi %mul3A_327, %add3A_1981 : vector<16xi32>
    %add3A_1983 = arith.constant 0 : i32
    %add3A_1984 = vector.broadcast %add3A_1983 : i32 to vector<16xi32>
    %add3A_1985 = arith.addi %get3A_1979, %add3A_1984 : vector<16xi32>
    tpu.vector_store_idx %arg11[%add3A_1982], %add3A_1985 : memref<8192xi32, #tpu.memory_space<vmem>>[vector<16xi32>], vector<16xi32>,
    %add3A_1986 = arith.constant 4225 : i32
    %add3A_1987 = vector.broadcast %add3A_1986 : i32 to vector<16xi32>
    %add3A_1988 = arith.addi %mul3A_327, %add3A_1987 : vector<16xi32>
    %add3A_1989 = arith.constant 100000 : i32
    %add3A_1990 = vector.broadcast %add3A_1989 : i32 to vector<16xi32>
    %add3A_1991 = arith.addi %get3A_1979, %add3A_1990 : vector<16xi32>
    tpu.vector_store_idx %arg11[%add3A_1988], %add3A_1991 : memref<8192xi32, #tpu.memory_space<vmem>>[vector<16xi32>], vector<16xi32>,
    %add3A_1992 = arith.constant 4226 : i32
    %add3A_1993 = vector.broadcast %add3A_1992 : i32 to vector<16xi32>
    %add3A_1994 = arith.addi %mul3A_327, %add3A_1993 : vector<16xi32>
    %add3A_1995 = arith.constant 200000 : i32
    %add3A_1996 = vector.broadcast %add3A_1995 : i32 to vector<16xi32>
    %add3A_1997 = arith.addi %get3A_1979, %add3A_1996 : vector<16xi32>
    tpu.vector_store_idx %arg11[%add3A_1994], %add3A_1997 : memref<8192xi32, #tpu.memory_space<vmem>>[vector<16xi32>], vector<16xi32>,
    %add3A_1998 = arith.constant 4227 : i32
    %add3A_1999 = vector.broadcast %add3A_1998 : i32 to vector<16xi32>
    %add3A_2000 = arith.addi %mul3A_327, %add3A_1999 : vector<16xi32>
    %add3A_2001 = arith.constant 300000 : i32
    %add3A_2002 = vector.broadcast %add3A_2001 : i32 to vector<16xi32>
    %add3A_2003 = arith.addi %get3A_1979, %add3A_2002 : vector<16xi32>
    tpu.vector_store_idx %arg11[%add3A_2000], %add3A_2003 : memref<8192xi32, #tpu.memory_space<vmem>>[vector<16xi32>], vector<16xi32>,
    %add3A_2004 = arith.constant 4228 : i32
    %add3A_2005 = vector.broadcast %add3A_2004 : i32 to vector<16xi32>
    %add3A_2006 = arith.addi %mul3A_327, %add3A_2005 : vector<16xi32>
    %add3A_2007 = arith.constant 400000 : i32
    %add3A_2008 = vector.broadcast %add3A_2007 : i32 to vector<16xi32>
    %add3A_2009 = arith.addi %get3A_1979, %add3A_2008 : vector<16xi32>
    tpu.vector_store_idx %arg11[%add3A_2006], %add3A_2009 : memref<8192xi32, #tpu.memory_space<vmem>>[vector<16xi32>], vector<16xi32>,
    %add3A_2010 = arith.constant 4229 : i32
    %add3A_2011 = vector.broadcast %add3A_2010 : i32 to vector<16xi32>
    %add3A_2012 = arith.addi %mul3A_327, %add3A_2011 : vector<16xi32>
    %add3A_2013 = arith.constant 500000 : i32
    %add3A_2014 = vector.broadcast %add3A_2013 : i32 to vector<16xi32>
    %add3A_2015 = arith.addi %get3A_1979, %add3A_2014 : vector<16xi32>
    tpu.vector_store_idx %arg11[%add3A_2012], %add3A_2015 : memref<8192xi32, #tpu.memory_space<vmem>>[vector<16xi32>], vector<16xi32>,
    %add3A_2016 = arith.constant 4230 : i32
    %add3A_2017 = vector.broadcast %add3A_2016 : i32 to vector<16xi32>
    %add3A_2018 = arith.addi %mul3A_327, %add3A_2017 : vector<16xi32>
    %add3A_2019 = arith.constant 600000 : i32
    %add3A_2020 = vector.broadcast %add3A_2019 : i32 to vector<16xi32>
    %add3A_2021 = arith.addi %get3A_1979, %add3A_2020 : vector<16xi32>
    tpu.vector_store_idx %arg11[%add3A_2018], %add3A_2021 : memref<8192xi32, #tpu.memory_space<vmem>>[vector<16xi32>], vector<16xi32>,
    %add3A_2022 = arith.constant 4231 : i32
    %add3A_2023 = vector.broadcast %add3A_2022 : i32 to vector<16xi32>
    %add3A_2024 = arith.addi %mul3A_327, %add3A_2023 : vector<16xi32>
    %add3A_2025 = arith.constant 700000 : i32
    %add3A_2026 = vector.broadcast %add3A_2025 : i32 to vector<16xi32>
    %add3A_2027 = arith.addi %get3A_1979, %add3A_2026 : vector<16xi32>
    tpu.vector_store_idx %arg11[%add3A_2024], %add3A_2027 : memref<8192xi32, #tpu.memory_space<vmem>>[vector<16xi32>], vector<16xi32>,
    %get3A_2028 = arith.constant 544 : index
    %get3A_2029 = tpu.vector_load %arg10[%get3A_2028] {strides = array<i32>} : memref<1024xi32, #tpu.memory_space<vmem>>, vector<16xi32>,
    %add3A_2030 = arith.constant 4352 : i32
    %add3A_2031 = vector.broadcast %add3A_2030 : i32 to vector<16xi32>
    %add3A_2032 = arith.addi %mul3A_327, %add3A_2031 : vector<16xi32>
    %add3A_2033 = arith.constant 0 : i32
    %add3A_2034 = vector.broadcast %add3A_2033 : i32 to vector<16xi32>
    %add3A_2035 = arith.addi %get3A_2029, %add3A_2034 : vector<16xi32>
    tpu.vector_store_idx %arg11[%add3A_2032], %add3A_2035 : memref<8192xi32, #tpu.memory_space<vmem>>[vector<16xi32>], vector<16xi32>,
    %add3A_2036 = arith.constant 4353 : i32
    %add3A_2037 = vector.broadcast %add3A_2036 : i32 to vector<16xi32>
    %add3A_2038 = arith.addi %mul3A_327, %add3A_2037 : vector<16xi32>
    %add3A_2039 = arith.constant 100000 : i32
    %add3A_2040 = vector.broadcast %add3A_2039 : i32 to vector<16xi32>
    %add3A_2041 = arith.addi %get3A_2029, %add3A_2040 : vector<16xi32>
    tpu.vector_store_idx %arg11[%add3A_2038], %add3A_2041 : memref<8192xi32, #tpu.memory_space<vmem>>[vector<16xi32>], vector<16xi32>,
    %add3A_2042 = arith.constant 4354 : i32
    %add3A_2043 = vector.broadcast %add3A_2042 : i32 to vector<16xi32>
    %add3A_2044 = arith.addi %mul3A_327, %add3A_2043 : vector<16xi32>
    %add3A_2045 = arith.constant 200000 : i32
    %add3A_2046 = vector.broadcast %add3A_2045 : i32 to vector<16xi32>
    %add3A_2047 = arith.addi %get3A_2029, %add3A_2046 : vector<16xi32>
    tpu.vector_store_idx %arg11[%add3A_2044], %add3A_2047 : memref<8192xi32, #tpu.memory_space<vmem>>[vector<16xi32>], vector<16xi32>,
    %add3A_2048 = arith.constant 4355 : i32
    %add3A_2049 = vector.broadcast %add3A_2048 : i32 to vector<16xi32>
    %add3A_2050 = arith.addi %mul3A_327, %add3A_2049 : vector<16xi32>
    %add3A_2051 = arith.constant 300000 : i32
    %add3A_2052 = vector.broadcast %add3A_2051 : i32 to vector<16xi32>
    %add3A_2053 = arith.addi %get3A_2029, %add3A_2052 : vector<16xi32>
    tpu.vector_store_idx %arg11[%add3A_2050], %add3A_2053 : memref<8192xi32, #tpu.memory_space<vmem>>[vector<16xi32>], vector<16xi32>,
    %add3A_2054 = arith.constant 4356 : i32
    %add3A_2055 = vector.broadcast %add3A_2054 : i32 to vector<16xi32>
    %add3A_2056 = arith.addi %mul3A_327, %add3A_2055 : vector<16xi32>
    %add3A_2057 = arith.constant 400000 : i32
    %add3A_2058 = vector.broadcast %add3A_2057 : i32 to vector<16xi32>
    %add3A_2059 = arith.addi %get3A_2029, %add3A_2058 : vector<16xi32>
    tpu.vector_store_idx %arg11[%add3A_2056], %add3A_2059 : memref<8192xi32, #tpu.memory_space<vmem>>[vector<16xi32>], vector<16xi32>,
    %add3A_2060 = arith.constant 4357 : i32
    %add3A_2061 = vector.broadcast %add3A_2060 : i32 to vector<16xi32>
    %add3A_2062 = arith.addi %mul3A_327, %add3A_2061 : vector<16xi32>
    %add3A_2063 = arith.constant 500000 : i32
    %add3A_2064 = vector.broadcast %add3A_2063 : i32 to vector<16xi32>
    %add3A_2065 = arith.addi %get3A_2029, %add3A_2064 : vector<16xi32>
    tpu.vector_store_idx %arg11[%add3A_2062], %add3A_2065 : memref<8192xi32, #tpu.memory_space<vmem>>[vector<16xi32>], vector<16xi32>,
    %add3A_2066 = arith.constant 4358 : i32
    %add3A_2067 = vector.broadcast %add3A_2066 : i32 to vector<16xi32>
    %add3A_2068 = arith.addi %mul3A_327, %add3A_2067 : vector<16xi32>
    %add3A_2069 = arith.constant 600000 : i32
    %add3A_2070 = vector.broadcast %add3A_2069 : i32 to vector<16xi32>
    %add3A_2071 = arith.addi %get3A_2029, %add3A_2070 : vector<16xi32>
    tpu.vector_store_idx %arg11[%add3A_2068], %add3A_2071 : memref<8192xi32, #tpu.memory_space<vmem>>[vector<16xi32>], vector<16xi32>,
    %add3A_2072 = arith.constant 4359 : i32
    %add3A_2073 = vector.broadcast %add3A_2072 : i32 to vector<16xi32>
    %add3A_2074 = arith.addi %mul3A_327, %add3A_2073 : vector<16xi32>
    %add3A_2075 = arith.constant 700000 : i32
    %add3A_2076 = vector.broadcast %add3A_2075 : i32 to vector<16xi32>
    %add3A_2077 = arith.addi %get3A_2029, %add3A_2076 : vector<16xi32>
    tpu.vector_store_idx %arg11[%add3A_2074], %add3A_2077 : memref<8192xi32, #tpu.memory_space<vmem>>[vector<16xi32>], vector<16xi32>,
    %get3A_2078 = arith.constant 560 : index
    %get3A_2079 = tpu.vector_load %arg10[%get3A_2078] {strides = array<i32>} : memref<1024xi32, #tpu.memory_space<vmem>>, vector<16xi32>,
    %add3A_2080 = arith.constant 4480 : i32
    %add3A_2081 = vector.broadcast %add3A_2080 : i32 to vector<16xi32>
    %add3A_2082 = arith.addi %mul3A_327, %add3A_2081 : vector<16xi32>
    %add3A_2083 = arith.constant 0 : i32
    %add3A_2084 = vector.broadcast %add3A_2083 : i32 to vector<16xi32>
    %add3A_2085 = arith.addi %get3A_2079, %add3A_2084 : vector<16xi32>
    tpu.vector_store_idx %arg11[%add3A_2082], %add3A_2085 : memref<8192xi32, #tpu.memory_space<vmem>>[vector<16xi32>], vector<16xi32>,
    %add3A_2086 = arith.constant 4481 : i32
    %add3A_2087 = vector.broadcast %add3A_2086 : i32 to vector<16xi32>
    %add3A_2088 = arith.addi %mul3A_327, %add3A_2087 : vector<16xi32>
    %add3A_2089 = arith.constant 100000 : i32
    %add3A_2090 = vector.broadcast %add3A_2089 : i32 to vector<16xi32>
    %add3A_2091 = arith.addi %get3A_2079, %add3A_2090 : vector<16xi32>
    tpu.vector_store_idx %arg11[%add3A_2088], %add3A_2091 : memref<8192xi32, #tpu.memory_space<vmem>>[vector<16xi32>], vector<16xi32>,
    %add3A_2092 = arith.constant 4482 : i32
    %add3A_2093 = vector.broadcast %add3A_2092 : i32 to vector<16xi32>
    %add3A_2094 = arith.addi %mul3A_327, %add3A_2093 : vector<16xi32>
    %add3A_2095 = arith.constant 200000 : i32
    %add3A_2096 = vector.broadcast %add3A_2095 : i32 to vector<16xi32>
    %add3A_2097 = arith.addi %get3A_2079, %add3A_2096 : vector<16xi32>
    tpu.vector_store_idx %arg11[%add3A_2094], %add3A_2097 : memref<8192xi32, #tpu.memory_space<vmem>>[vector<16xi32>], vector<16xi32>,
    %add3A_2098 = arith.constant 4483 : i32
    %add3A_2099 = vector.broadcast %add3A_2098 : i32 to vector<16xi32>
    %add3A_2100 = arith.addi %mul3A_327, %add3A_2099 : vector<16xi32>
    %add3A_2101 = arith.constant 300000 : i32
    %add3A_2102 = vector.broadcast %add3A_2101 : i32 to vector<16xi32>
    %add3A_2103 = arith.addi %get3A_2079, %add3A_2102 : vector<16xi32>
    tpu.vector_store_idx %arg11[%add3A_2100], %add3A_2103 : memref<8192xi32, #tpu.memory_space<vmem>>[vector<16xi32>], vector<16xi32>,
    %add3A_2104 = arith.constant 4484 : i32
    %add3A_2105 = vector.broadcast %add3A_2104 : i32 to vector<16xi32>
    %add3A_2106 = arith.addi %mul3A_327, %add3A_2105 : vector<16xi32>
    %add3A_2107 = arith.constant 400000 : i32
    %add3A_2108 = vector.broadcast %add3A_2107 : i32 to vector<16xi32>
    %add3A_2109 = arith.addi %get3A_2079, %add3A_2108 : vector<16xi32>
    tpu.vector_store_idx %arg11[%add3A_2106], %add3A_2109 : memref<8192xi32, #tpu.memory_space<vmem>>[vector<16xi32>], vector<16xi32>,
    %add3A_2110 = arith.constant 4485 : i32
    %add3A_2111 = vector.broadcast %add3A_2110 : i32 to vector<16xi32>
    %add3A_2112 = arith.addi %mul3A_327, %add3A_2111 : vector<16xi32>
    %add3A_2113 = arith.constant 500000 : i32
    %add3A_2114 = vector.broadcast %add3A_2113 : i32 to vector<16xi32>
    %add3A_2115 = arith.addi %get3A_2079, %add3A_2114 : vector<16xi32>
    tpu.vector_store_idx %arg11[%add3A_2112], %add3A_2115 : memref<8192xi32, #tpu.memory_space<vmem>>[vector<16xi32>], vector<16xi32>,
    %add3A_2116 = arith.constant 4486 : i32
    %add3A_2117 = vector.broadcast %add3A_2116 : i32 to vector<16xi32>
    %add3A_2118 = arith.addi %mul3A_327, %add3A_2117 : vector<16xi32>
    %add3A_2119 = arith.constant 600000 : i32
    %add3A_2120 = vector.broadcast %add3A_2119 : i32 to vector<16xi32>
    %add3A_2121 = arith.addi %get3A_2079, %add3A_2120 : vector<16xi32>
    tpu.vector_store_idx %arg11[%add3A_2118], %add3A_2121 : memref<8192xi32, #tpu.memory_space<vmem>>[vector<16xi32>], vector<16xi32>,
    %add3A_2122 = arith.constant 4487 : i32
    %add3A_2123 = vector.broadcast %add3A_2122 : i32 to vector<16xi32>
    %add3A_2124 = arith.addi %mul3A_327, %add3A_2123 : vector<16xi32>
    %add3A_2125 = arith.constant 700000 : i32
    %add3A_2126 = vector.broadcast %add3A_2125 : i32 to vector<16xi32>
    %add3A_2127 = arith.addi %get3A_2079, %add3A_2126 : vector<16xi32>
    tpu.vector_store_idx %arg11[%add3A_2124], %add3A_2127 : memref<8192xi32, #tpu.memory_space<vmem>>[vector<16xi32>], vector<16xi32>,
    %get3A_2128 = arith.constant 576 : index
    %get3A_2129 = tpu.vector_load %arg10[%get3A_2128] {strides = array<i32>} : memref<1024xi32, #tpu.memory_space<vmem>>, vector<16xi32>,
    %add3A_2130 = arith.constant 4608 : i32
    %add3A_2131 = vector.broadcast %add3A_2130 : i32 to vector<16xi32>
    %add3A_2132 = arith.addi %mul3A_327, %add3A_2131 : vector<16xi32>
    %add3A_2133 = arith.constant 0 : i32
    %add3A_2134 = vector.broadcast %add3A_2133 : i32 to vector<16xi32>
    %add3A_2135 = arith.addi %get3A_2129, %add3A_2134 : vector<16xi32>
    tpu.vector_store_idx %arg11[%add3A_2132], %add3A_2135 : memref<8192xi32, #tpu.memory_space<vmem>>[vector<16xi32>], vector<16xi32>,
    %add3A_2136 = arith.constant 4609 : i32
    %add3A_2137 = vector.broadcast %add3A_2136 : i32 to vector<16xi32>
    %add3A_2138 = arith.addi %mul3A_327, %add3A_2137 : vector<16xi32>
    %add3A_2139 = arith.constant 100000 : i32
    %add3A_2140 = vector.broadcast %add3A_2139 : i32 to vector<16xi32>
    %add3A_2141 = arith.addi %get3A_2129, %add3A_2140 : vector<16xi32>
    tpu.vector_store_idx %arg11[%add3A_2138], %add3A_2141 : memref<8192xi32, #tpu.memory_space<vmem>>[vector<16xi32>], vector<16xi32>,
    %add3A_2142 = arith.constant 4610 : i32
    %add3A_2143 = vector.broadcast %add3A_2142 : i32 to vector<16xi32>
    %add3A_2144 = arith.addi %mul3A_327, %add3A_2143 : vector<16xi32>
    %add3A_2145 = arith.constant 200000 : i32
    %add3A_2146 = vector.broadcast %add3A_2145 : i32 to vector<16xi32>
    %add3A_2147 = arith.addi %get3A_2129, %add3A_2146 : vector<16xi32>
    tpu.vector_store_idx %arg11[%add3A_2144], %add3A_2147 : memref<8192xi32, #tpu.memory_space<vmem>>[vector<16xi32>], vector<16xi32>,
    %add3A_2148 = arith.constant 4611 : i32
    %add3A_2149 = vector.broadcast %add3A_2148 : i32 to vector<16xi32>
    %add3A_2150 = arith.addi %mul3A_327, %add3A_2149 : vector<16xi32>
    %add3A_2151 = arith.constant 300000 : i32
    %add3A_2152 = vector.broadcast %add3A_2151 : i32 to vector<16xi32>
    %add3A_2153 = arith.addi %get3A_2129, %add3A_2152 : vector<16xi32>
    tpu.vector_store_idx %arg11[%add3A_2150], %add3A_2153 : memref<8192xi32, #tpu.memory_space<vmem>>[vector<16xi32>], vector<16xi32>,
    %add3A_2154 = arith.constant 4612 : i32
    %add3A_2155 = vector.broadcast %add3A_2154 : i32 to vector<16xi32>
    %add3A_2156 = arith.addi %mul3A_327, %add3A_2155 : vector<16xi32>
    %add3A_2157 = arith.constant 400000 : i32
    %add3A_2158 = vector.broadcast %add3A_2157 : i32 to vector<16xi32>
    %add3A_2159 = arith.addi %get3A_2129, %add3A_2158 : vector<16xi32>
    tpu.vector_store_idx %arg11[%add3A_2156], %add3A_2159 : memref<8192xi32, #tpu.memory_space<vmem>>[vector<16xi32>], vector<16xi32>,
    %add3A_2160 = arith.constant 4613 : i32
    %add3A_2161 = vector.broadcast %add3A_2160 : i32 to vector<16xi32>
    %add3A_2162 = arith.addi %mul3A_327, %add3A_2161 : vector<16xi32>
    %add3A_2163 = arith.constant 500000 : i32
    %add3A_2164 = vector.broadcast %add3A_2163 : i32 to vector<16xi32>
    %add3A_2165 = arith.addi %get3A_2129, %add3A_2164 : vector<16xi32>
    tpu.vector_store_idx %arg11[%add3A_2162], %add3A_2165 : memref<8192xi32, #tpu.memory_space<vmem>>[vector<16xi32>], vector<16xi32>,
    %add3A_2166 = arith.constant 4614 : i32
    %add3A_2167 = vector.broadcast %add3A_2166 : i32 to vector<16xi32>
    %add3A_2168 = arith.addi %mul3A_327, %add3A_2167 : vector<16xi32>
    %add3A_2169 = arith.constant 600000 : i32
    %add3A_2170 = vector.broadcast %add3A_2169 : i32 to vector<16xi32>
    %add3A_2171 = arith.addi %get3A_2129, %add3A_2170 : vector<16xi32>
    tpu.vector_store_idx %arg11[%add3A_2168], %add3A_2171 : memref<8192xi32, #tpu.memory_space<vmem>>[vector<16xi32>], vector<16xi32>,
    %add3A_2172 = arith.constant 4615 : i32
    %add3A_2173 = vector.broadcast %add3A_2172 : i32 to vector<16xi32>
    %add3A_2174 = arith.addi %mul3A_327, %add3A_2173 : vector<16xi32>
    %add3A_2175 = arith.constant 700000 : i32
    %add3A_2176 = vector.broadcast %add3A_2175 : i32 to vector<16xi32>
    %add3A_2177 = arith.addi %get3A_2129, %add3A_2176 : vector<16xi32>
    tpu.vector_store_idx %arg11[%add3A_2174], %add3A_2177 : memref<8192xi32, #tpu.memory_space<vmem>>[vector<16xi32>], vector<16xi32>,
    %get3A_2178 = arith.constant 592 : index
    %get3A_2179 = tpu.vector_load %arg10[%get3A_2178] {strides = array<i32>} : memref<1024xi32, #tpu.memory_space<vmem>>, vector<16xi32>,
    %add3A_2180 = arith.constant 4736 : i32
    %add3A_2181 = vector.broadcast %add3A_2180 : i32 to vector<16xi32>
    %add3A_2182 = arith.addi %mul3A_327, %add3A_2181 : vector<16xi32>
    %add3A_2183 = arith.constant 0 : i32
    %add3A_2184 = vector.broadcast %add3A_2183 : i32 to vector<16xi32>
    %add3A_2185 = arith.addi %get3A_2179, %add3A_2184 : vector<16xi32>
    tpu.vector_store_idx %arg11[%add3A_2182], %add3A_2185 : memref<8192xi32, #tpu.memory_space<vmem>>[vector<16xi32>], vector<16xi32>,
    %add3A_2186 = arith.constant 4737 : i32
    %add3A_2187 = vector.broadcast %add3A_2186 : i32 to vector<16xi32>
    %add3A_2188 = arith.addi %mul3A_327, %add3A_2187 : vector<16xi32>
    %add3A_2189 = arith.constant 100000 : i32
    %add3A_2190 = vector.broadcast %add3A_2189 : i32 to vector<16xi32>
    %add3A_2191 = arith.addi %get3A_2179, %add3A_2190 : vector<16xi32>
    tpu.vector_store_idx %arg11[%add3A_2188], %add3A_2191 : memref<8192xi32, #tpu.memory_space<vmem>>[vector<16xi32>], vector<16xi32>,
    %add3A_2192 = arith.constant 4738 : i32
    %add3A_2193 = vector.broadcast %add3A_2192 : i32 to vector<16xi32>
    %add3A_2194 = arith.addi %mul3A_327, %add3A_2193 : vector<16xi32>
    %add3A_2195 = arith.constant 200000 : i32
    %add3A_2196 = vector.broadcast %add3A_2195 : i32 to vector<16xi32>
    %add3A_2197 = arith.addi %get3A_2179, %add3A_2196 : vector<16xi32>
    tpu.vector_store_idx %arg11[%add3A_2194], %add3A_2197 : memref<8192xi32, #tpu.memory_space<vmem>>[vector<16xi32>], vector<16xi32>,
    %add3A_2198 = arith.constant 4739 : i32
    %add3A_2199 = vector.broadcast %add3A_2198 : i32 to vector<16xi32>
    %add3A_2200 = arith.addi %mul3A_327, %add3A_2199 : vector<16xi32>
    %add3A_2201 = arith.constant 300000 : i32
    %add3A_2202 = vector.broadcast %add3A_2201 : i32 to vector<16xi32>
    %add3A_2203 = arith.addi %get3A_2179, %add3A_2202 : vector<16xi32>
    tpu.vector_store_idx %arg11[%add3A_2200], %add3A_2203 : memref<8192xi32, #tpu.memory_space<vmem>>[vector<16xi32>], vector<16xi32>,
    %add3A_2204 = arith.constant 4740 : i32
    %add3A_2205 = vector.broadcast %add3A_2204 : i32 to vector<16xi32>
    %add3A_2206 = arith.addi %mul3A_327, %add3A_2205 : vector<16xi32>
    %add3A_2207 = arith.constant 400000 : i32
    %add3A_2208 = vector.broadcast %add3A_2207 : i32 to vector<16xi32>
    %add3A_2209 = arith.addi %get3A_2179, %add3A_2208 : vector<16xi32>
    tpu.vector_store_idx %arg11[%add3A_2206], %add3A_2209 : memref<8192xi32, #tpu.memory_space<vmem>>[vector<16xi32>], vector<16xi32>,
    %add3A_2210 = arith.constant 4741 : i32
    %add3A_2211 = vector.broadcast %add3A_2210 : i32 to vector<16xi32>
    %add3A_2212 = arith.addi %mul3A_327, %add3A_2211 : vector<16xi32>
    %add3A_2213 = arith.constant 500000 : i32
    %add3A_2214 = vector.broadcast %add3A_2213 : i32 to vector<16xi32>
    %add3A_2215 = arith.addi %get3A_2179, %add3A_2214 : vector<16xi32>
    tpu.vector_store_idx %arg11[%add3A_2212], %add3A_2215 : memref<8192xi32, #tpu.memory_space<vmem>>[vector<16xi32>], vector<16xi32>,
    %add3A_2216 = arith.constant 4742 : i32
    %add3A_2217 = vector.broadcast %add3A_2216 : i32 to vector<16xi32>
    %add3A_2218 = arith.addi %mul3A_327, %add3A_2217 : vector<16xi32>
    %add3A_2219 = arith.constant 600000 : i32
    %add3A_2220 = vector.broadcast %add3A_2219 : i32 to vector<16xi32>
    %add3A_2221 = arith.addi %get3A_2179, %add3A_2220 : vector<16xi32>
    tpu.vector_store_idx %arg11[%add3A_2218], %add3A_2221 : memref<8192xi32, #tpu.memory_space<vmem>>[vector<16xi32>], vector<16xi32>,
    %add3A_2222 = arith.constant 4743 : i32
    %add3A_2223 = vector.broadcast %add3A_2222 : i32 to vector<16xi32>
    %add3A_2224 = arith.addi %mul3A_327, %add3A_2223 : vector<16xi32>
    %add3A_2225 = arith.constant 700000 : i32
    %add3A_2226 = vector.broadcast %add3A_2225 : i32 to vector<16xi32>
    %add3A_2227 = arith.addi %get3A_2179, %add3A_2226 : vector<16xi32>
    tpu.vector_store_idx %arg11[%add3A_2224], %add3A_2227 : memref<8192xi32, #tpu.memory_space<vmem>>[vector<16xi32>], vector<16xi32>,
    %get3A_2228 = arith.constant 608 : index
    %get3A_2229 = tpu.vector_load %arg10[%get3A_2228] {strides = array<i32>} : memref<1024xi32, #tpu.memory_space<vmem>>, vector<16xi32>,
    %add3A_2230 = arith.constant 4864 : i32
    %add3A_2231 = vector.broadcast %add3A_2230 : i32 to vector<16xi32>
    %add3A_2232 = arith.addi %mul3A_327, %add3A_2231 : vector<16xi32>
    %add3A_2233 = arith.constant 0 : i32
    %add3A_2234 = vector.broadcast %add3A_2233 : i32 to vector<16xi32>
    %add3A_2235 = arith.addi %get3A_2229, %add3A_2234 : vector<16xi32>
    tpu.vector_store_idx %arg11[%add3A_2232], %add3A_2235 : memref<8192xi32, #tpu.memory_space<vmem>>[vector<16xi32>], vector<16xi32>,
    %add3A_2236 = arith.constant 4865 : i32
    %add3A_2237 = vector.broadcast %add3A_2236 : i32 to vector<16xi32>
    %add3A_2238 = arith.addi %mul3A_327, %add3A_2237 : vector<16xi32>
    %add3A_2239 = arith.constant 100000 : i32
    %add3A_2240 = vector.broadcast %add3A_2239 : i32 to vector<16xi32>
    %add3A_2241 = arith.addi %get3A_2229, %add3A_2240 : vector<16xi32>
    tpu.vector_store_idx %arg11[%add3A_2238], %add3A_2241 : memref<8192xi32, #tpu.memory_space<vmem>>[vector<16xi32>], vector<16xi32>,
    %add3A_2242 = arith.constant 4866 : i32
    %add3A_2243 = vector.broadcast %add3A_2242 : i32 to vector<16xi32>
    %add3A_2244 = arith.addi %mul3A_327, %add3A_2243 : vector<16xi32>
    %add3A_2245 = arith.constant 200000 : i32
    %add3A_2246 = vector.broadcast %add3A_2245 : i32 to vector<16xi32>
    %add3A_2247 = arith.addi %get3A_2229, %add3A_2246 : vector<16xi32>
    tpu.vector_store_idx %arg11[%add3A_2244], %add3A_2247 : memref<8192xi32, #tpu.memory_space<vmem>>[vector<16xi32>], vector<16xi32>,
    %add3A_2248 = arith.constant 4867 : i32
    %add3A_2249 = vector.broadcast %add3A_2248 : i32 to vector<16xi32>
    %add3A_2250 = arith.addi %mul3A_327, %add3A_2249 : vector<16xi32>
    %add3A_2251 = arith.constant 300000 : i32
    %add3A_2252 = vector.broadcast %add3A_2251 : i32 to vector<16xi32>
    %add3A_2253 = arith.addi %get3A_2229, %add3A_2252 : vector<16xi32>
    tpu.vector_store_idx %arg11[%add3A_2250], %add3A_2253 : memref<8192xi32, #tpu.memory_space<vmem>>[vector<16xi32>], vector<16xi32>,
    %add3A_2254 = arith.constant 4868 : i32
    %add3A_2255 = vector.broadcast %add3A_2254 : i32 to vector<16xi32>
    %add3A_2256 = arith.addi %mul3A_327, %add3A_2255 : vector<16xi32>
    %add3A_2257 = arith.constant 400000 : i32
    %add3A_2258 = vector.broadcast %add3A_2257 : i32 to vector<16xi32>
    %add3A_2259 = arith.addi %get3A_2229, %add3A_2258 : vector<16xi32>
    tpu.vector_store_idx %arg11[%add3A_2256], %add3A_2259 : memref<8192xi32, #tpu.memory_space<vmem>>[vector<16xi32>], vector<16xi32>,
    %add3A_2260 = arith.constant 4869 : i32
    %add3A_2261 = vector.broadcast %add3A_2260 : i32 to vector<16xi32>
    %add3A_2262 = arith.addi %mul3A_327, %add3A_2261 : vector<16xi32>
    %add3A_2263 = arith.constant 500000 : i32
    %add3A_2264 = vector.broadcast %add3A_2263 : i32 to vector<16xi32>
    %add3A_2265 = arith.addi %get3A_2229, %add3A_2264 : vector<16xi32>
    tpu.vector_store_idx %arg11[%add3A_2262], %add3A_2265 : memref<8192xi32, #tpu.memory_space<vmem>>[vector<16xi32>], vector<16xi32>,
    %add3A_2266 = arith.constant 4870 : i32
    %add3A_2267 = vector.broadcast %add3A_2266 : i32 to vector<16xi32>
    %add3A_2268 = arith.addi %mul3A_327, %add3A_2267 : vector<16xi32>
    %add3A_2269 = arith.constant 600000 : i32
    %add3A_2270 = vector.broadcast %add3A_2269 : i32 to vector<16xi32>
    %add3A_2271 = arith.addi %get3A_2229, %add3A_2270 : vector<16xi32>
    tpu.vector_store_idx %arg11[%add3A_2268], %add3A_2271 : memref<8192xi32, #tpu.memory_space<vmem>>[vector<16xi32>], vector<16xi32>,
    %add3A_2272 = arith.constant 4871 : i32
    %add3A_2273 = vector.broadcast %add3A_2272 : i32 to vector<16xi32>
    %add3A_2274 = arith.addi %mul3A_327, %add3A_2273 : vector<16xi32>
    %add3A_2275 = arith.constant 700000 : i32
    %add3A_2276 = vector.broadcast %add3A_2275 : i32 to vector<16xi32>
    %add3A_2277 = arith.addi %get3A_2229, %add3A_2276 : vector<16xi32>
    tpu.vector_store_idx %arg11[%add3A_2274], %add3A_2277 : memref<8192xi32, #tpu.memory_space<vmem>>[vector<16xi32>], vector<16xi32>,
    %get3A_2278 = arith.constant 624 : index
    %get3A_2279 = tpu.vector_load %arg10[%get3A_2278] {strides = array<i32>} : memref<1024xi32, #tpu.memory_space<vmem>>, vector<16xi32>,
    %add3A_2280 = arith.constant 4992 : i32
    %add3A_2281 = vector.broadcast %add3A_2280 : i32 to vector<16xi32>
    %add3A_2282 = arith.addi %mul3A_327, %add3A_2281 : vector<16xi32>
    %add3A_2283 = arith.constant 0 : i32
    %add3A_2284 = vector.broadcast %add3A_2283 : i32 to vector<16xi32>
    %add3A_2285 = arith.addi %get3A_2279, %add3A_2284 : vector<16xi32>
    tpu.vector_store_idx %arg11[%add3A_2282], %add3A_2285 : memref<8192xi32, #tpu.memory_space<vmem>>[vector<16xi32>], vector<16xi32>,
    %add3A_2286 = arith.constant 4993 : i32
    %add3A_2287 = vector.broadcast %add3A_2286 : i32 to vector<16xi32>
    %add3A_2288 = arith.addi %mul3A_327, %add3A_2287 : vector<16xi32>
    %add3A_2289 = arith.constant 100000 : i32
    %add3A_2290 = vector.broadcast %add3A_2289 : i32 to vector<16xi32>
    %add3A_2291 = arith.addi %get3A_2279, %add3A_2290 : vector<16xi32>
    tpu.vector_store_idx %arg11[%add3A_2288], %add3A_2291 : memref<8192xi32, #tpu.memory_space<vmem>>[vector<16xi32>], vector<16xi32>,
    %add3A_2292 = arith.constant 4994 : i32
    %add3A_2293 = vector.broadcast %add3A_2292 : i32 to vector<16xi32>
    %add3A_2294 = arith.addi %mul3A_327, %add3A_2293 : vector<16xi32>
    %add3A_2295 = arith.constant 200000 : i32
    %add3A_2296 = vector.broadcast %add3A_2295 : i32 to vector<16xi32>
    %add3A_2297 = arith.addi %get3A_2279, %add3A_2296 : vector<16xi32>
    tpu.vector_store_idx %arg11[%add3A_2294], %add3A_2297 : memref<8192xi32, #tpu.memory_space<vmem>>[vector<16xi32>], vector<16xi32>,
    %add3A_2298 = arith.constant 4995 : i32
    %add3A_2299 = vector.broadcast %add3A_2298 : i32 to vector<16xi32>
    %add3A_2300 = arith.addi %mul3A_327, %add3A_2299 : vector<16xi32>
    %add3A_2301 = arith.constant 300000 : i32
    %add3A_2302 = vector.broadcast %add3A_2301 : i32 to vector<16xi32>
    %add3A_2303 = arith.addi %get3A_2279, %add3A_2302 : vector<16xi32>
    tpu.vector_store_idx %arg11[%add3A_2300], %add3A_2303 : memref<8192xi32, #tpu.memory_space<vmem>>[vector<16xi32>], vector<16xi32>,
    %add3A_2304 = arith.constant 4996 : i32
    %add3A_2305 = vector.broadcast %add3A_2304 : i32 to vector<16xi32>
    %add3A_2306 = arith.addi %mul3A_327, %add3A_2305 : vector<16xi32>
    %add3A_2307 = arith.constant 400000 : i32
    %add3A_2308 = vector.broadcast %add3A_2307 : i32 to vector<16xi32>
    %add3A_2309 = arith.addi %get3A_2279, %add3A_2308 : vector<16xi32>
    tpu.vector_store_idx %arg11[%add3A_2306], %add3A_2309 : memref<8192xi32, #tpu.memory_space<vmem>>[vector<16xi32>], vector<16xi32>,
    %add3A_2310 = arith.constant 4997 : i32
    %add3A_2311 = vector.broadcast %add3A_2310 : i32 to vector<16xi32>
    %add3A_2312 = arith.addi %mul3A_327, %add3A_2311 : vector<16xi32>
    %add3A_2313 = arith.constant 500000 : i32
    %add3A_2314 = vector.broadcast %add3A_2313 : i32 to vector<16xi32>
    %add3A_2315 = arith.addi %get3A_2279, %add3A_2314 : vector<16xi32>
    tpu.vector_store_idx %arg11[%add3A_2312], %add3A_2315 : memref<8192xi32, #tpu.memory_space<vmem>>[vector<16xi32>], vector<16xi32>,
    %add3A_2316 = arith.constant 4998 : i32
    %add3A_2317 = vector.broadcast %add3A_2316 : i32 to vector<16xi32>
    %add3A_2318 = arith.addi %mul3A_327, %add3A_2317 : vector<16xi32>
    %add3A_2319 = arith.constant 600000 : i32
    %add3A_2320 = vector.broadcast %add3A_2319 : i32 to vector<16xi32>
    %add3A_2321 = arith.addi %get3A_2279, %add3A_2320 : vector<16xi32>
    tpu.vector_store_idx %arg11[%add3A_2318], %add3A_2321 : memref<8192xi32, #tpu.memory_space<vmem>>[vector<16xi32>], vector<16xi32>,
    %add3A_2322 = arith.constant 4999 : i32
    %add3A_2323 = vector.broadcast %add3A_2322 : i32 to vector<16xi32>
    %add3A_2324 = arith.addi %mul3A_327, %add3A_2323 : vector<16xi32>
    %add3A_2325 = arith.constant 700000 : i32
    %add3A_2326 = vector.broadcast %add3A_2325 : i32 to vector<16xi32>
    %add3A_2327 = arith.addi %get3A_2279, %add3A_2326 : vector<16xi32>
    tpu.vector_store_idx %arg11[%add3A_2324], %add3A_2327 : memref<8192xi32, #tpu.memory_space<vmem>>[vector<16xi32>], vector<16xi32>,
    %get3A_2328 = arith.constant 640 : index
    %get3A_2329 = tpu.vector_load %arg10[%get3A_2328] {strides = array<i32>} : memref<1024xi32, #tpu.memory_space<vmem>>, vector<16xi32>,
    %add3A_2330 = arith.constant 5120 : i32
    %add3A_2331 = vector.broadcast %add3A_2330 : i32 to vector<16xi32>
    %add3A_2332 = arith.addi %mul3A_327, %add3A_2331 : vector<16xi32>
    %add3A_2333 = arith.constant 0 : i32
    %add3A_2334 = vector.broadcast %add3A_2333 : i32 to vector<16xi32>
    %add3A_2335 = arith.addi %get3A_2329, %add3A_2334 : vector<16xi32>
    tpu.vector_store_idx %arg11[%add3A_2332], %add3A_2335 : memref<8192xi32, #tpu.memory_space<vmem>>[vector<16xi32>], vector<16xi32>,
    %add3A_2336 = arith.constant 5121 : i32
    %add3A_2337 = vector.broadcast %add3A_2336 : i32 to vector<16xi32>
    %add3A_2338 = arith.addi %mul3A_327, %add3A_2337 : vector<16xi32>
    %add3A_2339 = arith.constant 100000 : i32
    %add3A_2340 = vector.broadcast %add3A_2339 : i32 to vector<16xi32>
    %add3A_2341 = arith.addi %get3A_2329, %add3A_2340 : vector<16xi32>
    tpu.vector_store_idx %arg11[%add3A_2338], %add3A_2341 : memref<8192xi32, #tpu.memory_space<vmem>>[vector<16xi32>], vector<16xi32>,
    %add3A_2342 = arith.constant 5122 : i32
    %add3A_2343 = vector.broadcast %add3A_2342 : i32 to vector<16xi32>
    %add3A_2344 = arith.addi %mul3A_327, %add3A_2343 : vector<16xi32>
    %add3A_2345 = arith.constant 200000 : i32
    %add3A_2346 = vector.broadcast %add3A_2345 : i32 to vector<16xi32>
    %add3A_2347 = arith.addi %get3A_2329, %add3A_2346 : vector<16xi32>
    tpu.vector_store_idx %arg11[%add3A_2344], %add3A_2347 : memref<8192xi32, #tpu.memory_space<vmem>>[vector<16xi32>], vector<16xi32>,
    %add3A_2348 = arith.constant 5123 : i32
    %add3A_2349 = vector.broadcast %add3A_2348 : i32 to vector<16xi32>
    %add3A_2350 = arith.addi %mul3A_327, %add3A_2349 : vector<16xi32>
    %add3A_2351 = arith.constant 300000 : i32
    %add3A_2352 = vector.broadcast %add3A_2351 : i32 to vector<16xi32>
    %add3A_2353 = arith.addi %get3A_2329, %add3A_2352 : vector<16xi32>
    tpu.vector_store_idx %arg11[%add3A_2350], %add3A_2353 : memref<8192xi32, #tpu.memory_space<vmem>>[vector<16xi32>], vector<16xi32>,
    %add3A_2354 = arith.constant 5124 : i32
    %add3A_2355 = vector.broadcast %add3A_2354 : i32 to vector<16xi32>
    %add3A_2356 = arith.addi %mul3A_327, %add3A_2355 : vector<16xi32>
    %add3A_2357 = arith.constant 400000 : i32
    %add3A_2358 = vector.broadcast %add3A_2357 : i32 to vector<16xi32>
    %add3A_2359 = arith.addi %get3A_2329, %add3A_2358 : vector<16xi32>
    tpu.vector_store_idx %arg11[%add3A_2356], %add3A_2359 : memref<8192xi32, #tpu.memory_space<vmem>>[vector<16xi32>], vector<16xi32>,
    %add3A_2360 = arith.constant 5125 : i32
    %add3A_2361 = vector.broadcast %add3A_2360 : i32 to vector<16xi32>
    %add3A_2362 = arith.addi %mul3A_327, %add3A_2361 : vector<16xi32>
    %add3A_2363 = arith.constant 500000 : i32
    %add3A_2364 = vector.broadcast %add3A_2363 : i32 to vector<16xi32>
    %add3A_2365 = arith.addi %get3A_2329, %add3A_2364 : vector<16xi32>
    tpu.vector_store_idx %arg11[%add3A_2362], %add3A_2365 : memref<8192xi32, #tpu.memory_space<vmem>>[vector<16xi32>], vector<16xi32>,
    %add3A_2366 = arith.constant 5126 : i32
    %add3A_2367 = vector.broadcast %add3A_2366 : i32 to vector<16xi32>
    %add3A_2368 = arith.addi %mul3A_327, %add3A_2367 : vector<16xi32>
    %add3A_2369 = arith.constant 600000 : i32
    %add3A_2370 = vector.broadcast %add3A_2369 : i32 to vector<16xi32>
    %add3A_2371 = arith.addi %get3A_2329, %add3A_2370 : vector<16xi32>
    tpu.vector_store_idx %arg11[%add3A_2368], %add3A_2371 : memref<8192xi32, #tpu.memory_space<vmem>>[vector<16xi32>], vector<16xi32>,
    %add3A_2372 = arith.constant 5127 : i32
    %add3A_2373 = vector.broadcast %add3A_2372 : i32 to vector<16xi32>
    %add3A_2374 = arith.addi %mul3A_327, %add3A_2373 : vector<16xi32>
    %add3A_2375 = arith.constant 700000 : i32
    %add3A_2376 = vector.broadcast %add3A_2375 : i32 to vector<16xi32>
    %add3A_2377 = arith.addi %get3A_2329, %add3A_2376 : vector<16xi32>
    tpu.vector_store_idx %arg11[%add3A_2374], %add3A_2377 : memref<8192xi32, #tpu.memory_space<vmem>>[vector<16xi32>], vector<16xi32>,
    %get3A_2378 = arith.constant 656 : index
    %get3A_2379 = tpu.vector_load %arg10[%get3A_2378] {strides = array<i32>} : memref<1024xi32, #tpu.memory_space<vmem>>, vector<16xi32>,
    %add3A_2380 = arith.constant 5248 : i32
    %add3A_2381 = vector.broadcast %add3A_2380 : i32 to vector<16xi32>
    %add3A_2382 = arith.addi %mul3A_327, %add3A_2381 : vector<16xi32>
    %add3A_2383 = arith.constant 0 : i32
    %add3A_2384 = vector.broadcast %add3A_2383 : i32 to vector<16xi32>
    %add3A_2385 = arith.addi %get3A_2379, %add3A_2384 : vector<16xi32>
    tpu.vector_store_idx %arg11[%add3A_2382], %add3A_2385 : memref<8192xi32, #tpu.memory_space<vmem>>[vector<16xi32>], vector<16xi32>,
    %add3A_2386 = arith.constant 5249 : i32
    %add3A_2387 = vector.broadcast %add3A_2386 : i32 to vector<16xi32>
    %add3A_2388 = arith.addi %mul3A_327, %add3A_2387 : vector<16xi32>
    %add3A_2389 = arith.constant 100000 : i32
    %add3A_2390 = vector.broadcast %add3A_2389 : i32 to vector<16xi32>
    %add3A_2391 = arith.addi %get3A_2379, %add3A_2390 : vector<16xi32>
    tpu.vector_store_idx %arg11[%add3A_2388], %add3A_2391 : memref<8192xi32, #tpu.memory_space<vmem>>[vector<16xi32>], vector<16xi32>,
    %add3A_2392 = arith.constant 5250 : i32
    %add3A_2393 = vector.broadcast %add3A_2392 : i32 to vector<16xi32>
    %add3A_2394 = arith.addi %mul3A_327, %add3A_2393 : vector<16xi32>
    %add3A_2395 = arith.constant 200000 : i32
    %add3A_2396 = vector.broadcast %add3A_2395 : i32 to vector<16xi32>
    %add3A_2397 = arith.addi %get3A_2379, %add3A_2396 : vector<16xi32>
    tpu.vector_store_idx %arg11[%add3A_2394], %add3A_2397 : memref<8192xi32, #tpu.memory_space<vmem>>[vector<16xi32>], vector<16xi32>,
    %add3A_2398 = arith.constant 5251 : i32
    %add3A_2399 = vector.broadcast %add3A_2398 : i32 to vector<16xi32>
    %add3A_2400 = arith.addi %mul3A_327, %add3A_2399 : vector<16xi32>
    %add3A_2401 = arith.constant 300000 : i32
    %add3A_2402 = vector.broadcast %add3A_2401 : i32 to vector<16xi32>
    %add3A_2403 = arith.addi %get3A_2379, %add3A_2402 : vector<16xi32>
    tpu.vector_store_idx %arg11[%add3A_2400], %add3A_2403 : memref<8192xi32, #tpu.memory_space<vmem>>[vector<16xi32>], vector<16xi32>,
    %add3A_2404 = arith.constant 5252 : i32
    %add3A_2405 = vector.broadcast %add3A_2404 : i32 to vector<16xi32>
    %add3A_2406 = arith.addi %mul3A_327, %add3A_2405 : vector<16xi32>
    %add3A_2407 = arith.constant 400000 : i32
    %add3A_2408 = vector.broadcast %add3A_2407 : i32 to vector<16xi32>
    %add3A_2409 = arith.addi %get3A_2379, %add3A_2408 : vector<16xi32>
    tpu.vector_store_idx %arg11[%add3A_2406], %add3A_2409 : memref<8192xi32, #tpu.memory_space<vmem>>[vector<16xi32>], vector<16xi32>,
    %add3A_2410 = arith.constant 5253 : i32
    %add3A_2411 = vector.broadcast %add3A_2410 : i32 to vector<16xi32>
    %add3A_2412 = arith.addi %mul3A_327, %add3A_2411 : vector<16xi32>
    %add3A_2413 = arith.constant 500000 : i32
    %add3A_2414 = vector.broadcast %add3A_2413 : i32 to vector<16xi32>
    %add3A_2415 = arith.addi %get3A_2379, %add3A_2414 : vector<16xi32>
    tpu.vector_store_idx %arg11[%add3A_2412], %add3A_2415 : memref<8192xi32, #tpu.memory_space<vmem>>[vector<16xi32>], vector<16xi32>,
    %add3A_2416 = arith.constant 5254 : i32
    %add3A_2417 = vector.broadcast %add3A_2416 : i32 to vector<16xi32>
    %add3A_2418 = arith.addi %mul3A_327, %add3A_2417 : vector<16xi32>
    %add3A_2419 = arith.constant 600000 : i32
    %add3A_2420 = vector.broadcast %add3A_2419 : i32 to vector<16xi32>
    %add3A_2421 = arith.addi %get3A_2379, %add3A_2420 : vector<16xi32>
    tpu.vector_store_idx %arg11[%add3A_2418], %add3A_2421 : memref<8192xi32, #tpu.memory_space<vmem>>[vector<16xi32>], vector<16xi32>,
    %add3A_2422 = arith.constant 5255 : i32
    %add3A_2423 = vector.broadcast %add3A_2422 : i32 to vector<16xi32>
    %add3A_2424 = arith.addi %mul3A_327, %add3A_2423 : vector<16xi32>
    %add3A_2425 = arith.constant 700000 : i32
    %add3A_2426 = vector.broadcast %add3A_2425 : i32 to vector<16xi32>
    %add3A_2427 = arith.addi %get3A_2379, %add3A_2426 : vector<16xi32>
    tpu.vector_store_idx %arg11[%add3A_2424], %add3A_2427 : memref<8192xi32, #tpu.memory_space<vmem>>[vector<16xi32>], vector<16xi32>,
    %get3A_2428 = arith.constant 672 : index
    %get3A_2429 = tpu.vector_load %arg10[%get3A_2428] {strides = array<i32>} : memref<1024xi32, #tpu.memory_space<vmem>>, vector<16xi32>,
    %add3A_2430 = arith.constant 5376 : i32
    %add3A_2431 = vector.broadcast %add3A_2430 : i32 to vector<16xi32>
    %add3A_2432 = arith.addi %mul3A_327, %add3A_2431 : vector<16xi32>
    %add3A_2433 = arith.constant 0 : i32
    %add3A_2434 = vector.broadcast %add3A_2433 : i32 to vector<16xi32>
    %add3A_2435 = arith.addi %get3A_2429, %add3A_2434 : vector<16xi32>
    tpu.vector_store_idx %arg11[%add3A_2432], %add3A_2435 : memref<8192xi32, #tpu.memory_space<vmem>>[vector<16xi32>], vector<16xi32>,
    %add3A_2436 = arith.constant 5377 : i32
    %add3A_2437 = vector.broadcast %add3A_2436 : i32 to vector<16xi32>
    %add3A_2438 = arith.addi %mul3A_327, %add3A_2437 : vector<16xi32>
    %add3A_2439 = arith.constant 100000 : i32
    %add3A_2440 = vector.broadcast %add3A_2439 : i32 to vector<16xi32>
    %add3A_2441 = arith.addi %get3A_2429, %add3A_2440 : vector<16xi32>
    tpu.vector_store_idx %arg11[%add3A_2438], %add3A_2441 : memref<8192xi32, #tpu.memory_space<vmem>>[vector<16xi32>], vector<16xi32>,
    %add3A_2442 = arith.constant 5378 : i32
    %add3A_2443 = vector.broadcast %add3A_2442 : i32 to vector<16xi32>
    %add3A_2444 = arith.addi %mul3A_327, %add3A_2443 : vector<16xi32>
    %add3A_2445 = arith.constant 200000 : i32
    %add3A_2446 = vector.broadcast %add3A_2445 : i32 to vector<16xi32>
    %add3A_2447 = arith.addi %get3A_2429, %add3A_2446 : vector<16xi32>
    tpu.vector_store_idx %arg11[%add3A_2444], %add3A_2447 : memref<8192xi32, #tpu.memory_space<vmem>>[vector<16xi32>], vector<16xi32>,
    %add3A_2448 = arith.constant 5379 : i32
    %add3A_2449 = vector.broadcast %add3A_2448 : i32 to vector<16xi32>
    %add3A_2450 = arith.addi %mul3A_327, %add3A_2449 : vector<16xi32>
    %add3A_2451 = arith.constant 300000 : i32
    %add3A_2452 = vector.broadcast %add3A_2451 : i32 to vector<16xi32>
    %add3A_2453 = arith.addi %get3A_2429, %add3A_2452 : vector<16xi32>
    tpu.vector_store_idx %arg11[%add3A_2450], %add3A_2453 : memref<8192xi32, #tpu.memory_space<vmem>>[vector<16xi32>], vector<16xi32>,
    %add3A_2454 = arith.constant 5380 : i32
    %add3A_2455 = vector.broadcast %add3A_2454 : i32 to vector<16xi32>
    %add3A_2456 = arith.addi %mul3A_327, %add3A_2455 : vector<16xi32>
    %add3A_2457 = arith.constant 400000 : i32
    %add3A_2458 = vector.broadcast %add3A_2457 : i32 to vector<16xi32>
    %add3A_2459 = arith.addi %get3A_2429, %add3A_2458 : vector<16xi32>
    tpu.vector_store_idx %arg11[%add3A_2456], %add3A_2459 : memref<8192xi32, #tpu.memory_space<vmem>>[vector<16xi32>], vector<16xi32>,
    %add3A_2460 = arith.constant 5381 : i32
    %add3A_2461 = vector.broadcast %add3A_2460 : i32 to vector<16xi32>
    %add3A_2462 = arith.addi %mul3A_327, %add3A_2461 : vector<16xi32>
    %add3A_2463 = arith.constant 500000 : i32
    %add3A_2464 = vector.broadcast %add3A_2463 : i32 to vector<16xi32>
    %add3A_2465 = arith.addi %get3A_2429, %add3A_2464 : vector<16xi32>
    tpu.vector_store_idx %arg11[%add3A_2462], %add3A_2465 : memref<8192xi32, #tpu.memory_space<vmem>>[vector<16xi32>], vector<16xi32>,
    %add3A_2466 = arith.constant 5382 : i32
    %add3A_2467 = vector.broadcast %add3A_2466 : i32 to vector<16xi32>
    %add3A_2468 = arith.addi %mul3A_327, %add3A_2467 : vector<16xi32>
    %add3A_2469 = arith.constant 600000 : i32
    %add3A_2470 = vector.broadcast %add3A_2469 : i32 to vector<16xi32>
    %add3A_2471 = arith.addi %get3A_2429, %add3A_2470 : vector<16xi32>
    tpu.vector_store_idx %arg11[%add3A_2468], %add3A_2471 : memref<8192xi32, #tpu.memory_space<vmem>>[vector<16xi32>], vector<16xi32>,
    %add3A_2472 = arith.constant 5383 : i32
    %add3A_2473 = vector.broadcast %add3A_2472 : i32 to vector<16xi32>
    %add3A_2474 = arith.addi %mul3A_327, %add3A_2473 : vector<16xi32>
    %add3A_2475 = arith.constant 700000 : i32
    %add3A_2476 = vector.broadcast %add3A_2475 : i32 to vector<16xi32>
    %add3A_2477 = arith.addi %get3A_2429, %add3A_2476 : vector<16xi32>
    tpu.vector_store_idx %arg11[%add3A_2474], %add3A_2477 : memref<8192xi32, #tpu.memory_space<vmem>>[vector<16xi32>], vector<16xi32>,
    %get3A_2478 = arith.constant 688 : index
    %get3A_2479 = tpu.vector_load %arg10[%get3A_2478] {strides = array<i32>} : memref<1024xi32, #tpu.memory_space<vmem>>, vector<16xi32>,
    %add3A_2480 = arith.constant 5504 : i32
    %add3A_2481 = vector.broadcast %add3A_2480 : i32 to vector<16xi32>
    %add3A_2482 = arith.addi %mul3A_327, %add3A_2481 : vector<16xi32>
    %add3A_2483 = arith.constant 0 : i32
    %add3A_2484 = vector.broadcast %add3A_2483 : i32 to vector<16xi32>
    %add3A_2485 = arith.addi %get3A_2479, %add3A_2484 : vector<16xi32>
    tpu.vector_store_idx %arg11[%add3A_2482], %add3A_2485 : memref<8192xi32, #tpu.memory_space<vmem>>[vector<16xi32>], vector<16xi32>,
    %add3A_2486 = arith.constant 5505 : i32
    %add3A_2487 = vector.broadcast %add3A_2486 : i32 to vector<16xi32>
    %add3A_2488 = arith.addi %mul3A_327, %add3A_2487 : vector<16xi32>
    %add3A_2489 = arith.constant 100000 : i32
    %add3A_2490 = vector.broadcast %add3A_2489 : i32 to vector<16xi32>
    %add3A_2491 = arith.addi %get3A_2479, %add3A_2490 : vector<16xi32>
    tpu.vector_store_idx %arg11[%add3A_2488], %add3A_2491 : memref<8192xi32, #tpu.memory_space<vmem>>[vector<16xi32>], vector<16xi32>,
    %add3A_2492 = arith.constant 5506 : i32
    %add3A_2493 = vector.broadcast %add3A_2492 : i32 to vector<16xi32>
    %add3A_2494 = arith.addi %mul3A_327, %add3A_2493 : vector<16xi32>
    %add3A_2495 = arith.constant 200000 : i32
    %add3A_2496 = vector.broadcast %add3A_2495 : i32 to vector<16xi32>
    %add3A_2497 = arith.addi %get3A_2479, %add3A_2496 : vector<16xi32>
    tpu.vector_store_idx %arg11[%add3A_2494], %add3A_2497 : memref<8192xi32, #tpu.memory_space<vmem>>[vector<16xi32>], vector<16xi32>,
    %add3A_2498 = arith.constant 5507 : i32
    %add3A_2499 = vector.broadcast %add3A_2498 : i32 to vector<16xi32>
    %add3A_2500 = arith.addi %mul3A_327, %add3A_2499 : vector<16xi32>
    %add3A_2501 = arith.constant 300000 : i32
    %add3A_2502 = vector.broadcast %add3A_2501 : i32 to vector<16xi32>
    %add3A_2503 = arith.addi %get3A_2479, %add3A_2502 : vector<16xi32>
    tpu.vector_store_idx %arg11[%add3A_2500], %add3A_2503 : memref<8192xi32, #tpu.memory_space<vmem>>[vector<16xi32>], vector<16xi32>,
    %add3A_2504 = arith.constant 5508 : i32
    %add3A_2505 = vector.broadcast %add3A_2504 : i32 to vector<16xi32>
    %add3A_2506 = arith.addi %mul3A_327, %add3A_2505 : vector<16xi32>
    %add3A_2507 = arith.constant 400000 : i32
    %add3A_2508 = vector.broadcast %add3A_2507 : i32 to vector<16xi32>
    %add3A_2509 = arith.addi %get3A_2479, %add3A_2508 : vector<16xi32>
    tpu.vector_store_idx %arg11[%add3A_2506], %add3A_2509 : memref<8192xi32, #tpu.memory_space<vmem>>[vector<16xi32>], vector<16xi32>,
    %add3A_2510 = arith.constant 5509 : i32
    %add3A_2511 = vector.broadcast %add3A_2510 : i32 to vector<16xi32>
    %add3A_2512 = arith.addi %mul3A_327, %add3A_2511 : vector<16xi32>
    %add3A_2513 = arith.constant 500000 : i32
    %add3A_2514 = vector.broadcast %add3A_2513 : i32 to vector<16xi32>
    %add3A_2515 = arith.addi %get3A_2479, %add3A_2514 : vector<16xi32>
    tpu.vector_store_idx %arg11[%add3A_2512], %add3A_2515 : memref<8192xi32, #tpu.memory_space<vmem>>[vector<16xi32>], vector<16xi32>,
    %add3A_2516 = arith.constant 5510 : i32
    %add3A_2517 = vector.broadcast %add3A_2516 : i32 to vector<16xi32>
    %add3A_2518 = arith.addi %mul3A_327, %add3A_2517 : vector<16xi32>
    %add3A_2519 = arith.constant 600000 : i32
    %add3A_2520 = vector.broadcast %add3A_2519 : i32 to vector<16xi32>
    %add3A_2521 = arith.addi %get3A_2479, %add3A_2520 : vector<16xi32>
    tpu.vector_store_idx %arg11[%add3A_2518], %add3A_2521 : memref<8192xi32, #tpu.memory_space<vmem>>[vector<16xi32>], vector<16xi32>,
    %add3A_2522 = arith.constant 5511 : i32
    %add3A_2523 = vector.broadcast %add3A_2522 : i32 to vector<16xi32>
    %add3A_2524 = arith.addi %mul3A_327, %add3A_2523 : vector<16xi32>
    %add3A_2525 = arith.constant 700000 : i32
    %add3A_2526 = vector.broadcast %add3A_2525 : i32 to vector<16xi32>
    %add3A_2527 = arith.addi %get3A_2479, %add3A_2526 : vector<16xi32>
    tpu.vector_store_idx %arg11[%add3A_2524], %add3A_2527 : memref<8192xi32, #tpu.memory_space<vmem>>[vector<16xi32>], vector<16xi32>,
    %get3A_2528 = arith.constant 704 : index
    %get3A_2529 = tpu.vector_load %arg10[%get3A_2528] {strides = array<i32>} : memref<1024xi32, #tpu.memory_space<vmem>>, vector<16xi32>,
    %add3A_2530 = arith.constant 5632 : i32
    %add3A_2531 = vector.broadcast %add3A_2530 : i32 to vector<16xi32>
    %add3A_2532 = arith.addi %mul3A_327, %add3A_2531 : vector<16xi32>
    %add3A_2533 = arith.constant 0 : i32
    %add3A_2534 = vector.broadcast %add3A_2533 : i32 to vector<16xi32>
    %add3A_2535 = arith.addi %get3A_2529, %add3A_2534 : vector<16xi32>
    tpu.vector_store_idx %arg11[%add3A_2532], %add3A_2535 : memref<8192xi32, #tpu.memory_space<vmem>>[vector<16xi32>], vector<16xi32>,
    %add3A_2536 = arith.constant 5633 : i32
    %add3A_2537 = vector.broadcast %add3A_2536 : i32 to vector<16xi32>
    %add3A_2538 = arith.addi %mul3A_327, %add3A_2537 : vector<16xi32>
    %add3A_2539 = arith.constant 100000 : i32
    %add3A_2540 = vector.broadcast %add3A_2539 : i32 to vector<16xi32>
    %add3A_2541 = arith.addi %get3A_2529, %add3A_2540 : vector<16xi32>
    tpu.vector_store_idx %arg11[%add3A_2538], %add3A_2541 : memref<8192xi32, #tpu.memory_space<vmem>>[vector<16xi32>], vector<16xi32>,
    %add3A_2542 = arith.constant 5634 : i32
    %add3A_2543 = vector.broadcast %add3A_2542 : i32 to vector<16xi32>
    %add3A_2544 = arith.addi %mul3A_327, %add3A_2543 : vector<16xi32>
    %add3A_2545 = arith.constant 200000 : i32
    %add3A_2546 = vector.broadcast %add3A_2545 : i32 to vector<16xi32>
    %add3A_2547 = arith.addi %get3A_2529, %add3A_2546 : vector<16xi32>
    tpu.vector_store_idx %arg11[%add3A_2544], %add3A_2547 : memref<8192xi32, #tpu.memory_space<vmem>>[vector<16xi32>], vector<16xi32>,
    %add3A_2548 = arith.constant 5635 : i32
    %add3A_2549 = vector.broadcast %add3A_2548 : i32 to vector<16xi32>
    %add3A_2550 = arith.addi %mul3A_327, %add3A_2549 : vector<16xi32>
    %add3A_2551 = arith.constant 300000 : i32
    %add3A_2552 = vector.broadcast %add3A_2551 : i32 to vector<16xi32>
    %add3A_2553 = arith.addi %get3A_2529, %add3A_2552 : vector<16xi32>
    tpu.vector_store_idx %arg11[%add3A_2550], %add3A_2553 : memref<8192xi32, #tpu.memory_space<vmem>>[vector<16xi32>], vector<16xi32>,
    %add3A_2554 = arith.constant 5636 : i32
    %add3A_2555 = vector.broadcast %add3A_2554 : i32 to vector<16xi32>
    %add3A_2556 = arith.addi %mul3A_327, %add3A_2555 : vector<16xi32>
    %add3A_2557 = arith.constant 400000 : i32
    %add3A_2558 = vector.broadcast %add3A_2557 : i32 to vector<16xi32>
    %add3A_2559 = arith.addi %get3A_2529, %add3A_2558 : vector<16xi32>
    tpu.vector_store_idx %arg11[%add3A_2556], %add3A_2559 : memref<8192xi32, #tpu.memory_space<vmem>>[vector<16xi32>], vector<16xi32>,
    %add3A_2560 = arith.constant 5637 : i32
    %add3A_2561 = vector.broadcast %add3A_2560 : i32 to vector<16xi32>
    %add3A_2562 = arith.addi %mul3A_327, %add3A_2561 : vector<16xi32>
    %add3A_2563 = arith.constant 500000 : i32
    %add3A_2564 = vector.broadcast %add3A_2563 : i32 to vector<16xi32>
    %add3A_2565 = arith.addi %get3A_2529, %add3A_2564 : vector<16xi32>
    tpu.vector_store_idx %arg11[%add3A_2562], %add3A_2565 : memref<8192xi32, #tpu.memory_space<vmem>>[vector<16xi32>], vector<16xi32>,
    %add3A_2566 = arith.constant 5638 : i32
    %add3A_2567 = vector.broadcast %add3A_2566 : i32 to vector<16xi32>
    %add3A_2568 = arith.addi %mul3A_327, %add3A_2567 : vector<16xi32>
    %add3A_2569 = arith.constant 600000 : i32
    %add3A_2570 = vector.broadcast %add3A_2569 : i32 to vector<16xi32>
    %add3A_2571 = arith.addi %get3A_2529, %add3A_2570 : vector<16xi32>
    tpu.vector_store_idx %arg11[%add3A_2568], %add3A_2571 : memref<8192xi32, #tpu.memory_space<vmem>>[vector<16xi32>], vector<16xi32>,
    %add3A_2572 = arith.constant 5639 : i32
    %add3A_2573 = vector.broadcast %add3A_2572 : i32 to vector<16xi32>
    %add3A_2574 = arith.addi %mul3A_327, %add3A_2573 : vector<16xi32>
    %add3A_2575 = arith.constant 700000 : i32
    %add3A_2576 = vector.broadcast %add3A_2575 : i32 to vector<16xi32>
    %add3A_2577 = arith.addi %get3A_2529, %add3A_2576 : vector<16xi32>
    tpu.vector_store_idx %arg11[%add3A_2574], %add3A_2577 : memref<8192xi32, #tpu.memory_space<vmem>>[vector<16xi32>], vector<16xi32>,
    %get3A_2578 = arith.constant 720 : index
    %get3A_2579 = tpu.vector_load %arg10[%get3A_2578] {strides = array<i32>} : memref<1024xi32, #tpu.memory_space<vmem>>, vector<16xi32>,
    %add3A_2580 = arith.constant 5760 : i32
    %add3A_2581 = vector.broadcast %add3A_2580 : i32 to vector<16xi32>
    %add3A_2582 = arith.addi %mul3A_327, %add3A_2581 : vector<16xi32>
    %add3A_2583 = arith.constant 0 : i32
    %add3A_2584 = vector.broadcast %add3A_2583 : i32 to vector<16xi32>
    %add3A_2585 = arith.addi %get3A_2579, %add3A_2584 : vector<16xi32>
    tpu.vector_store_idx %arg11[%add3A_2582], %add3A_2585 : memref<8192xi32, #tpu.memory_space<vmem>>[vector<16xi32>], vector<16xi32>,
    %add3A_2586 = arith.constant 5761 : i32
    %add3A_2587 = vector.broadcast %add3A_2586 : i32 to vector<16xi32>
    %add3A_2588 = arith.addi %mul3A_327, %add3A_2587 : vector<16xi32>
    %add3A_2589 = arith.constant 100000 : i32
    %add3A_2590 = vector.broadcast %add3A_2589 : i32 to vector<16xi32>
    %add3A_2591 = arith.addi %get3A_2579, %add3A_2590 : vector<16xi32>
    tpu.vector_store_idx %arg11[%add3A_2588], %add3A_2591 : memref<8192xi32, #tpu.memory_space<vmem>>[vector<16xi32>], vector<16xi32>,
    %add3A_2592 = arith.constant 5762 : i32
    %add3A_2593 = vector.broadcast %add3A_2592 : i32 to vector<16xi32>
    %add3A_2594 = arith.addi %mul3A_327, %add3A_2593 : vector<16xi32>
    %add3A_2595 = arith.constant 200000 : i32
    %add3A_2596 = vector.broadcast %add3A_2595 : i32 to vector<16xi32>
    %add3A_2597 = arith.addi %get3A_2579, %add3A_2596 : vector<16xi32>
    tpu.vector_store_idx %arg11[%add3A_2594], %add3A_2597 : memref<8192xi32, #tpu.memory_space<vmem>>[vector<16xi32>], vector<16xi32>,
    %add3A_2598 = arith.constant 5763 : i32
    %add3A_2599 = vector.broadcast %add3A_2598 : i32 to vector<16xi32>
    %add3A_2600 = arith.addi %mul3A_327, %add3A_2599 : vector<16xi32>
    %add3A_2601 = arith.constant 300000 : i32
    %add3A_2602 = vector.broadcast %add3A_2601 : i32 to vector<16xi32>
    %add3A_2603 = arith.addi %get3A_2579, %add3A_2602 : vector<16xi32>
    tpu.vector_store_idx %arg11[%add3A_2600], %add3A_2603 : memref<8192xi32, #tpu.memory_space<vmem>>[vector<16xi32>], vector<16xi32>,
    %add3A_2604 = arith.constant 5764 : i32
    %add3A_2605 = vector.broadcast %add3A_2604 : i32 to vector<16xi32>
    %add3A_2606 = arith.addi %mul3A_327, %add3A_2605 : vector<16xi32>
    %add3A_2607 = arith.constant 400000 : i32
    %add3A_2608 = vector.broadcast %add3A_2607 : i32 to vector<16xi32>
    %add3A_2609 = arith.addi %get3A_2579, %add3A_2608 : vector<16xi32>
    tpu.vector_store_idx %arg11[%add3A_2606], %add3A_2609 : memref<8192xi32, #tpu.memory_space<vmem>>[vector<16xi32>], vector<16xi32>,
    %add3A_2610 = arith.constant 5765 : i32
    %add3A_2611 = vector.broadcast %add3A_2610 : i32 to vector<16xi32>
    %add3A_2612 = arith.addi %mul3A_327, %add3A_2611 : vector<16xi32>
    %add3A_2613 = arith.constant 500000 : i32
    %add3A_2614 = vector.broadcast %add3A_2613 : i32 to vector<16xi32>
    %add3A_2615 = arith.addi %get3A_2579, %add3A_2614 : vector<16xi32>
    tpu.vector_store_idx %arg11[%add3A_2612], %add3A_2615 : memref<8192xi32, #tpu.memory_space<vmem>>[vector<16xi32>], vector<16xi32>,
    %add3A_2616 = arith.constant 5766 : i32
    %add3A_2617 = vector.broadcast %add3A_2616 : i32 to vector<16xi32>
    %add3A_2618 = arith.addi %mul3A_327, %add3A_2617 : vector<16xi32>
    %add3A_2619 = arith.constant 600000 : i32
    %add3A_2620 = vector.broadcast %add3A_2619 : i32 to vector<16xi32>
    %add3A_2621 = arith.addi %get3A_2579, %add3A_2620 : vector<16xi32>
    tpu.vector_store_idx %arg11[%add3A_2618], %add3A_2621 : memref<8192xi32, #tpu.memory_space<vmem>>[vector<16xi32>], vector<16xi32>,
    %add3A_2622 = arith.constant 5767 : i32
    %add3A_2623 = vector.broadcast %add3A_2622 : i32 to vector<16xi32>
    %add3A_2624 = arith.addi %mul3A_327, %add3A_2623 : vector<16xi32>
    %add3A_2625 = arith.constant 700000 : i32
    %add3A_2626 = vector.broadcast %add3A_2625 : i32 to vector<16xi32>
    %add3A_2627 = arith.addi %get3A_2579, %add3A_2626 : vector<16xi32>
    tpu.vector_store_idx %arg11[%add3A_2624], %add3A_2627 : memref<8192xi32, #tpu.memory_space<vmem>>[vector<16xi32>], vector<16xi32>,
    %get3A_2628 = arith.constant 736 : index
    %get3A_2629 = tpu.vector_load %arg10[%get3A_2628] {strides = array<i32>} : memref<1024xi32, #tpu.memory_space<vmem>>, vector<16xi32>,
    %add3A_2630 = arith.constant 5888 : i32
    %add3A_2631 = vector.broadcast %add3A_2630 : i32 to vector<16xi32>
    %add3A_2632 = arith.addi %mul3A_327, %add3A_2631 : vector<16xi32>
    %add3A_2633 = arith.constant 0 : i32
    %add3A_2634 = vector.broadcast %add3A_2633 : i32 to vector<16xi32>
    %add3A_2635 = arith.addi %get3A_2629, %add3A_2634 : vector<16xi32>
    tpu.vector_store_idx %arg11[%add3A_2632], %add3A_2635 : memref<8192xi32, #tpu.memory_space<vmem>>[vector<16xi32>], vector<16xi32>,
    %add3A_2636 = arith.constant 5889 : i32
    %add3A_2637 = vector.broadcast %add3A_2636 : i32 to vector<16xi32>
    %add3A_2638 = arith.addi %mul3A_327, %add3A_2637 : vector<16xi32>
    %add3A_2639 = arith.constant 100000 : i32
    %add3A_2640 = vector.broadcast %add3A_2639 : i32 to vector<16xi32>
    %add3A_2641 = arith.addi %get3A_2629, %add3A_2640 : vector<16xi32>
    tpu.vector_store_idx %arg11[%add3A_2638], %add3A_2641 : memref<8192xi32, #tpu.memory_space<vmem>>[vector<16xi32>], vector<16xi32>,
    %add3A_2642 = arith.constant 5890 : i32
    %add3A_2643 = vector.broadcast %add3A_2642 : i32 to vector<16xi32>
    %add3A_2644 = arith.addi %mul3A_327, %add3A_2643 : vector<16xi32>
    %add3A_2645 = arith.constant 200000 : i32
    %add3A_2646 = vector.broadcast %add3A_2645 : i32 to vector<16xi32>
    %add3A_2647 = arith.addi %get3A_2629, %add3A_2646 : vector<16xi32>
    tpu.vector_store_idx %arg11[%add3A_2644], %add3A_2647 : memref<8192xi32, #tpu.memory_space<vmem>>[vector<16xi32>], vector<16xi32>,
    %add3A_2648 = arith.constant 5891 : i32
    %add3A_2649 = vector.broadcast %add3A_2648 : i32 to vector<16xi32>
    %add3A_2650 = arith.addi %mul3A_327, %add3A_2649 : vector<16xi32>
    %add3A_2651 = arith.constant 300000 : i32
    %add3A_2652 = vector.broadcast %add3A_2651 : i32 to vector<16xi32>
    %add3A_2653 = arith.addi %get3A_2629, %add3A_2652 : vector<16xi32>
    tpu.vector_store_idx %arg11[%add3A_2650], %add3A_2653 : memref<8192xi32, #tpu.memory_space<vmem>>[vector<16xi32>], vector<16xi32>,
    %add3A_2654 = arith.constant 5892 : i32
    %add3A_2655 = vector.broadcast %add3A_2654 : i32 to vector<16xi32>
    %add3A_2656 = arith.addi %mul3A_327, %add3A_2655 : vector<16xi32>
    %add3A_2657 = arith.constant 400000 : i32
    %add3A_2658 = vector.broadcast %add3A_2657 : i32 to vector<16xi32>
    %add3A_2659 = arith.addi %get3A_2629, %add3A_2658 : vector<16xi32>
    tpu.vector_store_idx %arg11[%add3A_2656], %add3A_2659 : memref<8192xi32, #tpu.memory_space<vmem>>[vector<16xi32>], vector<16xi32>,
    %add3A_2660 = arith.constant 5893 : i32
    %add3A_2661 = vector.broadcast %add3A_2660 : i32 to vector<16xi32>
    %add3A_2662 = arith.addi %mul3A_327, %add3A_2661 : vector<16xi32>
    %add3A_2663 = arith.constant 500000 : i32
    %add3A_2664 = vector.broadcast %add3A_2663 : i32 to vector<16xi32>
    %add3A_2665 = arith.addi %get3A_2629, %add3A_2664 : vector<16xi32>
    tpu.vector_store_idx %arg11[%add3A_2662], %add3A_2665 : memref<8192xi32, #tpu.memory_space<vmem>>[vector<16xi32>], vector<16xi32>,
    %add3A_2666 = arith.constant 5894 : i32
    %add3A_2667 = vector.broadcast %add3A_2666 : i32 to vector<16xi32>
    %add3A_2668 = arith.addi %mul3A_327, %add3A_2667 : vector<16xi32>
    %add3A_2669 = arith.constant 600000 : i32
    %add3A_2670 = vector.broadcast %add3A_2669 : i32 to vector<16xi32>
    %add3A_2671 = arith.addi %get3A_2629, %add3A_2670 : vector<16xi32>
    tpu.vector_store_idx %arg11[%add3A_2668], %add3A_2671 : memref<8192xi32, #tpu.memory_space<vmem>>[vector<16xi32>], vector<16xi32>,
    %add3A_2672 = arith.constant 5895 : i32
    %add3A_2673 = vector.broadcast %add3A_2672 : i32 to vector<16xi32>
    %add3A_2674 = arith.addi %mul3A_327, %add3A_2673 : vector<16xi32>
    %add3A_2675 = arith.constant 700000 : i32
    %add3A_2676 = vector.broadcast %add3A_2675 : i32 to vector<16xi32>
    %add3A_2677 = arith.addi %get3A_2629, %add3A_2676 : vector<16xi32>
    tpu.vector_store_idx %arg11[%add3A_2674], %add3A_2677 : memref<8192xi32, #tpu.memory_space<vmem>>[vector<16xi32>], vector<16xi32>,
    %get3A_2678 = arith.constant 752 : index
    %get3A_2679 = tpu.vector_load %arg10[%get3A_2678] {strides = array<i32>} : memref<1024xi32, #tpu.memory_space<vmem>>, vector<16xi32>,
    %add3A_2680 = arith.constant 6016 : i32
    %add3A_2681 = vector.broadcast %add3A_2680 : i32 to vector<16xi32>
    %add3A_2682 = arith.addi %mul3A_327, %add3A_2681 : vector<16xi32>
    %add3A_2683 = arith.constant 0 : i32
    %add3A_2684 = vector.broadcast %add3A_2683 : i32 to vector<16xi32>
    %add3A_2685 = arith.addi %get3A_2679, %add3A_2684 : vector<16xi32>
    tpu.vector_store_idx %arg11[%add3A_2682], %add3A_2685 : memref<8192xi32, #tpu.memory_space<vmem>>[vector<16xi32>], vector<16xi32>,
    %add3A_2686 = arith.constant 6017 : i32
    %add3A_2687 = vector.broadcast %add3A_2686 : i32 to vector<16xi32>
    %add3A_2688 = arith.addi %mul3A_327, %add3A_2687 : vector<16xi32>
    %add3A_2689 = arith.constant 100000 : i32
    %add3A_2690 = vector.broadcast %add3A_2689 : i32 to vector<16xi32>
    %add3A_2691 = arith.addi %get3A_2679, %add3A_2690 : vector<16xi32>
    tpu.vector_store_idx %arg11[%add3A_2688], %add3A_2691 : memref<8192xi32, #tpu.memory_space<vmem>>[vector<16xi32>], vector<16xi32>,
    %add3A_2692 = arith.constant 6018 : i32
    %add3A_2693 = vector.broadcast %add3A_2692 : i32 to vector<16xi32>
    %add3A_2694 = arith.addi %mul3A_327, %add3A_2693 : vector<16xi32>
    %add3A_2695 = arith.constant 200000 : i32
    %add3A_2696 = vector.broadcast %add3A_2695 : i32 to vector<16xi32>
    %add3A_2697 = arith.addi %get3A_2679, %add3A_2696 : vector<16xi32>
    tpu.vector_store_idx %arg11[%add3A_2694], %add3A_2697 : memref<8192xi32, #tpu.memory_space<vmem>>[vector<16xi32>], vector<16xi32>,
    %add3A_2698 = arith.constant 6019 : i32
    %add3A_2699 = vector.broadcast %add3A_2698 : i32 to vector<16xi32>
    %add3A_2700 = arith.addi %mul3A_327, %add3A_2699 : vector<16xi32>
    %add3A_2701 = arith.constant 300000 : i32
    %add3A_2702 = vector.broadcast %add3A_2701 : i32 to vector<16xi32>
    %add3A_2703 = arith.addi %get3A_2679, %add3A_2702 : vector<16xi32>
    tpu.vector_store_idx %arg11[%add3A_2700], %add3A_2703 : memref<8192xi32, #tpu.memory_space<vmem>>[vector<16xi32>], vector<16xi32>,
    %add3A_2704 = arith.constant 6020 : i32
    %add3A_2705 = vector.broadcast %add3A_2704 : i32 to vector<16xi32>
    %add3A_2706 = arith.addi %mul3A_327, %add3A_2705 : vector<16xi32>
    %add3A_2707 = arith.constant 400000 : i32
    %add3A_2708 = vector.broadcast %add3A_2707 : i32 to vector<16xi32>
    %add3A_2709 = arith.addi %get3A_2679, %add3A_2708 : vector<16xi32>
    tpu.vector_store_idx %arg11[%add3A_2706], %add3A_2709 : memref<8192xi32, #tpu.memory_space<vmem>>[vector<16xi32>], vector<16xi32>,
    %add3A_2710 = arith.constant 6021 : i32
    %add3A_2711 = vector.broadcast %add3A_2710 : i32 to vector<16xi32>
    %add3A_2712 = arith.addi %mul3A_327, %add3A_2711 : vector<16xi32>
    %add3A_2713 = arith.constant 500000 : i32
    %add3A_2714 = vector.broadcast %add3A_2713 : i32 to vector<16xi32>
    %add3A_2715 = arith.addi %get3A_2679, %add3A_2714 : vector<16xi32>
    tpu.vector_store_idx %arg11[%add3A_2712], %add3A_2715 : memref<8192xi32, #tpu.memory_space<vmem>>[vector<16xi32>], vector<16xi32>,
    %add3A_2716 = arith.constant 6022 : i32
    %add3A_2717 = vector.broadcast %add3A_2716 : i32 to vector<16xi32>
    %add3A_2718 = arith.addi %mul3A_327, %add3A_2717 : vector<16xi32>
    %add3A_2719 = arith.constant 600000 : i32
    %add3A_2720 = vector.broadcast %add3A_2719 : i32 to vector<16xi32>
    %add3A_2721 = arith.addi %get3A_2679, %add3A_2720 : vector<16xi32>
    tpu.vector_store_idx %arg11[%add3A_2718], %add3A_2721 : memref<8192xi32, #tpu.memory_space<vmem>>[vector<16xi32>], vector<16xi32>,
    %add3A_2722 = arith.constant 6023 : i32
    %add3A_2723 = vector.broadcast %add3A_2722 : i32 to vector<16xi32>
    %add3A_2724 = arith.addi %mul3A_327, %add3A_2723 : vector<16xi32>
    %add3A_2725 = arith.constant 700000 : i32
    %add3A_2726 = vector.broadcast %add3A_2725 : i32 to vector<16xi32>
    %add3A_2727 = arith.addi %get3A_2679, %add3A_2726 : vector<16xi32>
    tpu.vector_store_idx %arg11[%add3A_2724], %add3A_2727 : memref<8192xi32, #tpu.memory_space<vmem>>[vector<16xi32>], vector<16xi32>,
    %get3A_2728 = arith.constant 768 : index
    %get3A_2729 = tpu.vector_load %arg10[%get3A_2728] {strides = array<i32>} : memref<1024xi32, #tpu.memory_space<vmem>>, vector<16xi32>,
    %add3A_2730 = arith.constant 6144 : i32
    %add3A_2731 = vector.broadcast %add3A_2730 : i32 to vector<16xi32>
    %add3A_2732 = arith.addi %mul3A_327, %add3A_2731 : vector<16xi32>
    %add3A_2733 = arith.constant 0 : i32
    %add3A_2734 = vector.broadcast %add3A_2733 : i32 to vector<16xi32>
    %add3A_2735 = arith.addi %get3A_2729, %add3A_2734 : vector<16xi32>
    tpu.vector_store_idx %arg11[%add3A_2732], %add3A_2735 : memref<8192xi32, #tpu.memory_space<vmem>>[vector<16xi32>], vector<16xi32>,
    %add3A_2736 = arith.constant 6145 : i32
    %add3A_2737 = vector.broadcast %add3A_2736 : i32 to vector<16xi32>
    %add3A_2738 = arith.addi %mul3A_327, %add3A_2737 : vector<16xi32>
    %add3A_2739 = arith.constant 100000 : i32
    %add3A_2740 = vector.broadcast %add3A_2739 : i32 to vector<16xi32>
    %add3A_2741 = arith.addi %get3A_2729, %add3A_2740 : vector<16xi32>
    tpu.vector_store_idx %arg11[%add3A_2738], %add3A_2741 : memref<8192xi32, #tpu.memory_space<vmem>>[vector<16xi32>], vector<16xi32>,
    %add3A_2742 = arith.constant 6146 : i32
    %add3A_2743 = vector.broadcast %add3A_2742 : i32 to vector<16xi32>
    %add3A_2744 = arith.addi %mul3A_327, %add3A_2743 : vector<16xi32>
    %add3A_2745 = arith.constant 200000 : i32
    %add3A_2746 = vector.broadcast %add3A_2745 : i32 to vector<16xi32>
    %add3A_2747 = arith.addi %get3A_2729, %add3A_2746 : vector<16xi32>
    tpu.vector_store_idx %arg11[%add3A_2744], %add3A_2747 : memref<8192xi32, #tpu.memory_space<vmem>>[vector<16xi32>], vector<16xi32>,
    %add3A_2748 = arith.constant 6147 : i32
    %add3A_2749 = vector.broadcast %add3A_2748 : i32 to vector<16xi32>
    %add3A_2750 = arith.addi %mul3A_327, %add3A_2749 : vector<16xi32>
    %add3A_2751 = arith.constant 300000 : i32
    %add3A_2752 = vector.broadcast %add3A_2751 : i32 to vector<16xi32>
    %add3A_2753 = arith.addi %get3A_2729, %add3A_2752 : vector<16xi32>
    tpu.vector_store_idx %arg11[%add3A_2750], %add3A_2753 : memref<8192xi32, #tpu.memory_space<vmem>>[vector<16xi32>], vector<16xi32>,
    %add3A_2754 = arith.constant 6148 : i32
    %add3A_2755 = vector.broadcast %add3A_2754 : i32 to vector<16xi32>
    %add3A_2756 = arith.addi %mul3A_327, %add3A_2755 : vector<16xi32>
    %add3A_2757 = arith.constant 400000 : i32
    %add3A_2758 = vector.broadcast %add3A_2757 : i32 to vector<16xi32>
    %add3A_2759 = arith.addi %get3A_2729, %add3A_2758 : vector<16xi32>
    tpu.vector_store_idx %arg11[%add3A_2756], %add3A_2759 : memref<8192xi32, #tpu.memory_space<vmem>>[vector<16xi32>], vector<16xi32>,
    %add3A_2760 = arith.constant 6149 : i32
    %add3A_2761 = vector.broadcast %add3A_2760 : i32 to vector<16xi32>
    %add3A_2762 = arith.addi %mul3A_327, %add3A_2761 : vector<16xi32>
    %add3A_2763 = arith.constant 500000 : i32
    %add3A_2764 = vector.broadcast %add3A_2763 : i32 to vector<16xi32>
    %add3A_2765 = arith.addi %get3A_2729, %add3A_2764 : vector<16xi32>
    tpu.vector_store_idx %arg11[%add3A_2762], %add3A_2765 : memref<8192xi32, #tpu.memory_space<vmem>>[vector<16xi32>], vector<16xi32>,
    %add3A_2766 = arith.constant 6150 : i32
    %add3A_2767 = vector.broadcast %add3A_2766 : i32 to vector<16xi32>
    %add3A_2768 = arith.addi %mul3A_327, %add3A_2767 : vector<16xi32>
    %add3A_2769 = arith.constant 600000 : i32
    %add3A_2770 = vector.broadcast %add3A_2769 : i32 to vector<16xi32>
    %add3A_2771 = arith.addi %get3A_2729, %add3A_2770 : vector<16xi32>
    tpu.vector_store_idx %arg11[%add3A_2768], %add3A_2771 : memref<8192xi32, #tpu.memory_space<vmem>>[vector<16xi32>], vector<16xi32>,
    %add3A_2772 = arith.constant 6151 : i32
    %add3A_2773 = vector.broadcast %add3A_2772 : i32 to vector<16xi32>
    %add3A_2774 = arith.addi %mul3A_327, %add3A_2773 : vector<16xi32>
    %add3A_2775 = arith.constant 700000 : i32
    %add3A_2776 = vector.broadcast %add3A_2775 : i32 to vector<16xi32>
    %add3A_2777 = arith.addi %get3A_2729, %add3A_2776 : vector<16xi32>
    tpu.vector_store_idx %arg11[%add3A_2774], %add3A_2777 : memref<8192xi32, #tpu.memory_space<vmem>>[vector<16xi32>], vector<16xi32>,
    %get3A_2778 = arith.constant 784 : index
    %get3A_2779 = tpu.vector_load %arg10[%get3A_2778] {strides = array<i32>} : memref<1024xi32, #tpu.memory_space<vmem>>, vector<16xi32>,
    %add3A_2780 = arith.constant 6272 : i32
    %add3A_2781 = vector.broadcast %add3A_2780 : i32 to vector<16xi32>
    %add3A_2782 = arith.addi %mul3A_327, %add3A_2781 : vector<16xi32>
    %add3A_2783 = arith.constant 0 : i32
    %add3A_2784 = vector.broadcast %add3A_2783 : i32 to vector<16xi32>
    %add3A_2785 = arith.addi %get3A_2779, %add3A_2784 : vector<16xi32>
    tpu.vector_store_idx %arg11[%add3A_2782], %add3A_2785 : memref<8192xi32, #tpu.memory_space<vmem>>[vector<16xi32>], vector<16xi32>,
    %add3A_2786 = arith.constant 6273 : i32
    %add3A_2787 = vector.broadcast %add3A_2786 : i32 to vector<16xi32>
    %add3A_2788 = arith.addi %mul3A_327, %add3A_2787 : vector<16xi32>
    %add3A_2789 = arith.constant 100000 : i32
    %add3A_2790 = vector.broadcast %add3A_2789 : i32 to vector<16xi32>
    %add3A_2791 = arith.addi %get3A_2779, %add3A_2790 : vector<16xi32>
    tpu.vector_store_idx %arg11[%add3A_2788], %add3A_2791 : memref<8192xi32, #tpu.memory_space<vmem>>[vector<16xi32>], vector<16xi32>,
    %add3A_2792 = arith.constant 6274 : i32
    %add3A_2793 = vector.broadcast %add3A_2792 : i32 to vector<16xi32>
    %add3A_2794 = arith.addi %mul3A_327, %add3A_2793 : vector<16xi32>
    %add3A_2795 = arith.constant 200000 : i32
    %add3A_2796 = vector.broadcast %add3A_2795 : i32 to vector<16xi32>
    %add3A_2797 = arith.addi %get3A_2779, %add3A_2796 : vector<16xi32>
    tpu.vector_store_idx %arg11[%add3A_2794], %add3A_2797 : memref<8192xi32, #tpu.memory_space<vmem>>[vector<16xi32>], vector<16xi32>,
    %add3A_2798 = arith.constant 6275 : i32
    %add3A_2799 = vector.broadcast %add3A_2798 : i32 to vector<16xi32>
    %add3A_2800 = arith.addi %mul3A_327, %add3A_2799 : vector<16xi32>
    %add3A_2801 = arith.constant 300000 : i32
    %add3A_2802 = vector.broadcast %add3A_2801 : i32 to vector<16xi32>
    %add3A_2803 = arith.addi %get3A_2779, %add3A_2802 : vector<16xi32>
    tpu.vector_store_idx %arg11[%add3A_2800], %add3A_2803 : memref<8192xi32, #tpu.memory_space<vmem>>[vector<16xi32>], vector<16xi32>,
    %add3A_2804 = arith.constant 6276 : i32
    %add3A_2805 = vector.broadcast %add3A_2804 : i32 to vector<16xi32>
    %add3A_2806 = arith.addi %mul3A_327, %add3A_2805 : vector<16xi32>
    %add3A_2807 = arith.constant 400000 : i32
    %add3A_2808 = vector.broadcast %add3A_2807 : i32 to vector<16xi32>
    %add3A_2809 = arith.addi %get3A_2779, %add3A_2808 : vector<16xi32>
    tpu.vector_store_idx %arg11[%add3A_2806], %add3A_2809 : memref<8192xi32, #tpu.memory_space<vmem>>[vector<16xi32>], vector<16xi32>,
    %add3A_2810 = arith.constant 6277 : i32
    %add3A_2811 = vector.broadcast %add3A_2810 : i32 to vector<16xi32>
    %add3A_2812 = arith.addi %mul3A_327, %add3A_2811 : vector<16xi32>
    %add3A_2813 = arith.constant 500000 : i32
    %add3A_2814 = vector.broadcast %add3A_2813 : i32 to vector<16xi32>
    %add3A_2815 = arith.addi %get3A_2779, %add3A_2814 : vector<16xi32>
    tpu.vector_store_idx %arg11[%add3A_2812], %add3A_2815 : memref<8192xi32, #tpu.memory_space<vmem>>[vector<16xi32>], vector<16xi32>,
    %add3A_2816 = arith.constant 6278 : i32
    %add3A_2817 = vector.broadcast %add3A_2816 : i32 to vector<16xi32>
    %add3A_2818 = arith.addi %mul3A_327, %add3A_2817 : vector<16xi32>
    %add3A_2819 = arith.constant 600000 : i32
    %add3A_2820 = vector.broadcast %add3A_2819 : i32 to vector<16xi32>
    %add3A_2821 = arith.addi %get3A_2779, %add3A_2820 : vector<16xi32>
    tpu.vector_store_idx %arg11[%add3A_2818], %add3A_2821 : memref<8192xi32, #tpu.memory_space<vmem>>[vector<16xi32>], vector<16xi32>,
    %add3A_2822 = arith.constant 6279 : i32
    %add3A_2823 = vector.broadcast %add3A_2822 : i32 to vector<16xi32>
    %add3A_2824 = arith.addi %mul3A_327, %add3A_2823 : vector<16xi32>
    %add3A_2825 = arith.constant 700000 : i32
    %add3A_2826 = vector.broadcast %add3A_2825 : i32 to vector<16xi32>
    %add3A_2827 = arith.addi %get3A_2779, %add3A_2826 : vector<16xi32>
    tpu.vector_store_idx %arg11[%add3A_2824], %add3A_2827 : memref<8192xi32, #tpu.memory_space<vmem>>[vector<16xi32>], vector<16xi32>,
    %get3A_2828 = arith.constant 800 : index
    %get3A_2829 = tpu.vector_load %arg10[%get3A_2828] {strides = array<i32>} : memref<1024xi32, #tpu.memory_space<vmem>>, vector<16xi32>,
    %add3A_2830 = arith.constant 6400 : i32
    %add3A_2831 = vector.broadcast %add3A_2830 : i32 to vector<16xi32>
    %add3A_2832 = arith.addi %mul3A_327, %add3A_2831 : vector<16xi32>
    %add3A_2833 = arith.constant 0 : i32
    %add3A_2834 = vector.broadcast %add3A_2833 : i32 to vector<16xi32>
    %add3A_2835 = arith.addi %get3A_2829, %add3A_2834 : vector<16xi32>
    tpu.vector_store_idx %arg11[%add3A_2832], %add3A_2835 : memref<8192xi32, #tpu.memory_space<vmem>>[vector<16xi32>], vector<16xi32>,
    %add3A_2836 = arith.constant 6401 : i32
    %add3A_2837 = vector.broadcast %add3A_2836 : i32 to vector<16xi32>
    %add3A_2838 = arith.addi %mul3A_327, %add3A_2837 : vector<16xi32>
    %add3A_2839 = arith.constant 100000 : i32
    %add3A_2840 = vector.broadcast %add3A_2839 : i32 to vector<16xi32>
    %add3A_2841 = arith.addi %get3A_2829, %add3A_2840 : vector<16xi32>
    tpu.vector_store_idx %arg11[%add3A_2838], %add3A_2841 : memref<8192xi32, #tpu.memory_space<vmem>>[vector<16xi32>], vector<16xi32>,
    %add3A_2842 = arith.constant 6402 : i32
    %add3A_2843 = vector.broadcast %add3A_2842 : i32 to vector<16xi32>
    %add3A_2844 = arith.addi %mul3A_327, %add3A_2843 : vector<16xi32>
    %add3A_2845 = arith.constant 200000 : i32
    %add3A_2846 = vector.broadcast %add3A_2845 : i32 to vector<16xi32>
    %add3A_2847 = arith.addi %get3A_2829, %add3A_2846 : vector<16xi32>
    tpu.vector_store_idx %arg11[%add3A_2844], %add3A_2847 : memref<8192xi32, #tpu.memory_space<vmem>>[vector<16xi32>], vector<16xi32>,
    %add3A_2848 = arith.constant 6403 : i32
    %add3A_2849 = vector.broadcast %add3A_2848 : i32 to vector<16xi32>
    %add3A_2850 = arith.addi %mul3A_327, %add3A_2849 : vector<16xi32>
    %add3A_2851 = arith.constant 300000 : i32
    %add3A_2852 = vector.broadcast %add3A_2851 : i32 to vector<16xi32>
    %add3A_2853 = arith.addi %get3A_2829, %add3A_2852 : vector<16xi32>
    tpu.vector_store_idx %arg11[%add3A_2850], %add3A_2853 : memref<8192xi32, #tpu.memory_space<vmem>>[vector<16xi32>], vector<16xi32>,
    %add3A_2854 = arith.constant 6404 : i32
    %add3A_2855 = vector.broadcast %add3A_2854 : i32 to vector<16xi32>
    %add3A_2856 = arith.addi %mul3A_327, %add3A_2855 : vector<16xi32>
    %add3A_2857 = arith.constant 400000 : i32
    %add3A_2858 = vector.broadcast %add3A_2857 : i32 to vector<16xi32>
    %add3A_2859 = arith.addi %get3A_2829, %add3A_2858 : vector<16xi32>
    tpu.vector_store_idx %arg11[%add3A_2856], %add3A_2859 : memref<8192xi32, #tpu.memory_space<vmem>>[vector<16xi32>], vector<16xi32>,
    %add3A_2860 = arith.constant 6405 : i32
    %add3A_2861 = vector.broadcast %add3A_2860 : i32 to vector<16xi32>
    %add3A_2862 = arith.addi %mul3A_327, %add3A_2861 : vector<16xi32>
    %add3A_2863 = arith.constant 500000 : i32
    %add3A_2864 = vector.broadcast %add3A_2863 : i32 to vector<16xi32>
    %add3A_2865 = arith.addi %get3A_2829, %add3A_2864 : vector<16xi32>
    tpu.vector_store_idx %arg11[%add3A_2862], %add3A_2865 : memref<8192xi32, #tpu.memory_space<vmem>>[vector<16xi32>], vector<16xi32>,
    %add3A_2866 = arith.constant 6406 : i32
    %add3A_2867 = vector.broadcast %add3A_2866 : i32 to vector<16xi32>
    %add3A_2868 = arith.addi %mul3A_327, %add3A_2867 : vector<16xi32>
    %add3A_2869 = arith.constant 600000 : i32
    %add3A_2870 = vector.broadcast %add3A_2869 : i32 to vector<16xi32>
    %add3A_2871 = arith.addi %get3A_2829, %add3A_2870 : vector<16xi32>
    tpu.vector_store_idx %arg11[%add3A_2868], %add3A_2871 : memref<8192xi32, #tpu.memory_space<vmem>>[vector<16xi32>], vector<16xi32>,
    %add3A_2872 = arith.constant 6407 : i32
    %add3A_2873 = vector.broadcast %add3A_2872 : i32 to vector<16xi32>
    %add3A_2874 = arith.addi %mul3A_327, %add3A_2873 : vector<16xi32>
    %add3A_2875 = arith.constant 700000 : i32
    %add3A_2876 = vector.broadcast %add3A_2875 : i32 to vector<16xi32>
    %add3A_2877 = arith.addi %get3A_2829, %add3A_2876 : vector<16xi32>
    tpu.vector_store_idx %arg11[%add3A_2874], %add3A_2877 : memref<8192xi32, #tpu.memory_space<vmem>>[vector<16xi32>], vector<16xi32>,
    %get3A_2878 = arith.constant 816 : index
    %get3A_2879 = tpu.vector_load %arg10[%get3A_2878] {strides = array<i32>} : memref<1024xi32, #tpu.memory_space<vmem>>, vector<16xi32>,
    %add3A_2880 = arith.constant 6528 : i32
    %add3A_2881 = vector.broadcast %add3A_2880 : i32 to vector<16xi32>
    %add3A_2882 = arith.addi %mul3A_327, %add3A_2881 : vector<16xi32>
    %add3A_2883 = arith.constant 0 : i32
    %add3A_2884 = vector.broadcast %add3A_2883 : i32 to vector<16xi32>
    %add3A_2885 = arith.addi %get3A_2879, %add3A_2884 : vector<16xi32>
    tpu.vector_store_idx %arg11[%add3A_2882], %add3A_2885 : memref<8192xi32, #tpu.memory_space<vmem>>[vector<16xi32>], vector<16xi32>,
    %add3A_2886 = arith.constant 6529 : i32
    %add3A_2887 = vector.broadcast %add3A_2886 : i32 to vector<16xi32>
    %add3A_2888 = arith.addi %mul3A_327, %add3A_2887 : vector<16xi32>
    %add3A_2889 = arith.constant 100000 : i32
    %add3A_2890 = vector.broadcast %add3A_2889 : i32 to vector<16xi32>
    %add3A_2891 = arith.addi %get3A_2879, %add3A_2890 : vector<16xi32>
    tpu.vector_store_idx %arg11[%add3A_2888], %add3A_2891 : memref<8192xi32, #tpu.memory_space<vmem>>[vector<16xi32>], vector<16xi32>,
    %add3A_2892 = arith.constant 6530 : i32
    %add3A_2893 = vector.broadcast %add3A_2892 : i32 to vector<16xi32>
    %add3A_2894 = arith.addi %mul3A_327, %add3A_2893 : vector<16xi32>
    %add3A_2895 = arith.constant 200000 : i32
    %add3A_2896 = vector.broadcast %add3A_2895 : i32 to vector<16xi32>
    %add3A_2897 = arith.addi %get3A_2879, %add3A_2896 : vector<16xi32>
    tpu.vector_store_idx %arg11[%add3A_2894], %add3A_2897 : memref<8192xi32, #tpu.memory_space<vmem>>[vector<16xi32>], vector<16xi32>,
    %add3A_2898 = arith.constant 6531 : i32
    %add3A_2899 = vector.broadcast %add3A_2898 : i32 to vector<16xi32>
    %add3A_2900 = arith.addi %mul3A_327, %add3A_2899 : vector<16xi32>
    %add3A_2901 = arith.constant 300000 : i32
    %add3A_2902 = vector.broadcast %add3A_2901 : i32 to vector<16xi32>
    %add3A_2903 = arith.addi %get3A_2879, %add3A_2902 : vector<16xi32>
    tpu.vector_store_idx %arg11[%add3A_2900], %add3A_2903 : memref<8192xi32, #tpu.memory_space<vmem>>[vector<16xi32>], vector<16xi32>,
    %add3A_2904 = arith.constant 6532 : i32
    %add3A_2905 = vector.broadcast %add3A_2904 : i32 to vector<16xi32>
    %add3A_2906 = arith.addi %mul3A_327, %add3A_2905 : vector<16xi32>
    %add3A_2907 = arith.constant 400000 : i32
    %add3A_2908 = vector.broadcast %add3A_2907 : i32 to vector<16xi32>
    %add3A_2909 = arith.addi %get3A_2879, %add3A_2908 : vector<16xi32>
    tpu.vector_store_idx %arg11[%add3A_2906], %add3A_2909 : memref<8192xi32, #tpu.memory_space<vmem>>[vector<16xi32>], vector<16xi32>,
    %add3A_2910 = arith.constant 6533 : i32
    %add3A_2911 = vector.broadcast %add3A_2910 : i32 to vector<16xi32>
    %add3A_2912 = arith.addi %mul3A_327, %add3A_2911 : vector<16xi32>
    %add3A_2913 = arith.constant 500000 : i32
    %add3A_2914 = vector.broadcast %add3A_2913 : i32 to vector<16xi32>
    %add3A_2915 = arith.addi %get3A_2879, %add3A_2914 : vector<16xi32>
    tpu.vector_store_idx %arg11[%add3A_2912], %add3A_2915 : memref<8192xi32, #tpu.memory_space<vmem>>[vector<16xi32>], vector<16xi32>,
    %add3A_2916 = arith.constant 6534 : i32
    %add3A_2917 = vector.broadcast %add3A_2916 : i32 to vector<16xi32>
    %add3A_2918 = arith.addi %mul3A_327, %add3A_2917 : vector<16xi32>
    %add3A_2919 = arith.constant 600000 : i32
    %add3A_2920 = vector.broadcast %add3A_2919 : i32 to vector<16xi32>
    %add3A_2921 = arith.addi %get3A_2879, %add3A_2920 : vector<16xi32>
    tpu.vector_store_idx %arg11[%add3A_2918], %add3A_2921 : memref<8192xi32, #tpu.memory_space<vmem>>[vector<16xi32>], vector<16xi32>,
    %add3A_2922 = arith.constant 6535 : i32
    %add3A_2923 = vector.broadcast %add3A_2922 : i32 to vector<16xi32>
    %add3A_2924 = arith.addi %mul3A_327, %add3A_2923 : vector<16xi32>
    %add3A_2925 = arith.constant 700000 : i32
    %add3A_2926 = vector.broadcast %add3A_2925 : i32 to vector<16xi32>
    %add3A_2927 = arith.addi %get3A_2879, %add3A_2926 : vector<16xi32>
    tpu.vector_store_idx %arg11[%add3A_2924], %add3A_2927 : memref<8192xi32, #tpu.memory_space<vmem>>[vector<16xi32>], vector<16xi32>,
    %get3A_2928 = arith.constant 832 : index
    %get3A_2929 = tpu.vector_load %arg10[%get3A_2928] {strides = array<i32>} : memref<1024xi32, #tpu.memory_space<vmem>>, vector<16xi32>,
    %add3A_2930 = arith.constant 6656 : i32
    %add3A_2931 = vector.broadcast %add3A_2930 : i32 to vector<16xi32>
    %add3A_2932 = arith.addi %mul3A_327, %add3A_2931 : vector<16xi32>
    %add3A_2933 = arith.constant 0 : i32
    %add3A_2934 = vector.broadcast %add3A_2933 : i32 to vector<16xi32>
    %add3A_2935 = arith.addi %get3A_2929, %add3A_2934 : vector<16xi32>
    tpu.vector_store_idx %arg11[%add3A_2932], %add3A_2935 : memref<8192xi32, #tpu.memory_space<vmem>>[vector<16xi32>], vector<16xi32>,
    %add3A_2936 = arith.constant 6657 : i32
    %add3A_2937 = vector.broadcast %add3A_2936 : i32 to vector<16xi32>
    %add3A_2938 = arith.addi %mul3A_327, %add3A_2937 : vector<16xi32>
    %add3A_2939 = arith.constant 100000 : i32
    %add3A_2940 = vector.broadcast %add3A_2939 : i32 to vector<16xi32>
    %add3A_2941 = arith.addi %get3A_2929, %add3A_2940 : vector<16xi32>
    tpu.vector_store_idx %arg11[%add3A_2938], %add3A_2941 : memref<8192xi32, #tpu.memory_space<vmem>>[vector<16xi32>], vector<16xi32>,
    %add3A_2942 = arith.constant 6658 : i32
    %add3A_2943 = vector.broadcast %add3A_2942 : i32 to vector<16xi32>
    %add3A_2944 = arith.addi %mul3A_327, %add3A_2943 : vector<16xi32>
    %add3A_2945 = arith.constant 200000 : i32
    %add3A_2946 = vector.broadcast %add3A_2945 : i32 to vector<16xi32>
    %add3A_2947 = arith.addi %get3A_2929, %add3A_2946 : vector<16xi32>
    tpu.vector_store_idx %arg11[%add3A_2944], %add3A_2947 : memref<8192xi32, #tpu.memory_space<vmem>>[vector<16xi32>], vector<16xi32>,
    %add3A_2948 = arith.constant 6659 : i32
    %add3A_2949 = vector.broadcast %add3A_2948 : i32 to vector<16xi32>
    %add3A_2950 = arith.addi %mul3A_327, %add3A_2949 : vector<16xi32>
    %add3A_2951 = arith.constant 300000 : i32
    %add3A_2952 = vector.broadcast %add3A_2951 : i32 to vector<16xi32>
    %add3A_2953 = arith.addi %get3A_2929, %add3A_2952 : vector<16xi32>
    tpu.vector_store_idx %arg11[%add3A_2950], %add3A_2953 : memref<8192xi32, #tpu.memory_space<vmem>>[vector<16xi32>], vector<16xi32>,
    %add3A_2954 = arith.constant 6660 : i32
    %add3A_2955 = vector.broadcast %add3A_2954 : i32 to vector<16xi32>
    %add3A_2956 = arith.addi %mul3A_327, %add3A_2955 : vector<16xi32>
    %add3A_2957 = arith.constant 400000 : i32
    %add3A_2958 = vector.broadcast %add3A_2957 : i32 to vector<16xi32>
    %add3A_2959 = arith.addi %get3A_2929, %add3A_2958 : vector<16xi32>
    tpu.vector_store_idx %arg11[%add3A_2956], %add3A_2959 : memref<8192xi32, #tpu.memory_space<vmem>>[vector<16xi32>], vector<16xi32>,
    %add3A_2960 = arith.constant 6661 : i32
    %add3A_2961 = vector.broadcast %add3A_2960 : i32 to vector<16xi32>
    %add3A_2962 = arith.addi %mul3A_327, %add3A_2961 : vector<16xi32>
    %add3A_2963 = arith.constant 500000 : i32
    %add3A_2964 = vector.broadcast %add3A_2963 : i32 to vector<16xi32>
    %add3A_2965 = arith.addi %get3A_2929, %add3A_2964 : vector<16xi32>
    tpu.vector_store_idx %arg11[%add3A_2962], %add3A_2965 : memref<8192xi32, #tpu.memory_space<vmem>>[vector<16xi32>], vector<16xi32>,
    %add3A_2966 = arith.constant 6662 : i32
    %add3A_2967 = vector.broadcast %add3A_2966 : i32 to vector<16xi32>
    %add3A_2968 = arith.addi %mul3A_327, %add3A_2967 : vector<16xi32>
    %add3A_2969 = arith.constant 600000 : i32
    %add3A_2970 = vector.broadcast %add3A_2969 : i32 to vector<16xi32>
    %add3A_2971 = arith.addi %get3A_2929, %add3A_2970 : vector<16xi32>
    tpu.vector_store_idx %arg11[%add3A_2968], %add3A_2971 : memref<8192xi32, #tpu.memory_space<vmem>>[vector<16xi32>], vector<16xi32>,
    %add3A_2972 = arith.constant 6663 : i32
    %add3A_2973 = vector.broadcast %add3A_2972 : i32 to vector<16xi32>
    %add3A_2974 = arith.addi %mul3A_327, %add3A_2973 : vector<16xi32>
    %add3A_2975 = arith.constant 700000 : i32
    %add3A_2976 = vector.broadcast %add3A_2975 : i32 to vector<16xi32>
    %add3A_2977 = arith.addi %get3A_2929, %add3A_2976 : vector<16xi32>
    tpu.vector_store_idx %arg11[%add3A_2974], %add3A_2977 : memref<8192xi32, #tpu.memory_space<vmem>>[vector<16xi32>], vector<16xi32>,
    %get3A_2978 = arith.constant 848 : index
    %get3A_2979 = tpu.vector_load %arg10[%get3A_2978] {strides = array<i32>} : memref<1024xi32, #tpu.memory_space<vmem>>, vector<16xi32>,
    %add3A_2980 = arith.constant 6784 : i32
    %add3A_2981 = vector.broadcast %add3A_2980 : i32 to vector<16xi32>
    %add3A_2982 = arith.addi %mul3A_327, %add3A_2981 : vector<16xi32>
    %add3A_2983 = arith.constant 0 : i32
    %add3A_2984 = vector.broadcast %add3A_2983 : i32 to vector<16xi32>
    %add3A_2985 = arith.addi %get3A_2979, %add3A_2984 : vector<16xi32>
    tpu.vector_store_idx %arg11[%add3A_2982], %add3A_2985 : memref<8192xi32, #tpu.memory_space<vmem>>[vector<16xi32>], vector<16xi32>,
    %add3A_2986 = arith.constant 6785 : i32
    %add3A_2987 = vector.broadcast %add3A_2986 : i32 to vector<16xi32>
    %add3A_2988 = arith.addi %mul3A_327, %add3A_2987 : vector<16xi32>
    %add3A_2989 = arith.constant 100000 : i32
    %add3A_2990 = vector.broadcast %add3A_2989 : i32 to vector<16xi32>
    %add3A_2991 = arith.addi %get3A_2979, %add3A_2990 : vector<16xi32>
    tpu.vector_store_idx %arg11[%add3A_2988], %add3A_2991 : memref<8192xi32, #tpu.memory_space<vmem>>[vector<16xi32>], vector<16xi32>,
    %add3A_2992 = arith.constant 6786 : i32
    %add3A_2993 = vector.broadcast %add3A_2992 : i32 to vector<16xi32>
    %add3A_2994 = arith.addi %mul3A_327, %add3A_2993 : vector<16xi32>
    %add3A_2995 = arith.constant 200000 : i32
    %add3A_2996 = vector.broadcast %add3A_2995 : i32 to vector<16xi32>
    %add3A_2997 = arith.addi %get3A_2979, %add3A_2996 : vector<16xi32>
    tpu.vector_store_idx %arg11[%add3A_2994], %add3A_2997 : memref<8192xi32, #tpu.memory_space<vmem>>[vector<16xi32>], vector<16xi32>,
    %add3A_2998 = arith.constant 6787 : i32
    %add3A_2999 = vector.broadcast %add3A_2998 : i32 to vector<16xi32>
    %add3A_3000 = arith.addi %mul3A_327, %add3A_2999 : vector<16xi32>
    %add3A_3001 = arith.constant 300000 : i32
    %add3A_3002 = vector.broadcast %add3A_3001 : i32 to vector<16xi32>
    %add3A_3003 = arith.addi %get3A_2979, %add3A_3002 : vector<16xi32>
    tpu.vector_store_idx %arg11[%add3A_3000], %add3A_3003 : memref<8192xi32, #tpu.memory_space<vmem>>[vector<16xi32>], vector<16xi32>,
    %add3A_3004 = arith.constant 6788 : i32
    %add3A_3005 = vector.broadcast %add3A_3004 : i32 to vector<16xi32>
    %add3A_3006 = arith.addi %mul3A_327, %add3A_3005 : vector<16xi32>
    %add3A_3007 = arith.constant 400000 : i32
    %add3A_3008 = vector.broadcast %add3A_3007 : i32 to vector<16xi32>
    %add3A_3009 = arith.addi %get3A_2979, %add3A_3008 : vector<16xi32>
    tpu.vector_store_idx %arg11[%add3A_3006], %add3A_3009 : memref<8192xi32, #tpu.memory_space<vmem>>[vector<16xi32>], vector<16xi32>,
    %add3A_3010 = arith.constant 6789 : i32
    %add3A_3011 = vector.broadcast %add3A_3010 : i32 to vector<16xi32>
    %add3A_3012 = arith.addi %mul3A_327, %add3A_3011 : vector<16xi32>
    %add3A_3013 = arith.constant 500000 : i32
    %add3A_3014 = vector.broadcast %add3A_3013 : i32 to vector<16xi32>
    %add3A_3015 = arith.addi %get3A_2979, %add3A_3014 : vector<16xi32>
    tpu.vector_store_idx %arg11[%add3A_3012], %add3A_3015 : memref<8192xi32, #tpu.memory_space<vmem>>[vector<16xi32>], vector<16xi32>,
    %add3A_3016 = arith.constant 6790 : i32
    %add3A_3017 = vector.broadcast %add3A_3016 : i32 to vector<16xi32>
    %add3A_3018 = arith.addi %mul3A_327, %add3A_3017 : vector<16xi32>
    %add3A_3019 = arith.constant 600000 : i32
    %add3A_3020 = vector.broadcast %add3A_3019 : i32 to vector<16xi32>
    %add3A_3021 = arith.addi %get3A_2979, %add3A_3020 : vector<16xi32>
    tpu.vector_store_idx %arg11[%add3A_3018], %add3A_3021 : memref<8192xi32, #tpu.memory_space<vmem>>[vector<16xi32>], vector<16xi32>,
    %add3A_3022 = arith.constant 6791 : i32
    %add3A_3023 = vector.broadcast %add3A_3022 : i32 to vector<16xi32>
    %add3A_3024 = arith.addi %mul3A_327, %add3A_3023 : vector<16xi32>
    %add3A_3025 = arith.constant 700000 : i32
    %add3A_3026 = vector.broadcast %add3A_3025 : i32 to vector<16xi32>
    %add3A_3027 = arith.addi %get3A_2979, %add3A_3026 : vector<16xi32>
    tpu.vector_store_idx %arg11[%add3A_3024], %add3A_3027 : memref<8192xi32, #tpu.memory_space<vmem>>[vector<16xi32>], vector<16xi32>,
    %get3A_3028 = arith.constant 864 : index
    %get3A_3029 = tpu.vector_load %arg10[%get3A_3028] {strides = array<i32>} : memref<1024xi32, #tpu.memory_space<vmem>>, vector<16xi32>,
    %add3A_3030 = arith.constant 6912 : i32
    %add3A_3031 = vector.broadcast %add3A_3030 : i32 to vector<16xi32>
    %add3A_3032 = arith.addi %mul3A_327, %add3A_3031 : vector<16xi32>
    %add3A_3033 = arith.constant 0 : i32
    %add3A_3034 = vector.broadcast %add3A_3033 : i32 to vector<16xi32>
    %add3A_3035 = arith.addi %get3A_3029, %add3A_3034 : vector<16xi32>
    tpu.vector_store_idx %arg11[%add3A_3032], %add3A_3035 : memref<8192xi32, #tpu.memory_space<vmem>>[vector<16xi32>], vector<16xi32>,
    %add3A_3036 = arith.constant 6913 : i32
    %add3A_3037 = vector.broadcast %add3A_3036 : i32 to vector<16xi32>
    %add3A_3038 = arith.addi %mul3A_327, %add3A_3037 : vector<16xi32>
    %add3A_3039 = arith.constant 100000 : i32
    %add3A_3040 = vector.broadcast %add3A_3039 : i32 to vector<16xi32>
    %add3A_3041 = arith.addi %get3A_3029, %add3A_3040 : vector<16xi32>
    tpu.vector_store_idx %arg11[%add3A_3038], %add3A_3041 : memref<8192xi32, #tpu.memory_space<vmem>>[vector<16xi32>], vector<16xi32>,
    %add3A_3042 = arith.constant 6914 : i32
    %add3A_3043 = vector.broadcast %add3A_3042 : i32 to vector<16xi32>
    %add3A_3044 = arith.addi %mul3A_327, %add3A_3043 : vector<16xi32>
    %add3A_3045 = arith.constant 200000 : i32
    %add3A_3046 = vector.broadcast %add3A_3045 : i32 to vector<16xi32>
    %add3A_3047 = arith.addi %get3A_3029, %add3A_3046 : vector<16xi32>
    tpu.vector_store_idx %arg11[%add3A_3044], %add3A_3047 : memref<8192xi32, #tpu.memory_space<vmem>>[vector<16xi32>], vector<16xi32>,
    %add3A_3048 = arith.constant 6915 : i32
    %add3A_3049 = vector.broadcast %add3A_3048 : i32 to vector<16xi32>
    %add3A_3050 = arith.addi %mul3A_327, %add3A_3049 : vector<16xi32>
    %add3A_3051 = arith.constant 300000 : i32
    %add3A_3052 = vector.broadcast %add3A_3051 : i32 to vector<16xi32>
    %add3A_3053 = arith.addi %get3A_3029, %add3A_3052 : vector<16xi32>
    tpu.vector_store_idx %arg11[%add3A_3050], %add3A_3053 : memref<8192xi32, #tpu.memory_space<vmem>>[vector<16xi32>], vector<16xi32>,
    %add3A_3054 = arith.constant 6916 : i32
    %add3A_3055 = vector.broadcast %add3A_3054 : i32 to vector<16xi32>
    %add3A_3056 = arith.addi %mul3A_327, %add3A_3055 : vector<16xi32>
    %add3A_3057 = arith.constant 400000 : i32
    %add3A_3058 = vector.broadcast %add3A_3057 : i32 to vector<16xi32>
    %add3A_3059 = arith.addi %get3A_3029, %add3A_3058 : vector<16xi32>
    tpu.vector_store_idx %arg11[%add3A_3056], %add3A_3059 : memref<8192xi32, #tpu.memory_space<vmem>>[vector<16xi32>], vector<16xi32>,
    %add3A_3060 = arith.constant 6917 : i32
    %add3A_3061 = vector.broadcast %add3A_3060 : i32 to vector<16xi32>
    %add3A_3062 = arith.addi %mul3A_327, %add3A_3061 : vector<16xi32>
    %add3A_3063 = arith.constant 500000 : i32
    %add3A_3064 = vector.broadcast %add3A_3063 : i32 to vector<16xi32>
    %add3A_3065 = arith.addi %get3A_3029, %add3A_3064 : vector<16xi32>
    tpu.vector_store_idx %arg11[%add3A_3062], %add3A_3065 : memref<8192xi32, #tpu.memory_space<vmem>>[vector<16xi32>], vector<16xi32>,
    %add3A_3066 = arith.constant 6918 : i32
    %add3A_3067 = vector.broadcast %add3A_3066 : i32 to vector<16xi32>
    %add3A_3068 = arith.addi %mul3A_327, %add3A_3067 : vector<16xi32>
    %add3A_3069 = arith.constant 600000 : i32
    %add3A_3070 = vector.broadcast %add3A_3069 : i32 to vector<16xi32>
    %add3A_3071 = arith.addi %get3A_3029, %add3A_3070 : vector<16xi32>
    tpu.vector_store_idx %arg11[%add3A_3068], %add3A_3071 : memref<8192xi32, #tpu.memory_space<vmem>>[vector<16xi32>], vector<16xi32>,
    %add3A_3072 = arith.constant 6919 : i32
    %add3A_3073 = vector.broadcast %add3A_3072 : i32 to vector<16xi32>
    %add3A_3074 = arith.addi %mul3A_327, %add3A_3073 : vector<16xi32>
    %add3A_3075 = arith.constant 700000 : i32
    %add3A_3076 = vector.broadcast %add3A_3075 : i32 to vector<16xi32>
    %add3A_3077 = arith.addi %get3A_3029, %add3A_3076 : vector<16xi32>
    tpu.vector_store_idx %arg11[%add3A_3074], %add3A_3077 : memref<8192xi32, #tpu.memory_space<vmem>>[vector<16xi32>], vector<16xi32>,
    %get3A_3078 = arith.constant 880 : index
    %get3A_3079 = tpu.vector_load %arg10[%get3A_3078] {strides = array<i32>} : memref<1024xi32, #tpu.memory_space<vmem>>, vector<16xi32>,
    %add3A_3080 = arith.constant 7040 : i32
    %add3A_3081 = vector.broadcast %add3A_3080 : i32 to vector<16xi32>
    %add3A_3082 = arith.addi %mul3A_327, %add3A_3081 : vector<16xi32>
    %add3A_3083 = arith.constant 0 : i32
    %add3A_3084 = vector.broadcast %add3A_3083 : i32 to vector<16xi32>
    %add3A_3085 = arith.addi %get3A_3079, %add3A_3084 : vector<16xi32>
    tpu.vector_store_idx %arg11[%add3A_3082], %add3A_3085 : memref<8192xi32, #tpu.memory_space<vmem>>[vector<16xi32>], vector<16xi32>,
    %add3A_3086 = arith.constant 7041 : i32
    %add3A_3087 = vector.broadcast %add3A_3086 : i32 to vector<16xi32>
    %add3A_3088 = arith.addi %mul3A_327, %add3A_3087 : vector<16xi32>
    %add3A_3089 = arith.constant 100000 : i32
    %add3A_3090 = vector.broadcast %add3A_3089 : i32 to vector<16xi32>
    %add3A_3091 = arith.addi %get3A_3079, %add3A_3090 : vector<16xi32>
    tpu.vector_store_idx %arg11[%add3A_3088], %add3A_3091 : memref<8192xi32, #tpu.memory_space<vmem>>[vector<16xi32>], vector<16xi32>,
    %add3A_3092 = arith.constant 7042 : i32
    %add3A_3093 = vector.broadcast %add3A_3092 : i32 to vector<16xi32>
    %add3A_3094 = arith.addi %mul3A_327, %add3A_3093 : vector<16xi32>
    %add3A_3095 = arith.constant 200000 : i32
    %add3A_3096 = vector.broadcast %add3A_3095 : i32 to vector<16xi32>
    %add3A_3097 = arith.addi %get3A_3079, %add3A_3096 : vector<16xi32>
    tpu.vector_store_idx %arg11[%add3A_3094], %add3A_3097 : memref<8192xi32, #tpu.memory_space<vmem>>[vector<16xi32>], vector<16xi32>,
    %add3A_3098 = arith.constant 7043 : i32
    %add3A_3099 = vector.broadcast %add3A_3098 : i32 to vector<16xi32>
    %add3A_3100 = arith.addi %mul3A_327, %add3A_3099 : vector<16xi32>
    %add3A_3101 = arith.constant 300000 : i32
    %add3A_3102 = vector.broadcast %add3A_3101 : i32 to vector<16xi32>
    %add3A_3103 = arith.addi %get3A_3079, %add3A_3102 : vector<16xi32>
    tpu.vector_store_idx %arg11[%add3A_3100], %add3A_3103 : memref<8192xi32, #tpu.memory_space<vmem>>[vector<16xi32>], vector<16xi32>,
    %add3A_3104 = arith.constant 7044 : i32
    %add3A_3105 = vector.broadcast %add3A_3104 : i32 to vector<16xi32>
    %add3A_3106 = arith.addi %mul3A_327, %add3A_3105 : vector<16xi32>
    %add3A_3107 = arith.constant 400000 : i32
    %add3A_3108 = vector.broadcast %add3A_3107 : i32 to vector<16xi32>
    %add3A_3109 = arith.addi %get3A_3079, %add3A_3108 : vector<16xi32>
    tpu.vector_store_idx %arg11[%add3A_3106], %add3A_3109 : memref<8192xi32, #tpu.memory_space<vmem>>[vector<16xi32>], vector<16xi32>,
    %add3A_3110 = arith.constant 7045 : i32
    %add3A_3111 = vector.broadcast %add3A_3110 : i32 to vector<16xi32>
    %add3A_3112 = arith.addi %mul3A_327, %add3A_3111 : vector<16xi32>
    %add3A_3113 = arith.constant 500000 : i32
    %add3A_3114 = vector.broadcast %add3A_3113 : i32 to vector<16xi32>
    %add3A_3115 = arith.addi %get3A_3079, %add3A_3114 : vector<16xi32>
    tpu.vector_store_idx %arg11[%add3A_3112], %add3A_3115 : memref<8192xi32, #tpu.memory_space<vmem>>[vector<16xi32>], vector<16xi32>,
    %add3A_3116 = arith.constant 7046 : i32
    %add3A_3117 = vector.broadcast %add3A_3116 : i32 to vector<16xi32>
    %add3A_3118 = arith.addi %mul3A_327, %add3A_3117 : vector<16xi32>
    %add3A_3119 = arith.constant 600000 : i32
    %add3A_3120 = vector.broadcast %add3A_3119 : i32 to vector<16xi32>
    %add3A_3121 = arith.addi %get3A_3079, %add3A_3120 : vector<16xi32>
    tpu.vector_store_idx %arg11[%add3A_3118], %add3A_3121 : memref<8192xi32, #tpu.memory_space<vmem>>[vector<16xi32>], vector<16xi32>,
    %add3A_3122 = arith.constant 7047 : i32
    %add3A_3123 = vector.broadcast %add3A_3122 : i32 to vector<16xi32>
    %add3A_3124 = arith.addi %mul3A_327, %add3A_3123 : vector<16xi32>
    %add3A_3125 = arith.constant 700000 : i32
    %add3A_3126 = vector.broadcast %add3A_3125 : i32 to vector<16xi32>
    %add3A_3127 = arith.addi %get3A_3079, %add3A_3126 : vector<16xi32>
    tpu.vector_store_idx %arg11[%add3A_3124], %add3A_3127 : memref<8192xi32, #tpu.memory_space<vmem>>[vector<16xi32>], vector<16xi32>,
    %get3A_3128 = arith.constant 896 : index
    %get3A_3129 = tpu.vector_load %arg10[%get3A_3128] {strides = array<i32>} : memref<1024xi32, #tpu.memory_space<vmem>>, vector<16xi32>,
    %add3A_3130 = arith.constant 7168 : i32
    %add3A_3131 = vector.broadcast %add3A_3130 : i32 to vector<16xi32>
    %add3A_3132 = arith.addi %mul3A_327, %add3A_3131 : vector<16xi32>
    %add3A_3133 = arith.constant 0 : i32
    %add3A_3134 = vector.broadcast %add3A_3133 : i32 to vector<16xi32>
    %add3A_3135 = arith.addi %get3A_3129, %add3A_3134 : vector<16xi32>
    tpu.vector_store_idx %arg11[%add3A_3132], %add3A_3135 : memref<8192xi32, #tpu.memory_space<vmem>>[vector<16xi32>], vector<16xi32>,
    %add3A_3136 = arith.constant 7169 : i32
    %add3A_3137 = vector.broadcast %add3A_3136 : i32 to vector<16xi32>
    %add3A_3138 = arith.addi %mul3A_327, %add3A_3137 : vector<16xi32>
    %add3A_3139 = arith.constant 100000 : i32
    %add3A_3140 = vector.broadcast %add3A_3139 : i32 to vector<16xi32>
    %add3A_3141 = arith.addi %get3A_3129, %add3A_3140 : vector<16xi32>
    tpu.vector_store_idx %arg11[%add3A_3138], %add3A_3141 : memref<8192xi32, #tpu.memory_space<vmem>>[vector<16xi32>], vector<16xi32>,
    %add3A_3142 = arith.constant 7170 : i32
    %add3A_3143 = vector.broadcast %add3A_3142 : i32 to vector<16xi32>
    %add3A_3144 = arith.addi %mul3A_327, %add3A_3143 : vector<16xi32>
    %add3A_3145 = arith.constant 200000 : i32
    %add3A_3146 = vector.broadcast %add3A_3145 : i32 to vector<16xi32>
    %add3A_3147 = arith.addi %get3A_3129, %add3A_3146 : vector<16xi32>
    tpu.vector_store_idx %arg11[%add3A_3144], %add3A_3147 : memref<8192xi32, #tpu.memory_space<vmem>>[vector<16xi32>], vector<16xi32>,
    %add3A_3148 = arith.constant 7171 : i32
    %add3A_3149 = vector.broadcast %add3A_3148 : i32 to vector<16xi32>
    %add3A_3150 = arith.addi %mul3A_327, %add3A_3149 : vector<16xi32>
    %add3A_3151 = arith.constant 300000 : i32
    %add3A_3152 = vector.broadcast %add3A_3151 : i32 to vector<16xi32>
    %add3A_3153 = arith.addi %get3A_3129, %add3A_3152 : vector<16xi32>
    tpu.vector_store_idx %arg11[%add3A_3150], %add3A_3153 : memref<8192xi32, #tpu.memory_space<vmem>>[vector<16xi32>], vector<16xi32>,
    %add3A_3154 = arith.constant 7172 : i32
    %add3A_3155 = vector.broadcast %add3A_3154 : i32 to vector<16xi32>
    %add3A_3156 = arith.addi %mul3A_327, %add3A_3155 : vector<16xi32>
    %add3A_3157 = arith.constant 400000 : i32
    %add3A_3158 = vector.broadcast %add3A_3157 : i32 to vector<16xi32>
    %add3A_3159 = arith.addi %get3A_3129, %add3A_3158 : vector<16xi32>
    tpu.vector_store_idx %arg11[%add3A_3156], %add3A_3159 : memref<8192xi32, #tpu.memory_space<vmem>>[vector<16xi32>], vector<16xi32>,
    %add3A_3160 = arith.constant 7173 : i32
    %add3A_3161 = vector.broadcast %add3A_3160 : i32 to vector<16xi32>
    %add3A_3162 = arith.addi %mul3A_327, %add3A_3161 : vector<16xi32>
    %add3A_3163 = arith.constant 500000 : i32
    %add3A_3164 = vector.broadcast %add3A_3163 : i32 to vector<16xi32>
    %add3A_3165 = arith.addi %get3A_3129, %add3A_3164 : vector<16xi32>
    tpu.vector_store_idx %arg11[%add3A_3162], %add3A_3165 : memref<8192xi32, #tpu.memory_space<vmem>>[vector<16xi32>], vector<16xi32>,
    %add3A_3166 = arith.constant 7174 : i32
    %add3A_3167 = vector.broadcast %add3A_3166 : i32 to vector<16xi32>
    %add3A_3168 = arith.addi %mul3A_327, %add3A_3167 : vector<16xi32>
    %add3A_3169 = arith.constant 600000 : i32
    %add3A_3170 = vector.broadcast %add3A_3169 : i32 to vector<16xi32>
    %add3A_3171 = arith.addi %get3A_3129, %add3A_3170 : vector<16xi32>
    tpu.vector_store_idx %arg11[%add3A_3168], %add3A_3171 : memref<8192xi32, #tpu.memory_space<vmem>>[vector<16xi32>], vector<16xi32>,
    %add3A_3172 = arith.constant 7175 : i32
    %add3A_3173 = vector.broadcast %add3A_3172 : i32 to vector<16xi32>
    %add3A_3174 = arith.addi %mul3A_327, %add3A_3173 : vector<16xi32>
    %add3A_3175 = arith.constant 700000 : i32
    %add3A_3176 = vector.broadcast %add3A_3175 : i32 to vector<16xi32>
    %add3A_3177 = arith.addi %get3A_3129, %add3A_3176 : vector<16xi32>
    tpu.vector_store_idx %arg11[%add3A_3174], %add3A_3177 : memref<8192xi32, #tpu.memory_space<vmem>>[vector<16xi32>], vector<16xi32>,
    %get3A_3178 = arith.constant 912 : index
    %get3A_3179 = tpu.vector_load %arg10[%get3A_3178] {strides = array<i32>} : memref<1024xi32, #tpu.memory_space<vmem>>, vector<16xi32>,
    %add3A_3180 = arith.constant 7296 : i32
    %add3A_3181 = vector.broadcast %add3A_3180 : i32 to vector<16xi32>
    %add3A_3182 = arith.addi %mul3A_327, %add3A_3181 : vector<16xi32>
    %add3A_3183 = arith.constant 0 : i32
    %add3A_3184 = vector.broadcast %add3A_3183 : i32 to vector<16xi32>
    %add3A_3185 = arith.addi %get3A_3179, %add3A_3184 : vector<16xi32>
    tpu.vector_store_idx %arg11[%add3A_3182], %add3A_3185 : memref<8192xi32, #tpu.memory_space<vmem>>[vector<16xi32>], vector<16xi32>,
    %add3A_3186 = arith.constant 7297 : i32
    %add3A_3187 = vector.broadcast %add3A_3186 : i32 to vector<16xi32>
    %add3A_3188 = arith.addi %mul3A_327, %add3A_3187 : vector<16xi32>
    %add3A_3189 = arith.constant 100000 : i32
    %add3A_3190 = vector.broadcast %add3A_3189 : i32 to vector<16xi32>
    %add3A_3191 = arith.addi %get3A_3179, %add3A_3190 : vector<16xi32>
    tpu.vector_store_idx %arg11[%add3A_3188], %add3A_3191 : memref<8192xi32, #tpu.memory_space<vmem>>[vector<16xi32>], vector<16xi32>,
    %add3A_3192 = arith.constant 7298 : i32
    %add3A_3193 = vector.broadcast %add3A_3192 : i32 to vector<16xi32>
    %add3A_3194 = arith.addi %mul3A_327, %add3A_3193 : vector<16xi32>
    %add3A_3195 = arith.constant 200000 : i32
    %add3A_3196 = vector.broadcast %add3A_3195 : i32 to vector<16xi32>
    %add3A_3197 = arith.addi %get3A_3179, %add3A_3196 : vector<16xi32>
    tpu.vector_store_idx %arg11[%add3A_3194], %add3A_3197 : memref<8192xi32, #tpu.memory_space<vmem>>[vector<16xi32>], vector<16xi32>,
    %add3A_3198 = arith.constant 7299 : i32
    %add3A_3199 = vector.broadcast %add3A_3198 : i32 to vector<16xi32>
    %add3A_3200 = arith.addi %mul3A_327, %add3A_3199 : vector<16xi32>
    %add3A_3201 = arith.constant 300000 : i32
    %add3A_3202 = vector.broadcast %add3A_3201 : i32 to vector<16xi32>
    %add3A_3203 = arith.addi %get3A_3179, %add3A_3202 : vector<16xi32>
    tpu.vector_store_idx %arg11[%add3A_3200], %add3A_3203 : memref<8192xi32, #tpu.memory_space<vmem>>[vector<16xi32>], vector<16xi32>,
    %add3A_3204 = arith.constant 7300 : i32
    %add3A_3205 = vector.broadcast %add3A_3204 : i32 to vector<16xi32>
    %add3A_3206 = arith.addi %mul3A_327, %add3A_3205 : vector<16xi32>
    %add3A_3207 = arith.constant 400000 : i32
    %add3A_3208 = vector.broadcast %add3A_3207 : i32 to vector<16xi32>
    %add3A_3209 = arith.addi %get3A_3179, %add3A_3208 : vector<16xi32>
    tpu.vector_store_idx %arg11[%add3A_3206], %add3A_3209 : memref<8192xi32, #tpu.memory_space<vmem>>[vector<16xi32>], vector<16xi32>,
    %add3A_3210 = arith.constant 7301 : i32
    %add3A_3211 = vector.broadcast %add3A_3210 : i32 to vector<16xi32>
    %add3A_3212 = arith.addi %mul3A_327, %add3A_3211 : vector<16xi32>
    %add3A_3213 = arith.constant 500000 : i32
    %add3A_3214 = vector.broadcast %add3A_3213 : i32 to vector<16xi32>
    %add3A_3215 = arith.addi %get3A_3179, %add3A_3214 : vector<16xi32>
    tpu.vector_store_idx %arg11[%add3A_3212], %add3A_3215 : memref<8192xi32, #tpu.memory_space<vmem>>[vector<16xi32>], vector<16xi32>,
    %add3A_3216 = arith.constant 7302 : i32
    %add3A_3217 = vector.broadcast %add3A_3216 : i32 to vector<16xi32>
    %add3A_3218 = arith.addi %mul3A_327, %add3A_3217 : vector<16xi32>
    %add3A_3219 = arith.constant 600000 : i32
    %add3A_3220 = vector.broadcast %add3A_3219 : i32 to vector<16xi32>
    %add3A_3221 = arith.addi %get3A_3179, %add3A_3220 : vector<16xi32>
    tpu.vector_store_idx %arg11[%add3A_3218], %add3A_3221 : memref<8192xi32, #tpu.memory_space<vmem>>[vector<16xi32>], vector<16xi32>,
    %add3A_3222 = arith.constant 7303 : i32
    %add3A_3223 = vector.broadcast %add3A_3222 : i32 to vector<16xi32>
    %add3A_3224 = arith.addi %mul3A_327, %add3A_3223 : vector<16xi32>
    %add3A_3225 = arith.constant 700000 : i32
    %add3A_3226 = vector.broadcast %add3A_3225 : i32 to vector<16xi32>
    %add3A_3227 = arith.addi %get3A_3179, %add3A_3226 : vector<16xi32>
    tpu.vector_store_idx %arg11[%add3A_3224], %add3A_3227 : memref<8192xi32, #tpu.memory_space<vmem>>[vector<16xi32>], vector<16xi32>,
    %get3A_3228 = arith.constant 928 : index
    %get3A_3229 = tpu.vector_load %arg10[%get3A_3228] {strides = array<i32>} : memref<1024xi32, #tpu.memory_space<vmem>>, vector<16xi32>,
    %add3A_3230 = arith.constant 7424 : i32
    %add3A_3231 = vector.broadcast %add3A_3230 : i32 to vector<16xi32>
    %add3A_3232 = arith.addi %mul3A_327, %add3A_3231 : vector<16xi32>
    %add3A_3233 = arith.constant 0 : i32
    %add3A_3234 = vector.broadcast %add3A_3233 : i32 to vector<16xi32>
    %add3A_3235 = arith.addi %get3A_3229, %add3A_3234 : vector<16xi32>
    tpu.vector_store_idx %arg11[%add3A_3232], %add3A_3235 : memref<8192xi32, #tpu.memory_space<vmem>>[vector<16xi32>], vector<16xi32>,
    %add3A_3236 = arith.constant 7425 : i32
    %add3A_3237 = vector.broadcast %add3A_3236 : i32 to vector<16xi32>
    %add3A_3238 = arith.addi %mul3A_327, %add3A_3237 : vector<16xi32>
    %add3A_3239 = arith.constant 100000 : i32
    %add3A_3240 = vector.broadcast %add3A_3239 : i32 to vector<16xi32>
    %add3A_3241 = arith.addi %get3A_3229, %add3A_3240 : vector<16xi32>
    tpu.vector_store_idx %arg11[%add3A_3238], %add3A_3241 : memref<8192xi32, #tpu.memory_space<vmem>>[vector<16xi32>], vector<16xi32>,
    %add3A_3242 = arith.constant 7426 : i32
    %add3A_3243 = vector.broadcast %add3A_3242 : i32 to vector<16xi32>
    %add3A_3244 = arith.addi %mul3A_327, %add3A_3243 : vector<16xi32>
    %add3A_3245 = arith.constant 200000 : i32
    %add3A_3246 = vector.broadcast %add3A_3245 : i32 to vector<16xi32>
    %add3A_3247 = arith.addi %get3A_3229, %add3A_3246 : vector<16xi32>
    tpu.vector_store_idx %arg11[%add3A_3244], %add3A_3247 : memref<8192xi32, #tpu.memory_space<vmem>>[vector<16xi32>], vector<16xi32>,
    %add3A_3248 = arith.constant 7427 : i32
    %add3A_3249 = vector.broadcast %add3A_3248 : i32 to vector<16xi32>
    %add3A_3250 = arith.addi %mul3A_327, %add3A_3249 : vector<16xi32>
    %add3A_3251 = arith.constant 300000 : i32
    %add3A_3252 = vector.broadcast %add3A_3251 : i32 to vector<16xi32>
    %add3A_3253 = arith.addi %get3A_3229, %add3A_3252 : vector<16xi32>
    tpu.vector_store_idx %arg11[%add3A_3250], %add3A_3253 : memref<8192xi32, #tpu.memory_space<vmem>>[vector<16xi32>], vector<16xi32>,
    %add3A_3254 = arith.constant 7428 : i32
    %add3A_3255 = vector.broadcast %add3A_3254 : i32 to vector<16xi32>
    %add3A_3256 = arith.addi %mul3A_327, %add3A_3255 : vector<16xi32>
    %add3A_3257 = arith.constant 400000 : i32
    %add3A_3258 = vector.broadcast %add3A_3257 : i32 to vector<16xi32>
    %add3A_3259 = arith.addi %get3A_3229, %add3A_3258 : vector<16xi32>
    tpu.vector_store_idx %arg11[%add3A_3256], %add3A_3259 : memref<8192xi32, #tpu.memory_space<vmem>>[vector<16xi32>], vector<16xi32>,
    %add3A_3260 = arith.constant 7429 : i32
    %add3A_3261 = vector.broadcast %add3A_3260 : i32 to vector<16xi32>
    %add3A_3262 = arith.addi %mul3A_327, %add3A_3261 : vector<16xi32>
    %add3A_3263 = arith.constant 500000 : i32
    %add3A_3264 = vector.broadcast %add3A_3263 : i32 to vector<16xi32>
    %add3A_3265 = arith.addi %get3A_3229, %add3A_3264 : vector<16xi32>
    tpu.vector_store_idx %arg11[%add3A_3262], %add3A_3265 : memref<8192xi32, #tpu.memory_space<vmem>>[vector<16xi32>], vector<16xi32>,
    %add3A_3266 = arith.constant 7430 : i32
    %add3A_3267 = vector.broadcast %add3A_3266 : i32 to vector<16xi32>
    %add3A_3268 = arith.addi %mul3A_327, %add3A_3267 : vector<16xi32>
    %add3A_3269 = arith.constant 600000 : i32
    %add3A_3270 = vector.broadcast %add3A_3269 : i32 to vector<16xi32>
    %add3A_3271 = arith.addi %get3A_3229, %add3A_3270 : vector<16xi32>
    tpu.vector_store_idx %arg11[%add3A_3268], %add3A_3271 : memref<8192xi32, #tpu.memory_space<vmem>>[vector<16xi32>], vector<16xi32>,
    %add3A_3272 = arith.constant 7431 : i32
    %add3A_3273 = vector.broadcast %add3A_3272 : i32 to vector<16xi32>
    %add3A_3274 = arith.addi %mul3A_327, %add3A_3273 : vector<16xi32>
    %add3A_3275 = arith.constant 700000 : i32
    %add3A_3276 = vector.broadcast %add3A_3275 : i32 to vector<16xi32>
    %add3A_3277 = arith.addi %get3A_3229, %add3A_3276 : vector<16xi32>
    tpu.vector_store_idx %arg11[%add3A_3274], %add3A_3277 : memref<8192xi32, #tpu.memory_space<vmem>>[vector<16xi32>], vector<16xi32>,
    %get3A_3278 = arith.constant 944 : index
    %get3A_3279 = tpu.vector_load %arg10[%get3A_3278] {strides = array<i32>} : memref<1024xi32, #tpu.memory_space<vmem>>, vector<16xi32>,
    %add3A_3280 = arith.constant 7552 : i32
    %add3A_3281 = vector.broadcast %add3A_3280 : i32 to vector<16xi32>
    %add3A_3282 = arith.addi %mul3A_327, %add3A_3281 : vector<16xi32>
    %add3A_3283 = arith.constant 0 : i32
    %add3A_3284 = vector.broadcast %add3A_3283 : i32 to vector<16xi32>
    %add3A_3285 = arith.addi %get3A_3279, %add3A_3284 : vector<16xi32>
    tpu.vector_store_idx %arg11[%add3A_3282], %add3A_3285 : memref<8192xi32, #tpu.memory_space<vmem>>[vector<16xi32>], vector<16xi32>,
    %add3A_3286 = arith.constant 7553 : i32
    %add3A_3287 = vector.broadcast %add3A_3286 : i32 to vector<16xi32>
    %add3A_3288 = arith.addi %mul3A_327, %add3A_3287 : vector<16xi32>
    %add3A_3289 = arith.constant 100000 : i32
    %add3A_3290 = vector.broadcast %add3A_3289 : i32 to vector<16xi32>
    %add3A_3291 = arith.addi %get3A_3279, %add3A_3290 : vector<16xi32>
    tpu.vector_store_idx %arg11[%add3A_3288], %add3A_3291 : memref<8192xi32, #tpu.memory_space<vmem>>[vector<16xi32>], vector<16xi32>,
    %add3A_3292 = arith.constant 7554 : i32
    %add3A_3293 = vector.broadcast %add3A_3292 : i32 to vector<16xi32>
    %add3A_3294 = arith.addi %mul3A_327, %add3A_3293 : vector<16xi32>
    %add3A_3295 = arith.constant 200000 : i32
    %add3A_3296 = vector.broadcast %add3A_3295 : i32 to vector<16xi32>
    %add3A_3297 = arith.addi %get3A_3279, %add3A_3296 : vector<16xi32>
    tpu.vector_store_idx %arg11[%add3A_3294], %add3A_3297 : memref<8192xi32, #tpu.memory_space<vmem>>[vector<16xi32>], vector<16xi32>,
    %add3A_3298 = arith.constant 7555 : i32
    %add3A_3299 = vector.broadcast %add3A_3298 : i32 to vector<16xi32>
    %add3A_3300 = arith.addi %mul3A_327, %add3A_3299 : vector<16xi32>
    %add3A_3301 = arith.constant 300000 : i32
    %add3A_3302 = vector.broadcast %add3A_3301 : i32 to vector<16xi32>
    %add3A_3303 = arith.addi %get3A_3279, %add3A_3302 : vector<16xi32>
    tpu.vector_store_idx %arg11[%add3A_3300], %add3A_3303 : memref<8192xi32, #tpu.memory_space<vmem>>[vector<16xi32>], vector<16xi32>,
    %add3A_3304 = arith.constant 7556 : i32
    %add3A_3305 = vector.broadcast %add3A_3304 : i32 to vector<16xi32>
    %add3A_3306 = arith.addi %mul3A_327, %add3A_3305 : vector<16xi32>
    %add3A_3307 = arith.constant 400000 : i32
    %add3A_3308 = vector.broadcast %add3A_3307 : i32 to vector<16xi32>
    %add3A_3309 = arith.addi %get3A_3279, %add3A_3308 : vector<16xi32>
    tpu.vector_store_idx %arg11[%add3A_3306], %add3A_3309 : memref<8192xi32, #tpu.memory_space<vmem>>[vector<16xi32>], vector<16xi32>,
    %add3A_3310 = arith.constant 7557 : i32
    %add3A_3311 = vector.broadcast %add3A_3310 : i32 to vector<16xi32>
    %add3A_3312 = arith.addi %mul3A_327, %add3A_3311 : vector<16xi32>
    %add3A_3313 = arith.constant 500000 : i32
    %add3A_3314 = vector.broadcast %add3A_3313 : i32 to vector<16xi32>
    %add3A_3315 = arith.addi %get3A_3279, %add3A_3314 : vector<16xi32>
    tpu.vector_store_idx %arg11[%add3A_3312], %add3A_3315 : memref<8192xi32, #tpu.memory_space<vmem>>[vector<16xi32>], vector<16xi32>,
    %add3A_3316 = arith.constant 7558 : i32
    %add3A_3317 = vector.broadcast %add3A_3316 : i32 to vector<16xi32>
    %add3A_3318 = arith.addi %mul3A_327, %add3A_3317 : vector<16xi32>
    %add3A_3319 = arith.constant 600000 : i32
    %add3A_3320 = vector.broadcast %add3A_3319 : i32 to vector<16xi32>
    %add3A_3321 = arith.addi %get3A_3279, %add3A_3320 : vector<16xi32>
    tpu.vector_store_idx %arg11[%add3A_3318], %add3A_3321 : memref<8192xi32, #tpu.memory_space<vmem>>[vector<16xi32>], vector<16xi32>,
    %add3A_3322 = arith.constant 7559 : i32
    %add3A_3323 = vector.broadcast %add3A_3322 : i32 to vector<16xi32>
    %add3A_3324 = arith.addi %mul3A_327, %add3A_3323 : vector<16xi32>
    %add3A_3325 = arith.constant 700000 : i32
    %add3A_3326 = vector.broadcast %add3A_3325 : i32 to vector<16xi32>
    %add3A_3327 = arith.addi %get3A_3279, %add3A_3326 : vector<16xi32>
    tpu.vector_store_idx %arg11[%add3A_3324], %add3A_3327 : memref<8192xi32, #tpu.memory_space<vmem>>[vector<16xi32>], vector<16xi32>,
    %get3A_3328 = arith.constant 960 : index
    %get3A_3329 = tpu.vector_load %arg10[%get3A_3328] {strides = array<i32>} : memref<1024xi32, #tpu.memory_space<vmem>>, vector<16xi32>,
    %add3A_3330 = arith.constant 7680 : i32
    %add3A_3331 = vector.broadcast %add3A_3330 : i32 to vector<16xi32>
    %add3A_3332 = arith.addi %mul3A_327, %add3A_3331 : vector<16xi32>
    %add3A_3333 = arith.constant 0 : i32
    %add3A_3334 = vector.broadcast %add3A_3333 : i32 to vector<16xi32>
    %add3A_3335 = arith.addi %get3A_3329, %add3A_3334 : vector<16xi32>
    tpu.vector_store_idx %arg11[%add3A_3332], %add3A_3335 : memref<8192xi32, #tpu.memory_space<vmem>>[vector<16xi32>], vector<16xi32>,
    %add3A_3336 = arith.constant 7681 : i32
    %add3A_3337 = vector.broadcast %add3A_3336 : i32 to vector<16xi32>
    %add3A_3338 = arith.addi %mul3A_327, %add3A_3337 : vector<16xi32>
    %add3A_3339 = arith.constant 100000 : i32
    %add3A_3340 = vector.broadcast %add3A_3339 : i32 to vector<16xi32>
    %add3A_3341 = arith.addi %get3A_3329, %add3A_3340 : vector<16xi32>
    tpu.vector_store_idx %arg11[%add3A_3338], %add3A_3341 : memref<8192xi32, #tpu.memory_space<vmem>>[vector<16xi32>], vector<16xi32>,
    %add3A_3342 = arith.constant 7682 : i32
    %add3A_3343 = vector.broadcast %add3A_3342 : i32 to vector<16xi32>
    %add3A_3344 = arith.addi %mul3A_327, %add3A_3343 : vector<16xi32>
    %add3A_3345 = arith.constant 200000 : i32
    %add3A_3346 = vector.broadcast %add3A_3345 : i32 to vector<16xi32>
    %add3A_3347 = arith.addi %get3A_3329, %add3A_3346 : vector<16xi32>
    tpu.vector_store_idx %arg11[%add3A_3344], %add3A_3347 : memref<8192xi32, #tpu.memory_space<vmem>>[vector<16xi32>], vector<16xi32>,
    %add3A_3348 = arith.constant 7683 : i32
    %add3A_3349 = vector.broadcast %add3A_3348 : i32 to vector<16xi32>
    %add3A_3350 = arith.addi %mul3A_327, %add3A_3349 : vector<16xi32>
    %add3A_3351 = arith.constant 300000 : i32
    %add3A_3352 = vector.broadcast %add3A_3351 : i32 to vector<16xi32>
    %add3A_3353 = arith.addi %get3A_3329, %add3A_3352 : vector<16xi32>
    tpu.vector_store_idx %arg11[%add3A_3350], %add3A_3353 : memref<8192xi32, #tpu.memory_space<vmem>>[vector<16xi32>], vector<16xi32>,
    %add3A_3354 = arith.constant 7684 : i32
    %add3A_3355 = vector.broadcast %add3A_3354 : i32 to vector<16xi32>
    %add3A_3356 = arith.addi %mul3A_327, %add3A_3355 : vector<16xi32>
    %add3A_3357 = arith.constant 400000 : i32
    %add3A_3358 = vector.broadcast %add3A_3357 : i32 to vector<16xi32>
    %add3A_3359 = arith.addi %get3A_3329, %add3A_3358 : vector<16xi32>
    tpu.vector_store_idx %arg11[%add3A_3356], %add3A_3359 : memref<8192xi32, #tpu.memory_space<vmem>>[vector<16xi32>], vector<16xi32>,
    %add3A_3360 = arith.constant 7685 : i32
    %add3A_3361 = vector.broadcast %add3A_3360 : i32 to vector<16xi32>
    %add3A_3362 = arith.addi %mul3A_327, %add3A_3361 : vector<16xi32>
    %add3A_3363 = arith.constant 500000 : i32
    %add3A_3364 = vector.broadcast %add3A_3363 : i32 to vector<16xi32>
    %add3A_3365 = arith.addi %get3A_3329, %add3A_3364 : vector<16xi32>
    tpu.vector_store_idx %arg11[%add3A_3362], %add3A_3365 : memref<8192xi32, #tpu.memory_space<vmem>>[vector<16xi32>], vector<16xi32>,
    %add3A_3366 = arith.constant 7686 : i32
    %add3A_3367 = vector.broadcast %add3A_3366 : i32 to vector<16xi32>
    %add3A_3368 = arith.addi %mul3A_327, %add3A_3367 : vector<16xi32>
    %add3A_3369 = arith.constant 600000 : i32
    %add3A_3370 = vector.broadcast %add3A_3369 : i32 to vector<16xi32>
    %add3A_3371 = arith.addi %get3A_3329, %add3A_3370 : vector<16xi32>
    tpu.vector_store_idx %arg11[%add3A_3368], %add3A_3371 : memref<8192xi32, #tpu.memory_space<vmem>>[vector<16xi32>], vector<16xi32>,
    %add3A_3372 = arith.constant 7687 : i32
    %add3A_3373 = vector.broadcast %add3A_3372 : i32 to vector<16xi32>
    %add3A_3374 = arith.addi %mul3A_327, %add3A_3373 : vector<16xi32>
    %add3A_3375 = arith.constant 700000 : i32
    %add3A_3376 = vector.broadcast %add3A_3375 : i32 to vector<16xi32>
    %add3A_3377 = arith.addi %get3A_3329, %add3A_3376 : vector<16xi32>
    tpu.vector_store_idx %arg11[%add3A_3374], %add3A_3377 : memref<8192xi32, #tpu.memory_space<vmem>>[vector<16xi32>], vector<16xi32>,
    %get3A_3378 = arith.constant 976 : index
    %get3A_3379 = tpu.vector_load %arg10[%get3A_3378] {strides = array<i32>} : memref<1024xi32, #tpu.memory_space<vmem>>, vector<16xi32>,
    %add3A_3380 = arith.constant 7808 : i32
    %add3A_3381 = vector.broadcast %add3A_3380 : i32 to vector<16xi32>
    %add3A_3382 = arith.addi %mul3A_327, %add3A_3381 : vector<16xi32>
    %add3A_3383 = arith.constant 0 : i32
    %add3A_3384 = vector.broadcast %add3A_3383 : i32 to vector<16xi32>
    %add3A_3385 = arith.addi %get3A_3379, %add3A_3384 : vector<16xi32>
    tpu.vector_store_idx %arg11[%add3A_3382], %add3A_3385 : memref<8192xi32, #tpu.memory_space<vmem>>[vector<16xi32>], vector<16xi32>,
    %add3A_3386 = arith.constant 7809 : i32
    %add3A_3387 = vector.broadcast %add3A_3386 : i32 to vector<16xi32>
    %add3A_3388 = arith.addi %mul3A_327, %add3A_3387 : vector<16xi32>
    %add3A_3389 = arith.constant 100000 : i32
    %add3A_3390 = vector.broadcast %add3A_3389 : i32 to vector<16xi32>
    %add3A_3391 = arith.addi %get3A_3379, %add3A_3390 : vector<16xi32>
    tpu.vector_store_idx %arg11[%add3A_3388], %add3A_3391 : memref<8192xi32, #tpu.memory_space<vmem>>[vector<16xi32>], vector<16xi32>,
    %add3A_3392 = arith.constant 7810 : i32
    %add3A_3393 = vector.broadcast %add3A_3392 : i32 to vector<16xi32>
    %add3A_3394 = arith.addi %mul3A_327, %add3A_3393 : vector<16xi32>
    %add3A_3395 = arith.constant 200000 : i32
    %add3A_3396 = vector.broadcast %add3A_3395 : i32 to vector<16xi32>
    %add3A_3397 = arith.addi %get3A_3379, %add3A_3396 : vector<16xi32>
    tpu.vector_store_idx %arg11[%add3A_3394], %add3A_3397 : memref<8192xi32, #tpu.memory_space<vmem>>[vector<16xi32>], vector<16xi32>,
    %add3A_3398 = arith.constant 7811 : i32
    %add3A_3399 = vector.broadcast %add3A_3398 : i32 to vector<16xi32>
    %add3A_3400 = arith.addi %mul3A_327, %add3A_3399 : vector<16xi32>
    %add3A_3401 = arith.constant 300000 : i32
    %add3A_3402 = vector.broadcast %add3A_3401 : i32 to vector<16xi32>
    %add3A_3403 = arith.addi %get3A_3379, %add3A_3402 : vector<16xi32>
    tpu.vector_store_idx %arg11[%add3A_3400], %add3A_3403 : memref<8192xi32, #tpu.memory_space<vmem>>[vector<16xi32>], vector<16xi32>,
    %add3A_3404 = arith.constant 7812 : i32
    %add3A_3405 = vector.broadcast %add3A_3404 : i32 to vector<16xi32>
    %add3A_3406 = arith.addi %mul3A_327, %add3A_3405 : vector<16xi32>
    %add3A_3407 = arith.constant 400000 : i32
    %add3A_3408 = vector.broadcast %add3A_3407 : i32 to vector<16xi32>
    %add3A_3409 = arith.addi %get3A_3379, %add3A_3408 : vector<16xi32>
    tpu.vector_store_idx %arg11[%add3A_3406], %add3A_3409 : memref<8192xi32, #tpu.memory_space<vmem>>[vector<16xi32>], vector<16xi32>,
    %add3A_3410 = arith.constant 7813 : i32
    %add3A_3411 = vector.broadcast %add3A_3410 : i32 to vector<16xi32>
    %add3A_3412 = arith.addi %mul3A_327, %add3A_3411 : vector<16xi32>
    %add3A_3413 = arith.constant 500000 : i32
    %add3A_3414 = vector.broadcast %add3A_3413 : i32 to vector<16xi32>
    %add3A_3415 = arith.addi %get3A_3379, %add3A_3414 : vector<16xi32>
    tpu.vector_store_idx %arg11[%add3A_3412], %add3A_3415 : memref<8192xi32, #tpu.memory_space<vmem>>[vector<16xi32>], vector<16xi32>,
    %add3A_3416 = arith.constant 7814 : i32
    %add3A_3417 = vector.broadcast %add3A_3416 : i32 to vector<16xi32>
    %add3A_3418 = arith.addi %mul3A_327, %add3A_3417 : vector<16xi32>
    %add3A_3419 = arith.constant 600000 : i32
    %add3A_3420 = vector.broadcast %add3A_3419 : i32 to vector<16xi32>
    %add3A_3421 = arith.addi %get3A_3379, %add3A_3420 : vector<16xi32>
    tpu.vector_store_idx %arg11[%add3A_3418], %add3A_3421 : memref<8192xi32, #tpu.memory_space<vmem>>[vector<16xi32>], vector<16xi32>,
    %add3A_3422 = arith.constant 7815 : i32
    %add3A_3423 = vector.broadcast %add3A_3422 : i32 to vector<16xi32>
    %add3A_3424 = arith.addi %mul3A_327, %add3A_3423 : vector<16xi32>
    %add3A_3425 = arith.constant 700000 : i32
    %add3A_3426 = vector.broadcast %add3A_3425 : i32 to vector<16xi32>
    %add3A_3427 = arith.addi %get3A_3379, %add3A_3426 : vector<16xi32>
    tpu.vector_store_idx %arg11[%add3A_3424], %add3A_3427 : memref<8192xi32, #tpu.memory_space<vmem>>[vector<16xi32>], vector<16xi32>,
    %get3A_3428 = arith.constant 992 : index
    %get3A_3429 = tpu.vector_load %arg10[%get3A_3428] {strides = array<i32>} : memref<1024xi32, #tpu.memory_space<vmem>>, vector<16xi32>,
    %add3A_3430 = arith.constant 7936 : i32
    %add3A_3431 = vector.broadcast %add3A_3430 : i32 to vector<16xi32>
    %add3A_3432 = arith.addi %mul3A_327, %add3A_3431 : vector<16xi32>
    %add3A_3433 = arith.constant 0 : i32
    %add3A_3434 = vector.broadcast %add3A_3433 : i32 to vector<16xi32>
    %add3A_3435 = arith.addi %get3A_3429, %add3A_3434 : vector<16xi32>
    tpu.vector_store_idx %arg11[%add3A_3432], %add3A_3435 : memref<8192xi32, #tpu.memory_space<vmem>>[vector<16xi32>], vector<16xi32>,
    %add3A_3436 = arith.constant 7937 : i32
    %add3A_3437 = vector.broadcast %add3A_3436 : i32 to vector<16xi32>
    %add3A_3438 = arith.addi %mul3A_327, %add3A_3437 : vector<16xi32>
    %add3A_3439 = arith.constant 100000 : i32
    %add3A_3440 = vector.broadcast %add3A_3439 : i32 to vector<16xi32>
    %add3A_3441 = arith.addi %get3A_3429, %add3A_3440 : vector<16xi32>
    tpu.vector_store_idx %arg11[%add3A_3438], %add3A_3441 : memref<8192xi32, #tpu.memory_space<vmem>>[vector<16xi32>], vector<16xi32>,
    %add3A_3442 = arith.constant 7938 : i32
    %add3A_3443 = vector.broadcast %add3A_3442 : i32 to vector<16xi32>
    %add3A_3444 = arith.addi %mul3A_327, %add3A_3443 : vector<16xi32>
    %add3A_3445 = arith.constant 200000 : i32
    %add3A_3446 = vector.broadcast %add3A_3445 : i32 to vector<16xi32>
    %add3A_3447 = arith.addi %get3A_3429, %add3A_3446 : vector<16xi32>
    tpu.vector_store_idx %arg11[%add3A_3444], %add3A_3447 : memref<8192xi32, #tpu.memory_space<vmem>>[vector<16xi32>], vector<16xi32>,
    %add3A_3448 = arith.constant 7939 : i32
    %add3A_3449 = vector.broadcast %add3A_3448 : i32 to vector<16xi32>
    %add3A_3450 = arith.addi %mul3A_327, %add3A_3449 : vector<16xi32>
    %add3A_3451 = arith.constant 300000 : i32
    %add3A_3452 = vector.broadcast %add3A_3451 : i32 to vector<16xi32>
    %add3A_3453 = arith.addi %get3A_3429, %add3A_3452 : vector<16xi32>
    tpu.vector_store_idx %arg11[%add3A_3450], %add3A_3453 : memref<8192xi32, #tpu.memory_space<vmem>>[vector<16xi32>], vector<16xi32>,
    %add3A_3454 = arith.constant 7940 : i32
    %add3A_3455 = vector.broadcast %add3A_3454 : i32 to vector<16xi32>
    %add3A_3456 = arith.addi %mul3A_327, %add3A_3455 : vector<16xi32>
    %add3A_3457 = arith.constant 400000 : i32
    %add3A_3458 = vector.broadcast %add3A_3457 : i32 to vector<16xi32>
    %add3A_3459 = arith.addi %get3A_3429, %add3A_3458 : vector<16xi32>
    tpu.vector_store_idx %arg11[%add3A_3456], %add3A_3459 : memref<8192xi32, #tpu.memory_space<vmem>>[vector<16xi32>], vector<16xi32>,
    %add3A_3460 = arith.constant 7941 : i32
    %add3A_3461 = vector.broadcast %add3A_3460 : i32 to vector<16xi32>
    %add3A_3462 = arith.addi %mul3A_327, %add3A_3461 : vector<16xi32>
    %add3A_3463 = arith.constant 500000 : i32
    %add3A_3464 = vector.broadcast %add3A_3463 : i32 to vector<16xi32>
    %add3A_3465 = arith.addi %get3A_3429, %add3A_3464 : vector<16xi32>
    tpu.vector_store_idx %arg11[%add3A_3462], %add3A_3465 : memref<8192xi32, #tpu.memory_space<vmem>>[vector<16xi32>], vector<16xi32>,
    %add3A_3466 = arith.constant 7942 : i32
    %add3A_3467 = vector.broadcast %add3A_3466 : i32 to vector<16xi32>
    %add3A_3468 = arith.addi %mul3A_327, %add3A_3467 : vector<16xi32>
    %add3A_3469 = arith.constant 600000 : i32
    %add3A_3470 = vector.broadcast %add3A_3469 : i32 to vector<16xi32>
    %add3A_3471 = arith.addi %get3A_3429, %add3A_3470 : vector<16xi32>
    tpu.vector_store_idx %arg11[%add3A_3468], %add3A_3471 : memref<8192xi32, #tpu.memory_space<vmem>>[vector<16xi32>], vector<16xi32>,
    %add3A_3472 = arith.constant 7943 : i32
    %add3A_3473 = vector.broadcast %add3A_3472 : i32 to vector<16xi32>
    %add3A_3474 = arith.addi %mul3A_327, %add3A_3473 : vector<16xi32>
    %add3A_3475 = arith.constant 700000 : i32
    %add3A_3476 = vector.broadcast %add3A_3475 : i32 to vector<16xi32>
    %add3A_3477 = arith.addi %get3A_3429, %add3A_3476 : vector<16xi32>
    tpu.vector_store_idx %arg11[%add3A_3474], %add3A_3477 : memref<8192xi32, #tpu.memory_space<vmem>>[vector<16xi32>], vector<16xi32>,
    %get3A_3478 = arith.constant 1008 : index
    %get3A_3479 = tpu.vector_load %arg10[%get3A_3478] {strides = array<i32>} : memref<1024xi32, #tpu.memory_space<vmem>>, vector<16xi32>,
    %add3A_3480 = arith.constant 8064 : i32
    %add3A_3481 = vector.broadcast %add3A_3480 : i32 to vector<16xi32>
    %add3A_3482 = arith.addi %mul3A_327, %add3A_3481 : vector<16xi32>
    %add3A_3483 = arith.constant 0 : i32
    %add3A_3484 = vector.broadcast %add3A_3483 : i32 to vector<16xi32>
    %add3A_3485 = arith.addi %get3A_3479, %add3A_3484 : vector<16xi32>
    tpu.vector_store_idx %arg11[%add3A_3482], %add3A_3485 : memref<8192xi32, #tpu.memory_space<vmem>>[vector<16xi32>], vector<16xi32>,
    %add3A_3486 = arith.constant 8065 : i32
    %add3A_3487 = vector.broadcast %add3A_3486 : i32 to vector<16xi32>
    %add3A_3488 = arith.addi %mul3A_327, %add3A_3487 : vector<16xi32>
    %add3A_3489 = arith.constant 100000 : i32
    %add3A_3490 = vector.broadcast %add3A_3489 : i32 to vector<16xi32>
    %add3A_3491 = arith.addi %get3A_3479, %add3A_3490 : vector<16xi32>
    tpu.vector_store_idx %arg11[%add3A_3488], %add3A_3491 : memref<8192xi32, #tpu.memory_space<vmem>>[vector<16xi32>], vector<16xi32>,
    %add3A_3492 = arith.constant 8066 : i32
    %add3A_3493 = vector.broadcast %add3A_3492 : i32 to vector<16xi32>
    %add3A_3494 = arith.addi %mul3A_327, %add3A_3493 : vector<16xi32>
    %add3A_3495 = arith.constant 200000 : i32
    %add3A_3496 = vector.broadcast %add3A_3495 : i32 to vector<16xi32>
    %add3A_3497 = arith.addi %get3A_3479, %add3A_3496 : vector<16xi32>
    tpu.vector_store_idx %arg11[%add3A_3494], %add3A_3497 : memref<8192xi32, #tpu.memory_space<vmem>>[vector<16xi32>], vector<16xi32>,
    %add3A_3498 = arith.constant 8067 : i32
    %add3A_3499 = vector.broadcast %add3A_3498 : i32 to vector<16xi32>
    %add3A_3500 = arith.addi %mul3A_327, %add3A_3499 : vector<16xi32>
    %add3A_3501 = arith.constant 300000 : i32
    %add3A_3502 = vector.broadcast %add3A_3501 : i32 to vector<16xi32>
    %add3A_3503 = arith.addi %get3A_3479, %add3A_3502 : vector<16xi32>
    tpu.vector_store_idx %arg11[%add3A_3500], %add3A_3503 : memref<8192xi32, #tpu.memory_space<vmem>>[vector<16xi32>], vector<16xi32>,
    %add3A_3504 = arith.constant 8068 : i32
    %add3A_3505 = vector.broadcast %add3A_3504 : i32 to vector<16xi32>
    %add3A_3506 = arith.addi %mul3A_327, %add3A_3505 : vector<16xi32>
    %add3A_3507 = arith.constant 400000 : i32
    %add3A_3508 = vector.broadcast %add3A_3507 : i32 to vector<16xi32>
    %add3A_3509 = arith.addi %get3A_3479, %add3A_3508 : vector<16xi32>
    tpu.vector_store_idx %arg11[%add3A_3506], %add3A_3509 : memref<8192xi32, #tpu.memory_space<vmem>>[vector<16xi32>], vector<16xi32>,
    %add3A_3510 = arith.constant 8069 : i32
    %add3A_3511 = vector.broadcast %add3A_3510 : i32 to vector<16xi32>
    %add3A_3512 = arith.addi %mul3A_327, %add3A_3511 : vector<16xi32>
    %add3A_3513 = arith.constant 500000 : i32
    %add3A_3514 = vector.broadcast %add3A_3513 : i32 to vector<16xi32>
    %add3A_3515 = arith.addi %get3A_3479, %add3A_3514 : vector<16xi32>
    tpu.vector_store_idx %arg11[%add3A_3512], %add3A_3515 : memref<8192xi32, #tpu.memory_space<vmem>>[vector<16xi32>], vector<16xi32>,
    %add3A_3516 = arith.constant 8070 : i32
    %add3A_3517 = vector.broadcast %add3A_3516 : i32 to vector<16xi32>
    %add3A_3518 = arith.addi %mul3A_327, %add3A_3517 : vector<16xi32>
    %add3A_3519 = arith.constant 600000 : i32
    %add3A_3520 = vector.broadcast %add3A_3519 : i32 to vector<16xi32>
    %add3A_3521 = arith.addi %get3A_3479, %add3A_3520 : vector<16xi32>
    tpu.vector_store_idx %arg11[%add3A_3518], %add3A_3521 : memref<8192xi32, #tpu.memory_space<vmem>>[vector<16xi32>], vector<16xi32>,
    %add3A_3522 = arith.constant 8071 : i32
    %add3A_3523 = vector.broadcast %add3A_3522 : i32 to vector<16xi32>
    %add3A_3524 = arith.addi %mul3A_327, %add3A_3523 : vector<16xi32>
    %add3A_3525 = arith.constant 700000 : i32
    %add3A_3526 = vector.broadcast %add3A_3525 : i32 to vector<16xi32>
    %add3A_3527 = arith.addi %get3A_3479, %add3A_3526 : vector<16xi32>
    tpu.vector_store_idx %arg11[%add3A_3524], %add3A_3527 : memref<8192xi32, #tpu.memory_space<vmem>>[vector<16xi32>], vector<16xi32>,
    %dma_start3A = arith.constant 0 : i32
    %dma_start3A_3528 = tpu.memref_slice %arg4[%dma_start3A] : memref<800000xi32, #tpu.memory_space<hbm>> -> memref<800000xi32, #tpu.memory_space<hbm>>
    tpu.enqueue_indirect_dma source(%dma_start3A_3528 : memref<800000xi32, #tpu.memory_space<hbm>>) target(%arg12 : memref<8192xi32, #tpu.memory_space<vmem>>) offsets(%arg11 : memref<8192xi32, #tpu.memory_space<vmem>>) semaphore(%arg14 : memref<!tpu.dma_semaphore, #tpu.memory_space<semaphore_mem>>)
    %dma_wait3A = arith.constant 0 : i32
    %dma_wait3A_3529 = tpu.memref_slice %arg4[%dma_wait3A] : memref<800000xi32, #tpu.memory_space<hbm>> -> memref<800000xi32, #tpu.memory_space<hbm>>
    tpu.wait_indirect_dma semaphore(%arg14 : memref<!tpu.dma_semaphore, #tpu.memory_space<semaphore_mem>>) src(%dma_wait3A_3529 : memref<800000xi32, #tpu.memory_space<hbm>>) dst(%arg12 : memref<8192xi32, #tpu.memory_space<vmem>>)
    %dma_start3A_3530 = arith.constant 0 : i32
    %dma_start3A_3531 = tpu.memref_slice %arg5[%dma_start3A_3530] : memref<3200001xi32, #tpu.memory_space<hbm>> -> memref<3200001xi32, #tpu.memory_space<hbm>>
    tpu.enqueue_indirect_dma source(%dma_start3A_3531 : memref<3200001xi32, #tpu.memory_space<hbm>>) target(%arg13 : memref<8192xi32, #tpu.memory_space<vmem>>) offsets(%arg12 : memref<8192xi32, #tpu.memory_space<vmem>>) semaphore(%arg14 : memref<!tpu.dma_semaphore, #tpu.memory_space<semaphore_mem>>)
    %dma_wait3A_3532 = arith.constant 0 : i32
    %dma_wait3A_3533 = tpu.memref_slice %arg5[%dma_wait3A_3532] : memref<3200001xi32, #tpu.memory_space<hbm>> -> memref<3200001xi32, #tpu.memory_space<hbm>>
    tpu.wait_indirect_dma semaphore(%arg14 : memref<!tpu.dma_semaphore, #tpu.memory_space<semaphore_mem>>) src(%dma_wait3A_3533 : memref<3200001xi32, #tpu.memory_space<hbm>>) dst(%arg13 : memref<8192xi32, #tpu.memory_space<vmem>>)
    "tpu.region"() ({
      %run_scoped3A = tpu.sem_alloc : memref<!tpu.dma_semaphore, #tpu.memory_space<semaphore_mem>>
      %dma_start3A_3534 = arith.constant 0 : i32
      %dma_start3A_3535 = tpu.memref_slice %arg6[%add3A, %dma_start3A_3534] : memref<32x8192xi32, #tpu.memory_space<hbm>> -> memref<1x8192xi32, #tpu.memory_space<hbm>>
      %dma_start3A_3536 = tpu.memref_squeeze %dma_start3A_3535 : memref<1x8192xi32, #tpu.memory_space<hbm>> -> memref<8192xi32, #tpu.memory_space<hbm>>
      %dma_start3A_3537 = arith.constant 0 : i32
      %dma_start3A_3538 = tpu.memref_slice %arg6[%add3A, %dma_start3A_3537] : memref<32x8192xi32, #tpu.memory_space<hbm>> -> memref<1x8192xi32, #tpu.memory_space<hbm>>
      %dma_start3A_3539 = tpu.memref_squeeze %dma_start3A_3538 : memref<1x8192xi32, #tpu.memory_space<hbm>> -> memref<8192xi32, #tpu.memory_space<hbm>>
      tpu.enqueue_dma source(%arg12 : memref<8192xi32, #tpu.memory_space<vmem>>) target(%dma_start3A_3539 : memref<8192xi32, #tpu.memory_space<hbm>>) target_semaphore(%run_scoped3A : memref<!tpu.dma_semaphore, #tpu.memory_space<semaphore_mem>>)
      %dma_wait3A_3540 = arith.constant 0 : i32
      %dma_wait3A_3541 = tpu.memref_slice %arg6[%add3A, %dma_wait3A_3540] : memref<32x8192xi32, #tpu.memory_space<hbm>> -> memref<1x8192xi32, #tpu.memory_space<hbm>>
      %dma_wait3A_3542 = tpu.memref_squeeze %dma_wait3A_3541 : memref<1x8192xi32, #tpu.memory_space<hbm>> -> memref<8192xi32, #tpu.memory_space<hbm>>
      %dma_wait3A_3543 = arith.constant 0 : i32
      %dma_wait3A_3544 = tpu.memref_slice %arg6[%add3A, %dma_wait3A_3543] : memref<32x8192xi32, #tpu.memory_space<hbm>> -> memref<1x8192xi32, #tpu.memory_space<hbm>>
      %dma_wait3A_3545 = tpu.memref_squeeze %dma_wait3A_3544 : memref<1x8192xi32, #tpu.memory_space<hbm>> -> memref<8192xi32, #tpu.memory_space<hbm>>
      tpu.wait_dma2 semaphore(%run_scoped3A : memref<!tpu.dma_semaphore, #tpu.memory_space<semaphore_mem>>) src(%arg12 : memref<8192xi32, #tpu.memory_space<vmem>>) dst(%dma_wait3A_3545 : memref<8192xi32, #tpu.memory_space<hbm>>)
      tpu.yield
    }) : () -> ()
    "tpu.region"() ({
      %run_scoped3A = tpu.sem_alloc : memref<!tpu.dma_semaphore, #tpu.memory_space<semaphore_mem>>
      %dma_start3A_3534 = arith.constant 0 : i32
      %dma_start3A_3535 = tpu.memref_slice %arg7[%add3A, %dma_start3A_3534] : memref<32x8192xi32, #tpu.memory_space<hbm>> -> memref<1x8192xi32, #tpu.memory_space<hbm>>
      %dma_start3A_3536 = tpu.memref_squeeze %dma_start3A_3535 : memref<1x8192xi32, #tpu.memory_space<hbm>> -> memref<8192xi32, #tpu.memory_space<hbm>>
      %dma_start3A_3537 = arith.constant 0 : i32
      %dma_start3A_3538 = tpu.memref_slice %arg7[%add3A, %dma_start3A_3537] : memref<32x8192xi32, #tpu.memory_space<hbm>> -> memref<1x8192xi32, #tpu.memory_space<hbm>>
      %dma_start3A_3539 = tpu.memref_squeeze %dma_start3A_3538 : memref<1x8192xi32, #tpu.memory_space<hbm>> -> memref<8192xi32, #tpu.memory_space<hbm>>
      tpu.enqueue_dma source(%arg13 : memref<8192xi32, #tpu.memory_space<vmem>>) target(%dma_start3A_3539 : memref<8192xi32, #tpu.memory_space<hbm>>) target_semaphore(%run_scoped3A : memref<!tpu.dma_semaphore, #tpu.memory_space<semaphore_mem>>)
      %dma_wait3A_3540 = arith.constant 0 : i32
      %dma_wait3A_3541 = tpu.memref_slice %arg7[%add3A, %dma_wait3A_3540] : memref<32x8192xi32, #tpu.memory_space<hbm>> -> memref<1x8192xi32, #tpu.memory_space<hbm>>
      %dma_wait3A_3542 = tpu.memref_squeeze %dma_wait3A_3541 : memref<1x8192xi32, #tpu.memory_space<hbm>> -> memref<8192xi32, #tpu.memory_space<hbm>>
      %dma_wait3A_3543 = arith.constant 0 : i32
      %dma_wait3A_3544 = tpu.memref_slice %arg7[%add3A, %dma_wait3A_3543] : memref<32x8192xi32, #tpu.memory_space<hbm>> -> memref<1x8192xi32, #tpu.memory_space<hbm>>
      %dma_wait3A_3545 = tpu.memref_squeeze %dma_wait3A_3544 : memref<1x8192xi32, #tpu.memory_space<hbm>> -> memref<8192xi32, #tpu.memory_space<hbm>>
      tpu.wait_dma2 semaphore(%run_scoped3A : memref<!tpu.dma_semaphore, #tpu.memory_space<semaphore_mem>>) src(%arg13 : memref<8192xi32, #tpu.memory_space<vmem>>) dst(%dma_wait3A_3545 : memref<8192xi32, #tpu.memory_space<hbm>>)
      tpu.yield
    }) : () -> ()
    return
  }
}

#map = affine_map<(d0, d1) -> (0)>
#map1 = affine_map<(d0, d1) -> (0, 0)>
module attributes {stable_mosaic.version = 14 : i64} {
  func.func @hop1(%arg0: i32, %arg1: i32, %arg2: memref<2048xi32, #tpu.memory_space<hbm>>, %arg3: memref<800000xi32, #tpu.memory_space<hbm>>, %arg4: memref<3200001xi32, #tpu.memory_space<hbm>>, %arg5: memref<32x512xi32, #tpu.memory_space<hbm>>, %arg6: memref<32x512xi32, #tpu.memory_space<hbm>>, %arg7: memref<64xi32, #tpu.memory_space<vmem>>, %arg8: memref<512xi32, #tpu.memory_space<vmem>>, %arg9: memref<512xi32, #tpu.memory_space<vmem>>, %arg10: memref<512xi32, #tpu.memory_space<vmem>>, %arg11: memref<!tpu.dma_semaphore, #tpu.memory_space<semaphore_mem>>) attributes {dimension_semantics = [#tpu.dimension_semantics<core_parallel>, #tpu.dimension_semantics<subcore_parallel>], iteration_bounds = array<i64: 2, 16>, scalar_prefetch = 0 : i64, scratch_operands = 5 : i64, tpu.core_type = #tpu.core_type<sc_vector_subcore>, window_params = [{transform_indices = #map}, {transform_indices = #map}, {transform_indices = #map}, {transform_indices = #map1}, {transform_indices = #map1}]} {
    %mul3A = arith.constant 2 : i32
    %mul3A_0 = arith.muli %arg1, %mul3A : i32
    %add3A = arith.addi %mul3A_0, %arg0 : i32
    %iota3A = tpu.iota {dimensions = array<i32: 0>} : vector<16xi32>
    %mul3A_1 = arith.constant 64 : i32
    %mul3A_2 = arith.muli %add3A, %mul3A_1 : i32
    "tpu.region"() ({
      %run_scoped3A = tpu.sem_alloc : memref<!tpu.dma_semaphore, #tpu.memory_space<semaphore_mem>>
      %dma_start3A_211 = tpu.memref_slice %arg2[%mul3A_2] : memref<2048xi32, #tpu.memory_space<hbm>> -> memref<64xi32, #tpu.memory_space<hbm>>
      %dma_start3A_212 = tpu.memref_slice %arg2[%mul3A_2] : memref<2048xi32, #tpu.memory_space<hbm>> -> memref<64xi32, #tpu.memory_space<hbm>>
      tpu.enqueue_dma source(%dma_start3A_212 : memref<64xi32, #tpu.memory_space<hbm>>) target(%arg7 : memref<64xi32, #tpu.memory_space<vmem>>) target_semaphore(%run_scoped3A : memref<!tpu.dma_semaphore, #tpu.memory_space<semaphore_mem>>)
      %dma_wait3A_213 = tpu.memref_slice %arg2[%mul3A_2] : memref<2048xi32, #tpu.memory_space<hbm>> -> memref<64xi32, #tpu.memory_space<hbm>>
      %dma_wait3A_214 = tpu.memref_slice %arg2[%mul3A_2] : memref<2048xi32, #tpu.memory_space<hbm>> -> memref<64xi32, #tpu.memory_space<hbm>>
      tpu.wait_dma2 semaphore(%run_scoped3A : memref<!tpu.dma_semaphore, #tpu.memory_space<semaphore_mem>>) src(%dma_wait3A_214 : memref<64xi32, #tpu.memory_space<hbm>>) dst(%arg7 : memref<64xi32, #tpu.memory_space<vmem>>)
      tpu.yield
    }) : () -> ()
    %mul3A_3 = arith.constant 8 : i32
    %mul3A_4 = vector.broadcast %mul3A_3 : i32 to vector<16xi32>
    %mul3A_5 = arith.muli %iota3A, %mul3A_4 : vector<16xi32>
    %get3A = arith.constant 0 : index
    %get3A_6 = tpu.vector_load %arg7[%get3A] {strides = array<i32>} : memref<64xi32, #tpu.memory_space<vmem>>, vector<16xi32>,
    %add3A_7 = arith.constant 0 : i32
    %add3A_8 = vector.broadcast %add3A_7 : i32 to vector<16xi32>
    %add3A_9 = arith.addi %mul3A_5, %add3A_8 : vector<16xi32>
    %add3A_10 = arith.constant 0 : i32
    %add3A_11 = vector.broadcast %add3A_10 : i32 to vector<16xi32>
    %add3A_12 = arith.addi %get3A_6, %add3A_11 : vector<16xi32>
    tpu.vector_store_idx %arg8[%add3A_9], %add3A_12 : memref<512xi32, #tpu.memory_space<vmem>>[vector<16xi32>], vector<16xi32>,
    %add3A_13 = arith.constant 1 : i32
    %add3A_14 = vector.broadcast %add3A_13 : i32 to vector<16xi32>
    %add3A_15 = arith.addi %mul3A_5, %add3A_14 : vector<16xi32>
    %add3A_16 = arith.constant 100000 : i32
    %add3A_17 = vector.broadcast %add3A_16 : i32 to vector<16xi32>
    %add3A_18 = arith.addi %get3A_6, %add3A_17 : vector<16xi32>
    tpu.vector_store_idx %arg8[%add3A_15], %add3A_18 : memref<512xi32, #tpu.memory_space<vmem>>[vector<16xi32>], vector<16xi32>,
    %add3A_19 = arith.constant 2 : i32
    %add3A_20 = vector.broadcast %add3A_19 : i32 to vector<16xi32>
    %add3A_21 = arith.addi %mul3A_5, %add3A_20 : vector<16xi32>
    %add3A_22 = arith.constant 200000 : i32
    %add3A_23 = vector.broadcast %add3A_22 : i32 to vector<16xi32>
    %add3A_24 = arith.addi %get3A_6, %add3A_23 : vector<16xi32>
    tpu.vector_store_idx %arg8[%add3A_21], %add3A_24 : memref<512xi32, #tpu.memory_space<vmem>>[vector<16xi32>], vector<16xi32>,
    %add3A_25 = arith.constant 3 : i32
    %add3A_26 = vector.broadcast %add3A_25 : i32 to vector<16xi32>
    %add3A_27 = arith.addi %mul3A_5, %add3A_26 : vector<16xi32>
    %add3A_28 = arith.constant 300000 : i32
    %add3A_29 = vector.broadcast %add3A_28 : i32 to vector<16xi32>
    %add3A_30 = arith.addi %get3A_6, %add3A_29 : vector<16xi32>
    tpu.vector_store_idx %arg8[%add3A_27], %add3A_30 : memref<512xi32, #tpu.memory_space<vmem>>[vector<16xi32>], vector<16xi32>,
    %add3A_31 = arith.constant 4 : i32
    %add3A_32 = vector.broadcast %add3A_31 : i32 to vector<16xi32>
    %add3A_33 = arith.addi %mul3A_5, %add3A_32 : vector<16xi32>
    %add3A_34 = arith.constant 400000 : i32
    %add3A_35 = vector.broadcast %add3A_34 : i32 to vector<16xi32>
    %add3A_36 = arith.addi %get3A_6, %add3A_35 : vector<16xi32>
    tpu.vector_store_idx %arg8[%add3A_33], %add3A_36 : memref<512xi32, #tpu.memory_space<vmem>>[vector<16xi32>], vector<16xi32>,
    %add3A_37 = arith.constant 5 : i32
    %add3A_38 = vector.broadcast %add3A_37 : i32 to vector<16xi32>
    %add3A_39 = arith.addi %mul3A_5, %add3A_38 : vector<16xi32>
    %add3A_40 = arith.constant 500000 : i32
    %add3A_41 = vector.broadcast %add3A_40 : i32 to vector<16xi32>
    %add3A_42 = arith.addi %get3A_6, %add3A_41 : vector<16xi32>
    tpu.vector_store_idx %arg8[%add3A_39], %add3A_42 : memref<512xi32, #tpu.memory_space<vmem>>[vector<16xi32>], vector<16xi32>,
    %add3A_43 = arith.constant 6 : i32
    %add3A_44 = vector.broadcast %add3A_43 : i32 to vector<16xi32>
    %add3A_45 = arith.addi %mul3A_5, %add3A_44 : vector<16xi32>
    %add3A_46 = arith.constant 600000 : i32
    %add3A_47 = vector.broadcast %add3A_46 : i32 to vector<16xi32>
    %add3A_48 = arith.addi %get3A_6, %add3A_47 : vector<16xi32>
    tpu.vector_store_idx %arg8[%add3A_45], %add3A_48 : memref<512xi32, #tpu.memory_space<vmem>>[vector<16xi32>], vector<16xi32>,
    %add3A_49 = arith.constant 7 : i32
    %add3A_50 = vector.broadcast %add3A_49 : i32 to vector<16xi32>
    %add3A_51 = arith.addi %mul3A_5, %add3A_50 : vector<16xi32>
    %add3A_52 = arith.constant 700000 : i32
    %add3A_53 = vector.broadcast %add3A_52 : i32 to vector<16xi32>
    %add3A_54 = arith.addi %get3A_6, %add3A_53 : vector<16xi32>
    tpu.vector_store_idx %arg8[%add3A_51], %add3A_54 : memref<512xi32, #tpu.memory_space<vmem>>[vector<16xi32>], vector<16xi32>,
    %get3A_55 = arith.constant 16 : index
    %get3A_56 = tpu.vector_load %arg7[%get3A_55] {strides = array<i32>} : memref<64xi32, #tpu.memory_space<vmem>>, vector<16xi32>,
    %add3A_57 = arith.constant 128 : i32
    %add3A_58 = vector.broadcast %add3A_57 : i32 to vector<16xi32>
    %add3A_59 = arith.addi %mul3A_5, %add3A_58 : vector<16xi32>
    %add3A_60 = arith.constant 0 : i32
    %add3A_61 = vector.broadcast %add3A_60 : i32 to vector<16xi32>
    %add3A_62 = arith.addi %get3A_56, %add3A_61 : vector<16xi32>
    tpu.vector_store_idx %arg8[%add3A_59], %add3A_62 : memref<512xi32, #tpu.memory_space<vmem>>[vector<16xi32>], vector<16xi32>,
    %add3A_63 = arith.constant 129 : i32
    %add3A_64 = vector.broadcast %add3A_63 : i32 to vector<16xi32>
    %add3A_65 = arith.addi %mul3A_5, %add3A_64 : vector<16xi32>
    %add3A_66 = arith.constant 100000 : i32
    %add3A_67 = vector.broadcast %add3A_66 : i32 to vector<16xi32>
    %add3A_68 = arith.addi %get3A_56, %add3A_67 : vector<16xi32>
    tpu.vector_store_idx %arg8[%add3A_65], %add3A_68 : memref<512xi32, #tpu.memory_space<vmem>>[vector<16xi32>], vector<16xi32>,
    %add3A_69 = arith.constant 130 : i32
    %add3A_70 = vector.broadcast %add3A_69 : i32 to vector<16xi32>
    %add3A_71 = arith.addi %mul3A_5, %add3A_70 : vector<16xi32>
    %add3A_72 = arith.constant 200000 : i32
    %add3A_73 = vector.broadcast %add3A_72 : i32 to vector<16xi32>
    %add3A_74 = arith.addi %get3A_56, %add3A_73 : vector<16xi32>
    tpu.vector_store_idx %arg8[%add3A_71], %add3A_74 : memref<512xi32, #tpu.memory_space<vmem>>[vector<16xi32>], vector<16xi32>,
    %add3A_75 = arith.constant 131 : i32
    %add3A_76 = vector.broadcast %add3A_75 : i32 to vector<16xi32>
    %add3A_77 = arith.addi %mul3A_5, %add3A_76 : vector<16xi32>
    %add3A_78 = arith.constant 300000 : i32
    %add3A_79 = vector.broadcast %add3A_78 : i32 to vector<16xi32>
    %add3A_80 = arith.addi %get3A_56, %add3A_79 : vector<16xi32>
    tpu.vector_store_idx %arg8[%add3A_77], %add3A_80 : memref<512xi32, #tpu.memory_space<vmem>>[vector<16xi32>], vector<16xi32>,
    %add3A_81 = arith.constant 132 : i32
    %add3A_82 = vector.broadcast %add3A_81 : i32 to vector<16xi32>
    %add3A_83 = arith.addi %mul3A_5, %add3A_82 : vector<16xi32>
    %add3A_84 = arith.constant 400000 : i32
    %add3A_85 = vector.broadcast %add3A_84 : i32 to vector<16xi32>
    %add3A_86 = arith.addi %get3A_56, %add3A_85 : vector<16xi32>
    tpu.vector_store_idx %arg8[%add3A_83], %add3A_86 : memref<512xi32, #tpu.memory_space<vmem>>[vector<16xi32>], vector<16xi32>,
    %add3A_87 = arith.constant 133 : i32
    %add3A_88 = vector.broadcast %add3A_87 : i32 to vector<16xi32>
    %add3A_89 = arith.addi %mul3A_5, %add3A_88 : vector<16xi32>
    %add3A_90 = arith.constant 500000 : i32
    %add3A_91 = vector.broadcast %add3A_90 : i32 to vector<16xi32>
    %add3A_92 = arith.addi %get3A_56, %add3A_91 : vector<16xi32>
    tpu.vector_store_idx %arg8[%add3A_89], %add3A_92 : memref<512xi32, #tpu.memory_space<vmem>>[vector<16xi32>], vector<16xi32>,
    %add3A_93 = arith.constant 134 : i32
    %add3A_94 = vector.broadcast %add3A_93 : i32 to vector<16xi32>
    %add3A_95 = arith.addi %mul3A_5, %add3A_94 : vector<16xi32>
    %add3A_96 = arith.constant 600000 : i32
    %add3A_97 = vector.broadcast %add3A_96 : i32 to vector<16xi32>
    %add3A_98 = arith.addi %get3A_56, %add3A_97 : vector<16xi32>
    tpu.vector_store_idx %arg8[%add3A_95], %add3A_98 : memref<512xi32, #tpu.memory_space<vmem>>[vector<16xi32>], vector<16xi32>,
    %add3A_99 = arith.constant 135 : i32
    %add3A_100 = vector.broadcast %add3A_99 : i32 to vector<16xi32>
    %add3A_101 = arith.addi %mul3A_5, %add3A_100 : vector<16xi32>
    %add3A_102 = arith.constant 700000 : i32
    %add3A_103 = vector.broadcast %add3A_102 : i32 to vector<16xi32>
    %add3A_104 = arith.addi %get3A_56, %add3A_103 : vector<16xi32>
    tpu.vector_store_idx %arg8[%add3A_101], %add3A_104 : memref<512xi32, #tpu.memory_space<vmem>>[vector<16xi32>], vector<16xi32>,
    %get3A_105 = arith.constant 32 : index
    %get3A_106 = tpu.vector_load %arg7[%get3A_105] {strides = array<i32>} : memref<64xi32, #tpu.memory_space<vmem>>, vector<16xi32>,
    %add3A_107 = arith.constant 256 : i32
    %add3A_108 = vector.broadcast %add3A_107 : i32 to vector<16xi32>
    %add3A_109 = arith.addi %mul3A_5, %add3A_108 : vector<16xi32>
    %add3A_110 = arith.constant 0 : i32
    %add3A_111 = vector.broadcast %add3A_110 : i32 to vector<16xi32>
    %add3A_112 = arith.addi %get3A_106, %add3A_111 : vector<16xi32>
    tpu.vector_store_idx %arg8[%add3A_109], %add3A_112 : memref<512xi32, #tpu.memory_space<vmem>>[vector<16xi32>], vector<16xi32>,
    %add3A_113 = arith.constant 257 : i32
    %add3A_114 = vector.broadcast %add3A_113 : i32 to vector<16xi32>
    %add3A_115 = arith.addi %mul3A_5, %add3A_114 : vector<16xi32>
    %add3A_116 = arith.constant 100000 : i32
    %add3A_117 = vector.broadcast %add3A_116 : i32 to vector<16xi32>
    %add3A_118 = arith.addi %get3A_106, %add3A_117 : vector<16xi32>
    tpu.vector_store_idx %arg8[%add3A_115], %add3A_118 : memref<512xi32, #tpu.memory_space<vmem>>[vector<16xi32>], vector<16xi32>,
    %add3A_119 = arith.constant 258 : i32
    %add3A_120 = vector.broadcast %add3A_119 : i32 to vector<16xi32>
    %add3A_121 = arith.addi %mul3A_5, %add3A_120 : vector<16xi32>
    %add3A_122 = arith.constant 200000 : i32
    %add3A_123 = vector.broadcast %add3A_122 : i32 to vector<16xi32>
    %add3A_124 = arith.addi %get3A_106, %add3A_123 : vector<16xi32>
    tpu.vector_store_idx %arg8[%add3A_121], %add3A_124 : memref<512xi32, #tpu.memory_space<vmem>>[vector<16xi32>], vector<16xi32>,
    %add3A_125 = arith.constant 259 : i32
    %add3A_126 = vector.broadcast %add3A_125 : i32 to vector<16xi32>
    %add3A_127 = arith.addi %mul3A_5, %add3A_126 : vector<16xi32>
    %add3A_128 = arith.constant 300000 : i32
    %add3A_129 = vector.broadcast %add3A_128 : i32 to vector<16xi32>
    %add3A_130 = arith.addi %get3A_106, %add3A_129 : vector<16xi32>
    tpu.vector_store_idx %arg8[%add3A_127], %add3A_130 : memref<512xi32, #tpu.memory_space<vmem>>[vector<16xi32>], vector<16xi32>,
    %add3A_131 = arith.constant 260 : i32
    %add3A_132 = vector.broadcast %add3A_131 : i32 to vector<16xi32>
    %add3A_133 = arith.addi %mul3A_5, %add3A_132 : vector<16xi32>
    %add3A_134 = arith.constant 400000 : i32
    %add3A_135 = vector.broadcast %add3A_134 : i32 to vector<16xi32>
    %add3A_136 = arith.addi %get3A_106, %add3A_135 : vector<16xi32>
    tpu.vector_store_idx %arg8[%add3A_133], %add3A_136 : memref<512xi32, #tpu.memory_space<vmem>>[vector<16xi32>], vector<16xi32>,
    %add3A_137 = arith.constant 261 : i32
    %add3A_138 = vector.broadcast %add3A_137 : i32 to vector<16xi32>
    %add3A_139 = arith.addi %mul3A_5, %add3A_138 : vector<16xi32>
    %add3A_140 = arith.constant 500000 : i32
    %add3A_141 = vector.broadcast %add3A_140 : i32 to vector<16xi32>
    %add3A_142 = arith.addi %get3A_106, %add3A_141 : vector<16xi32>
    tpu.vector_store_idx %arg8[%add3A_139], %add3A_142 : memref<512xi32, #tpu.memory_space<vmem>>[vector<16xi32>], vector<16xi32>,
    %add3A_143 = arith.constant 262 : i32
    %add3A_144 = vector.broadcast %add3A_143 : i32 to vector<16xi32>
    %add3A_145 = arith.addi %mul3A_5, %add3A_144 : vector<16xi32>
    %add3A_146 = arith.constant 600000 : i32
    %add3A_147 = vector.broadcast %add3A_146 : i32 to vector<16xi32>
    %add3A_148 = arith.addi %get3A_106, %add3A_147 : vector<16xi32>
    tpu.vector_store_idx %arg8[%add3A_145], %add3A_148 : memref<512xi32, #tpu.memory_space<vmem>>[vector<16xi32>], vector<16xi32>,
    %add3A_149 = arith.constant 263 : i32
    %add3A_150 = vector.broadcast %add3A_149 : i32 to vector<16xi32>
    %add3A_151 = arith.addi %mul3A_5, %add3A_150 : vector<16xi32>
    %add3A_152 = arith.constant 700000 : i32
    %add3A_153 = vector.broadcast %add3A_152 : i32 to vector<16xi32>
    %add3A_154 = arith.addi %get3A_106, %add3A_153 : vector<16xi32>
    tpu.vector_store_idx %arg8[%add3A_151], %add3A_154 : memref<512xi32, #tpu.memory_space<vmem>>[vector<16xi32>], vector<16xi32>,
    %get3A_155 = arith.constant 48 : index
    %get3A_156 = tpu.vector_load %arg7[%get3A_155] {strides = array<i32>} : memref<64xi32, #tpu.memory_space<vmem>>, vector<16xi32>,
    %add3A_157 = arith.constant 384 : i32
    %add3A_158 = vector.broadcast %add3A_157 : i32 to vector<16xi32>
    %add3A_159 = arith.addi %mul3A_5, %add3A_158 : vector<16xi32>
    %add3A_160 = arith.constant 0 : i32
    %add3A_161 = vector.broadcast %add3A_160 : i32 to vector<16xi32>
    %add3A_162 = arith.addi %get3A_156, %add3A_161 : vector<16xi32>
    tpu.vector_store_idx %arg8[%add3A_159], %add3A_162 : memref<512xi32, #tpu.memory_space<vmem>>[vector<16xi32>], vector<16xi32>,
    %add3A_163 = arith.constant 385 : i32
    %add3A_164 = vector.broadcast %add3A_163 : i32 to vector<16xi32>
    %add3A_165 = arith.addi %mul3A_5, %add3A_164 : vector<16xi32>
    %add3A_166 = arith.constant 100000 : i32
    %add3A_167 = vector.broadcast %add3A_166 : i32 to vector<16xi32>
    %add3A_168 = arith.addi %get3A_156, %add3A_167 : vector<16xi32>
    tpu.vector_store_idx %arg8[%add3A_165], %add3A_168 : memref<512xi32, #tpu.memory_space<vmem>>[vector<16xi32>], vector<16xi32>,
    %add3A_169 = arith.constant 386 : i32
    %add3A_170 = vector.broadcast %add3A_169 : i32 to vector<16xi32>
    %add3A_171 = arith.addi %mul3A_5, %add3A_170 : vector<16xi32>
    %add3A_172 = arith.constant 200000 : i32
    %add3A_173 = vector.broadcast %add3A_172 : i32 to vector<16xi32>
    %add3A_174 = arith.addi %get3A_156, %add3A_173 : vector<16xi32>
    tpu.vector_store_idx %arg8[%add3A_171], %add3A_174 : memref<512xi32, #tpu.memory_space<vmem>>[vector<16xi32>], vector<16xi32>,
    %add3A_175 = arith.constant 387 : i32
    %add3A_176 = vector.broadcast %add3A_175 : i32 to vector<16xi32>
    %add3A_177 = arith.addi %mul3A_5, %add3A_176 : vector<16xi32>
    %add3A_178 = arith.constant 300000 : i32
    %add3A_179 = vector.broadcast %add3A_178 : i32 to vector<16xi32>
    %add3A_180 = arith.addi %get3A_156, %add3A_179 : vector<16xi32>
    tpu.vector_store_idx %arg8[%add3A_177], %add3A_180 : memref<512xi32, #tpu.memory_space<vmem>>[vector<16xi32>], vector<16xi32>,
    %add3A_181 = arith.constant 388 : i32
    %add3A_182 = vector.broadcast %add3A_181 : i32 to vector<16xi32>
    %add3A_183 = arith.addi %mul3A_5, %add3A_182 : vector<16xi32>
    %add3A_184 = arith.constant 400000 : i32
    %add3A_185 = vector.broadcast %add3A_184 : i32 to vector<16xi32>
    %add3A_186 = arith.addi %get3A_156, %add3A_185 : vector<16xi32>
    tpu.vector_store_idx %arg8[%add3A_183], %add3A_186 : memref<512xi32, #tpu.memory_space<vmem>>[vector<16xi32>], vector<16xi32>,
    %add3A_187 = arith.constant 389 : i32
    %add3A_188 = vector.broadcast %add3A_187 : i32 to vector<16xi32>
    %add3A_189 = arith.addi %mul3A_5, %add3A_188 : vector<16xi32>
    %add3A_190 = arith.constant 500000 : i32
    %add3A_191 = vector.broadcast %add3A_190 : i32 to vector<16xi32>
    %add3A_192 = arith.addi %get3A_156, %add3A_191 : vector<16xi32>
    tpu.vector_store_idx %arg8[%add3A_189], %add3A_192 : memref<512xi32, #tpu.memory_space<vmem>>[vector<16xi32>], vector<16xi32>,
    %add3A_193 = arith.constant 390 : i32
    %add3A_194 = vector.broadcast %add3A_193 : i32 to vector<16xi32>
    %add3A_195 = arith.addi %mul3A_5, %add3A_194 : vector<16xi32>
    %add3A_196 = arith.constant 600000 : i32
    %add3A_197 = vector.broadcast %add3A_196 : i32 to vector<16xi32>
    %add3A_198 = arith.addi %get3A_156, %add3A_197 : vector<16xi32>
    tpu.vector_store_idx %arg8[%add3A_195], %add3A_198 : memref<512xi32, #tpu.memory_space<vmem>>[vector<16xi32>], vector<16xi32>,
    %add3A_199 = arith.constant 391 : i32
    %add3A_200 = vector.broadcast %add3A_199 : i32 to vector<16xi32>
    %add3A_201 = arith.addi %mul3A_5, %add3A_200 : vector<16xi32>
    %add3A_202 = arith.constant 700000 : i32
    %add3A_203 = vector.broadcast %add3A_202 : i32 to vector<16xi32>
    %add3A_204 = arith.addi %get3A_156, %add3A_203 : vector<16xi32>
    tpu.vector_store_idx %arg8[%add3A_201], %add3A_204 : memref<512xi32, #tpu.memory_space<vmem>>[vector<16xi32>], vector<16xi32>,
    %dma_start3A = arith.constant 0 : i32
    %dma_start3A_205 = tpu.memref_slice %arg3[%dma_start3A] : memref<800000xi32, #tpu.memory_space<hbm>> -> memref<800000xi32, #tpu.memory_space<hbm>>
    tpu.enqueue_indirect_dma source(%dma_start3A_205 : memref<800000xi32, #tpu.memory_space<hbm>>) target(%arg9 : memref<512xi32, #tpu.memory_space<vmem>>) offsets(%arg8 : memref<512xi32, #tpu.memory_space<vmem>>) semaphore(%arg11 : memref<!tpu.dma_semaphore, #tpu.memory_space<semaphore_mem>>)
    %dma_wait3A = arith.constant 0 : i32
    %dma_wait3A_206 = tpu.memref_slice %arg3[%dma_wait3A] : memref<800000xi32, #tpu.memory_space<hbm>> -> memref<800000xi32, #tpu.memory_space<hbm>>
    tpu.wait_indirect_dma semaphore(%arg11 : memref<!tpu.dma_semaphore, #tpu.memory_space<semaphore_mem>>) src(%dma_wait3A_206 : memref<800000xi32, #tpu.memory_space<hbm>>) dst(%arg9 : memref<512xi32, #tpu.memory_space<vmem>>)
    %dma_start3A_207 = arith.constant 0 : i32
    %dma_start3A_208 = tpu.memref_slice %arg4[%dma_start3A_207] : memref<3200001xi32, #tpu.memory_space<hbm>> -> memref<3200001xi32, #tpu.memory_space<hbm>>
    tpu.enqueue_indirect_dma source(%dma_start3A_208 : memref<3200001xi32, #tpu.memory_space<hbm>>) target(%arg10 : memref<512xi32, #tpu.memory_space<vmem>>) offsets(%arg9 : memref<512xi32, #tpu.memory_space<vmem>>) semaphore(%arg11 : memref<!tpu.dma_semaphore, #tpu.memory_space<semaphore_mem>>)
    %dma_wait3A_209 = arith.constant 0 : i32
    %dma_wait3A_210 = tpu.memref_slice %arg4[%dma_wait3A_209] : memref<3200001xi32, #tpu.memory_space<hbm>> -> memref<3200001xi32, #tpu.memory_space<hbm>>
    tpu.wait_indirect_dma semaphore(%arg11 : memref<!tpu.dma_semaphore, #tpu.memory_space<semaphore_mem>>) src(%dma_wait3A_210 : memref<3200001xi32, #tpu.memory_space<hbm>>) dst(%arg10 : memref<512xi32, #tpu.memory_space<vmem>>)
    "tpu.region"() ({
      %run_scoped3A = tpu.sem_alloc : memref<!tpu.dma_semaphore, #tpu.memory_space<semaphore_mem>>
      %dma_start3A_211 = arith.constant 0 : i32
      %dma_start3A_212 = tpu.memref_slice %arg5[%add3A, %dma_start3A_211] : memref<32x512xi32, #tpu.memory_space<hbm>> -> memref<1x512xi32, #tpu.memory_space<hbm>>
      %dma_start3A_213 = tpu.memref_squeeze %dma_start3A_212 : memref<1x512xi32, #tpu.memory_space<hbm>> -> memref<512xi32, #tpu.memory_space<hbm>>
      %dma_start3A_214 = arith.constant 0 : i32
      %dma_start3A_215 = tpu.memref_slice %arg5[%add3A, %dma_start3A_214] : memref<32x512xi32, #tpu.memory_space<hbm>> -> memref<1x512xi32, #tpu.memory_space<hbm>>
      %dma_start3A_216 = tpu.memref_squeeze %dma_start3A_215 : memref<1x512xi32, #tpu.memory_space<hbm>> -> memref<512xi32, #tpu.memory_space<hbm>>
      tpu.enqueue_dma source(%arg9 : memref<512xi32, #tpu.memory_space<vmem>>) target(%dma_start3A_216 : memref<512xi32, #tpu.memory_space<hbm>>) target_semaphore(%run_scoped3A : memref<!tpu.dma_semaphore, #tpu.memory_space<semaphore_mem>>)
      %dma_wait3A_217 = arith.constant 0 : i32
      %dma_wait3A_218 = tpu.memref_slice %arg5[%add3A, %dma_wait3A_217] : memref<32x512xi32, #tpu.memory_space<hbm>> -> memref<1x512xi32, #tpu.memory_space<hbm>>
      %dma_wait3A_219 = tpu.memref_squeeze %dma_wait3A_218 : memref<1x512xi32, #tpu.memory_space<hbm>> -> memref<512xi32, #tpu.memory_space<hbm>>
      %dma_wait3A_220 = arith.constant 0 : i32
      %dma_wait3A_221 = tpu.memref_slice %arg5[%add3A, %dma_wait3A_220] : memref<32x512xi32, #tpu.memory_space<hbm>> -> memref<1x512xi32, #tpu.memory_space<hbm>>
      %dma_wait3A_222 = tpu.memref_squeeze %dma_wait3A_221 : memref<1x512xi32, #tpu.memory_space<hbm>> -> memref<512xi32, #tpu.memory_space<hbm>>
      tpu.wait_dma2 semaphore(%run_scoped3A : memref<!tpu.dma_semaphore, #tpu.memory_space<semaphore_mem>>) src(%arg9 : memref<512xi32, #tpu.memory_space<vmem>>) dst(%dma_wait3A_222 : memref<512xi32, #tpu.memory_space<hbm>>)
      tpu.yield
    }) : () -> ()
    "tpu.region"() ({
      %run_scoped3A = tpu.sem_alloc : memref<!tpu.dma_semaphore, #tpu.memory_space<semaphore_mem>>
      %dma_start3A_211 = arith.constant 0 : i32
      %dma_start3A_212 = tpu.memref_slice %arg6[%add3A, %dma_start3A_211] : memref<32x512xi32, #tpu.memory_space<hbm>> -> memref<1x512xi32, #tpu.memory_space<hbm>>
      %dma_start3A_213 = tpu.memref_squeeze %dma_start3A_212 : memref<1x512xi32, #tpu.memory_space<hbm>> -> memref<512xi32, #tpu.memory_space<hbm>>
      %dma_start3A_214 = arith.constant 0 : i32
      %dma_start3A_215 = tpu.memref_slice %arg6[%add3A, %dma_start3A_214] : memref<32x512xi32, #tpu.memory_space<hbm>> -> memref<1x512xi32, #tpu.memory_space<hbm>>
      %dma_start3A_216 = tpu.memref_squeeze %dma_start3A_215 : memref<1x512xi32, #tpu.memory_space<hbm>> -> memref<512xi32, #tpu.memory_space<hbm>>
      tpu.enqueue_dma source(%arg10 : memref<512xi32, #tpu.memory_space<vmem>>) target(%dma_start3A_216 : memref<512xi32, #tpu.memory_space<hbm>>) target_semaphore(%run_scoped3A : memref<!tpu.dma_semaphore, #tpu.memory_space<semaphore_mem>>)
      %dma_wait3A_217 = arith.constant 0 : i32
      %dma_wait3A_218 = tpu.memref_slice %arg6[%add3A, %dma_wait3A_217] : memref<32x512xi32, #tpu.memory_space<hbm>> -> memref<1x512xi32, #tpu.memory_space<hbm>>
      %dma_wait3A_219 = tpu.memref_squeeze %dma_wait3A_218 : memref<1x512xi32, #tpu.memory_space<hbm>> -> memref<512xi32, #tpu.memory_space<hbm>>
      %dma_wait3A_220 = arith.constant 0 : i32
      %dma_wait3A_221 = tpu.memref_slice %arg6[%add3A, %dma_wait3A_220] : memref<32x512xi32, #tpu.memory_space<hbm>> -> memref<1x512xi32, #tpu.memory_space<hbm>>
      %dma_wait3A_222 = tpu.memref_squeeze %dma_wait3A_221 : memref<1x512xi32, #tpu.memory_space<hbm>> -> memref<512xi32, #tpu.memory_space<hbm>>
      tpu.wait_dma2 semaphore(%run_scoped3A : memref<!tpu.dma_semaphore, #tpu.memory_space<semaphore_mem>>) src(%arg10 : memref<512xi32, #tpu.memory_space<vmem>>) dst(%dma_wait3A_222 : memref<512xi32, #tpu.memory_space<hbm>>)
      tpu.yield
    }) : () -> ()
    return
  }
}

module attributes {stable_mosaic.version = 14 : i64} {
  func.func @_tc_body(%arg0: i32, %arg1: memref<2048x1xi32, #tpu.memory_space<vmem>>, %arg2: memref<2048x1xi32, #tpu.memory_space<vmem>>, %arg3: memref<2048x16xi32, #tpu.memory_space<vmem>>, %arg4: memref<2048x16xi32, #tpu.memory_space<vmem>>, %arg5: memref<128x1xi32, #tpu.memory_space<vmem>>, %arg6: memref<237x64xf32, #tpu.memory_space<vmem>>, %arg7: memref<237x64xf32, #tpu.memory_space<vmem>>, %arg8: memref<237x64xf32, #tpu.memory_space<vmem>>, %arg9: memref<1x64xf32, #tpu.memory_space<vmem>>, %arg10: memref<64x237xf32, #tpu.memory_space<vmem>>, %arg11: memref<64x237xf32, #tpu.memory_space<vmem>>, %arg12: memref<1x237xf32, #tpu.memory_space<vmem>>, %arg13: memref<128x237xf32, #tpu.memory_space<vmem>>) attributes {dimension_semantics = [#tpu.dimension_semantics<arbitrary>], iteration_bounds = array<i64: 8>, scalar_prefetch = 0 : i64, scratch_operands = 0 : i64, tpu.core_type = #tpu.core_type<tc>, window_params = [{transform_indices = @transform_0, window_bounds = array<i64: 2048, 1>}, {transform_indices = @transform_1, window_bounds = array<i64: 2048, 1>}, {transform_indices = @transform_2, window_bounds = array<i64: 2048, 16>}, {transform_indices = @transform_3, window_bounds = array<i64: 2048, 16>}, {transform_indices = @transform_4, window_bounds = array<i64: 128, 1>}, {pipeline_mode = #tpu.pipeline_mode<synchronous>, transform_indices = @transform_5, window_bounds = array<i64: 237, 64>}, {pipeline_mode = #tpu.pipeline_mode<synchronous>, transform_indices = @transform_6, window_bounds = array<i64: 237, 64>}, {pipeline_mode = #tpu.pipeline_mode<synchronous>, transform_indices = @transform_7, window_bounds = array<i64: 237, 64>}, {pipeline_mode = #tpu.pipeline_mode<synchronous>, transform_indices = @transform_8, window_bounds = array<i64: 1, 64>}, {pipeline_mode = #tpu.pipeline_mode<synchronous>, transform_indices = @transform_9, window_bounds = array<i64: 64, 237>}, {pipeline_mode = #tpu.pipeline_mode<synchronous>, transform_indices = @transform_10, window_bounds = array<i64: 64, 237>}, {pipeline_mode = #tpu.pipeline_mode<synchronous>, transform_indices = @transform_11, window_bounds = array<i64: 1, 237>}, {transform_indices = @transform_12, window_bounds = array<i64: 128, 237>}]} {
    %get3A = arith.constant 0 : index
    %get3A_0 = arith.constant 0 : index
    %get3A_1 = vector.load %arg5[%get3A, %get3A_0] : memref<128x1xi32, #tpu.memory_space<vmem>>, vector<128x1xi32>
    %broadcast_in_dim3A = vector.shape_cast %get3A_1 : vector<128x1xi32> to vector<128x1x1xi32>
    %broadcast_in_dim3A_2 = vector.shape_cast %broadcast_in_dim3A : vector<128x1x1xi32> to vector<128x1x1xi32>
    %broadcast_in_dim3A_3 = vector.broadcast %broadcast_in_dim3A_2 : vector<128x1x1xi32> to vector<128x16x1xi32>
    %reshape3A = vector.shape_cast %broadcast_in_dim3A_3 : vector<128x16x1xi32> to vector<2048x1xi32>
    %get3A_4 = arith.constant 0 : index
    %get3A_5 = arith.constant 0 : index
    %get3A_6 = vector.load %arg2[%get3A_4, %get3A_5] : memref<2048x1xi32, #tpu.memory_space<vmem>>, vector<2048x1xi32>
    %ne3A = arith.cmpi ne, %get3A_6, %reshape3A : vector<2048x1xi32>
    %convert_element_type3A = arith.extui %ne3A : vector<2048x1xi1> to vector<2048x1xi32>
    %convert_element_type3A_7 = arith.sitofp %convert_element_type3A : vector<2048x1xi32> to vector<2048x1xf32>
    %get3A_8 = arith.constant 0 : index
    %get3A_9 = arith.constant 0 : index
    %get3A_10 = vector.load %arg4[%get3A_8, %get3A_9] : memref<2048x16xi32, #tpu.memory_space<vmem>>, vector<2048x16xi32>
    %ne3A_11 = vector.broadcast %reshape3A : vector<2048x1xi32> to vector<2048x16xi32>
    %ne3A_12 = arith.cmpi ne, %get3A_10, %ne3A_11 : vector<2048x16xi32>
    %convert_element_type3A_13 = arith.extui %ne3A_12 : vector<2048x16xi1> to vector<2048x16xi32>
    %convert_element_type3A_14 = arith.sitofp %convert_element_type3A_13 : vector<2048x16xi32> to vector<2048x16xf32>
    %get3A_15 = arith.constant 0 : index
    %get3A_16 = arith.constant 0 : index
    %get3A_17 = vector.load %arg3[%get3A_15, %get3A_16] : memref<2048x16xi32, #tpu.memory_space<vmem>>, vector<2048x16xi32>
    %iota3A = tpu.iota {dimensions = array<i32: 1>} : vector<2048x237xi32>
    %get3A_18 = arith.constant 0 : index
    %get3A_19 = arith.constant 0 : index
    %get3A_20 = vector.load %arg1[%get3A_18, %get3A_19] : memref<2048x1xi32, #tpu.memory_space<vmem>>, vector<2048x1xi32>
    %eq3A = vector.broadcast %get3A_20 : vector<2048x1xi32> to vector<2048x237xi32>
    %eq3A_21 = arith.cmpi eq, %iota3A, %eq3A : vector<2048x237xi32>
    %convert_element_type3A_22 = arith.extui %eq3A_21 : vector<2048x237xi1> to vector<2048x237xi32>
    %convert_element_type3A_23 = arith.sitofp %convert_element_type3A_22 : vector<2048x237xi32> to vector<2048x237xf32>
    %broadcast_in_dim3A_24 = arith.constant 0.000000e+00 : f32
    %broadcast_in_dim3A_25 = vector.broadcast %broadcast_in_dim3A_24 : f32 to vector<2048x237xf32>
    %broadcast_in_dim3A_26 = arith.constant 0.000000e+00 : f32
    %broadcast_in_dim3A_27 = vector.broadcast %broadcast_in_dim3A_26 : f32 to vector<2048x237xf32>
    %slice3A = vector.extract_strided_slice %get3A_17 {offsets = [0, 0], sizes = [2048, 1], strides = [1, 1]} : vector<2048x16xi32> to vector<2048x1xi32>
    %eq3A_28 = vector.broadcast %slice3A : vector<2048x1xi32> to vector<2048x237xi32>
    %eq3A_29 = arith.cmpi eq, %iota3A, %eq3A_28 : vector<2048x237xi32>
    %slice3A_30 = vector.extract_strided_slice %convert_element_type3A_14 {offsets = [0, 0], sizes = [2048, 1], strides = [1, 1]} : vector<2048x16xf32> to vector<2048x1xf32>
    %jit3A = arith.constant 0.000000e+00 : f32
    %broadcast_in_dim3A_31 = vector.shape_cast %slice3A_30 : vector<2048x1xf32> to vector<2048x1xf32>
    %broadcast_in_dim3A_32 = vector.broadcast %broadcast_in_dim3A_31 : vector<2048x1xf32> to vector<2048x237xf32>
    %broadcast_in_dim3A_33 = vector.broadcast %jit3A : f32 to vector<2048x237xf32>
    %select_n3A = arith.select %eq3A_29, %broadcast_in_dim3A_32, %broadcast_in_dim3A_33 : vector<2048x237xi1>, vector<2048x237xf32>
    %add3A = arith.addf %broadcast_in_dim3A_25, %select_n3A : vector<2048x237xf32>
    %slice3A_34 = vector.extract_strided_slice %get3A_17 {offsets = [0, 1], sizes = [2048, 1], strides = [1, 1]} : vector<2048x16xi32> to vector<2048x1xi32>
    %eq3A_35 = vector.broadcast %slice3A_34 : vector<2048x1xi32> to vector<2048x237xi32>
    %eq3A_36 = arith.cmpi eq, %iota3A, %eq3A_35 : vector<2048x237xi32>
    %slice3A_37 = vector.extract_strided_slice %convert_element_type3A_14 {offsets = [0, 1], sizes = [2048, 1], strides = [1, 1]} : vector<2048x16xf32> to vector<2048x1xf32>
    %jit3A_38 = arith.constant 0.000000e+00 : f32
    %broadcast_in_dim3A_39 = vector.shape_cast %slice3A_37 : vector<2048x1xf32> to vector<2048x1xf32>
    %broadcast_in_dim3A_40 = vector.broadcast %broadcast_in_dim3A_39 : vector<2048x1xf32> to vector<2048x237xf32>
    %broadcast_in_dim3A_41 = vector.broadcast %jit3A_38 : f32 to vector<2048x237xf32>
    %select_n3A_42 = arith.select %eq3A_36, %broadcast_in_dim3A_40, %broadcast_in_dim3A_41 : vector<2048x237xi1>, vector<2048x237xf32>
    %add3A_43 = arith.addf %add3A, %select_n3A_42 : vector<2048x237xf32>
    %slice3A_44 = vector.extract_strided_slice %get3A_17 {offsets = [0, 2], sizes = [2048, 1], strides = [1, 1]} : vector<2048x16xi32> to vector<2048x1xi32>
    %eq3A_45 = vector.broadcast %slice3A_44 : vector<2048x1xi32> to vector<2048x237xi32>
    %eq3A_46 = arith.cmpi eq, %iota3A, %eq3A_45 : vector<2048x237xi32>
    %slice3A_47 = vector.extract_strided_slice %convert_element_type3A_14 {offsets = [0, 2], sizes = [2048, 1], strides = [1, 1]} : vector<2048x16xf32> to vector<2048x1xf32>
    %jit3A_48 = arith.constant 0.000000e+00 : f32
    %broadcast_in_dim3A_49 = vector.shape_cast %slice3A_47 : vector<2048x1xf32> to vector<2048x1xf32>
    %broadcast_in_dim3A_50 = vector.broadcast %broadcast_in_dim3A_49 : vector<2048x1xf32> to vector<2048x237xf32>
    %broadcast_in_dim3A_51 = vector.broadcast %jit3A_48 : f32 to vector<2048x237xf32>
    %select_n3A_52 = arith.select %eq3A_46, %broadcast_in_dim3A_50, %broadcast_in_dim3A_51 : vector<2048x237xi1>, vector<2048x237xf32>
    %add3A_53 = arith.addf %add3A_43, %select_n3A_52 : vector<2048x237xf32>
    %slice3A_54 = vector.extract_strided_slice %get3A_17 {offsets = [0, 3], sizes = [2048, 1], strides = [1, 1]} : vector<2048x16xi32> to vector<2048x1xi32>
    %eq3A_55 = vector.broadcast %slice3A_54 : vector<2048x1xi32> to vector<2048x237xi32>
    %eq3A_56 = arith.cmpi eq, %iota3A, %eq3A_55 : vector<2048x237xi32>
    %slice3A_57 = vector.extract_strided_slice %convert_element_type3A_14 {offsets = [0, 3], sizes = [2048, 1], strides = [1, 1]} : vector<2048x16xf32> to vector<2048x1xf32>
    %jit3A_58 = arith.constant 0.000000e+00 : f32
    %broadcast_in_dim3A_59 = vector.shape_cast %slice3A_57 : vector<2048x1xf32> to vector<2048x1xf32>
    %broadcast_in_dim3A_60 = vector.broadcast %broadcast_in_dim3A_59 : vector<2048x1xf32> to vector<2048x237xf32>
    %broadcast_in_dim3A_61 = vector.broadcast %jit3A_58 : f32 to vector<2048x237xf32>
    %select_n3A_62 = arith.select %eq3A_56, %broadcast_in_dim3A_60, %broadcast_in_dim3A_61 : vector<2048x237xi1>, vector<2048x237xf32>
    %add3A_63 = arith.addf %add3A_53, %select_n3A_62 : vector<2048x237xf32>
    %slice3A_64 = vector.extract_strided_slice %get3A_17 {offsets = [0, 4], sizes = [2048, 1], strides = [1, 1]} : vector<2048x16xi32> to vector<2048x1xi32>
    %eq3A_65 = vector.broadcast %slice3A_64 : vector<2048x1xi32> to vector<2048x237xi32>
    %eq3A_66 = arith.cmpi eq, %iota3A, %eq3A_65 : vector<2048x237xi32>
    %slice3A_67 = vector.extract_strided_slice %convert_element_type3A_14 {offsets = [0, 4], sizes = [2048, 1], strides = [1, 1]} : vector<2048x16xf32> to vector<2048x1xf32>
    %jit3A_68 = arith.constant 0.000000e+00 : f32
    %broadcast_in_dim3A_69 = vector.shape_cast %slice3A_67 : vector<2048x1xf32> to vector<2048x1xf32>
    %broadcast_in_dim3A_70 = vector.broadcast %broadcast_in_dim3A_69 : vector<2048x1xf32> to vector<2048x237xf32>
    %broadcast_in_dim3A_71 = vector.broadcast %jit3A_68 : f32 to vector<2048x237xf32>
    %select_n3A_72 = arith.select %eq3A_66, %broadcast_in_dim3A_70, %broadcast_in_dim3A_71 : vector<2048x237xi1>, vector<2048x237xf32>
    %add3A_73 = arith.addf %add3A_63, %select_n3A_72 : vector<2048x237xf32>
    %slice3A_74 = vector.extract_strided_slice %get3A_17 {offsets = [0, 5], sizes = [2048, 1], strides = [1, 1]} : vector<2048x16xi32> to vector<2048x1xi32>
    %eq3A_75 = vector.broadcast %slice3A_74 : vector<2048x1xi32> to vector<2048x237xi32>
    %eq3A_76 = arith.cmpi eq, %iota3A, %eq3A_75 : vector<2048x237xi32>
    %slice3A_77 = vector.extract_strided_slice %convert_element_type3A_14 {offsets = [0, 5], sizes = [2048, 1], strides = [1, 1]} : vector<2048x16xf32> to vector<2048x1xf32>
    %jit3A_78 = arith.constant 0.000000e+00 : f32
    %broadcast_in_dim3A_79 = vector.shape_cast %slice3A_77 : vector<2048x1xf32> to vector<2048x1xf32>
    %broadcast_in_dim3A_80 = vector.broadcast %broadcast_in_dim3A_79 : vector<2048x1xf32> to vector<2048x237xf32>
    %broadcast_in_dim3A_81 = vector.broadcast %jit3A_78 : f32 to vector<2048x237xf32>
    %select_n3A_82 = arith.select %eq3A_76, %broadcast_in_dim3A_80, %broadcast_in_dim3A_81 : vector<2048x237xi1>, vector<2048x237xf32>
    %add3A_83 = arith.addf %add3A_73, %select_n3A_82 : vector<2048x237xf32>
    %slice3A_84 = vector.extract_strided_slice %get3A_17 {offsets = [0, 6], sizes = [2048, 1], strides = [1, 1]} : vector<2048x16xi32> to vector<2048x1xi32>
    %eq3A_85 = vector.broadcast %slice3A_84 : vector<2048x1xi32> to vector<2048x237xi32>
    %eq3A_86 = arith.cmpi eq, %iota3A, %eq3A_85 : vector<2048x237xi32>
    %slice3A_87 = vector.extract_strided_slice %convert_element_type3A_14 {offsets = [0, 6], sizes = [2048, 1], strides = [1, 1]} : vector<2048x16xf32> to vector<2048x1xf32>
    %jit3A_88 = arith.constant 0.000000e+00 : f32
    %broadcast_in_dim3A_89 = vector.shape_cast %slice3A_87 : vector<2048x1xf32> to vector<2048x1xf32>
    %broadcast_in_dim3A_90 = vector.broadcast %broadcast_in_dim3A_89 : vector<2048x1xf32> to vector<2048x237xf32>
    %broadcast_in_dim3A_91 = vector.broadcast %jit3A_88 : f32 to vector<2048x237xf32>
    %select_n3A_92 = arith.select %eq3A_86, %broadcast_in_dim3A_90, %broadcast_in_dim3A_91 : vector<2048x237xi1>, vector<2048x237xf32>
    %add3A_93 = arith.addf %add3A_83, %select_n3A_92 : vector<2048x237xf32>
    %slice3A_94 = vector.extract_strided_slice %get3A_17 {offsets = [0, 7], sizes = [2048, 1], strides = [1, 1]} : vector<2048x16xi32> to vector<2048x1xi32>
    %eq3A_95 = vector.broadcast %slice3A_94 : vector<2048x1xi32> to vector<2048x237xi32>
    %eq3A_96 = arith.cmpi eq, %iota3A, %eq3A_95 : vector<2048x237xi32>
    %slice3A_97 = vector.extract_strided_slice %convert_element_type3A_14 {offsets = [0, 7], sizes = [2048, 1], strides = [1, 1]} : vector<2048x16xf32> to vector<2048x1xf32>
    %jit3A_98 = arith.constant 0.000000e+00 : f32
    %broadcast_in_dim3A_99 = vector.shape_cast %slice3A_97 : vector<2048x1xf32> to vector<2048x1xf32>
    %broadcast_in_dim3A_100 = vector.broadcast %broadcast_in_dim3A_99 : vector<2048x1xf32> to vector<2048x237xf32>
    %broadcast_in_dim3A_101 = vector.broadcast %jit3A_98 : f32 to vector<2048x237xf32>
    %select_n3A_102 = arith.select %eq3A_96, %broadcast_in_dim3A_100, %broadcast_in_dim3A_101 : vector<2048x237xi1>, vector<2048x237xf32>
    %add3A_103 = arith.addf %add3A_93, %select_n3A_102 : vector<2048x237xf32>
    %slice3A_104 = vector.extract_strided_slice %get3A_17 {offsets = [0, 8], sizes = [2048, 1], strides = [1, 1]} : vector<2048x16xi32> to vector<2048x1xi32>
    %eq3A_105 = vector.broadcast %slice3A_104 : vector<2048x1xi32> to vector<2048x237xi32>
    %eq3A_106 = arith.cmpi eq, %iota3A, %eq3A_105 : vector<2048x237xi32>
    %slice3A_107 = vector.extract_strided_slice %convert_element_type3A_14 {offsets = [0, 8], sizes = [2048, 1], strides = [1, 1]} : vector<2048x16xf32> to vector<2048x1xf32>
    %jit3A_108 = arith.constant 0.000000e+00 : f32
    %broadcast_in_dim3A_109 = vector.shape_cast %slice3A_107 : vector<2048x1xf32> to vector<2048x1xf32>
    %broadcast_in_dim3A_110 = vector.broadcast %broadcast_in_dim3A_109 : vector<2048x1xf32> to vector<2048x237xf32>
    %broadcast_in_dim3A_111 = vector.broadcast %jit3A_108 : f32 to vector<2048x237xf32>
    %select_n3A_112 = arith.select %eq3A_106, %broadcast_in_dim3A_110, %broadcast_in_dim3A_111 : vector<2048x237xi1>, vector<2048x237xf32>
    %add3A_113 = arith.addf %broadcast_in_dim3A_27, %select_n3A_112 : vector<2048x237xf32>
    %slice3A_114 = vector.extract_strided_slice %get3A_17 {offsets = [0, 9], sizes = [2048, 1], strides = [1, 1]} : vector<2048x16xi32> to vector<2048x1xi32>
    %eq3A_115 = vector.broadcast %slice3A_114 : vector<2048x1xi32> to vector<2048x237xi32>
    %eq3A_116 = arith.cmpi eq, %iota3A, %eq3A_115 : vector<2048x237xi32>
    %slice3A_117 = vector.extract_strided_slice %convert_element_type3A_14 {offsets = [0, 9], sizes = [2048, 1], strides = [1, 1]} : vector<2048x16xf32> to vector<2048x1xf32>
    %jit3A_118 = arith.constant 0.000000e+00 : f32
    %broadcast_in_dim3A_119 = vector.shape_cast %slice3A_117 : vector<2048x1xf32> to vector<2048x1xf32>
    %broadcast_in_dim3A_120 = vector.broadcast %broadcast_in_dim3A_119 : vector<2048x1xf32> to vector<2048x237xf32>
    %broadcast_in_dim3A_121 = vector.broadcast %jit3A_118 : f32 to vector<2048x237xf32>
    %select_n3A_122 = arith.select %eq3A_116, %broadcast_in_dim3A_120, %broadcast_in_dim3A_121 : vector<2048x237xi1>, vector<2048x237xf32>
    %add3A_123 = arith.addf %add3A_113, %select_n3A_122 : vector<2048x237xf32>
    %slice3A_124 = vector.extract_strided_slice %get3A_17 {offsets = [0, 10], sizes = [2048, 1], strides = [1, 1]} : vector<2048x16xi32> to vector<2048x1xi32>
    %eq3A_125 = vector.broadcast %slice3A_124 : vector<2048x1xi32> to vector<2048x237xi32>
    %eq3A_126 = arith.cmpi eq, %iota3A, %eq3A_125 : vector<2048x237xi32>
    %slice3A_127 = vector.extract_strided_slice %convert_element_type3A_14 {offsets = [0, 10], sizes = [2048, 1], strides = [1, 1]} : vector<2048x16xf32> to vector<2048x1xf32>
    %jit3A_128 = arith.constant 0.000000e+00 : f32
    %broadcast_in_dim3A_129 = vector.shape_cast %slice3A_127 : vector<2048x1xf32> to vector<2048x1xf32>
    %broadcast_in_dim3A_130 = vector.broadcast %broadcast_in_dim3A_129 : vector<2048x1xf32> to vector<2048x237xf32>
    %broadcast_in_dim3A_131 = vector.broadcast %jit3A_128 : f32 to vector<2048x237xf32>
    %select_n3A_132 = arith.select %eq3A_126, %broadcast_in_dim3A_130, %broadcast_in_dim3A_131 : vector<2048x237xi1>, vector<2048x237xf32>
    %add3A_133 = arith.addf %add3A_123, %select_n3A_132 : vector<2048x237xf32>
    %slice3A_134 = vector.extract_strided_slice %get3A_17 {offsets = [0, 11], sizes = [2048, 1], strides = [1, 1]} : vector<2048x16xi32> to vector<2048x1xi32>
    %eq3A_135 = vector.broadcast %slice3A_134 : vector<2048x1xi32> to vector<2048x237xi32>
    %eq3A_136 = arith.cmpi eq, %iota3A, %eq3A_135 : vector<2048x237xi32>
    %slice3A_137 = vector.extract_strided_slice %convert_element_type3A_14 {offsets = [0, 11], sizes = [2048, 1], strides = [1, 1]} : vector<2048x16xf32> to vector<2048x1xf32>
    %jit3A_138 = arith.constant 0.000000e+00 : f32
    %broadcast_in_dim3A_139 = vector.shape_cast %slice3A_137 : vector<2048x1xf32> to vector<2048x1xf32>
    %broadcast_in_dim3A_140 = vector.broadcast %broadcast_in_dim3A_139 : vector<2048x1xf32> to vector<2048x237xf32>
    %broadcast_in_dim3A_141 = vector.broadcast %jit3A_138 : f32 to vector<2048x237xf32>
    %select_n3A_142 = arith.select %eq3A_136, %broadcast_in_dim3A_140, %broadcast_in_dim3A_141 : vector<2048x237xi1>, vector<2048x237xf32>
    %add3A_143 = arith.addf %add3A_133, %select_n3A_142 : vector<2048x237xf32>
    %slice3A_144 = vector.extract_strided_slice %get3A_17 {offsets = [0, 12], sizes = [2048, 1], strides = [1, 1]} : vector<2048x16xi32> to vector<2048x1xi32>
    %eq3A_145 = vector.broadcast %slice3A_144 : vector<2048x1xi32> to vector<2048x237xi32>
    %eq3A_146 = arith.cmpi eq, %iota3A, %eq3A_145 : vector<2048x237xi32>
    %slice3A_147 = vector.extract_strided_slice %convert_element_type3A_14 {offsets = [0, 12], sizes = [2048, 1], strides = [1, 1]} : vector<2048x16xf32> to vector<2048x1xf32>
    %jit3A_148 = arith.constant 0.000000e+00 : f32
    %broadcast_in_dim3A_149 = vector.shape_cast %slice3A_147 : vector<2048x1xf32> to vector<2048x1xf32>
    %broadcast_in_dim3A_150 = vector.broadcast %broadcast_in_dim3A_149 : vector<2048x1xf32> to vector<2048x237xf32>
    %broadcast_in_dim3A_151 = vector.broadcast %jit3A_148 : f32 to vector<2048x237xf32>
    %select_n3A_152 = arith.select %eq3A_146, %broadcast_in_dim3A_150, %broadcast_in_dim3A_151 : vector<2048x237xi1>, vector<2048x237xf32>
    %add3A_153 = arith.addf %add3A_143, %select_n3A_152 : vector<2048x237xf32>
    %slice3A_154 = vector.extract_strided_slice %get3A_17 {offsets = [0, 13], sizes = [2048, 1], strides = [1, 1]} : vector<2048x16xi32> to vector<2048x1xi32>
    %eq3A_155 = vector.broadcast %slice3A_154 : vector<2048x1xi32> to vector<2048x237xi32>
    %eq3A_156 = arith.cmpi eq, %iota3A, %eq3A_155 : vector<2048x237xi32>
    %slice3A_157 = vector.extract_strided_slice %convert_element_type3A_14 {offsets = [0, 13], sizes = [2048, 1], strides = [1, 1]} : vector<2048x16xf32> to vector<2048x1xf32>
    %jit3A_158 = arith.constant 0.000000e+00 : f32
    %broadcast_in_dim3A_159 = vector.shape_cast %slice3A_157 : vector<2048x1xf32> to vector<2048x1xf32>
    %broadcast_in_dim3A_160 = vector.broadcast %broadcast_in_dim3A_159 : vector<2048x1xf32> to vector<2048x237xf32>
    %broadcast_in_dim3A_161 = vector.broadcast %jit3A_158 : f32 to vector<2048x237xf32>
    %select_n3A_162 = arith.select %eq3A_156, %broadcast_in_dim3A_160, %broadcast_in_dim3A_161 : vector<2048x237xi1>, vector<2048x237xf32>
    %add3A_163 = arith.addf %add3A_153, %select_n3A_162 : vector<2048x237xf32>
    %slice3A_164 = vector.extract_strided_slice %get3A_17 {offsets = [0, 14], sizes = [2048, 1], strides = [1, 1]} : vector<2048x16xi32> to vector<2048x1xi32>
    %eq3A_165 = vector.broadcast %slice3A_164 : vector<2048x1xi32> to vector<2048x237xi32>
    %eq3A_166 = arith.cmpi eq, %iota3A, %eq3A_165 : vector<2048x237xi32>
    %slice3A_167 = vector.extract_strided_slice %convert_element_type3A_14 {offsets = [0, 14], sizes = [2048, 1], strides = [1, 1]} : vector<2048x16xf32> to vector<2048x1xf32>
    %jit3A_168 = arith.constant 0.000000e+00 : f32
    %broadcast_in_dim3A_169 = vector.shape_cast %slice3A_167 : vector<2048x1xf32> to vector<2048x1xf32>
    %broadcast_in_dim3A_170 = vector.broadcast %broadcast_in_dim3A_169 : vector<2048x1xf32> to vector<2048x237xf32>
    %broadcast_in_dim3A_171 = vector.broadcast %jit3A_168 : f32 to vector<2048x237xf32>
    %select_n3A_172 = arith.select %eq3A_166, %broadcast_in_dim3A_170, %broadcast_in_dim3A_171 : vector<2048x237xi1>, vector<2048x237xf32>
    %add3A_173 = arith.addf %add3A_163, %select_n3A_172 : vector<2048x237xf32>
    %slice3A_174 = vector.extract_strided_slice %get3A_17 {offsets = [0, 15], sizes = [2048, 1], strides = [1, 1]} : vector<2048x16xi32> to vector<2048x1xi32>
    %eq3A_175 = vector.broadcast %slice3A_174 : vector<2048x1xi32> to vector<2048x237xi32>
    %eq3A_176 = arith.cmpi eq, %iota3A, %eq3A_175 : vector<2048x237xi32>
    %slice3A_177 = vector.extract_strided_slice %convert_element_type3A_14 {offsets = [0, 15], sizes = [2048, 1], strides = [1, 1]} : vector<2048x16xf32> to vector<2048x1xf32>
    %jit3A_178 = arith.constant 0.000000e+00 : f32
    %broadcast_in_dim3A_179 = vector.shape_cast %slice3A_177 : vector<2048x1xf32> to vector<2048x1xf32>
    %broadcast_in_dim3A_180 = vector.broadcast %broadcast_in_dim3A_179 : vector<2048x1xf32> to vector<2048x237xf32>
    %broadcast_in_dim3A_181 = vector.broadcast %jit3A_178 : f32 to vector<2048x237xf32>
    %select_n3A_182 = arith.select %eq3A_176, %broadcast_in_dim3A_180, %broadcast_in_dim3A_181 : vector<2048x237xi1>, vector<2048x237xf32>
    %add3A_183 = arith.addf %add3A_173, %select_n3A_182 : vector<2048x237xf32>
    %get3A_184 = arith.constant 0 : index
    %get3A_185 = arith.constant 0 : index
    %get3A_186 = vector.load %arg6[%get3A_184, %get3A_185] : memref<237x64xf32, #tpu.memory_space<vmem>>, vector<237x64xf32>
    %dot_general3A = arith.constant dense<0.000000e+00> : vector<2048x64xf32>
    %dot_general3A_187 = tpu.matmul %convert_element_type3A_23, %get3A_186, %dot_general3A {dimension_numbers = #tpu.dot_dimension_numbers<[1], [0], [0], [1], [0, 0, 1, 1], [], []>, transpose_lhs_hint = false} : vector<2048x237xf32>, vector<237x64xf32>, vector<2048x64xf32> -> vector<2048x64xf32>
    %get3A_188 = arith.constant 0 : index
    %get3A_189 = arith.constant 0 : index
    %get3A_190 = vector.load %arg7[%get3A_188, %get3A_189] : memref<237x64xf32, #tpu.memory_space<vmem>>, vector<237x64xf32>
    %dot_general3A_191 = arith.constant dense<0.000000e+00> : vector<2048x64xf32>
    %dot_general3A_192 = tpu.matmul %add3A_103, %get3A_190, %dot_general3A_191 {dimension_numbers = #tpu.dot_dimension_numbers<[1], [0], [0], [1], [0, 0, 1, 1], [], []>, transpose_lhs_hint = false} : vector<2048x237xf32>, vector<237x64xf32>, vector<2048x64xf32> -> vector<2048x64xf32>
    %add3A_193 = arith.addf %dot_general3A_187, %dot_general3A_192 : vector<2048x64xf32>
    %get3A_194 = arith.constant 0 : index
    %get3A_195 = arith.constant 0 : index
    %get3A_196 = vector.load %arg8[%get3A_194, %get3A_195] : memref<237x64xf32, #tpu.memory_space<vmem>>, vector<237x64xf32>
    %dot_general3A_197 = arith.constant dense<0.000000e+00> : vector<2048x64xf32>
    %dot_general3A_198 = tpu.matmul %add3A_183, %get3A_196, %dot_general3A_197 {dimension_numbers = #tpu.dot_dimension_numbers<[1], [0], [0], [1], [0, 0, 1, 1], [], []>, transpose_lhs_hint = false} : vector<2048x237xf32>, vector<237x64xf32>, vector<2048x64xf32> -> vector<2048x64xf32>
    %add3A_199 = arith.addf %add3A_193, %dot_general3A_198 : vector<2048x64xf32>
    %get3A_200 = arith.constant 0 : index
    %get3A_201 = arith.constant 0 : index
    %get3A_202 = vector.load %arg9[%get3A_200, %get3A_201] : memref<1x64xf32, #tpu.memory_space<vmem>>, vector<1x64xf32>
    %add3A_203 = vector.broadcast %get3A_202 : vector<1x64xf32> to vector<2048x64xf32>
    %add3A_204 = arith.addf %add3A_199, %add3A_203 : vector<2048x64xf32>
    %max3A = arith.constant 0.000000e+00 : f32
    %max3A_205 = vector.broadcast %max3A : f32 to vector<2048x64xf32>
    %max3A_206 = arith.maximumf %add3A_204, %max3A_205 : vector<2048x64xf32>
    %mul3A = vector.broadcast %convert_element_type3A_7 : vector<2048x1xf32> to vector<2048x64xf32>
    %mul3A_207 = arith.mulf %max3A_206, %mul3A : vector<2048x64xf32>
    %mul3A_208 = arith.constant 1.250000e-01 : f32
    %mul3A_209 = vector.broadcast %mul3A_208 : f32 to vector<2048x64xf32>
    %mul3A_210 = arith.mulf %mul3A_207, %mul3A_209 : vector<2048x64xf32>
    %reshape3A_211 = vector.shape_cast %mul3A_210 : vector<2048x64xf32> to vector<128x2x8x64xf32>
    %reduce_sum3A = arith.constant dense<0.000000e+00> : vector<128x2x64xf32>
    %reduce_sum3A_212 = vector.multi_reduction <add>, %reshape3A_211, %reduce_sum3A [2] : vector<128x2x8x64xf32> to vector<128x2x64xf32>
    %slice3A_213 = vector.extract_strided_slice %reduce_sum3A_212 {offsets = [0, 0, 0], sizes = [128, 1, 64], strides = [1, 1, 1]} : vector<128x2x64xf32> to vector<128x1x64xf32>
    %squeeze3A = vector.shape_cast %slice3A_213 : vector<128x1x64xf32> to vector<128x64xf32>
    %get3A_214 = arith.constant 0 : index
    %get3A_215 = arith.constant 0 : index
    %get3A_216 = vector.load %arg10[%get3A_214, %get3A_215] : memref<64x237xf32, #tpu.memory_space<vmem>>, vector<64x237xf32>
    %dot_general3A_217 = arith.constant dense<0.000000e+00> : vector<128x237xf32>
    %dot_general3A_218 = tpu.matmul %squeeze3A, %get3A_216, %dot_general3A_217 {dimension_numbers = #tpu.dot_dimension_numbers<[1], [0], [0], [1], [0, 0, 1, 1], [], []>, transpose_lhs_hint = false} : vector<128x64xf32>, vector<64x237xf32>, vector<128x237xf32> -> vector<128x237xf32>
    %slice3A_219 = vector.extract_strided_slice %reduce_sum3A_212 {offsets = [0, 1, 0], sizes = [128, 1, 64], strides = [1, 1, 1]} : vector<128x2x64xf32> to vector<128x1x64xf32>
    %squeeze3A_220 = vector.shape_cast %slice3A_219 : vector<128x1x64xf32> to vector<128x64xf32>
    %get3A_221 = arith.constant 0 : index
    %get3A_222 = arith.constant 0 : index
    %get3A_223 = vector.load %arg11[%get3A_221, %get3A_222] : memref<64x237xf32, #tpu.memory_space<vmem>>, vector<64x237xf32>
    %dot_general3A_224 = arith.constant dense<0.000000e+00> : vector<128x237xf32>
    %dot_general3A_225 = tpu.matmul %squeeze3A_220, %get3A_223, %dot_general3A_224 {dimension_numbers = #tpu.dot_dimension_numbers<[1], [0], [0], [1], [0, 0, 1, 1], [], []>, transpose_lhs_hint = false} : vector<128x64xf32>, vector<64x237xf32>, vector<128x237xf32> -> vector<128x237xf32>
    %add3A_226 = arith.addf %dot_general3A_218, %dot_general3A_225 : vector<128x237xf32>
    %get3A_227 = arith.constant 0 : index
    %get3A_228 = arith.constant 0 : index
    %get3A_229 = vector.load %arg12[%get3A_227, %get3A_228] : memref<1x237xf32, #tpu.memory_space<vmem>>, vector<1x237xf32>
    %add3A_230 = vector.broadcast %get3A_229 : vector<1x237xf32> to vector<128x237xf32>
    %add3A_231 = arith.addf %add3A_226, %add3A_230 : vector<128x237xf32>
    %swap3A = arith.constant 0 : index
    %swap3A_232 = arith.constant 0 : index
    %swap3A_233 = vector.load %arg13[%swap3A, %swap3A_232] : memref<128x237xf32, #tpu.memory_space<vmem>>, vector<128x237xf32>
    tpu.vector_store %arg13[%swap3A, %swap3A_232], %add3A_231 {strides = array<i32>} : memref<128x237xf32, #tpu.memory_space<vmem>>, vector<128x237xf32>,
    return
  }
  func.func @transform_0(%arg0: i32) -> (i32, i32) {
    %c0_i32 = arith.constant 0 : i32
    %c0_i32_0 = arith.constant 0 : i32
    return %arg0, %c0_i32 : i32, i32
  }
  func.func @transform_1(%arg0: i32) -> (i32, i32) {
    %c0_i32 = arith.constant 0 : i32
    %c0_i32_0 = arith.constant 0 : i32
    return %arg0, %c0_i32 : i32, i32
  }
  func.func @transform_2(%arg0: i32) -> (i32, i32) {
    %c0_i32 = arith.constant 0 : i32
    %c0_i32_0 = arith.constant 0 : i32
    return %arg0, %c0_i32 : i32, i32
  }
  func.func @transform_3(%arg0: i32) -> (i32, i32) {
    %c0_i32 = arith.constant 0 : i32
    %c0_i32_0 = arith.constant 0 : i32
    return %arg0, %c0_i32 : i32, i32
  }
  func.func @transform_4(%arg0: i32) -> (i32, i32) {
    %c0_i32 = arith.constant 0 : i32
    %c0_i32_0 = arith.constant 0 : i32
    return %arg0, %c0_i32 : i32, i32
  }
  func.func @transform_5(%arg0: i32) -> (i32, i32) {
    %c0_i32 = arith.constant 0 : i32
    %c0_i32_0 = arith.constant 0 : i32
    %c0_i32_1 = arith.constant 0 : i32
    return %c0_i32, %c0_i32_0 : i32, i32
  }
  func.func @transform_6(%arg0: i32) -> (i32, i32) {
    %c0_i32 = arith.constant 0 : i32
    %c0_i32_0 = arith.constant 0 : i32
    %c0_i32_1 = arith.constant 0 : i32
    return %c0_i32, %c0_i32_0 : i32, i32
  }
  func.func @transform_7(%arg0: i32) -> (i32, i32) {
    %c0_i32 = arith.constant 0 : i32
    %c0_i32_0 = arith.constant 0 : i32
    %c0_i32_1 = arith.constant 0 : i32
    return %c0_i32, %c0_i32_0 : i32, i32
  }
  func.func @transform_8(%arg0: i32) -> (i32, i32) {
    %c0_i32 = arith.constant 0 : i32
    %c0_i32_0 = arith.constant 0 : i32
    %c0_i32_1 = arith.constant 0 : i32
    return %c0_i32, %c0_i32_0 : i32, i32
  }
  func.func @transform_9(%arg0: i32) -> (i32, i32) {
    %c0_i32 = arith.constant 0 : i32
    %c0_i32_0 = arith.constant 0 : i32
    %c0_i32_1 = arith.constant 0 : i32
    return %c0_i32, %c0_i32_0 : i32, i32
  }
  func.func @transform_10(%arg0: i32) -> (i32, i32) {
    %c0_i32 = arith.constant 0 : i32
    %c0_i32_0 = arith.constant 0 : i32
    %c0_i32_1 = arith.constant 0 : i32
    return %c0_i32, %c0_i32_0 : i32, i32
  }
  func.func @transform_11(%arg0: i32) -> (i32, i32) {
    %c0_i32 = arith.constant 0 : i32
    %c0_i32_0 = arith.constant 0 : i32
    %c0_i32_1 = arith.constant 0 : i32
    return %c0_i32, %c0_i32_0 : i32, i32
  }
  func.func @transform_12(%arg0: i32) -> (i32, i32) {
    %c0_i32 = arith.constant 0 : i32
    %c0_i32_0 = arith.constant 0 : i32
    return %arg0, %c0_i32 : i32, i32
  }
}

</mosaic_0001>

<sc_bundles>
// kernel: gather_offload_async_start
scs
__scs_entry_jumppad:
0x0: {  	(pc) =	sbr.rel $0x88, $3  }
0x1: {  	(tag) =	ssettag $0x0;
	lr =	simm.s32 $0x1  }
0x2: {  	[smem:$0x3F98] =	sst lr;
	_ =	strace $0xD0000000  }
0x3: {  	_ = 	snop  }
0x4: {  	_ = 	snop  }
0x5: {  	_ = 	snop  }
0x6: {  	_ = 	snop  }
0x7: {  	_ = 	snop  }
__scs_overlays_trampoline_lowered:
0x8: {  	[smem:$0x3FA7] =	sst s0  }
0x9: {  	[smem:$0x3FA8] =	sst s1  }
0xa: {  	[smem:$0x3FA9] =	sst s2  }
0xb: {  	[smem:$0x3FAA] =	sst s3  }
0xc: {  	[smem:$0x3FAB] =	sst s4  }
0xd: {  	[smem:$0x3FAC] =	sst s5  }
0xe: {  	[smem:$0x3FAD] =	sst s6  }
0xf: {  	[smem:$0x3FAE] =	sst s7  }
0x10: {  	[smem:$0x3FAF] =	sst s8  }
0x11: {  	[smem:$0x3FB0] =	sst s9;
	s0 =	simm.s32 @!p0 $0x0  }
0x12: {  	s1 =	sld [smem:$0x3F96];
	s0 =	simm.s32 @p0 $0x1  }
0x13: {  	[smem:$0x3FB1] =	sst s0;
	s0 =	simm.s32 @!p1 $0x0  }
0x14: {  	s2 =	sld [smem:$0x3F95];
	s0 =	simm.s32 @p1 $0x1  }
0x15: {  	[smem:$0x3FB2] =	sst s0;
	s0 =	simm.s32 @!p2 $0x0  }
0x16: {  	s3 =	sld [smem:$0x3FDB];
	s0 =	simm.s32 @p2 $0x1  }
0x17: {  	s4 =	simm.s32 $0x1BF5;
	[smem:$0x3FB4] =	sst s0  }
0x18: {  	s0 =	sld [smem:$0x3F97];
	_ =	swait.ge [sflag:s4], $0x0  }
0x19: {  	s7 =	sld [smem:$0x3F98]  }
0x1a: {  	s8 =	sadd.s32 $0xFFFFE003, lr  }
0x1b: {  	s9 =	sadd.s32 $0xFFFFFEF7, lr;
	s5 =	simm.s32 $0xFFFFFFFF;
	p2 =	slt.u32 s8, $0xFFFFF086  }
0x1c: {  	p1 =	slt.u32 s9, $0xF7A;
	s5 =	simm.s32 @!p2 $0x0  }
0x1d: {  	s5 =	simm.s32 @p1 $0x1;
	p0 =	seq.s32 s7, s2  }
0x1e: {  	s7 =	smul.u32 @!p0 $0xF7A, s2;
	p2 =	seq.s32 @!p0 s5, $0x0  }
0x1f: {  	s9 =	smul.u32 $0xF7A, s1;
	s8 =	simm.s32 @!p0 $0x1BF5;
	p2 =	por !p2, p0  }
0x20: {  	[sflag:s8] =	ssyncset.s32 @!p0 $0xFFFFF086;
	s6 =	sadd.s32 @!p0 s3, s7;
	s7 =	simm.s32 @!p0 $0x108  }
0x21: {  	s3 =	sadd.s32 s3, s9;
	s6 =	sadd.s32 @!p0 $0x88, s6;
	s7 =	simm.s32 @p2 $0x1082  }
0x22: {  	[simem:s7], [sflag:s8] =	dma.local @!p0 [hbm:s6], $0xF7A  }
0x23: {  	s9 =	sor.u32 $0xD0000000, s2;
	s6 =	simm.s32 $0x108;
	_ =	swait.ge @!p0 [sflag:s8], $0x0  }
0x24: {  	s3 =	sadd.s32 $0x88, s3;
	s6 =	simm.s32 @!p1 $0x1082;
	[sflag:s4] =	ssyncset.s32 $0xFFFFF086  }
0x25: {  	[simem:s6], [sflag:s4] =	dma.local [hbm:s3], $0xF7A  }
0x26: {  	[smem:$0x3F98] =	sst s1;
	(tag) =	ssettag s2;
	_ =	strace s9  }
0x27: {  	s1 =	sld [smem:$0x3FA8]  }
0x28: {  	s2 =	sld [smem:$0x3FA9]  }
0x29: {  	s4 =	sld [smem:$0x3FAB]  }
0x2a: {  	p0 =	seq.s32 s5, $0x0;
	s5 =	sld [smem:$0x3FAC]  }
0x2b: {  	s6 =	sld [smem:$0x3FAD]  }
0x2c: {  	s7 =	sld [smem:$0x3FAE]  }
0x2d: {  	s3 =	simm.s32 $0x108;
	s8 =	sld [smem:$0x3FAF]  }
0x2e: {  	s3 =	simm.s32 @!p0 $0x1082;
	s9 =	sld [smem:$0x3FB0]  }
0x2f: {  	lr =	sadd.s32 s0, s3;
	s0 =	sld [smem:$0x3FA7]  }
0x30: {  	s3 =	sld [smem:$0x3FAA]  }
0x31: {  	[smem:$0x3FB3] =	sst s10  }
0x32: {  	s10 =	sld [smem:$0x3FB1];
	_ =	sdelay $0x3  }
0x33: {  	p0 =	seq.s32 s10, $0x1;
	s10 =	sld [smem:$0x3FB3];
	_ =	sdelay $0x3  }
0x34: {  	[smem:$0x3FB3] =	sst s10  }
0x35: {  	s10 =	sld [smem:$0x3FB2];
	_ =	sdelay $0x3  }
0x36: {  	p1 =	seq.s32 s10, $0x1;
	s10 =	sld [smem:$0x3FB3];
	_ =	sdelay $0x3  }
0x37: {  	[smem:$0x3FB3] =	sst s10  }
0x38: {  	s10 =	sld [smem:$0x3FB4]  }
0x39: {  	_ = 	snop;
	(pc) =	sbr.ind lr, $3  }
0x3a: {  	_ = 	snop  }
0x3b: {  	_ = 	snop  }
0x3c: {  	p2 =	seq.s32 s10, $0x1;
	s10 =	sld [smem:$0x3FB3]  }
0x3d: {  	_ =	shalt  }
0x3e: {  	_ =	shalt  }
0x3f: {  	_ =	shalt  }
0x40: {  	_ =	shalt  }
0x41: {  	_ =	shalt  }
0x42: {  	_ =	shalt  }
0x43: {  	_ =	shalt  }
0x44: {  	_ =	shalt  }
0x45: {  	_ =	shalt  }
0x46: {  	_ =	shalt  }
0x47: {  	_ =	shalt  }
0x48: {  	_ =	shalt  }
0x49: {  	_ =	shalt  }
0x4a: {  	_ =	shalt  }
0x4b: {  	_ =	shalt  }
0x4c: {  	_ =	shalt  }
0x4d: {  	_ =	shalt  }
0x4e: {  	_ =	shalt  }
0x4f: {  	_ =	shalt  }
0x50: {  	_ =	shalt  }
0x51: {  	_ =	shalt  }
0x52: {  	_ =	shalt  }
0x53: {  	_ =	shalt  }
0x54: {  	_ =	shalt  }
0x55: {  	_ =	shalt  }
0x56: {  	_ =	shalt  }
0x57: {  	_ =	shalt  }
0x58: {  	_ =	shalt  }
0x59: {  	_ =	shalt  }
0x5a: {  	_ =	shalt  }
0x5b: {  	_ =	shalt  }
0x5c: {  	_ =	shalt  }
0x5d: {  	_ =	shalt  }
0x5e: {  	_ =	shalt  }
0x5f: {  	_ =	shalt  }
0x60: {  	_ =	shalt  }
0x61: {  	_ =	shalt  }
0x62: {  	_ =	shalt  }
0x63: {  	_ =	shalt  }
0x64: {  	_ =	shalt  }
0x65: {  	_ =	shalt  }
0x66: {  	_ =	shalt  }
0x67: {  	_ =	shalt  }
0x68: {  	_ =	shalt  }
0x69: {  	_ =	shalt  }
0x6a: {  	_ =	shalt  }
0x6b: {  	_ =	shalt  }
0x6c: {  	_ =	shalt  }
0x6d: {  	_ =	shalt  }
0x6e: {  	_ =	shalt  }
0x6f: {  	_ =	shalt  }
0x70: {  	_ =	shalt  }
0x71: {  	_ =	shalt  }
0x72: {  	_ =	shalt  }
0x73: {  	_ =	shalt  }
0x74: {  	_ =	shalt  }
0x75: {  	_ =	shalt  }
0x76: {  	_ =	shalt  }
0x77: {  	_ =	shalt  }
0x78: {  	_ =	shalt  }
0x79: {  	_ =	shalt  }
0x7a: {  	_ =	shalt  }
0x7b: {  	_ =	shalt  }
0x7c: {  	_ =	shalt  }
0x7d: {  	_ =	shalt  }
0x7e: {  	_ =	shalt  }
0x7f: {  	_ =	shalt  }
0x80: {  	_ =	shalt  }
0x81: {  	_ =	shalt  }
0x82: {  	_ =	shalt  }
0x83: {  	_ =	shalt  }
0x84: {  	_ =	shalt  }
0x85: {  	_ =	shalt  }
0x86: {  	_ =	shalt  }
0x87: {  	_ =	shalt  }
.Lfunc_end0:
.L_simem_size_0:
called_computation_lowered:
.L_overlay_start_0:
0x88: {  	s2 =	sld [smem:$0x3FD9]  }
0x89: {  	s3 =	sld [smem:$0x3FFE];
	_ =	sdelay $0x1  }
0x8a: {  	s1 =	srdreg.scid  }
0x8b: {  	s0 =	sand.u32 $0x1, s1  }
0x8c: {  	s17 =	sshll.u32 s0, $0xA;
	s2 =	sadd.s32 s3, s2  }
0x8d: {  	s2 =	sadd.s32 s2, s17  }
0x8e: {  	[smem:$0x3FBF] =	sst s2  }
0x8f: {  	_ = 	snop  }
0x90: {  	s2 =	sld [smem:$0x3FC6]  }
0x91: {  	s18 =	sld [smem:$0x3FD0];
	(tm) =	ssettm $0x1  }
0x92: {  	s4 =	sld [smem:$0x3FFB];
	_ =	sdelay $0x3  }
0x93: {  	_ =	strace s4  }
0x94: {  	s4 =	sld [smem:$0x3FFC];
	_ =	sdelay $0x3  }
0x95: {  	_ =	strace s4  }
0x96: {  	s4 =	sld [smem:$0x3FFD];
	_ =	sdelay $0x3  }
0x97: {  	_ =	strace s4  }
0x98: {  	_ =	strace $0x8FFFFFFF  }
0x99: {  	s19 =	sld [smem:$0x3FDB];
	_ =	sdelay $0x1  }
0x9a: {  	s5 =	simm.s32 $_scs_section_size  }
0x9b: {  	s6 =	simm.s32 $_size__tile_overlayer_lowered;
	s7 =	simm.s32 $_tile_overlayer_lowered  }
0x9c: {  	s22 =	simm.s32 $0x1BFF;
	s21 =	sshll.u32 s7, $0x1;
	s4 =	sadd.s32 s5, s19  }
0x9d: {  	s8 =	simm.s32 $0x0;
	s20 =	sshll.u32 s6, $0x1;
	s6 =	sadd.s32 s21, s4  }
0x9e: {  	[timem:s8], [sflag:s22] =	dma.local [hbm:s6], s20  }
0x9f: {  	_ =	swait.ge [sflag:s22], s20  }
0xa0: {  	s5 =	ssub.s32 $0x0, s20;
	[sflag:s22] =	ssyncset.done $0x0  }
0xa1: {  	[sflag:s22] =	ssyncadd.s32 s5;
	_ =	sdelay $0x1  }
0xa2: {  	s23 =	simm.s32 $0x1B8B  }
0xa3: {  	_ =	swait.ge [sflag:s23], $0x1  }
0xa4: {  	[sflag:s23] =	ssyncset.done $0x0  }
0xa5: {  	s25 =	simm.s32 $0x1B8E;
	s24 =	sld [smem:$0x3FFE];
	[sflag:s23] =	ssyncadd.s32 $0xFFFFFFFF  }
0xa6: {  	s26 =	simm.s32 $execute0_lowered;
	[smem:$0x3FD2] =	sst s25  }
0xa7: {  	s6 =	sshll.u32 s26, $0x1;
	_ =	strace $0x80000049;
	[dreg:$0x1] =	wrdreg $0xFFFFFFFF  }
0xa8: {  	s28 =	simm.s32 $_size_execute0_lowered;
	s4 =	sadd.s32 s4, s6;
	[dreg:$0x0] =	wrdreg $0x0  }
0xa9: {  	s6 =	sshll.u32 s28, $0x1;
	[dreg:$0x2] =	wrdreg s4  }
0xaa: {  	[dreg:$0x3] =	wrdreg s6  }
0xab: {  	[dreg:$0x4] =	wrdreg $0xC0  }
0xac: {  	_ =	task [dreg:s8], $0x5FFFF  }
0xad: {  	[dreg:$0x1] =	wrdreg $0xFFFFFFFF  }
0xae: {  	[dreg:$0x0] =	wrdreg $0x60  }
0xaf: {  	[dreg:$0x2] =	wrdreg s2  }
0xb0: {  	[dreg:$0x3] =	wrdreg s24  }
0xb1: {  	[dreg:$0x4] =	wrdreg s18  }
0xb2: {  	[dreg:$0x5] =	wrdreg $0x9  }
0xb3: {  	_ =	task.clear_ibuf [dreg:s8], $0x6FFFF;
	_ =	strace $0x90000049  }
0xb4: {  	s29 =	simm.s32 $0x9;
	_ =	strace $0x8000004B  }
0xb5: {  	_ =	swait.ge [sflag:s29], $0x1  }
0xb6: {  	[sflag:s29] =	ssyncadd.s32 $0xFFFFFFFF  }
0xb7: {  	_ =	strace $0x9000004B  }
0xb8: {  	_ =	sfence  }
0xb9: {  	s30 =	sld [smem:$0x0];
	_ =	sdelay $0x2  }
0xba: {  	s31 =	sshll.u32 s1, $0xD;
	s1 =	sshrl.u32 s1, $0x2  }
0xbb: {  	s3 =	sand.u32 $0x4000, s31;
	s1 =	sadd.s32 s1, s30  }
0xbc: {  	s0 =	sor.u32 s3, s0;
	s1 =	sshll.u32 s1, $0x11  }
0xbd: {  	s0 =	sor.u32 s1, s0  }
0xbe: {  	s0 =	sadd.s32 $0x8F2B, s0  }
0xbf: {  	[sflag:s0] =	ssyncadd.remote.s32 $0x1  }
0xc0: {  	_ =	sfence.sel $0xFFFF  }
0xc1: {  	[dreg:$0x0] =	wrdreg $0xFFFFFFFF;
	(pc) =	sbr.abs _section_cstart, $3  }
0xc2: {  	[dreg:$0x1] =	wrdreg $0xFFFFFFFF  }
0xc3: {  	_ =	task.clear_ibuf [dreg:s8], $0x2FFFF;
	_ =	strace $0x9FFFFFFF  }
0xc4: {  	(tm) =	ssettm $0x7FFFFFFF  }
0xc5: {  	_ =	shalt  }
tec
execute0_lowered:
.L_overlay_start_1:
0x0: {  	(tag) =	ssettag $0x1  }
0x1: {  	s2 =	rddreg [dreg:$0x0]  }
0x2: {  	s7 =	rddreg [dreg:$0x1];
	s0 =	srdreg.scid  }
0x3: {  	s3 =	rddreg [dreg:$0x2];
	s1 =	stileid.u32;
	s6 =	simm.s32 $0x2  }
0x4: {  	s11 =	simm.s32 $0x3;
	s12 =	simm.s32 $0x0;
	s4 =	sshll.u32 s0, $0x9  }
0x5: {  	s0 =	rddreg [dreg:$0x3];
	s5 =	sshll.u32 s1, $0xA;
	s4 =	sand.u32 $0x200, s4  }
0x6: {  	_ =	strace $0x8000004A;
	s4 =	sor.u32 s5, s4;
	s5 =	simm.s32 $0x1  }
0x7: {  	s8 =	sshrl.u32 s4, $0x3;
	s9 =	ssub.s32 $0x4000, s4;
	[sflag:s5] =	ssyncpa.u1 $0x0  }
.Ltmp0:
0x8: {  	s10 =	sand.u32 $0x3E00, s9;
	[sflag:s6] =	ssyncpa.u1 $0x0;
	(pc) =	sbr.rel .LBB2_1-.Ltmp0, $4  }
0x9: {  	s9 =	sshrl.u32 s9, $0xE;
	p0 =	sne.s32 s10, $0x0;
	s10 =	simm.s32 $0x1  }
0xa: {  	s8 =	sadd.s32 s8, s7;
	[sflag:s11] =	ssyncpa.u1 $0x0;
	s10 =	simm.s32 @!p0 $0x0  }
0xb: {  	s8 =	sadd.s32 $0x1CA00, s8;
	s11 =	simm.s32 $0x0;
	s7 =	sadd.s32 s10, s9  }
0xc: {  	vm0 =	vmmov $0xffff;
	p0 =	por $0x0, $0x0;
	s10 =	simm.s32 $0x0;
	s9 =	sadd.s32 $0x1, s7  }
.LBB2_4:
0xd: {  	vm1 =	vgt.s32 v0, $0x0  }
0xe: {  	v0 =	vnsel vm1, $0x0, v0  }
0xf: {  	v0 =	vmin.u32 v0, $0x30D400  }
0x10: {  	v1 =	vshll.u32 v0, $0x1  }
0x11: {  	v0 =	vand.u32 $0x7F, v0;
	v1 =	vand.u32 $0x7FFF00, v1  }
0x12: {  	v0 =	vor.u32 v0, v1  }
0x13: {  	s14 =	sadd.s32 $0x20, s14  }
0x14: {  	s14 =	sand.u32 $0x300, s14  }
0x15: {  	s15 =	sand.u32 $0x70, s15;
	(ifvalue) =	ssetifvalue $0x7FFFFFFF;
	s14 =	sadd.s32 s14, s13;
	v1 =	vor.u32 $0x80, v0  }
0x16: {  	(ifvalue) =	ssetifvalue $0x7FFFFFFF;
	s14 =	sadd.s32 s15, s14  }
0x17: {  	[tilespmem:s14], [sflag:$0x1] =	stream.indirect_vreg.gather [hbm4b:s2+s10], $0x1, v0, vm0, $0x4038;
	[tilespmem:$0xC00] =	vst v63  }
0x18: {  	(ifvalue) =	ssetifvalue $0x7FFFFFFF  }
0x19: {  	s30 =	sshll.u32 s12, $0x1;
	s14 =	sadd.s32 $0x80, s14;
	(ifvalue) =	ssetifvalue $0x7FFFFFFF  }
0x1a: {  	[tilespmem:s14], [sflag:$0x1] =	stream.indirect_vreg.gather [hbm4b:s2+s10], $0x1, v1, vm0, $0x4038;
	[tilespmem:$0xC00] =	vst v63  }
0x1b: {  	s31 =	sand.u32 $0x78, s12;
	s14 =	sand.u32 $0x7FFFFF00, s30  }
0x1c: {  	_ =	swait.ge [sflag:s5], $0x400;
	s12 =	sor.u32 s31, s14  }
0x1d: {  	[sflag:s5] =	ssyncset.done $0x0;
	s12 =	sshrl.u32 s12, $0x3  }
0x1e: {  	[sflag:s5] =	ssyncadd.s32 $0xFFFFFC00;
	s12 =	sadd.s32 s3, s12  }
0x1f: {  	[hbm:s12] =	stream.linear.scatter [tilespmem:s13], [sflag:$0x3], $0x400, $0x38;
	[tilespmem:$0xC00] =	vst v63  }
.LBB2_5:
0x20: {  	p2 =	sne.s32 s11, s9  }
.Ltmp1:
0x21: {  	p1 =	slt.u32 s11, $0x2;
	(pc) =	sbr.rel @!p2 .LBB2_6-.Ltmp1, $4  }
0x22: {  	s12 =	simm.s32 @!p1 $0x3  }
0x23: {  	_ =	swait.ge @!p1 [sflag:s12], $0x400  }
0x24: {  	s13 =	sadd.s32 $0x1, s11;
	p0 =	por !p0, !p0;
	[sflag:s12] =	ssyncset.done @!p1 $0x0  }
0x25: {  	s11 =	smov.u32 s13;
	[sflag:s12] =	ssyncadd.s32 @!p1 $0xFFFFFC00;
	s12 =	smov.u32 s4  }
.LBB2_1:
0x26: {  	p1 =	sge.u32 s11, s7  }
0x27: {  	s13 =	sxor.u32 @!p1 $0xFFFFFFFF, s11  }
0x28: {  	s13 =	sshll.u32 @!p1 s13, $0x9  }
0x29: {  	s31 =	sadd.s32 $0xFFFFFFFF, s11;
	s14 =	simm.s32 @!p1 $0x0;
	s13 =	sand.u32 @!p1 $0x200, s13  }
0x2a: {  	[tilespmem:s13], [sflag:$0x2] =	stream.linear.gather @!p1 [hbm4b:s8+s14], $0x200, $0x38;
	[tilespmem:$0xC00] =	vst v63  }
0x2b: {  	p1 =	sge.u32 s31, s7  }
.Ltmp2:
0x2c: {  	_ = 	snop;
	(pc) =	sbr.rel @p1 .LBB2_5-.Ltmp2, $1  }
0x2d: {  	_ =	sdelay $0x3  }
0x2e: {  	s13 =	simm.s32 $0x1;
	_ =	swait.ge [sflag:s6], $0x200  }
0x2f: {  	s13 =	simm.s32 @!p0 $0x0;
	[sflag:s6] =	ssyncset.done $0x0  }
0x30: {  	s15 =	sshll.u32 s13, $0x9;
	[sflag:s6] =	ssyncadd.s32 $0xFFFFFE00  }
0x31: {  	v0 =	vld.msk [tilespmem:s15+$0x0 ss:$0x1], $0xffff;
	_ =	sdelay $0x4  }
0x32: {  	vm1 =	vgt.s32 v0, $0x0  }
0x33: {  	v0 =	vnsel vm1, $0x0, v0  }
0x34: {  	v0 =	vmin.u32 v0, $0x30D400  }
0x35: {  	v1 =	vshll.u32 v0, $0x1  }
0x36: {  	v0 =	vand.u32 $0x7F, v0;
	v1 =	vand.u32 $0x7FFF00, v1  }
0x37: {  	s31 =	sand.u32 $0x1, s11;
	v0 =	vor.u32 v0, v1  }
0x38: {  	s14 =	simm.s32 $0x0;
	s13 =	sshll.u32 s31, $0xA  }
0x39: {  	s16 =	sand.u32 $0x300, s14;
	s13 =	sadd.s32 $0x400, s13  }
0x3a: {  	s17 =	sand.u32 $0x70, s14;
	(ifvalue) =	ssetifvalue $0x7FFFFFFF;
	s16 =	sadd.s32 s16, s13;
	v1 =	vor.u32 $0x80, v0  }
0x3b: {  	(ifvalue) =	ssetifvalue $0x7FFFFFFF;
	s16 =	sadd.s32 s17, s16  }
0x3c: {  	[tilespmem:s16], [sflag:$0x1] =	stream.indirect_vreg.gather [hbm4b:s2+s10], $0x1, v0, vm0, $0x4038;
	[tilespmem:$0xC00] =	vst v63  }
0x3d: {  	(ifvalue) =	ssetifvalue $0x7FFFFFFF  }
0x3e: {  	s16 =	sadd.s32 $0x80, s16;
	(ifvalue) =	ssetifvalue $0x7FFFFFFF  }
0x3f: {  	[tilespmem:s16], [sflag:$0x1] =	stream.indirect_vreg.gather [hbm4b:s2+s10], $0x1, v1, vm0, $0x4038;
	[tilespmem:$0xC00] =	vst v63  }
0x40: {  	s16 =	sadd.s32 $0x10, s15  }
0x41: {  	v0 =	vld.msk [tilespmem:s16+$0x0 ss:$0x1], $0xffff  }
0x42: {  	s17 =	simm.s32 $0x20;
	s15 =	simm.s32 $0x10  }
.LBB2_3:
0x43: {  	p1 =	sne.s32 s17, $0x1F0;
	_ =	sdelay $0x2  }
0x44: {  	vm1 =	vgt.s32 v0, $0x0  }
0x45: {  	v0 =	vnsel vm1, $0x0, v0  }
0x46: {  	v0 =	vmin.u32 v0, $0x30D400  }
0x47: {  	v1 =	vshll.u32 v0, $0x1  }
0x48: {  	v0 =	vand.u32 $0x7F, v0;
	v1 =	vand.u32 $0x7FFF00, v1  }
0x49: {  	v0 =	vor.u32 v0, v1  }
0x4a: {  	s14 =	sadd.s32 $0x20, s14  }
0x4b: {  	s18 =	sand.u32 $0x300, s14  }
0x4c: {  	s15 =	sand.u32 $0x70, s15;
	s18 =	sadd.s32 s18, s13;
	v1 =	vor.u32 $0x80, v0;
	(ifvalue) =	ssetifvalue $0x7FFFFFFF  }
0x4d: {  	s18 =	sadd.s32 s15, s18;
	s15 =	smov.u32 s17;
	(ifvalue) =	ssetifvalue $0x7FFFFFFF  }
0x4e: {  	[tilespmem:s18], [sflag:$0x1] =	stream.indirect_vreg.gather [hbm4b:s2+s10], $0x1, v0, vm0, $0x4038;
	[tilespmem:$0xC00] =	vst v63  }
0x4f: {  	s16 =	sadd.s32 $0x10, s16;
	(ifvalue) =	ssetifvalue $0x7FFFFFFF  }
.Ltmp3:
0x50: {  	s18 =	sadd.s32 $0x80, s18;
	(ifvalue) =	ssetifvalue $0x7FFFFFFF;
	(pc) =	sbr.rel @p1 .LBB2_3-.Ltmp3, $3  }
0x51: {  	[tilespmem:s18], [sflag:$0x1] =	stream.indirect_vreg.gather [hbm4b:s2+s10], $0x1, v1, vm0, $0x4038;
	[tilespmem:$0xC00] =	vst v63  }
0x52: {  	v0 =	vld.msk [tilespmem:s16+$0x0 ss:$0x1], $0xffff;
	_ =	sdelay $0x1  }
0x53: {  	s17 =	sadd.s32 $0x10, s17  }
.Ltmp4:
0x54: {  	_ = 	snop;
	(pc) =	sbr.rel .LBB2_4-.Ltmp4, $1  }
0x55: {  	_ =	sdelay $0x3  }
.LBB2_6:
0x56: {  	_ =	sfence.sel $0x180000  }
0x57: {  	s2 =	simm.s32 $0x2;
	[bflag:$0x0] =	sbarrier.arrive $0xFFFF  }
0x58: {  	s30 =	simm.s32 $0x3;
	[sflag:s2] =	ssyncpa.u1 $0x1  }
0x59: {  	s31 =	simm.s32 $0x1;
	[sflag:s30] =	ssyncpa.u1 $0x1  }
0x5a: {  	[sflag:s31] =	ssyncpa.u1 $0x1  }
0x5b: {  	p0 =	sne.s32 s1, $0x0;
	_ =	strace $0x9000004A  }
0x5c: {  	s0 =	sadd.s32 @!p0 $0x100000, s0;
	[bflag:$0x2] =	sbarrier.arrive $0xFFFF  }
0x5d: {  	[sflag:s0] =	ssyncadd.tile.s32 @!p0 $0x1;
	_ =	shalt  }
.Lfunc_end2:
_tile_overlayer_lowered:
.L_overlay_start_2:
0x5e: {  	(tag) =	ssettag $0x2  }
0x5f: {  	s0 =	rddreg [dreg:$0x0];
	s2 =	stileid.u32  }
0x60: {  	s1 =	rddreg [dreg:$0x1];
	p0 =	sne.s32 s2, $0x0  }
0x61: {  	s3 =	rddreg [dreg:$0x2];
	[bflag:$0x3] =	sbarrier.arrive $0xFFFF;
	s2 =	simm.s32 @!p0 $0x1C01  }
0x62: {  	[timem:s3], [sflag:s2] =	dma.local @!p0 [hbm:s0], s1  }
0x63: {  	s0 =	simm.s32 @!p0 $0x1  }
0x64: {  	_ =	swait.ge @!p0 [sflag:s0], s1  }
0x65: {  	s1 =	ssub.s32 @!p0 $0x0, s1;
	[sflag:s0] =	ssyncset.done @!p0 $0x0  }
0x66: {  	[sflag:s0] =	ssyncadd.s32 @!p0 s1  }
0x67: {  	[bflag:$0x3] =	sbarrier.arrive $0xFFFF  }
0x68: {  	_ =	shalt  }

// kernel: kernel.5.cloned.1.call-start
scs
__scs_entry_jumppad:
0x0: {  	(pc) =	sbr.rel $0x88, $3  }
0x1: {  	(tag) =	ssettag $0x0;
	lr =	simm.s32 $0x1  }
0x2: {  	[smem:$0x3F98] =	sst lr;
	_ =	strace $0xD0000000  }
0x3: {  	_ = 	snop  }
0x4: {  	_ = 	snop  }
0x5: {  	_ = 	snop  }
0x6: {  	_ = 	snop  }
0x7: {  	_ = 	snop  }
__scs_overlays_trampoline_lowered:
0x8: {  	[smem:$0x3FA7] =	sst s0  }
0x9: {  	[smem:$0x3FA8] =	sst s1  }
0xa: {  	[smem:$0x3FA9] =	sst s2  }
0xb: {  	[smem:$0x3FAA] =	sst s3  }
0xc: {  	[smem:$0x3FAB] =	sst s4  }
0xd: {  	[smem:$0x3FAC] =	sst s5  }
0xe: {  	[smem:$0x3FAD] =	sst s6  }
0xf: {  	[smem:$0x3FAE] =	sst s7  }
0x10: {  	[smem:$0x3FAF] =	sst s8  }
0x11: {  	[smem:$0x3FB0] =	sst s9;
	s0 =	simm.s32 @!p0 $0x0  }
0x12: {  	s1 =	sld [smem:$0x3F96];
	s0 =	simm.s32 @p0 $0x1  }
0x13: {  	[smem:$0x3FB1] =	sst s0;
	s0 =	simm.s32 @!p1 $0x0  }
0x14: {  	s2 =	sld [smem:$0x3F95];
	s0 =	simm.s32 @p1 $0x1  }
0x15: {  	[smem:$0x3FB2] =	sst s0;
	s0 =	simm.s32 @!p2 $0x0  }
0x16: {  	s3 =	sld [smem:$0x3FDB];
	s0 =	simm.s32 @p2 $0x1  }
0x17: {  	s4 =	simm.s32 $0x1BF5;
	[smem:$0x3FB4] =	sst s0  }
0x18: {  	s0 =	sld [smem:$0x3F97];
	_ =	swait.ge [sflag:s4], $0x0  }
0x19: {  	s7 =	sld [smem:$0x3F98]  }
0x1a: {  	s8 =	sadd.s32 $0xFFFFE003, lr  }
0x1b: {  	s9 =	sadd.s32 $0xFFFFFEF7, lr;
	s5 =	simm.s32 $0xFFFFFFFF;
	p2 =	slt.u32 s8, $0xFFFFF086  }
0x1c: {  	p1 =	slt.u32 s9, $0xF7A;
	s5 =	simm.s32 @!p2 $0x0  }
0x1d: {  	s5 =	simm.s32 @p1 $0x1;
	p0 =	seq.s32 s7, s2  }
0x1e: {  	s7 =	smul.u32 @!p0 $0xF7A, s2;
	p2 =	seq.s32 @!p0 s5, $0x0  }
0x1f: {  	s9 =	smul.u32 $0xF7A, s1;
	s8 =	simm.s32 @!p0 $0x1BF5;
	p2 =	por !p2, p0  }
0x20: {  	[sflag:s8] =	ssyncset.s32 @!p0 $0xFFFFF086;
	s6 =	sadd.s32 @!p0 s3, s7;
	s7 =	simm.s32 @!p0 $0x108  }
0x21: {  	s3 =	sadd.s32 s3, s9;
	s6 =	sadd.s32 @!p0 $0x88, s6;
	s7 =	simm.s32 @p2 $0x1082  }
0x22: {  	[simem:s7], [sflag:s8] =	dma.local @!p0 [hbm:s6], $0xF7A  }
0x23: {  	s9 =	sor.u32 $0xD0000000, s2;
	s6 =	simm.s32 $0x108;
	_ =	swait.ge @!p0 [sflag:s8], $0x0  }
0x24: {  	s3 =	sadd.s32 $0x88, s3;
	s6 =	simm.s32 @!p1 $0x1082;
	[sflag:s4] =	ssyncset.s32 $0xFFFFF086  }
0x25: {  	[simem:s6], [sflag:s4] =	dma.local [hbm:s3], $0xF7A  }
0x26: {  	[smem:$0x3F98] =	sst s1;
	(tag) =	ssettag s2;
	_ =	strace s9  }
0x27: {  	s1 =	sld [smem:$0x3FA8]  }
0x28: {  	s2 =	sld [smem:$0x3FA9]  }
0x29: {  	s4 =	sld [smem:$0x3FAB]  }
0x2a: {  	p0 =	seq.s32 s5, $0x0;
	s5 =	sld [smem:$0x3FAC]  }
0x2b: {  	s6 =	sld [smem:$0x3FAD]  }
0x2c: {  	s7 =	sld [smem:$0x3FAE]  }
0x2d: {  	s3 =	simm.s32 $0x108;
	s8 =	sld [smem:$0x3FAF]  }
0x2e: {  	s3 =	simm.s32 @!p0 $0x1082;
	s9 =	sld [smem:$0x3FB0]  }
0x2f: {  	lr =	sadd.s32 s0, s3;
	s0 =	sld [smem:$0x3FA7]  }
0x30: {  	s3 =	sld [smem:$0x3FAA]  }
0x31: {  	[smem:$0x3FB3] =	sst s10  }
0x32: {  	s10 =	sld [smem:$0x3FB1];
	_ =	sdelay $0x3  }
0x33: {  	p0 =	seq.s32 s10, $0x1;
	s10 =	sld [smem:$0x3FB3];
	_ =	sdelay $0x3  }
0x34: {  	[smem:$0x3FB3] =	sst s10  }
0x35: {  	s10 =	sld [smem:$0x3FB2];
	_ =	sdelay $0x3  }
0x36: {  	p1 =	seq.s32 s10, $0x1;
	s10 =	sld [smem:$0x3FB3];
	_ =	sdelay $0x3  }
0x37: {  	[smem:$0x3FB3] =	sst s10  }
0x38: {  	s10 =	sld [smem:$0x3FB4]  }
0x39: {  	_ = 	snop;
	(pc) =	sbr.ind lr, $3  }
0x3a: {  	_ = 	snop  }
0x3b: {  	_ = 	snop  }
0x3c: {  	p2 =	seq.s32 s10, $0x1;
	s10 =	sld [smem:$0x3FB3]  }
0x3d: {  	_ =	shalt  }
0x3e: {  	_ =	shalt  }
0x3f: {  	_ =	shalt  }
0x40: {  	_ =	shalt  }
0x41: {  	_ =	shalt  }
0x42: {  	_ =	shalt  }
0x43: {  	_ =	shalt  }
0x44: {  	_ =	shalt  }
0x45: {  	_ =	shalt  }
0x46: {  	_ =	shalt  }
0x47: {  	_ =	shalt  }
0x48: {  	_ =	shalt  }
0x49: {  	_ =	shalt  }
0x4a: {  	_ =	shalt  }
0x4b: {  	_ =	shalt  }
0x4c: {  	_ =	shalt  }
0x4d: {  	_ =	shalt  }
0x4e: {  	_ =	shalt  }
0x4f: {  	_ =	shalt  }
0x50: {  	_ =	shalt  }
0x51: {  	_ =	shalt  }
0x52: {  	_ =	shalt  }
0x53: {  	_ =	shalt  }
0x54: {  	_ =	shalt  }
0x55: {  	_ =	shalt  }
0x56: {  	_ =	shalt  }
0x57: {  	_ =	shalt  }
0x58: {  	_ =	shalt  }
0x59: {  	_ =	shalt  }
0x5a: {  	_ =	shalt  }
0x5b: {  	_ =	shalt  }
0x5c: {  	_ =	shalt  }
0x5d: {  	_ =	shalt  }
0x5e: {  	_ =	shalt  }
0x5f: {  	_ =	shalt  }
0x60: {  	_ =	shalt  }
0x61: {  	_ =	shalt  }
0x62: {  	_ =	shalt  }
0x63: {  	_ =	shalt  }
0x64: {  	_ =	shalt  }
0x65: {  	_ =	shalt  }
0x66: {  	_ =	shalt  }
0x67: {  	_ =	shalt  }
0x68: {  	_ =	shalt  }
0x69: {  	_ =	shalt  }
0x6a: {  	_ =	shalt  }
0x6b: {  	_ =	shalt  }
0x6c: {  	_ =	shalt  }
0x6d: {  	_ =	shalt  }
0x6e: {  	_ =	shalt  }
0x6f: {  	_ =	shalt  }
0x70: {  	_ =	shalt  }
0x71: {  	_ =	shalt  }
0x72: {  	_ =	shalt  }
0x73: {  	_ =	shalt  }
0x74: {  	_ =	shalt  }
0x75: {  	_ =	shalt  }
0x76: {  	_ =	shalt  }
0x77: {  	_ =	shalt  }
0x78: {  	_ =	shalt  }
0x79: {  	_ =	shalt  }
0x7a: {  	_ =	shalt  }
0x7b: {  	_ =	shalt  }
0x7c: {  	_ =	shalt  }
0x7d: {  	_ =	shalt  }
0x7e: {  	_ =	shalt  }
0x7f: {  	_ =	shalt  }
0x80: {  	_ =	shalt  }
0x81: {  	_ =	shalt  }
0x82: {  	_ =	shalt  }
0x83: {  	_ =	shalt  }
0x84: {  	_ =	shalt  }
0x85: {  	_ =	shalt  }
0x86: {  	_ =	shalt  }
0x87: {  	_ =	shalt  }
.Lfunc_end0:
.L_simem_size_0:
called_computation.1_lowered:
.L_overlay_start_0:
0x88: {  	s2 =	sld [smem:$0x3FD9]  }
0x89: {  	s3 =	sld [smem:$0x3FFE];
	_ =	sdelay $0x1  }
0x8a: {  	s1 =	srdreg.scid  }
0x8b: {  	s0 =	sand.u32 $0x1, s1  }
0x8c: {  	s17 =	sshll.u32 s0, $0xA;
	s2 =	sadd.s32 s3, s2  }
0x8d: {  	s2 =	sadd.s32 s2, s17  }
0x8e: {  	[smem:$0x3FBF] =	sst s2  }
0x8f: {  	_ = 	snop  }
0x90: {  	s2 =	sld [smem:$0x3FC5]  }
0x91: {  	s18 =	sld [smem:$0x3FD0];
	(tm) =	ssettm $0x1  }
0x92: {  	s4 =	sld [smem:$0x3FFB];
	_ =	sdelay $0x3  }
0x93: {  	_ =	strace s4  }
0x94: {  	s4 =	sld [smem:$0x3FFC];
	_ =	sdelay $0x3  }
0x95: {  	_ =	strace s4  }
0x96: {  	s4 =	sld [smem:$0x3FFD];
	_ =	sdelay $0x3  }
0x97: {  	_ =	strace s4  }
0x98: {  	_ =	strace $0x8FFFFFFF  }
0x99: {  	s19 =	sld [smem:$0x3FDB];
	_ =	sdelay $0x1  }
0x9a: {  	s5 =	simm.s32 $_scs_section_size  }
0x9b: {  	s6 =	simm.s32 $_size__tile_overlayer_lowered;
	s7 =	simm.s32 $_tile_overlayer_lowered  }
0x9c: {  	s22 =	simm.s32 $0x1BFF;
	s21 =	sshll.u32 s7, $0x1;
	s4 =	sadd.s32 s5, s19  }
0x9d: {  	s8 =	simm.s32 $0x0;
	s20 =	sshll.u32 s6, $0x1;
	s6 =	sadd.s32 s21, s4  }
0x9e: {  	[timem:s8], [sflag:s22] =	dma.local [hbm:s6], s20  }
0x9f: {  	_ =	swait.ge [sflag:s22], s20  }
0xa0: {  	s5 =	ssub.s32 $0x0, s20;
	[sflag:s22] =	ssyncset.done $0x0  }
0xa1: {  	[sflag:s22] =	ssyncadd.s32 s5;
	_ =	sdelay $0x1  }
0xa2: {  	s23 =	simm.s32 $0x1B8B  }
0xa3: {  	_ =	swait.ge [sflag:s23], $0x1  }
0xa4: {  	[sflag:s23] =	ssyncset.done $0x0  }
0xa5: {  	s25 =	simm.s32 $0x1B8E;
	s24 =	sld [smem:$0x3FFE];
	[sflag:s23] =	ssyncadd.s32 $0xFFFFFFFF  }
0xa6: {  	s26 =	simm.s32 $execute0_lowered;
	[smem:$0x3FD2] =	sst s25  }
0xa7: {  	s6 =	sshll.u32 s26, $0x1;
	_ =	strace $0x80000046;
	[dreg:$0x1] =	wrdreg $0xFFFFFFFF  }
0xa8: {  	s28 =	simm.s32 $_size_execute0_lowered;
	s4 =	sadd.s32 s4, s6;
	[dreg:$0x0] =	wrdreg $0x0  }
0xa9: {  	s6 =	sshll.u32 s28, $0x1;
	[dreg:$0x2] =	wrdreg s4  }
0xaa: {  	[dreg:$0x3] =	wrdreg s6  }
0xab: {  	[dreg:$0x4] =	wrdreg $0xC0  }
0xac: {  	_ =	task [dreg:s8], $0x5FFFF  }
0xad: {  	[dreg:$0x1] =	wrdreg $0xFFFFFFFF  }
0xae: {  	[dreg:$0x0] =	wrdreg $0x60  }
0xaf: {  	[dreg:$0x2] =	wrdreg s24  }
0xb0: {  	[dreg:$0x3] =	wrdreg s2  }
0xb1: {  	[dreg:$0x4] =	wrdreg s18  }
0xb2: {  	[dreg:$0x5] =	wrdreg $0x9  }
0xb3: {  	_ =	task.clear_ibuf [dreg:s8], $0x6FFFF;
	_ =	strace $0x90000046  }
0xb4: {  	s29 =	simm.s32 $0x9;
	_ =	strace $0x80000048  }
0xb5: {  	_ =	swait.ge [sflag:s29], $0x1  }
0xb6: {  	[sflag:s29] =	ssyncadd.s32 $0xFFFFFFFF  }
0xb7: {  	_ =	strace $0x90000048  }
0xb8: {  	_ =	sfence  }
0xb9: {  	s30 =	sld [smem:$0x0];
	_ =	sdelay $0x2  }
0xba: {  	s31 =	sshll.u32 s1, $0xD;
	s1 =	sshrl.u32 s1, $0x2  }
0xbb: {  	s3 =	sand.u32 $0x4000, s31;
	s1 =	sadd.s32 s1, s30  }
0xbc: {  	s0 =	sor.u32 s3, s0;
	s1 =	sshll.u32 s1, $0x11  }
0xbd: {  	s0 =	sor.u32 s1, s0  }
0xbe: {  	s0 =	sadd.s32 $0x8F2B, s0  }
0xbf: {  	[sflag:s0] =	ssyncadd.remote.s32 $0x1  }
0xc0: {  	_ =	sfence.sel $0xFFFF  }
0xc1: {  	[dreg:$0x0] =	wrdreg $0xFFFFFFFF;
	(pc) =	sbr.abs _section_cstart, $3  }
0xc2: {  	[dreg:$0x1] =	wrdreg $0xFFFFFFFF  }
0xc3: {  	_ =	task.clear_ibuf [dreg:s8], $0x2FFFF;
	_ =	strace $0x9FFFFFFF  }
0xc4: {  	(tm) =	ssettm $0x7FFFFFFF  }
0xc5: {  	_ =	shalt  }
tec
execute0_lowered:
.L_overlay_start_1:
0x0: {  	(tag) =	ssettag $0x1  }
0x1: {  	s14 =	rddreg [dreg:$0x0]  }
0x2: {  	s1 =	srdreg.scid;
	s0 =	stileid.u32  }
0x3: {  	s2 =	rddreg [dreg:$0x1];
	s13 =	sand.u32 $0x1, s1;
	s29 =	sshll.u32 s0, $0x1  }
0x4: {  	s12 =	rddreg [dreg:$0x2];
	s11 =	sor.u32 s13, s29  }
0x5: {  	s3 =	simm.s32 $0x0;
	s1 =	rddreg [dreg:$0x3];
	s4 =	sshll.u32 s11, $0x3  }
0x6: {  	[smem:$0x7FF] =	sst s3;
	s4 =	sadd.s32 s4, s14  }
0x7: {  	_ =	strace $0x80000047;
	s5 =	sadd.s32 $0x3000, s4;
	s4 =	simm.s32 $0x2  }
0x8: {  	[tilespmem:s3], [sflag:$0x2] =	stream.linear.gather [hbm4b:s5+s3], $0x40, $0x38;
	[tilespmem:$0x680] =	vst v63  }
0x9: {  	_ =	swait.ge [sflag:s4], $0x40  }
0xa: {  	v0 =	vlaneseq.u32;
	[sflag:s4] =	ssyncset.done $0x0  }
0xb: {  	v0 =	vmul.u32 $0x8, v0;
	[sflag:s4] =	ssyncadd.s32 $0xFFFFFFC0  }
0xc: {  	v8 =	vld [tilespmem:$0x0]  }
0xd: {  	v1 =	vor.u32 $0x1, v0  }
0xe: {  	v2 =	vor.u32 $0x2, v0  }
0xf: {  	v3 =	vor.u32 $0x3, v0  }
0x10: {  	s6 =	simm.s32 $0x80;
	v4 =	vor.u32 $0x4, v0  }
0x11: {  	v5 =	vor.u32 $0x5, v0;
	[tilespmem:v0+s6+$0x0] =	vst.idx.msk $0xffff, v8;
	v7 =	vadd.s32 $0x186A0, v8  }
0x12: {  	v6 =	vor.u32 $0x6, v0;
	v9 =	vadd.s32 $0x30D40, v8;
	[tilespmem:v1+s6+$0x0] =	vst.idx.msk $0xffff, v7  }
0x13: {  	v7 =	vor.u32 $0x7, v0;
	[tilespmem:v2+s6+$0x0] =	vst.idx.msk $0xffff, v9;
	v9 =	vadd.s32 $0x493E0, v8  }
0x14: {  	[tilespmem:v3+s6+$0x0] =	vst.idx.msk $0xffff, v9;
	v9 =	vadd.s32 $0x61A80, v8  }
0x15: {  	[tilespmem:v4+s6+$0x0] =	vst.idx.msk $0xffff, v9;
	v9 =	vadd.s32 $0x7A120, v8  }
0x16: {  	[tilespmem:v5+s6+$0x0] =	vst.idx.msk $0xffff, v9;
	v9 =	vadd.s32 $0x927C0, v8  }
0x17: {  	v8 =	vadd.s32 $0xAAE60, v8;
	[tilespmem:v6+s6+$0x0] =	vst.idx.msk $0xffff, v9  }
0x18: {  	[tilespmem:v7+s6+$0x0] =	vst.idx.msk $0xffff, v8  }
0x19: {  	v8 =	vor.u32 $0x80, v0;
	v16 =	vld [tilespmem:$0x10]  }
0x1a: {  	v9 =	vor.u32 $0x81, v0  }
0x1b: {  	v10 =	vor.u32 $0x82, v0  }
0x1c: {  	v11 =	vor.u32 $0x83, v0  }
0x1d: {  	v12 =	vor.u32 $0x84, v0  }
0x1e: {  	v13 =	vor.u32 $0x85, v0;
	[tilespmem:v8+s6+$0x0] =	vst.idx.msk $0xffff, v16;
	v15 =	vadd.s32 $0x186A0, v16  }
0x1f: {  	v14 =	vor.u32 $0x86, v0;
	v17 =	vadd.s32 $0x30D40, v16;
	[tilespmem:v9+s6+$0x0] =	vst.idx.msk $0xffff, v15  }
0x20: {  	v15 =	vor.u32 $0x87, v0;
	[tilespmem:v10+s6+$0x0] =	vst.idx.msk $0xffff, v17;
	v17 =	vadd.s32 $0x493E0, v16  }
0x21: {  	[tilespmem:v11+s6+$0x0] =	vst.idx.msk $0xffff, v17;
	v17 =	vadd.s32 $0x61A80, v16  }
0x22: {  	[tilespmem:v12+s6+$0x0] =	vst.idx.msk $0xffff, v17;
	v17 =	vadd.s32 $0x7A120, v16  }
0x23: {  	[tilespmem:v13+s6+$0x0] =	vst.idx.msk $0xffff, v17;
	v17 =	vadd.s32 $0x927C0, v16  }
0x24: {  	v16 =	vadd.s32 $0xAAE60, v16;
	[tilespmem:v14+s6+$0x0] =	vst.idx.msk $0xffff, v17  }
0x25: {  	[tilespmem:v15+s6+$0x0] =	vst.idx.msk $0xffff, v16  }
0x26: {  	v16 =	vor.u32 $0x100, v0;
	v24 =	vld [tilespmem:$0x20]  }
0x27: {  	v17 =	vor.u32 $0x101, v0  }
0x28: {  	v18 =	vor.u32 $0x102, v0  }
0x29: {  	v19 =	vor.u32 $0x103, v0  }
0x2a: {  	v20 =	vor.u32 $0x104, v0  }
0x2b: {  	v21 =	vor.u32 $0x105, v0;
	[tilespmem:v16+s6+$0x0] =	vst.idx.msk $0xffff, v24;
	v23 =	vadd.s32 $0x186A0, v24  }
0x2c: {  	v22 =	vor.u32 $0x106, v0;
	v25 =	vadd.s32 $0x30D40, v24;
	[tilespmem:v17+s6+$0x0] =	vst.idx.msk $0xffff, v23  }
0x2d: {  	v23 =	vor.u32 $0x107, v0;
	[tilespmem:v18+s6+$0x0] =	vst.idx.msk $0xffff, v25;
	v25 =	vadd.s32 $0x493E0, v24  }
0x2e: {  	[tilespmem:v19+s6+$0x0] =	vst.idx.msk $0xffff, v25;
	v25 =	vadd.s32 $0x61A80, v24  }
0x2f: {  	[tilespmem:v20+s6+$0x0] =	vst.idx.msk $0xffff, v25;
	v25 =	vadd.s32 $0x7A120, v24  }
0x30: {  	[tilespmem:v21+s6+$0x0] =	vst.idx.msk $0xffff, v25;
	v25 =	vadd.s32 $0x927C0, v24  }
0x31: {  	v24 =	vadd.s32 $0xAAE60, v24;
	[tilespmem:v22+s6+$0x0] =	vst.idx.msk $0xffff, v25  }
0x32: {  	[tilespmem:v23+s6+$0x0] =	vst.idx.msk $0xffff, v24  }
0x33: {  	v24 =	vor.u32 $0x180, v0;
	v32 =	vld [tilespmem:$0x30]  }
0x34: {  	v25 =	vor.u32 $0x181, v0  }
0x35: {  	v26 =	vor.u32 $0x182, v0  }
0x36: {  	v27 =	vor.u32 $0x183, v0  }
0x37: {  	v28 =	vor.u32 $0x184, v0  }
0x38: {  	v29 =	vor.u32 $0x185, v0;
	[tilespmem:v24+s6+$0x0] =	vst.idx.msk $0xffff, v32;
	v31 =	vadd.s32 $0x186A0, v32  }
0x39: {  	v30 =	vor.u32 $0x186, v0;
	v33 =	vadd.s32 $0x30D40, v32;
	[tilespmem:v25+s6+$0x0] =	vst.idx.msk $0xffff, v31  }
0x3a: {  	v60 =	vadd.s32 $0x493E0, v32;
	v31 =	vor.u32 $0x187, v0;
	[tilespmem:v26+s6+$0x0] =	vst.idx.msk $0xffff, v33  }
0x3b: {  	v61 =	vadd.s32 $0x61A80, v32;
	[tilespmem:v27+s6+$0x0] =	vst.idx.msk $0xffff, v60  }
0x3c: {  	v62 =	vadd.s32 $0x7A120, v32;
	[tilespmem:v28+s6+$0x0] =	vst.idx.msk $0xffff, v61  }
0x3d: {  	v63 =	vadd.s32 $0x927C0, v32;
	[tilespmem:v29+s6+$0x0] =	vst.idx.msk $0xffff, v62  }
0x3e: {  	s8 =	simm.s32 $0x200;
	v32 =	vadd.s32 $0xAAE60, v32;
	[tilespmem:v30+s6+$0x0] =	vst.idx.msk $0xffff, v63  }
0x3f: {  	s9 =	simm.s32 $0x280;
	s10 =	simm.s32 $0x1;
	s7 =	sadd.s32 $0x3200, s14;
	[tilespmem:v31+s6+$0x0] =	vst.idx.msk $0xffff, v32  }
0x40: {  	[tilespmem:s9], [sflag:$0x1] =	stream.indirect.gather [hbm4b:s7+s8], $0x1, s6, s8, $0xb8;
	[tilespmem:$0x680] =	vst v63  }
0x41: {  	s15 =	sshll.u32 s0, $0x7;
	s30 =	ssub.s32 $0x2, s13;
	_ =	swait.ge [sflag:s10], $0x200  }
0x42: {  	s13 =	simm.s32 $0x400;
	s16 =	sshll.u32 s11, $0x4;
	[sflag:s10] =	ssyncset.done $0x0  }
0x43: {  	s11 =	simm.s32 $0x480;
	s15 =	sor.u32 s15, s16;
	[sflag:s10] =	ssyncadd.s32 $0xFFFFFE00  }
0x44: {  	[tilespmem:s11], [sflag:$0x1] =	stream.indirect.gather [hbm4b:s2+s8], $0x1, s9, s8, $0xb8;
	[tilespmem:$0x680] =	vst v63  }
0x45: {  	s17 =	sshrl.u32 s30, $0x1;
	s15 =	sand.u32 $0x670, s15;
	_ =	swait.ge [sflag:s10], $0x200  }
0x46: {  	s31 =	ssub.s32 s30, s17;
	s12 =	sadd.s32 s12, s15;
	[sflag:s10] =	ssyncset.done $0x0  }
0x47: {  	s14 =	sadd.s32 s15, s14;
	s15 =	smax.u32 s31, $0x1;
	[sflag:s10] =	ssyncadd.s32 $0xFFFFFE00  }
0x48: {  	[hbm4b:s12+s6] =	stream.strided.scatter [tilespmem:s9], [sflag:$0x2], $0x200, s13, s6, $0x38;
	[tilespmem:$0x680] =	vst v63  }
0x49: {  	p0 =	sne.s32 s15, $0x1;
	_ =	swait.ge [sflag:s4], $0x200  }
.Ltmp0:
0x4a: {  	[sflag:s4] =	ssyncset.done $0x0;
	(pc) =	sbr.rel @!p0 .LBB2_2-.Ltmp0, $4  }
0x4b: {  	s14 =	sadd.s32 $0x1BA00, s14;
	[sflag:s4] =	ssyncadd.s32 $0xFFFFFE00  }
0x4c: {  	[hbm4b:s14+s6] =	stream.strided.scatter [tilespmem:s11], [sflag:$0x2], $0x200, s13, s6, $0x38;
	[tilespmem:$0x680] =	vst v63  }
0x4d: {  	_ =	swait.ge [sflag:s4], $0x200  }
0x4e: {  	s15 =	sadd.s32 $0xFFFFFFFF, s15;
	[sflag:s4] =	ssyncset.done $0x0  }
.LBB2_1:
0x4f: {  	p0 =	sne.s32 s15, $0x1;
	s15 =	sadd.s32 $0xFFFFFFFF, s15;
	[sflag:s4] =	ssyncadd.s32 $0xFFFFFE00  }
0x50: {  	[tilespmem:s3], [sflag:$0x2] =	stream.linear.gather [hbm4b:s5+s3], $0x40, $0x38;
	[tilespmem:$0x680] =	vst v63  }
0x51: {  	_ =	swait.ge [sflag:s4], $0x40  }
0x52: {  	[sflag:s4] =	ssyncset.done $0x0  }
0x53: {  	[sflag:s4] =	ssyncadd.s32 $0xFFFFFFC0  }
0x54: {  	v32 =	vld [tilespmem:$0x0];
	_ =	sdelay $0x4  }
0x55: {  	[tilespmem:v0+s6+$0x0] =	vst.idx.msk $0xffff, v32;
	v33 =	vadd.s32 $0x186A0, v32  }
0x56: {  	[tilespmem:v1+s6+$0x0] =	vst.idx.msk $0xffff, v33;
	v33 =	vadd.s32 $0x30D40, v32  }
0x57: {  	[tilespmem:v2+s6+$0x0] =	vst.idx.msk $0xffff, v33;
	v33 =	vadd.s32 $0x493E0, v32  }
0x58: {  	[tilespmem:v3+s6+$0x0] =	vst.idx.msk $0xffff, v33;
	v33 =	vadd.s32 $0x61A80, v32  }
0x59: {  	[tilespmem:v4+s6+$0x0] =	vst.idx.msk $0xffff, v33;
	v33 =	vadd.s32 $0x7A120, v32  }
0x5a: {  	[tilespmem:v5+s6+$0x0] =	vst.idx.msk $0xffff, v33;
	v33 =	vadd.s32 $0x927C0, v32  }
0x5b: {  	v32 =	vadd.s32 $0xAAE60, v32;
	[tilespmem:v6+s6+$0x0] =	vst.idx.msk $0xffff, v33  }
0x5c: {  	[tilespmem:v7+s6+$0x0] =	vst.idx.msk $0xffff, v32  }
0x5d: {  	v32 =	vld [tilespmem:$0x10];
	_ =	sdelay $0x4  }
0x5e: {  	[tilespmem:v8+s6+$0x0] =	vst.idx.msk $0xffff, v32;
	v33 =	vadd.s32 $0x186A0, v32  }
0x5f: {  	[tilespmem:v9+s6+$0x0] =	vst.idx.msk $0xffff, v33;
	v33 =	vadd.s32 $0x30D40, v32  }
0x60: {  	[tilespmem:v10+s6+$0x0] =	vst.idx.msk $0xffff, v33;
	v33 =	vadd.s32 $0x493E0, v32  }
0x61: {  	[tilespmem:v11+s6+$0x0] =	vst.idx.msk $0xffff, v33;
	v33 =	vadd.s32 $0x61A80, v32  }
0x62: {  	[tilespmem:v12+s6+$0x0] =	vst.idx.msk $0xffff, v33;
	v33 =	vadd.s32 $0x7A120, v32  }
0x63: {  	[tilespmem:v13+s6+$0x0] =	vst.idx.msk $0xffff, v33;
	v33 =	vadd.s32 $0x927C0, v32  }
0x64: {  	v32 =	vadd.s32 $0xAAE60, v32;
	[tilespmem:v14+s6+$0x0] =	vst.idx.msk $0xffff, v33  }
0x65: {  	[tilespmem:v15+s6+$0x0] =	vst.idx.msk $0xffff, v32  }
0x66: {  	v32 =	vld [tilespmem:$0x20];
	_ =	sdelay $0x4  }
0x67: {  	[tilespmem:v16+s6+$0x0] =	vst.idx.msk $0xffff, v32;
	v33 =	vadd.s32 $0x186A0, v32  }
0x68: {  	[tilespmem:v17+s6+$0x0] =	vst.idx.msk $0xffff, v33;
	v33 =	vadd.s32 $0x30D40, v32  }
0x69: {  	[tilespmem:v18+s6+$0x0] =	vst.idx.msk $0xffff, v33;
	v33 =	vadd.s32 $0x493E0, v32  }
0x6a: {  	[tilespmem:v19+s6+$0x0] =	vst.idx.msk $0xffff, v33;
	v33 =	vadd.s32 $0x61A80, v32  }
0x6b: {  	[tilespmem:v20+s6+$0x0] =	vst.idx.msk $0xffff, v33;
	v33 =	vadd.s32 $0x7A120, v32  }
0x6c: {  	[tilespmem:v21+s6+$0x0] =	vst.idx.msk $0xffff, v33;
	v33 =	vadd.s32 $0x927C0, v32  }
0x6d: {  	v32 =	vadd.s32 $0xAAE60, v32;
	[tilespmem:v22+s6+$0x0] =	vst.idx.msk $0xffff, v33  }
0x6e: {  	[tilespmem:v23+s6+$0x0] =	vst.idx.msk $0xffff, v32  }
0x6f: {  	v32 =	vld [tilespmem:$0x30];
	_ =	sdelay $0x4  }
0x70: {  	[tilespmem:v24+s6+$0x0] =	vst.idx.msk $0xffff, v32;
	v33 =	vadd.s32 $0x186A0, v32  }
0x71: {  	[tilespmem:v25+s6+$0x0] =	vst.idx.msk $0xffff, v33;
	v33 =	vadd.s32 $0x30D40, v32  }
0x72: {  	[tilespmem:v26+s6+$0x0] =	vst.idx.msk $0xffff, v33;
	v33 =	vadd.s32 $0x493E0, v32  }
0x73: {  	[tilespmem:v27+s6+$0x0] =	vst.idx.msk $0xffff, v33;
	v33 =	vadd.s32 $0x61A80, v32  }
0x74: {  	[tilespmem:v28+s6+$0x0] =	vst.idx.msk $0xffff, v33;
	v33 =	vadd.s32 $0x7A120, v32  }
0x75: {  	[tilespmem:v29+s6+$0x0] =	vst.idx.msk $0xffff, v33;
	v33 =	vadd.s32 $0x927C0, v32  }
0x76: {  	v32 =	vadd.s32 $0xAAE60, v32;
	[tilespmem:v30+s6+$0x0] =	vst.idx.msk $0xffff, v33  }
0x77: {  	[tilespmem:v31+s6+$0x0] =	vst.idx.msk $0xffff, v32  }
0x78: {  	[tilespmem:s9], [sflag:$0x1] =	stream.indirect.gather [hbm4b:s7+s8], $0x1, s6, s8, $0xb8;
	[tilespmem:$0x680] =	vst v63  }
0x79: {  	_ =	swait.ge [sflag:s10], $0x200  }
0x7a: {  	[sflag:s10] =	ssyncset.done $0x0  }
0x7b: {  	[sflag:s10] =	ssyncadd.s32 $0xFFFFFE00  }
0x7c: {  	[tilespmem:s11], [sflag:$0x1] =	stream.indirect.gather [hbm4b:s2+s8], $0x1, s9, s8, $0xb8;
	[tilespmem:$0x680] =	vst v63  }
0x7d: {  	_ =	swait.ge [sflag:s10], $0x200  }
0x7e: {  	[sflag:s10] =	ssyncset.done $0x0  }
0x7f: {  	[sflag:s10] =	ssyncadd.s32 $0xFFFFFE00  }
0x80: {  	[hbm4b:s12+s6] =	stream.strided.scatter [tilespmem:s9], [sflag:$0x2], $0x200, s13, s6, $0x38;
	[tilespmem:$0x680] =	vst v63  }
0x81: {  	_ =	swait.ge [sflag:s4], $0x200  }
.Ltmp1:
0x82: {  	[sflag:s4] =	ssyncset.done $0x0;
	(pc) =	sbr.rel @p0 .LBB2_1-.Ltmp1, $4  }
0x83: {  	[sflag:s4] =	ssyncadd.s32 $0xFFFFFE00  }
0x84: {  	[hbm4b:s14+s6] =	stream.strided.scatter [tilespmem:s11], [sflag:$0x2], $0x200, s13, s6, $0x38;
	[tilespmem:$0x680] =	vst v63  }
0x85: {  	_ =	swait.ge [sflag:s4], $0x200  }
0x86: {  	[sflag:s4] =	ssyncset.done $0x0  }
.LBB2_2:
0x87: {  	[sflag:s4] =	ssyncadd.s32 $0xFFFFFE00  }
0x88: {  	_ =	sfence.sel $0x180000  }
0x89: {  	[bflag:$0x0] =	sbarrier.arrive $0xFFFF  }
0x8a: {  	p0 =	sne.s32 s0, $0x0;
	_ =	strace $0x90000047  }
0x8b: {  	s0 =	sadd.s32 @!p0 $0x100000, s1;
	[bflag:$0x2] =	sbarrier.arrive $0xFFFF  }
0x8c: {  	[sflag:s0] =	ssyncadd.tile.s32 @!p0 $0x1;
	_ =	shalt  }
.Lfunc_end2:
_tile_overlayer_lowered:
.L_overlay_start_2:
0x8d: {  	(tag) =	ssettag $0x2  }
0x8e: {  	s0 =	rddreg [dreg:$0x0];
	s2 =	stileid.u32  }
0x8f: {  	s1 =	rddreg [dreg:$0x1];
	p0 =	sne.s32 s2, $0x0  }
0x90: {  	s3 =	rddreg [dreg:$0x2];
	[bflag:$0x3] =	sbarrier.arrive $0xFFFF;
	s2 =	simm.s32 @!p0 $0x1C02  }
0x91: {  	[timem:s3], [sflag:s2] =	dma.local @!p0 [hbm:s0], s1  }
0x92: {  	s0 =	simm.s32 @!p0 $0x2  }
0x93: {  	_ =	swait.ge @!p0 [sflag:s0], s1  }
0x94: {  	s1 =	ssub.s32 @!p0 $0x0, s1;
	[sflag:s0] =	ssyncset.done @!p0 $0x0  }
0x95: {  	[sflag:s0] =	ssyncadd.s32 @!p0 s1  }
0x96: {  	[bflag:$0x3] =	sbarrier.arrive $0xFFFF  }
0x97: {  	_ =	shalt  }

// kernel: kernel.8.cloned.1.call-start
scs
__scs_entry_jumppad:
0x0: {  	(pc) =	sbr.rel $0x88, $3  }
0x1: {  	(tag) =	ssettag $0x0;
	lr =	simm.s32 $0x1  }
0x2: {  	[smem:$0x3F98] =	sst lr;
	_ =	strace $0xD0000000  }
0x3: {  	_ = 	snop  }
0x4: {  	_ = 	snop  }
0x5: {  	_ = 	snop  }
0x6: {  	_ = 	snop  }
0x7: {  	_ = 	snop  }
__scs_overlays_trampoline_lowered:
0x8: {  	[smem:$0x3FA7] =	sst s0  }
0x9: {  	[smem:$0x3FA8] =	sst s1  }
0xa: {  	[smem:$0x3FA9] =	sst s2  }
0xb: {  	[smem:$0x3FAA] =	sst s3  }
0xc: {  	[smem:$0x3FAB] =	sst s4  }
0xd: {  	[smem:$0x3FAC] =	sst s5  }
0xe: {  	[smem:$0x3FAD] =	sst s6  }
0xf: {  	[smem:$0x3FAE] =	sst s7  }
0x10: {  	[smem:$0x3FAF] =	sst s8  }
0x11: {  	[smem:$0x3FB0] =	sst s9;
	s0 =	simm.s32 @!p0 $0x0  }
0x12: {  	s1 =	sld [smem:$0x3F96];
	s0 =	simm.s32 @p0 $0x1  }
0x13: {  	[smem:$0x3FB1] =	sst s0;
	s0 =	simm.s32 @!p1 $0x0  }
0x14: {  	s2 =	sld [smem:$0x3F95];
	s0 =	simm.s32 @p1 $0x1  }
0x15: {  	[smem:$0x3FB2] =	sst s0;
	s0 =	simm.s32 @!p2 $0x0  }
0x16: {  	s3 =	sld [smem:$0x3FDB];
	s0 =	simm.s32 @p2 $0x1  }
0x17: {  	s4 =	simm.s32 $0x1BF5;
	[smem:$0x3FB4] =	sst s0  }
0x18: {  	s0 =	sld [smem:$0x3F97];
	_ =	swait.ge [sflag:s4], $0x0  }
0x19: {  	s7 =	sld [smem:$0x3F98]  }
0x1a: {  	s8 =	sadd.s32 $0xFFFFE003, lr  }
0x1b: {  	s9 =	sadd.s32 $0xFFFFFEF7, lr;
	s5 =	simm.s32 $0xFFFFFFFF;
	p2 =	slt.u32 s8, $0xFFFFF086  }
0x1c: {  	p1 =	slt.u32 s9, $0xF7A;
	s5 =	simm.s32 @!p2 $0x0  }
0x1d: {  	s5 =	simm.s32 @p1 $0x1;
	p0 =	seq.s32 s7, s2  }
0x1e: {  	s7 =	smul.u32 @!p0 $0xF7A, s2;
	p2 =	seq.s32 @!p0 s5, $0x0  }
0x1f: {  	s9 =	smul.u32 $0xF7A, s1;
	s8 =	simm.s32 @!p0 $0x1BF5;
	p2 =	por !p2, p0  }
0x20: {  	[sflag:s8] =	ssyncset.s32 @!p0 $0xFFFFF086;
	s6 =	sadd.s32 @!p0 s3, s7;
	s7 =	simm.s32 @!p0 $0x108  }
0x21: {  	s3 =	sadd.s32 s3, s9;
	s6 =	sadd.s32 @!p0 $0x88, s6;
	s7 =	simm.s32 @p2 $0x1082  }
0x22: {  	[simem:s7], [sflag:s8] =	dma.local @!p0 [hbm:s6], $0xF7A  }
0x23: {  	s9 =	sor.u32 $0xD0000000, s2;
	s6 =	simm.s32 $0x108;
	_ =	swait.ge @!p0 [sflag:s8], $0x0  }
0x24: {  	s3 =	sadd.s32 $0x88, s3;
	s6 =	simm.s32 @!p1 $0x1082;
	[sflag:s4] =	ssyncset.s32 $0xFFFFF086  }
0x25: {  	[simem:s6], [sflag:s4] =	dma.local [hbm:s3], $0xF7A  }
0x26: {  	[smem:$0x3F98] =	sst s1;
	(tag) =	ssettag s2;
	_ =	strace s9  }
0x27: {  	s1 =	sld [smem:$0x3FA8]  }
0x28: {  	s2 =	sld [smem:$0x3FA9]  }
0x29: {  	s4 =	sld [smem:$0x3FAB]  }
0x2a: {  	p0 =	seq.s32 s5, $0x0;
	s5 =	sld [smem:$0x3FAC]  }
0x2b: {  	s6 =	sld [smem:$0x3FAD]  }
0x2c: {  	s7 =	sld [smem:$0x3FAE]  }
0x2d: {  	s3 =	simm.s32 $0x108;
	s8 =	sld [smem:$0x3FAF]  }
0x2e: {  	s3 =	simm.s32 @!p0 $0x1082;
	s9 =	sld [smem:$0x3FB0]  }
0x2f: {  	lr =	sadd.s32 s0, s3;
	s0 =	sld [smem:$0x3FA7]  }
0x30: {  	s3 =	sld [smem:$0x3FAA]  }
0x31: {  	[smem:$0x3FB3] =	sst s10  }
0x32: {  	s10 =	sld [smem:$0x3FB1];
	_ =	sdelay $0x3  }
0x33: {  	p0 =	seq.s32 s10, $0x1;
	s10 =	sld [smem:$0x3FB3];
	_ =	sdelay $0x3  }
0x34: {  	[smem:$0x3FB3] =	sst s10  }
0x35: {  	s10 =	sld [smem:$0x3FB2];
	_ =	sdelay $0x3  }
0x36: {  	p1 =	seq.s32 s10, $0x1;
	s10 =	sld [smem:$0x3FB3];
	_ =	sdelay $0x3  }
0x37: {  	[smem:$0x3FB3] =	sst s10  }
0x38: {  	s10 =	sld [smem:$0x3FB4]  }
0x39: {  	_ = 	snop;
	(pc) =	sbr.ind lr, $3  }
0x3a: {  	_ = 	snop  }
0x3b: {  	_ = 	snop  }
0x3c: {  	p2 =	seq.s32 s10, $0x1;
	s10 =	sld [smem:$0x3FB3]  }
0x3d: {  	_ =	shalt  }
0x3e: {  	_ =	shalt  }
0x3f: {  	_ =	shalt  }
0x40: {  	_ =	shalt  }
0x41: {  	_ =	shalt  }
0x42: {  	_ =	shalt  }
0x43: {  	_ =	shalt  }
0x44: {  	_ =	shalt  }
0x45: {  	_ =	shalt  }
0x46: {  	_ =	shalt  }
0x47: {  	_ =	shalt  }
0x48: {  	_ =	shalt  }
0x49: {  	_ =	shalt  }
0x4a: {  	_ =	shalt  }
0x4b: {  	_ =	shalt  }
0x4c: {  	_ =	shalt  }
0x4d: {  	_ =	shalt  }
0x4e: {  	_ =	shalt  }
0x4f: {  	_ =	shalt  }
0x50: {  	_ =	shalt  }
0x51: {  	_ =	shalt  }
0x52: {  	_ =	shalt  }
0x53: {  	_ =	shalt  }
0x54: {  	_ =	shalt  }
0x55: {  	_ =	shalt  }
0x56: {  	_ =	shalt  }
0x57: {  	_ =	shalt  }
0x58: {  	_ =	shalt  }
0x59: {  	_ =	shalt  }
0x5a: {  	_ =	shalt  }
0x5b: {  	_ =	shalt  }
0x5c: {  	_ =	shalt  }
0x5d: {  	_ =	shalt  }
0x5e: {  	_ =	shalt  }
0x5f: {  	_ =	shalt  }
0x60: {  	_ =	shalt  }
0x61: {  	_ =	shalt  }
0x62: {  	_ =	shalt  }
0x63: {  	_ =	shalt  }
0x64: {  	_ =	shalt  }
0x65: {  	_ =	shalt  }
0x66: {  	_ =	shalt  }
0x67: {  	_ =	shalt  }
0x68: {  	_ =	shalt  }
0x69: {  	_ =	shalt  }
0x6a: {  	_ =	shalt  }
0x6b: {  	_ =	shalt  }
0x6c: {  	_ =	shalt  }
0x6d: {  	_ =	shalt  }
0x6e: {  	_ =	shalt  }
0x6f: {  	_ =	shalt  }
0x70: {  	_ =	shalt  }
0x71: {  	_ =	shalt  }
0x72: {  	_ =	shalt  }
0x73: {  	_ =	shalt  }
0x74: {  	_ =	shalt  }
0x75: {  	_ =	shalt  }
0x76: {  	_ =	shalt  }
0x77: {  	_ =	shalt  }
0x78: {  	_ =	shalt  }
0x79: {  	_ =	shalt  }
0x7a: {  	_ =	shalt  }
0x7b: {  	_ =	shalt  }
0x7c: {  	_ =	shalt  }
0x7d: {  	_ =	shalt  }
0x7e: {  	_ =	shalt  }
0x7f: {  	_ =	shalt  }
0x80: {  	_ =	shalt  }
0x81: {  	_ =	shalt  }
0x82: {  	_ =	shalt  }
0x83: {  	_ =	shalt  }
0x84: {  	_ =	shalt  }
0x85: {  	_ =	shalt  }
0x86: {  	_ =	shalt  }
0x87: {  	_ =	shalt  }
.Lfunc_end0:
.L_simem_size_0:
called_computation.2_lowered:
.L_overlay_start_0:
0x88: {  	s2 =	sld [smem:$0x3FD9]  }
0x89: {  	s3 =	sld [smem:$0x3FFE];
	_ =	sdelay $0x1  }
0x8a: {  	s1 =	srdreg.scid  }
0x8b: {  	s0 =	sand.u32 $0x1, s1  }
0x8c: {  	s17 =	sshll.u32 s0, $0xA;
	s2 =	sadd.s32 s3, s2  }
0x8d: {  	s2 =	sadd.s32 s2, s17  }
0x8e: {  	[smem:$0x3FBF] =	sst s2  }
0x8f: {  	_ = 	snop  }
0x90: {  	s2 =	sld [smem:$0x3FC5]  }
0x91: {  	s18 =	sld [smem:$0x3FD0];
	(tm) =	ssettm $0x1  }
0x92: {  	s4 =	sld [smem:$0x3FFB];
	_ =	sdelay $0x3  }
0x93: {  	_ =	strace s4  }
0x94: {  	s4 =	sld [smem:$0x3FFC];
	_ =	sdelay $0x3  }
0x95: {  	_ =	strace s4  }
0x96: {  	s4 =	sld [smem:$0x3FFD];
	_ =	sdelay $0x3  }
0x97: {  	_ =	strace s4  }
0x98: {  	_ =	strace $0x8FFFFFFF  }
0x99: {  	s19 =	sld [smem:$0x3FDB];
	_ =	sdelay $0x1  }
0x9a: {  	s5 =	simm.s32 $_scs_section_size  }
0x9b: {  	s6 =	simm.s32 $_size__tile_overlayer_lowered;
	s7 =	simm.s32 $_tile_overlayer_lowered  }
0x9c: {  	s22 =	simm.s32 $0x1BFF;
	s21 =	sshll.u32 s7, $0x1;
	s4 =	sadd.s32 s5, s19  }
0x9d: {  	s8 =	simm.s32 $0x0;
	s20 =	sshll.u32 s6, $0x1;
	s6 =	sadd.s32 s21, s4  }
0x9e: {  	[timem:s8], [sflag:s22] =	dma.local [hbm:s6], s20  }
0x9f: {  	_ =	swait.ge [sflag:s22], s20  }
0xa0: {  	s5 =	ssub.s32 $0x0, s20;
	[sflag:s22] =	ssyncset.done $0x0  }
0xa1: {  	[sflag:s22] =	ssyncadd.s32 s5;
	_ =	sdelay $0x1  }
0xa2: {  	s23 =	simm.s32 $0x1B8B  }
0xa3: {  	_ =	swait.ge [sflag:s23], $0x1  }
0xa4: {  	[sflag:s23] =	ssyncset.done $0x0  }
0xa5: {  	s25 =	simm.s32 $0x1B8E;
	s24 =	sld [smem:$0x3FFE];
	[sflag:s23] =	ssyncadd.s32 $0xFFFFFFFF  }
0xa6: {  	s26 =	simm.s32 $execute0_lowered;
	[smem:$0x3FD2] =	sst s25  }
0xa7: {  	s6 =	sshll.u32 s26, $0x1;
	_ =	strace $0x8000004C;
	[dreg:$0x1] =	wrdreg $0xFFFFFFFF  }
0xa8: {  	s28 =	simm.s32 $_size_execute0_lowered;
	s4 =	sadd.s32 s4, s6;
	[dreg:$0x0] =	wrdreg $0x0  }
0xa9: {  	s6 =	sshll.u32 s28, $0x1;
	[dreg:$0x2] =	wrdreg s4  }
0xaa: {  	[dreg:$0x3] =	wrdreg s6  }
0xab: {  	[dreg:$0x4] =	wrdreg $0xC0  }
0xac: {  	_ =	task [dreg:s8], $0x5FFFF  }
0xad: {  	[dreg:$0x1] =	wrdreg $0xFFFFFFFF  }
0xae: {  	[dreg:$0x0] =	wrdreg $0x60  }
0xaf: {  	[dreg:$0x2] =	wrdreg s24  }
0xb0: {  	[dreg:$0x3] =	wrdreg s18  }
0xb1: {  	[dreg:$0x4] =	wrdreg s2  }
0xb2: {  	[dreg:$0x5] =	wrdreg $0x9  }
0xb3: {  	_ =	task.clear_ibuf [dreg:s8], $0x6FFFF;
	_ =	strace $0x9000004C  }
0xb4: {  	s29 =	simm.s32 $0x9;
	_ =	strace $0x8000004E  }
0xb5: {  	_ =	swait.ge [sflag:s29], $0x1  }
0xb6: {  	[sflag:s29] =	ssyncadd.s32 $0xFFFFFFFF  }
0xb7: {  	_ =	strace $0x9000004E  }
0xb8: {  	_ =	sfence  }
0xb9: {  	s30 =	sld [smem:$0x0];
	_ =	sdelay $0x2  }
0xba: {  	s31 =	sshll.u32 s1, $0xD;
	s1 =	sshrl.u32 s1, $0x2  }
0xbb: {  	s3 =	sand.u32 $0x4000, s31;
	s1 =	sadd.s32 s1, s30  }
0xbc: {  	s0 =	sor.u32 s3, s0;
	s1 =	sshll.u32 s1, $0x11  }
0xbd: {  	s0 =	sor.u32 s1, s0  }
0xbe: {  	s0 =	sadd.s32 $0x8F2B, s0  }
0xbf: {  	[sflag:s0] =	ssyncadd.remote.s32 $0x1  }
0xc0: {  	_ =	sfence.sel $0xFFFF  }
0xc1: {  	[dreg:$0x0] =	wrdreg $0xFFFFFFFF;
	(pc) =	sbr.abs _section_cstart, $3  }
0xc2: {  	[dreg:$0x1] =	wrdreg $0xFFFFFFFF  }
0xc3: {  	_ =	task.clear_ibuf [dreg:s8], $0x2FFFF;
	_ =	strace $0x9FFFFFFF  }
0xc4: {  	(tm) =	ssettm $0x7FFFFFFF  }
0xc5: {  	_ =	shalt  }
tec
execute0_lowered:
.L_overlay_start_1:
0x0: {  	(tag) =	ssettag $0x1  }
0x1: {  	v0 =	vlaneseq.u32  }
0x2: {  	v1 =	vmul.u32 $0x2, v0;
	_ =	sdelay $0x1  }
0x3: {  	v0 =	vor.u32 $0x1, v1;
	v9 =	vor.u32 $0x80, v1;
	v10 =	vor.u32 $0x81, v1  }
0x4: {  	v11 =	vor.u32 $0xA0, v1;
	v12 =	vor.u32 $0xA1, v1;
	v13 =	vor.u32 $0xC0, v1  }
0x5: {  	v14 =	vor.u32 $0xC1, v1;
	v15 =	vor.u32 $0xE0, v1;
	v16 =	vor.u32 $0xE1, v1  }
0x6: {  	v17 =	vor.u32 $0x100, v1;
	v18 =	vor.u32 $0x101, v1;
	v19 =	vor.u32 $0x120, v1  }
0x7: {  	v20 =	vor.u32 $0x121, v1;
	v21 =	vor.u32 $0x140, v1;
	v22 =	vor.u32 $0x141, v1  }
0x8: {  	v23 =	vor.u32 $0x160, v1;
	v24 =	vor.u32 $0x161, v1;
	v25 =	vor.u32 $0x180, v1  }
0x9: {  	v26 =	vor.u32 $0x181, v1;
	v27 =	vor.u32 $0x1A0, v1;
	v28 =	vor.u32 $0x1A1, v1  }
0xa: {  	s5 =	rddreg [dreg:$0x0];
	v29 =	vor.u32 $0x1C0, v1;
	v30 =	vor.u32 $0x1C1, v1;
	v31 =	vor.u32 $0x1E0, v1  }
0xb: {  	s6 =	rddreg [dreg:$0x1];
	v32 =	vor.u32 $0x1E1, v1;
	v33 =	vor.u32 $0x200, v1;
	v34 =	vor.u32 $0x201, v1  }
0xc: {  	s1 =	srdreg.scid;
	s0 =	stileid.u32;
	v35 =	vor.u32 $0x220, v1;
	v36 =	vor.u32 $0x221, v1;
	v37 =	vor.u32 $0x240, v1  }
0xd: {  	s2 =	rddreg [dreg:$0x2];
	s3 =	simm.s32 $0x0;
	s11 =	simm.s32 $0x200;
	v38 =	vor.u32 $0x241, v1;
	v39 =	vor.u32 $0x260, v1;
	v40 =	vor.u32 $0x261, v1  }
0xe: {  	s12 =	simm.s32 $0x400;
	s13 =	simm.s32 $0x800;
	s14 =	simm.s32 $0x2000;
	v41 =	vor.u32 $0x280, v1;
	v42 =	vor.u32 $0x281, v1;
	v43 =	vor.u32 $0x2A0, v1  }
0xf: {  	s15 =	simm.s32 $0x2800;
	s16 =	simm.s32 $0x1;
	s17 =	simm.s32 $0x4800;
	v44 =	vor.u32 $0x2A1, v1;
	v45 =	vor.u32 $0x2C0, v1;
	v46 =	vor.u32 $0x2C1, v1  }
0x10: {  	s18 =	simm.s32 $0x80;
	s4 =	sand.u32 $0x1, s1;
	s1 =	rddreg [dreg:$0x3];
	v47 =	vor.u32 $0x2E0, v1;
	v48 =	vor.u32 $0x2E1, v1;
	[tilespmem:$0x1FF90] =	vst v0;
	v0 =	vor.u32 $0x20, v1  }
0x11: {  	s7 =	sshll.u32 s0, $0x1;
	[smem:$0x7FF] =	sst s3;
	s8 =	sshll.u32 s0, $0xB;
	v49 =	vor.u32 $0x300, v1;
	v50 =	vor.u32 $0x301, v1;
	[tilespmem:$0x1FFA0] =	vst v0;
	v0 =	vor.u32 $0x21, v1  }
0x12: {  	s7 =	sor.u32 s4, s7;
	s10 =	ssub.s32 $0x2, s4;
	s4 =	sadd.s32 $0x3200, s5;
	v51 =	vor.u32 $0x320, v1;
	v52 =	vor.u32 $0x321, v1;
	[tilespmem:$0x1FFB0] =	vst v0;
	v0 =	vor.u32 $0x40, v1  }
0x13: {  	s9 =	sshll.u32 s7, $0x4;
	s7 =	sshll.u32 s7, $0x6;
	s31 =	sshrl.u32 s10, $0x1;
	v53 =	vor.u32 $0x340, v1;
	v54 =	vor.u32 $0x341, v1;
	[tilespmem:$0x1FFC0] =	vst v0;
	v0 =	vor.u32 $0x41, v1  }
0x14: {  	v55 =	vor.u32 $0x360, v1;
	v56 =	vor.u32 $0x361, v1;
	s8 =	sor.u32 s8, s9;
	s30 =	sadd.s32 s7, s5;
	s10 =	ssub.s32 s10, s31;
	[tilespmem:$0x1FFD0] =	vst v0;
	v0 =	vor.u32 $0x60, v1  }
0x15: {  	v57 =	vor.u32 $0x380, v1;
	v58 =	vor.u32 $0x381, v1;
	s6 =	sadd.s32 s6, s7;
	s8 =	sand.u32 $0x6070, s8;
	s9 =	smax.u32 s10, $0x1;
	[tilespmem:$0x1FFE0] =	vst v0;
	v0 =	vor.u32 $0x61, v1  }
0x16: {  	v59 =	vor.u32 $0x3A0, v1;
	v60 =	vor.u32 $0x3A1, v1;
	v61 =	vor.u32 $0x3C0, v1;
	s10 =	simm.s32 $0x2;
	s8 =	sadd.s32 s8, s5;
	s5 =	sadd.s32 $0x1CA00, s30;
	[tilespmem:$0x1FFF0] =	vst v0  }
0x17: {  	v62 =	vor.u32 $0x3C1, v1;
	v63 =	vor.u32 $0x3E0, v1;
	s7 =	sadd.s32 $0x25200, s8;
	s8 =	sadd.s32 $0x1D200, s8;
	_ =	strace $0x8000004D  }
.LBB2_1:
0x18: {  	[tilespmem:s3], [sflag:$0x2] =	stream.linear.gather [hbm4b:s5+s3], $0x200, $0x38;
	[tilespmem:$0x6800] =	vst v63  }
0x19: {  	_ =	swait.ge [sflag:s10], $0x200  }
0x1a: {  	[sflag:s10] =	ssyncset.done $0x0  }
0x1b: {  	[sflag:s10] =	ssyncadd.s32 $0xFFFFFE00  }
0x1c: {  	[tilespmem:s11], [sflag:$0x2] =	stream.linear.gather [hbm4b:s6+s3], $0x200, $0x38;
	[tilespmem:$0x6800] =	vst v63  }
0x1d: {  	_ =	swait.ge [sflag:s10], $0x200  }
0x1e: {  	[sflag:s10] =	ssyncset.done $0x0  }
0x1f: {  	[sflag:s10] =	ssyncadd.s32 $0xFFFFFE00  }
0x20: {  	v0 =	vld [tilespmem:$0x0];
	_ =	sdelay $0x2  }
0x21: {  	v2 =	vld [tilespmem:$0x1FF90];
	_ =	sdelay $0x1  }
0x22: {  	[tilespmem:v1+s12+$0x0] =	vst.idx.msk $0xffff, v0  }
0x23: {  	v0 =	vld [tilespmem:$0x200];
	_ =	sdelay $0x4  }
0x24: {  	[tilespmem:v2+s12+$0x0] =	vst.idx.msk $0xffff, v0;
	v2 =	vld [tilespmem:$0x1FFA0];
	_ =	sdelay $0x2  }
0x25: {  	v0 =	vld [tilespmem:$0x10];
	_ =	sdelay $0x4  }
0x26: {  	[tilespmem:v2+s12+$0x0] =	vst.idx.msk $0xffff, v0;
	v2 =	vld [tilespmem:$0x1FFB0];
	_ =	sdelay $0x2  }
0x27: {  	v0 =	vld [tilespmem:$0x210];
	_ =	sdelay $0x4  }
0x28: {  	[tilespmem:v2+s12+$0x0] =	vst.idx.msk $0xffff, v0;
	v2 =	vld [tilespmem:$0x1FFC0];
	_ =	sdelay $0x2  }
0x29: {  	v0 =	vld [tilespmem:$0x20];
	_ =	sdelay $0x4  }
0x2a: {  	[tilespmem:v2+s12+$0x0] =	vst.idx.msk $0xffff, v0;
	v2 =	vld [tilespmem:$0x1FFD0];
	_ =	sdelay $0x2  }
0x2b: {  	v0 =	vld [tilespmem:$0x220];
	_ =	sdelay $0x4  }
0x2c: {  	[tilespmem:v2+s12+$0x0] =	vst.idx.msk $0xffff, v0;
	v2 =	vld [tilespmem:$0x1FFE0];
	_ =	sdelay $0x2  }
0x2d: {  	v0 =	vld [tilespmem:$0x30];
	_ =	sdelay $0x4  }
0x2e: {  	[tilespmem:v2+s12+$0x0] =	vst.idx.msk $0xffff, v0;
	v2 =	vld [tilespmem:$0x1FFF0];
	_ =	sdelay $0x2  }
0x2f: {  	v0 =	vld [tilespmem:$0x230];
	_ =	sdelay $0x4  }
0x30: {  	[tilespmem:v2+s12+$0x0] =	vst.idx.msk $0xffff, v0  }
0x31: {  	v0 =	vld [tilespmem:$0x40];
	_ =	sdelay $0x4  }
0x32: {  	[tilespmem:v9+s12+$0x0] =	vst.idx.msk $0xffff, v0  }
0x33: {  	v0 =	vld [tilespmem:$0x240];
	_ =	sdelay $0x4  }
0x34: {  	[tilespmem:v10+s12+$0x0] =	vst.idx.msk $0xffff, v0  }
0x35: {  	v0 =	vld [tilespmem:$0x50];
	_ =	sdelay $0x4  }
0x36: {  	[tilespmem:v11+s12+$0x0] =	vst.idx.msk $0xffff, v0  }
0x37: {  	v0 =	vld [tilespmem:$0x250];
	_ =	sdelay $0x4  }
0x38: {  	[tilespmem:v12+s12+$0x0] =	vst.idx.msk $0xffff, v0  }
0x39: {  	v0 =	vld [tilespmem:$0x60];
	_ =	sdelay $0x4  }
0x3a: {  	[tilespmem:v13+s12+$0x0] =	vst.idx.msk $0xffff, v0  }
0x3b: {  	v0 =	vld [tilespmem:$0x260];
	_ =	sdelay $0x4  }
0x3c: {  	[tilespmem:v14+s12+$0x0] =	vst.idx.msk $0xffff, v0  }
0x3d: {  	v0 =	vld [tilespmem:$0x70];
	_ =	sdelay $0x4  }
0x3e: {  	[tilespmem:v15+s12+$0x0] =	vst.idx.msk $0xffff, v0  }
0x3f: {  	v0 =	vld [tilespmem:$0x270];
	_ =	sdelay $0x4  }
0x40: {  	[tilespmem:v16+s12+$0x0] =	vst.idx.msk $0xffff, v0  }
0x41: {  	v0 =	vld [tilespmem:$0x80];
	_ =	sdelay $0x4  }
0x42: {  	[tilespmem:v17+s12+$0x0] =	vst.idx.msk $0xffff, v0  }
0x43: {  	v0 =	vld [tilespmem:$0x280];
	_ =	sdelay $0x4  }
0x44: {  	[tilespmem:v18+s12+$0x0] =	vst.idx.msk $0xffff, v0  }
0x45: {  	v0 =	vld [tilespmem:$0x90];
	_ =	sdelay $0x4  }
0x46: {  	[tilespmem:v19+s12+$0x0] =	vst.idx.msk $0xffff, v0  }
0x47: {  	v0 =	vld [tilespmem:$0x290];
	_ =	sdelay $0x4  }
0x48: {  	[tilespmem:v20+s12+$0x0] =	vst.idx.msk $0xffff, v0  }
0x49: {  	v0 =	vld [tilespmem:$0xA0];
	_ =	sdelay $0x4  }
0x4a: {  	[tilespmem:v21+s12+$0x0] =	vst.idx.msk $0xffff, v0  }
0x4b: {  	v0 =	vld [tilespmem:$0x2A0];
	_ =	sdelay $0x4  }
0x4c: {  	[tilespmem:v22+s12+$0x0] =	vst.idx.msk $0xffff, v0  }
0x4d: {  	v0 =	vld [tilespmem:$0xB0];
	_ =	sdelay $0x4  }
0x4e: {  	[tilespmem:v23+s12+$0x0] =	vst.idx.msk $0xffff, v0  }
0x4f: {  	v0 =	vld [tilespmem:$0x2B0];
	_ =	sdelay $0x4  }
0x50: {  	[tilespmem:v24+s12+$0x0] =	vst.idx.msk $0xffff, v0  }
0x51: {  	v0 =	vld [tilespmem:$0xC0];
	_ =	sdelay $0x4  }
0x52: {  	[tilespmem:v25+s12+$0x0] =	vst.idx.msk $0xffff, v0  }
0x53: {  	v0 =	vld [tilespmem:$0x2C0];
	_ =	sdelay $0x4  }
0x54: {  	[tilespmem:v26+s12+$0x0] =	vst.idx.msk $0xffff, v0  }
0x55: {  	v0 =	vld [tilespmem:$0xD0];
	_ =	sdelay $0x4  }
0x56: {  	[tilespmem:v27+s12+$0x0] =	vst.idx.msk $0xffff, v0  }
0x57: {  	v0 =	vld [tilespmem:$0x2D0];
	_ =	sdelay $0x4  }
0x58: {  	[tilespmem:v28+s12+$0x0] =	vst.idx.msk $0xffff, v0  }
0x59: {  	v0 =	vld [tilespmem:$0xE0];
	_ =	sdelay $0x4  }
0x5a: {  	[tilespmem:v29+s12+$0x0] =	vst.idx.msk $0xffff, v0  }
0x5b: {  	v0 =	vld [tilespmem:$0x2E0];
	_ =	sdelay $0x4  }
0x5c: {  	[tilespmem:v30+s12+$0x0] =	vst.idx.msk $0xffff, v0  }
0x5d: {  	v0 =	vld [tilespmem:$0xF0];
	_ =	sdelay $0x4  }
0x5e: {  	[tilespmem:v31+s12+$0x0] =	vst.idx.msk $0xffff, v0  }
0x5f: {  	v0 =	vld [tilespmem:$0x2F0];
	_ =	sdelay $0x4  }
0x60: {  	[tilespmem:v32+s12+$0x0] =	vst.idx.msk $0xffff, v0  }
0x61: {  	v0 =	vld [tilespmem:$0x100];
	_ =	sdelay $0x4  }
0x62: {  	[tilespmem:v33+s12+$0x0] =	vst.idx.msk $0xffff, v0  }
0x63: {  	v0 =	vld [tilespmem:$0x300];
	_ =	sdelay $0x4  }
0x64: {  	[tilespmem:v34+s12+$0x0] =	vst.idx.msk $0xffff, v0  }
0x65: {  	v0 =	vld [tilespmem:$0x110];
	_ =	sdelay $0x4  }
0x66: {  	[tilespmem:v35+s12+$0x0] =	vst.idx.msk $0xffff, v0  }
0x67: {  	v0 =	vld [tilespmem:$0x310];
	_ =	sdelay $0x4  }
0x68: {  	[tilespmem:v36+s12+$0x0] =	vst.idx.msk $0xffff, v0  }
0x69: {  	v0 =	vld [tilespmem:$0x120];
	_ =	sdelay $0x4  }
0x6a: {  	[tilespmem:v37+s12+$0x0] =	vst.idx.msk $0xffff, v0  }
0x6b: {  	v0 =	vld [tilespmem:$0x320];
	_ =	sdelay $0x4  }
0x6c: {  	[tilespmem:v38+s12+$0x0] =	vst.idx.msk $0xffff, v0  }
0x6d: {  	v0 =	vld [tilespmem:$0x130];
	_ =	sdelay $0x4  }
0x6e: {  	[tilespmem:v39+s12+$0x0] =	vst.idx.msk $0xffff, v0  }
0x6f: {  	v0 =	vld [tilespmem:$0x330];
	_ =	sdelay $0x4  }
0x70: {  	[tilespmem:v40+s12+$0x0] =	vst.idx.msk $0xffff, v0  }
0x71: {  	v0 =	vld [tilespmem:$0x140];
	_ =	sdelay $0x4  }
0x72: {  	[tilespmem:v41+s12+$0x0] =	vst.idx.msk $0xffff, v0  }
0x73: {  	v0 =	vld [tilespmem:$0x340];
	_ =	sdelay $0x4  }
0x74: {  	[tilespmem:v42+s12+$0x0] =	vst.idx.msk $0xffff, v0  }
0x75: {  	v0 =	vld [tilespmem:$0x150];
	_ =	sdelay $0x4  }
0x76: {  	[tilespmem:v43+s12+$0x0] =	vst.idx.msk $0xffff, v0  }
0x77: {  	v0 =	vld [tilespmem:$0x350];
	_ =	sdelay $0x4  }
0x78: {  	[tilespmem:v44+s12+$0x0] =	vst.idx.msk $0xffff, v0  }
0x79: {  	v0 =	vld [tilespmem:$0x160];
	_ =	sdelay $0x4  }
0x7a: {  	[tilespmem:v45+s12+$0x0] =	vst.idx.msk $0xffff, v0  }
0x7b: {  	v0 =	vld [tilespmem:$0x360];
	_ =	sdelay $0x4  }
0x7c: {  	[tilespmem:v46+s12+$0x0] =	vst.idx.msk $0xffff, v0  }
0x7d: {  	v0 =	vld [tilespmem:$0x170];
	_ =	sdelay $0x4  }
0x7e: {  	[tilespmem:v47+s12+$0x0] =	vst.idx.msk $0xffff, v0  }
0x7f: {  	v0 =	vld [tilespmem:$0x370];
	_ =	sdelay $0x4  }
0x80: {  	[tilespmem:v48+s12+$0x0] =	vst.idx.msk $0xffff, v0  }
0x81: {  	v0 =	vld [tilespmem:$0x180];
	_ =	sdelay $0x4  }
0x82: {  	[tilespmem:v49+s12+$0x0] =	vst.idx.msk $0xffff, v0  }
0x83: {  	v0 =	vld [tilespmem:$0x380];
	_ =	sdelay $0x4  }
0x84: {  	[tilespmem:v50+s12+$0x0] =	vst.idx.msk $0xffff, v0  }
0x85: {  	v0 =	vld [tilespmem:$0x190];
	_ =	sdelay $0x4  }
0x86: {  	[tilespmem:v51+s12+$0x0] =	vst.idx.msk $0xffff, v0  }
0x87: {  	v0 =	vld [tilespmem:$0x390];
	_ =	sdelay $0x4  }
0x88: {  	[tilespmem:v52+s12+$0x0] =	vst.idx.msk $0xffff, v0  }
0x89: {  	v0 =	vld [tilespmem:$0x1A0];
	_ =	sdelay $0x4  }
0x8a: {  	[tilespmem:v53+s12+$0x0] =	vst.idx.msk $0xffff, v0  }
0x8b: {  	v0 =	vld [tilespmem:$0x3A0];
	_ =	sdelay $0x4  }
0x8c: {  	[tilespmem:v54+s12+$0x0] =	vst.idx.msk $0xffff, v0  }
0x8d: {  	v0 =	vld [tilespmem:$0x1B0];
	_ =	sdelay $0x4  }
0x8e: {  	[tilespmem:v55+s12+$0x0] =	vst.idx.msk $0xffff, v0  }
0x8f: {  	v0 =	vld [tilespmem:$0x3B0];
	_ =	sdelay $0x4  }
0x90: {  	[tilespmem:v56+s12+$0x0] =	vst.idx.msk $0xffff, v0  }
0x91: {  	v0 =	vld [tilespmem:$0x1C0];
	_ =	sdelay $0x4  }
0x92: {  	[tilespmem:v57+s12+$0x0] =	vst.idx.msk $0xffff, v0  }
0x93: {  	v0 =	vld [tilespmem:$0x3C0];
	_ =	sdelay $0x4  }
0x94: {  	[tilespmem:v58+s12+$0x0] =	vst.idx.msk $0xffff, v0  }
0x95: {  	v0 =	vld [tilespmem:$0x1D0];
	_ =	sdelay $0x4  }
0x96: {  	[tilespmem:v59+s12+$0x0] =	vst.idx.msk $0xffff, v0  }
0x97: {  	v0 =	vld [tilespmem:$0x3D0];
	_ =	sdelay $0x4  }
0x98: {  	[tilespmem:v60+s12+$0x0] =	vst.idx.msk $0xffff, v0  }
0x99: {  	v0 =	vld [tilespmem:$0x1E0];
	_ =	sdelay $0x4  }
0x9a: {  	[tilespmem:v61+s12+$0x0] =	vst.idx.msk $0xffff, v0  }
0x9b: {  	v0 =	vld [tilespmem:$0x3E0];
	_ =	sdelay $0x4  }
0x9c: {  	[tilespmem:v62+s12+$0x0] =	vst.idx.msk $0xffff, v0  }
0x9d: {  	v0 =	vld [tilespmem:$0x1F0];
	_ =	sdelay $0x4  }
0x9e: {  	[tilespmem:v63+s12+$0x0] =	vst.idx.msk $0xffff, v0  }
0x9f: {  	v2 =	vor.u32 $0x3E1, v1;
	v0 =	vld [tilespmem:$0x3F0];
	_ =	sdelay $0x4  }
0xa0: {  	[tilespmem:v2+s12+$0x0] =	vst.idx.msk $0xffff, v0;
	v0 =	vlaneseq.u32  }
0xa1: {  	v0 =	vmul.u32 $0x8, v0  }
0xa2: {  	v2 =	vld [tilespmem:$0x400]  }
0xa3: {  	v3 =	vor.u32 $0x1, v0  }
0xa4: {  	v4 =	vor.u32 $0x2, v0  }
0xa5: {  	v5 =	vor.u32 $0x3, v0  }
0xa6: {  	v6 =	vor.u32 $0x4, v0  }
0xa7: {  	v8 =	vor.u32 $0x5, v0;
	v7 =	vadd.s32 $0x186A0, v2;
	[tilespmem:v0+s13+$0x0] =	vst.idx.msk $0xffff, v2  }
0xa8: {  	[tilespmem:v3+s13+$0x0] =	vst.idx.msk $0xffff, v7;
	v3 =	vadd.s32 $0x30D40, v2;
	v7 =	vor.u32 $0x6, v0  }
0xa9: {  	[tilespmem:v4+s13+$0x0] =	vst.idx.msk $0xffff, v3;
	v3 =	vadd.s32 $0x493E0, v2;
	v4 =	vor.u32 $0x7, v0  }
0xaa: {  	[tilespmem:v5+s13+$0x0] =	vst.idx.msk $0xffff, v3;
	v3 =	vadd.s32 $0x61A80, v2  }
0xab: {  	[tilespmem:v6+s13+$0x0] =	vst.idx.msk $0xffff, v3;
	v3 =	vadd.s32 $0x7A120, v2  }
0xac: {  	[tilespmem:v8+s13+$0x0] =	vst.idx.msk $0xffff, v3;
	v3 =	vadd.s32 $0x927C0, v2  }
0xad: {  	v2 =	vadd.s32 $0xAAE60, v2;
	[tilespmem:v7+s13+$0x0] =	vst.idx.msk $0xffff, v3  }
0xae: {  	[tilespmem:v4+s13+$0x0] =	vst.idx.msk $0xffff, v2  }
0xaf: {  	v3 =	vor.u32 $0x80, v0;
	v2 =	vld [tilespmem:$0x410]  }
0xb0: {  	v4 =	vor.u32 $0x81, v0  }
0xb1: {  	v5 =	vor.u32 $0x82, v0  }
0xb2: {  	v6 =	vor.u32 $0x83, v0  }
0xb3: {  	v7 =	vor.u32 $0x84, v0  }
0xb4: {  	v8 =	vor.u32 $0x85, v0;
	[tilespmem:v3+s13+$0x0] =	vst.idx.msk $0xffff, v2;
	v3 =	vadd.s32 $0x186A0, v2  }
0xb5: {  	[tilespmem:v4+s13+$0x0] =	vst.idx.msk $0xffff, v3;
	v3 =	vadd.s32 $0x30D40, v2;
	v4 =	vor.u32 $0x86, v0  }
0xb6: {  	[tilespmem:v5+s13+$0x0] =	vst.idx.msk $0xffff, v3;
	v3 =	vadd.s32 $0x493E0, v2;
	v5 =	vor.u32 $0x87, v0  }
0xb7: {  	[tilespmem:v6+s13+$0x0] =	vst.idx.msk $0xffff, v3;
	v3 =	vadd.s32 $0x61A80, v2  }
0xb8: {  	[tilespmem:v7+s13+$0x0] =	vst.idx.msk $0xffff, v3;
	v3 =	vadd.s32 $0x7A120, v2  }
0xb9: {  	[tilespmem:v8+s13+$0x0] =	vst.idx.msk $0xffff, v3;
	v3 =	vadd.s32 $0x927C0, v2  }
0xba: {  	v2 =	vadd.s32 $0xAAE60, v2;
	[tilespmem:v4+s13+$0x0] =	vst.idx.msk $0xffff, v3  }
0xbb: {  	[tilespmem:v5+s13+$0x0] =	vst.idx.msk $0xffff, v2  }
0xbc: {  	v3 =	vor.u32 $0x100, v0;
	v2 =	vld [tilespmem:$0x420]  }
0xbd: {  	v4 =	vor.u32 $0x101, v0  }
0xbe: {  	v5 =	vor.u32 $0x102, v0  }
0xbf: {  	v6 =	vor.u32 $0x103, v0  }
0xc0: {  	v7 =	vor.u32 $0x104, v0  }
0xc1: {  	v8 =	vor.u32 $0x105, v0;
	[tilespmem:v3+s13+$0x0] =	vst.idx.msk $0xffff, v2;
	v3 =	vadd.s32 $0x186A0, v2  }
0xc2: {  	[tilespmem:v4+s13+$0x0] =	vst.idx.msk $0xffff, v3;
	v3 =	vadd.s32 $0x30D40, v2;
	v4 =	vor.u32 $0x106, v0  }
0xc3: {  	[tilespmem:v5+s13+$0x0] =	vst.idx.msk $0xffff, v3;
	v3 =	vadd.s32 $0x493E0, v2;
	v5 =	vor.u32 $0x107, v0  }
0xc4: {  	[tilespmem:v6+s13+$0x0] =	vst.idx.msk $0xffff, v3;
	v3 =	vadd.s32 $0x61A80, v2  }
0xc5: {  	[tilespmem:v7+s13+$0x0] =	vst.idx.msk $0xffff, v3;
	v3 =	vadd.s32 $0x7A120, v2  }
0xc6: {  	[tilespmem:v8+s13+$0x0] =	vst.idx.msk $0xffff, v3;
	v3 =	vadd.s32 $0x927C0, v2  }
0xc7: {  	v2 =	vadd.s32 $0xAAE60, v2;
	[tilespmem:v4+s13+$0x0] =	vst.idx.msk $0xffff, v3  }
0xc8: {  	[tilespmem:v5+s13+$0x0] =	vst.idx.msk $0xffff, v2  }
0xc9: {  	v3 =	vor.u32 $0x180, v0;
	v2 =	vld [tilespmem:$0x430]  }
0xca: {  	v4 =	vor.u32 $0x181, v0  }
0xcb: {  	v5 =	vor.u32 $0x182, v0  }
0xcc: {  	v6 =	vor.u32 $0x183, v0  }
0xcd: {  	v7 =	vor.u32 $0x184, v0  }
0xce: {  	v8 =	vor.u32 $0x185, v0;
	[tilespmem:v3+s13+$0x0] =	vst.idx.msk $0xffff, v2;
	v3 =	vadd.s32 $0x186A0, v2  }
0xcf: {  	[tilespmem:v4+s13+$0x0] =	vst.idx.msk $0xffff, v3;
	v3 =	vadd.s32 $0x30D40, v2;
	v4 =	vor.u32 $0x186, v0  }
0xd0: {  	[tilespmem:v5+s13+$0x0] =	vst.idx.msk $0xffff, v3;
	v3 =	vadd.s32 $0x493E0, v2;
	v5 =	vor.u32 $0x187, v0  }
0xd1: {  	[tilespmem:v6+s13+$0x0] =	vst.idx.msk $0xffff, v3;
	v3 =	vadd.s32 $0x61A80, v2  }
0xd2: {  	[tilespmem:v7+s13+$0x0] =	vst.idx.msk $0xffff, v3;
	v3 =	vadd.s32 $0x7A120, v2  }
0xd3: {  	[tilespmem:v8+s13+$0x0] =	vst.idx.msk $0xffff, v3;
	v3 =	vadd.s32 $0x927C0, v2  }
0xd4: {  	v2 =	vadd.s32 $0xAAE60, v2;
	[tilespmem:v4+s13+$0x0] =	vst.idx.msk $0xffff, v3  }
0xd5: {  	[tilespmem:v5+s13+$0x0] =	vst.idx.msk $0xffff, v2  }
0xd6: {  	v3 =	vor.u32 $0x200, v0;
	v2 =	vld [tilespmem:$0x440]  }
0xd7: {  	v4 =	vor.u32 $0x201, v0  }
0xd8: {  	v5 =	vor.u32 $0x202, v0  }
0xd9: {  	v6 =	vor.u32 $0x203, v0  }
0xda: {  	v7 =	vor.u32 $0x204, v0  }
0xdb: {  	v8 =	vor.u32 $0x205, v0;
	[tilespmem:v3+s13+$0x0] =	vst.idx.msk $0xffff, v2;
	v3 =	vadd.s32 $0x186A0, v2  }
0xdc: {  	[tilespmem:v4+s13+$0x0] =	vst.idx.msk $0xffff, v3;
	v3 =	vadd.s32 $0x30D40, v2;
	v4 =	vor.u32 $0x206, v0  }
0xdd: {  	[tilespmem:v5+s13+$0x0] =	vst.idx.msk $0xffff, v3;
	v3 =	vadd.s32 $0x493E0, v2;
	v5 =	vor.u32 $0x207, v0  }
0xde: {  	[tilespmem:v6+s13+$0x0] =	vst.idx.msk $0xffff, v3;
	v3 =	vadd.s32 $0x61A80, v2  }
0xdf: {  	[tilespmem:v7+s13+$0x0] =	vst.idx.msk $0xffff, v3;
	v3 =	vadd.s32 $0x7A120, v2  }
0xe0: {  	[tilespmem:v8+s13+$0x0] =	vst.idx.msk $0xffff, v3;
	v3 =	vadd.s32 $0x927C0, v2  }
0xe1: {  	v2 =	vadd.s32 $0xAAE60, v2;
	[tilespmem:v4+s13+$0x0] =	vst.idx.msk $0xffff, v3  }
0xe2: {  	[tilespmem:v5+s13+$0x0] =	vst.idx.msk $0xffff, v2  }
0xe3: {  	v3 =	vor.u32 $0x280, v0;
	v2 =	vld [tilespmem:$0x450]  }
0xe4: {  	v4 =	vor.u32 $0x281, v0  }
0xe5: {  	v5 =	vor.u32 $0x282, v0  }
0xe6: {  	v6 =	vor.u32 $0x283, v0  }
0xe7: {  	v7 =	vor.u32 $0x284, v0  }
0xe8: {  	v8 =	vor.u32 $0x285, v0;
	[tilespmem:v3+s13+$0x0] =	vst.idx.msk $0xffff, v2;
	v3 =	vadd.s32 $0x186A0, v2  }
0xe9: {  	[tilespmem:v4+s13+$0x0] =	vst.idx.msk $0xffff, v3;
	v3 =	vadd.s32 $0x30D40, v2;
	v4 =	vor.u32 $0x286, v0  }
0xea: {  	[tilespmem:v5+s13+$0x0] =	vst.idx.msk $0xffff, v3;
	v3 =	vadd.s32 $0x493E0, v2;
	v5 =	vor.u32 $0x287, v0  }
0xeb: {  	[tilespmem:v6+s13+$0x0] =	vst.idx.msk $0xffff, v3;
	v3 =	vadd.s32 $0x61A80, v2  }
0xec: {  	[tilespmem:v7+s13+$0x0] =	vst.idx.msk $0xffff, v3;
	v3 =	vadd.s32 $0x7A120, v2  }
0xed: {  	[tilespmem:v8+s13+$0x0] =	vst.idx.msk $0xffff, v3;
	v3 =	vadd.s32 $0x927C0, v2  }
0xee: {  	v2 =	vadd.s32 $0xAAE60, v2;
	[tilespmem:v4+s13+$0x0] =	vst.idx.msk $0xffff, v3  }
0xef: {  	[tilespmem:v5+s13+$0x0] =	vst.idx.msk $0xffff, v2  }
0xf0: {  	v3 =	vor.u32 $0x300, v0;
	v2 =	vld [tilespmem:$0x460]  }
0xf1: {  	v4 =	vor.u32 $0x301, v0  }
0xf2: {  	v5 =	vor.u32 $0x302, v0  }
0xf3: {  	v6 =	vor.u32 $0x303, v0  }
0xf4: {  	v7 =	vor.u32 $0x304, v0  }
0xf5: {  	v8 =	vor.u32 $0x305, v0;
	[tilespmem:v3+s13+$0x0] =	vst.idx.msk $0xffff, v2;
	v3 =	vadd.s32 $0x186A0, v2  }
0xf6: {  	[tilespmem:v4+s13+$0x0] =	vst.idx.msk $0xffff, v3;
	v3 =	vadd.s32 $0x30D40, v2;
	v4 =	vor.u32 $0x306, v0  }
0xf7: {  	[tilespmem:v5+s13+$0x0] =	vst.idx.msk $0xffff, v3;
	v3 =	vadd.s32 $0x493E0, v2;
	v5 =	vor.u32 $0x307, v0  }
0xf8: {  	[tilespmem:v6+s13+$0x0] =	vst.idx.msk $0xffff, v3;
	v3 =	vadd.s32 $0x61A80, v2  }
0xf9: {  	[tilespmem:v7+s13+$0x0] =	vst.idx.msk $0xffff, v3;
	v3 =	vadd.s32 $0x7A120, v2  }
0xfa: {  	[tilespmem:v8+s13+$0x0] =	vst.idx.msk $0xffff, v3;
	v3 =	vadd.s32 $0x927C0, v2  }
0xfb: {  	v2 =	vadd.s32 $0xAAE60, v2;
	[tilespmem:v4+s13+$0x0] =	vst.idx.msk $0xffff, v3  }
0xfc: {  	[tilespmem:v5+s13+$0x0] =	vst.idx.msk $0xffff, v2  }
0xfd: {  	v3 =	vor.u32 $0x380, v0;
	v2 =	vld [tilespmem:$0x470]  }
0xfe: {  	v4 =	vor.u32 $0x381, v0  }
0xff: {  	v5 =	vor.u32 $0x382, v0  }
0x100: {  	v6 =	vor.u32 $0x383, v0  }
0x101: {  	v7 =	vor.u32 $0x384, v0  }
0x102: {  	v8 =	vor.u32 $0x385, v0;
	[tilespmem:v3+s13+$0x0] =	vst.idx.msk $0xffff, v2;
	v3 =	vadd.s32 $0x186A0, v2  }
0x103: {  	[tilespmem:v4+s13+$0x0] =	vst.idx.msk $0xffff, v3;
	v3 =	vadd.s32 $0x30D40, v2;
	v4 =	vor.u32 $0x386, v0  }
0x104: {  	[tilespmem:v5+s13+$0x0] =	vst.idx.msk $0xffff, v3;
	v3 =	vadd.s32 $0x493E0, v2;
	v5 =	vor.u32 $0x387, v0  }
0x105: {  	[tilespmem:v6+s13+$0x0] =	vst.idx.msk $0xffff, v3;
	v3 =	vadd.s32 $0x61A80, v2  }
0x106: {  	[tilespmem:v7+s13+$0x0] =	vst.idx.msk $0xffff, v3;
	v3 =	vadd.s32 $0x7A120, v2  }
0x107: {  	[tilespmem:v8+s13+$0x0] =	vst.idx.msk $0xffff, v3;
	v3 =	vadd.s32 $0x927C0, v2  }
0x108: {  	v2 =	vadd.s32 $0xAAE60, v2;
	[tilespmem:v4+s13+$0x0] =	vst.idx.msk $0xffff, v3  }
0x109: {  	[tilespmem:v5+s13+$0x0] =	vst.idx.msk $0xffff, v2  }
0x10a: {  	v3 =	vor.u32 $0x400, v0;
	v2 =	vld [tilespmem:$0x480]  }
0x10b: {  	v4 =	vor.u32 $0x401, v0  }
0x10c: {  	v5 =	vor.u32 $0x402, v0  }
0x10d: {  	v6 =	vor.u32 $0x403, v0  }
0x10e: {  	v7 =	vor.u32 $0x404, v0  }
0x10f: {  	v8 =	vor.u32 $0x405, v0;
	[tilespmem:v3+s13+$0x0] =	vst.idx.msk $0xffff, v2;
	v3 =	vadd.s32 $0x186A0, v2  }
0x110: {  	[tilespmem:v4+s13+$0x0] =	vst.idx.msk $0xffff, v3;
	v3 =	vadd.s32 $0x30D40, v2;
	v4 =	vor.u32 $0x406, v0  }
0x111: {  	[tilespmem:v5+s13+$0x0] =	vst.idx.msk $0xffff, v3;
	v3 =	vadd.s32 $0x493E0, v2;
	v5 =	vor.u32 $0x407, v0  }
0x112: {  	[tilespmem:v6+s13+$0x0] =	vst.idx.msk $0xffff, v3;
	v3 =	vadd.s32 $0x61A80, v2  }
0x113: {  	[tilespmem:v7+s13+$0x0] =	vst.idx.msk $0xffff, v3;
	v3 =	vadd.s32 $0x7A120, v2  }
0x114: {  	[tilespmem:v8+s13+$0x0] =	vst.idx.msk $0xffff, v3;
	v3 =	vadd.s32 $0x927C0, v2  }
0x115: {  	v2 =	vadd.s32 $0xAAE60, v2;
	[tilespmem:v4+s13+$0x0] =	vst.idx.msk $0xffff, v3  }
0x116: {  	[tilespmem:v5+s13+$0x0] =	vst.idx.msk $0xffff, v2  }
0x117: {  	v3 =	vor.u32 $0x480, v0;
	v2 =	vld [tilespmem:$0x490]  }
0x118: {  	v4 =	vor.u32 $0x481, v0  }
0x119: {  	v5 =	vor.u32 $0x482, v0  }
0x11a: {  	v6 =	vor.u32 $0x483, v0  }
0x11b: {  	v7 =	vor.u32 $0x484, v0  }
0x11c: {  	v8 =	vor.u32 $0x485, v0;
	[tilespmem:v3+s13+$0x0] =	vst.idx.msk $0xffff, v2;
	v3 =	vadd.s32 $0x186A0, v2  }
0x11d: {  	[tilespmem:v4+s13+$0x0] =	vst.idx.msk $0xffff, v3;
	v3 =	vadd.s32 $0x30D40, v2;
	v4 =	vor.u32 $0x486, v0  }
0x11e: {  	[tilespmem:v5+s13+$0x0] =	vst.idx.msk $0xffff, v3;
	v3 =	vadd.s32 $0x493E0, v2;
	v5 =	vor.u32 $0x487, v0  }
0x11f: {  	[tilespmem:v6+s13+$0x0] =	vst.idx.msk $0xffff, v3;
	v3 =	vadd.s32 $0x61A80, v2  }
0x120: {  	[tilespmem:v7+s13+$0x0] =	vst.idx.msk $0xffff, v3;
	v3 =	vadd.s32 $0x7A120, v2  }
0x121: {  	[tilespmem:v8+s13+$0x0] =	vst.idx.msk $0xffff, v3;
	v3 =	vadd.s32 $0x927C0, v2  }
0x122: {  	v2 =	vadd.s32 $0xAAE60, v2;
	[tilespmem:v4+s13+$0x0] =	vst.idx.msk $0xffff, v3  }
0x123: {  	[tilespmem:v5+s13+$0x0] =	vst.idx.msk $0xffff, v2  }
0x124: {  	v3 =	vor.u32 $0x500, v0;
	v2 =	vld [tilespmem:$0x4A0]  }
0x125: {  	v4 =	vor.u32 $0x501, v0  }
0x126: {  	v5 =	vor.u32 $0x502, v0  }
0x127: {  	v6 =	vor.u32 $0x503, v0  }
0x128: {  	v7 =	vor.u32 $0x504, v0  }
0x129: {  	v8 =	vor.u32 $0x505, v0;
	[tilespmem:v3+s13+$0x0] =	vst.idx.msk $0xffff, v2;
	v3 =	vadd.s32 $0x186A0, v2  }
0x12a: {  	[tilespmem:v4+s13+$0x0] =	vst.idx.msk $0xffff, v3;
	v3 =	vadd.s32 $0x30D40, v2;
	v4 =	vor.u32 $0x506, v0  }
0x12b: {  	[tilespmem:v5+s13+$0x0] =	vst.idx.msk $0xffff, v3;
	v3 =	vadd.s32 $0x493E0, v2;
	v5 =	vor.u32 $0x507, v0  }
0x12c: {  	[tilespmem:v6+s13+$0x0] =	vst.idx.msk $0xffff, v3;
	v3 =	vadd.s32 $0x61A80, v2  }
0x12d: {  	[tilespmem:v7+s13+$0x0] =	vst.idx.msk $0xffff, v3;
	v3 =	vadd.s32 $0x7A120, v2  }
0x12e: {  	[tilespmem:v8+s13+$0x0] =	vst.idx.msk $0xffff, v3;
	v3 =	vadd.s32 $0x927C0, v2  }
0x12f: {  	v2 =	vadd.s32 $0xAAE60, v2;
	[tilespmem:v4+s13+$0x0] =	vst.idx.msk $0xffff, v3  }
0x130: {  	[tilespmem:v5+s13+$0x0] =	vst.idx.msk $0xffff, v2  }
0x131: {  	v3 =	vor.u32 $0x580, v0;
	v2 =	vld [tilespmem:$0x4B0]  }
0x132: {  	v4 =	vor.u32 $0x581, v0  }
0x133: {  	v5 =	vor.u32 $0x582, v0  }
0x134: {  	v6 =	vor.u32 $0x583, v0  }
0x135: {  	v7 =	vor.u32 $0x584, v0  }
0x136: {  	v8 =	vor.u32 $0x585, v0;
	[tilespmem:v3+s13+$0x0] =	vst.idx.msk $0xffff, v2;
	v3 =	vadd.s32 $0x186A0, v2  }
0x137: {  	[tilespmem:v4+s13+$0x0] =	vst.idx.msk $0xffff, v3;
	v3 =	vadd.s32 $0x30D40, v2;
	v4 =	vor.u32 $0x586, v0  }
0x138: {  	[tilespmem:v5+s13+$0x0] =	vst.idx.msk $0xffff, v3;
	v3 =	vadd.s32 $0x493E0, v2;
	v5 =	vor.u32 $0x587, v0  }
0x139: {  	[tilespmem:v6+s13+$0x0] =	vst.idx.msk $0xffff, v3;
	v3 =	vadd.s32 $0x61A80, v2  }
0x13a: {  	[tilespmem:v7+s13+$0x0] =	vst.idx.msk $0xffff, v3;
	v3 =	vadd.s32 $0x7A120, v2  }
0x13b: {  	[tilespmem:v8+s13+$0x0] =	vst.idx.msk $0xffff, v3;
	v3 =	vadd.s32 $0x927C0, v2  }
0x13c: {  	v2 =	vadd.s32 $0xAAE60, v2;
	[tilespmem:v4+s13+$0x0] =	vst.idx.msk $0xffff, v3  }
0x13d: {  	[tilespmem:v5+s13+$0x0] =	vst.idx.msk $0xffff, v2  }
0x13e: {  	v3 =	vor.u32 $0x600, v0;
	v2 =	vld [tilespmem:$0x4C0]  }
0x13f: {  	v4 =	vor.u32 $0x601, v0  }
0x140: {  	v5 =	vor.u32 $0x602, v0  }
0x141: {  	v6 =	vor.u32 $0x603, v0  }
0x142: {  	v7 =	vor.u32 $0x604, v0  }
0x143: {  	v8 =	vor.u32 $0x605, v0;
	[tilespmem:v3+s13+$0x0] =	vst.idx.msk $0xffff, v2;
	v3 =	vadd.s32 $0x186A0, v2  }
0x144: {  	[tilespmem:v4+s13+$0x0] =	vst.idx.msk $0xffff, v3;
	v3 =	vadd.s32 $0x30D40, v2;
	v4 =	vor.u32 $0x606, v0  }
0x145: {  	[tilespmem:v5+s13+$0x0] =	vst.idx.msk $0xffff, v3;
	v3 =	vadd.s32 $0x493E0, v2;
	v5 =	vor.u32 $0x607, v0  }
0x146: {  	[tilespmem:v6+s13+$0x0] =	vst.idx.msk $0xffff, v3;
	v3 =	vadd.s32 $0x61A80, v2  }
0x147: {  	[tilespmem:v7+s13+$0x0] =	vst.idx.msk $0xffff, v3;
	v3 =	vadd.s32 $0x7A120, v2  }
0x148: {  	[tilespmem:v8+s13+$0x0] =	vst.idx.msk $0xffff, v3;
	v3 =	vadd.s32 $0x927C0, v2  }
0x149: {  	v2 =	vadd.s32 $0xAAE60, v2;
	[tilespmem:v4+s13+$0x0] =	vst.idx.msk $0xffff, v3  }
0x14a: {  	[tilespmem:v5+s13+$0x0] =	vst.idx.msk $0xffff, v2  }
0x14b: {  	v3 =	vor.u32 $0x680, v0;
	v2 =	vld [tilespmem:$0x4D0]  }
0x14c: {  	v4 =	vor.u32 $0x681, v0  }
0x14d: {  	v5 =	vor.u32 $0x682, v0  }
0x14e: {  	v6 =	vor.u32 $0x683, v0  }
0x14f: {  	v7 =	vor.u32 $0x684, v0  }
0x150: {  	v8 =	vor.u32 $0x685, v0;
	[tilespmem:v3+s13+$0x0] =	vst.idx.msk $0xffff, v2;
	v3 =	vadd.s32 $0x186A0, v2  }
0x151: {  	[tilespmem:v4+s13+$0x0] =	vst.idx.msk $0xffff, v3;
	v3 =	vadd.s32 $0x30D40, v2;
	v4 =	vor.u32 $0x686, v0  }
0x152: {  	[tilespmem:v5+s13+$0x0] =	vst.idx.msk $0xffff, v3;
	v3 =	vadd.s32 $0x493E0, v2;
	v5 =	vor.u32 $0x687, v0  }
0x153: {  	[tilespmem:v6+s13+$0x0] =	vst.idx.msk $0xffff, v3;
	v3 =	vadd.s32 $0x61A80, v2  }
0x154: {  	[tilespmem:v7+s13+$0x0] =	vst.idx.msk $0xffff, v3;
	v3 =	vadd.s32 $0x7A120, v2  }
0x155: {  	[tilespmem:v8+s13+$0x0] =	vst.idx.msk $0xffff, v3;
	v3 =	vadd.s32 $0x927C0, v2  }
0x156: {  	v2 =	vadd.s32 $0xAAE60, v2;
	[tilespmem:v4+s13+$0x0] =	vst.idx.msk $0xffff, v3  }
0x157: {  	[tilespmem:v5+s13+$0x0] =	vst.idx.msk $0xffff, v2  }
0x158: {  	v3 =	vor.u32 $0x700, v0;
	v2 =	vld [tilespmem:$0x4E0]  }
0x159: {  	v4 =	vor.u32 $0x701, v0  }
0x15a: {  	v5 =	vor.u32 $0x702, v0  }
0x15b: {  	v6 =	vor.u32 $0x703, v0  }
0x15c: {  	v7 =	vor.u32 $0x704, v0  }
0x15d: {  	v8 =	vor.u32 $0x705, v0;
	[tilespmem:v3+s13+$0x0] =	vst.idx.msk $0xffff, v2;
	v3 =	vadd.s32 $0x186A0, v2  }
0x15e: {  	[tilespmem:v4+s13+$0x0] =	vst.idx.msk $0xffff, v3;
	v3 =	vadd.s32 $0x30D40, v2;
	v4 =	vor.u32 $0x706, v0  }
0x15f: {  	[tilespmem:v5+s13+$0x0] =	vst.idx.msk $0xffff, v3;
	v3 =	vadd.s32 $0x493E0, v2;
	v5 =	vor.u32 $0x707, v0  }
0x160: {  	[tilespmem:v6+s13+$0x0] =	vst.idx.msk $0xffff, v3;
	v3 =	vadd.s32 $0x61A80, v2  }
0x161: {  	[tilespmem:v7+s13+$0x0] =	vst.idx.msk $0xffff, v3;
	v3 =	vadd.s32 $0x7A120, v2  }
0x162: {  	[tilespmem:v8+s13+$0x0] =	vst.idx.msk $0xffff, v3;
	v3 =	vadd.s32 $0x927C0, v2  }
0x163: {  	v2 =	vadd.s32 $0xAAE60, v2;
	[tilespmem:v4+s13+$0x0] =	vst.idx.msk $0xffff, v3  }
0x164: {  	[tilespmem:v5+s13+$0x0] =	vst.idx.msk $0xffff, v2  }
0x165: {  	v3 =	vor.u32 $0x780, v0;
	v2 =	vld [tilespmem:$0x4F0]  }
0x166: {  	v4 =	vor.u32 $0x781, v0  }
0x167: {  	v5 =	vor.u32 $0x782, v0  }
0x168: {  	v6 =	vor.u32 $0x783, v0  }
0x169: {  	v7 =	vor.u32 $0x784, v0  }
0x16a: {  	v8 =	vor.u32 $0x785, v0;
	[tilespmem:v3+s13+$0x0] =	vst.idx.msk $0xffff, v2;
	v3 =	vadd.s32 $0x186A0, v2  }
0x16b: {  	[tilespmem:v4+s13+$0x0] =	vst.idx.msk $0xffff, v3;
	v3 =	vadd.s32 $0x30D40, v2;
	v4 =	vor.u32 $0x786, v0  }
0x16c: {  	[tilespmem:v5+s13+$0x0] =	vst.idx.msk $0xffff, v3;
	v3 =	vadd.s32 $0x493E0, v2;
	v5 =	vor.u32 $0x787, v0  }
0x16d: {  	[tilespmem:v6+s13+$0x0] =	vst.idx.msk $0xffff, v3;
	v3 =	vadd.s32 $0x61A80, v2  }
0x16e: {  	[tilespmem:v7+s13+$0x0] =	vst.idx.msk $0xffff, v3;
	v3 =	vadd.s32 $0x7A120, v2  }
0x16f: {  	[tilespmem:v8+s13+$0x0] =	vst.idx.msk $0xffff, v3;
	v3 =	vadd.s32 $0x927C0, v2  }
0x170: {  	v2 =	vadd.s32 $0xAAE60, v2;
	[tilespmem:v4+s13+$0x0] =	vst.idx.msk $0xffff, v3  }
0x171: {  	[tilespmem:v5+s13+$0x0] =	vst.idx.msk $0xffff, v2  }
0x172: {  	v3 =	vor.u32 $0x800, v0;
	v2 =	vld [tilespmem:$0x500]  }
0x173: {  	v4 =	vor.u32 $0x801, v0  }
0x174: {  	v5 =	vor.u32 $0x802, v0  }
0x175: {  	v6 =	vor.u32 $0x803, v0  }
0x176: {  	v7 =	vor.u32 $0x804, v0  }
0x177: {  	v8 =	vor.u32 $0x805, v0;
	[tilespmem:v3+s13+$0x0] =	vst.idx.msk $0xffff, v2;
	v3 =	vadd.s32 $0x186A0, v2  }
0x178: {  	[tilespmem:v4+s13+$0x0] =	vst.idx.msk $0xffff, v3;
	v3 =	vadd.s32 $0x30D40, v2;
	v4 =	vor.u32 $0x806, v0  }
0x179: {  	[tilespmem:v5+s13+$0x0] =	vst.idx.msk $0xffff, v3;
	v3 =	vadd.s32 $0x493E0, v2;
	v5 =	vor.u32 $0x807, v0  }
0x17a: {  	[tilespmem:v6+s13+$0x0] =	vst.idx.msk $0xffff, v3;
	v3 =	vadd.s32 $0x61A80, v2  }
0x17b: {  	[tilespmem:v7+s13+$0x0] =	vst.idx.msk $0xffff, v3;
	v3 =	vadd.s32 $0x7A120, v2  }
0x17c: {  	[tilespmem:v8+s13+$0x0] =	vst.idx.msk $0xffff, v3;
	v3 =	vadd.s32 $0x927C0, v2  }
0x17d: {  	v2 =	vadd.s32 $0xAAE60, v2;
	[tilespmem:v4+s13+$0x0] =	vst.idx.msk $0xffff, v3  }
0x17e: {  	[tilespmem:v5+s13+$0x0] =	vst.idx.msk $0xffff, v2  }
0x17f: {  	v3 =	vor.u32 $0x880, v0;
	v2 =	vld [tilespmem:$0x510]  }
0x180: {  	v4 =	vor.u32 $0x881, v0  }
0x181: {  	v5 =	vor.u32 $0x882, v0  }
0x182: {  	v6 =	vor.u32 $0x883, v0  }
0x183: {  	v7 =	vor.u32 $0x884, v0  }
0x184: {  	v8 =	vor.u32 $0x885, v0;
	[tilespmem:v3+s13+$0x0] =	vst.idx.msk $0xffff, v2;
	v3 =	vadd.s32 $0x186A0, v2  }
0x185: {  	[tilespmem:v4+s13+$0x0] =	vst.idx.msk $0xffff, v3;
	v3 =	vadd.s32 $0x30D40, v2;
	v4 =	vor.u32 $0x886, v0  }
0x186: {  	[tilespmem:v5+s13+$0x0] =	vst.idx.msk $0xffff, v3;
	v3 =	vadd.s32 $0x493E0, v2;
	v5 =	vor.u32 $0x887, v0  }
0x187: {  	[tilespmem:v6+s13+$0x0] =	vst.idx.msk $0xffff, v3;
	v3 =	vadd.s32 $0x61A80, v2  }
0x188: {  	[tilespmem:v7+s13+$0x0] =	vst.idx.msk $0xffff, v3;
	v3 =	vadd.s32 $0x7A120, v2  }
0x189: {  	[tilespmem:v8+s13+$0x0] =	vst.idx.msk $0xffff, v3;
	v3 =	vadd.s32 $0x927C0, v2  }
0x18a: {  	v2 =	vadd.s32 $0xAAE60, v2;
	[tilespmem:v4+s13+$0x0] =	vst.idx.msk $0xffff, v3  }
0x18b: {  	[tilespmem:v5+s13+$0x0] =	vst.idx.msk $0xffff, v2  }
0x18c: {  	v3 =	vor.u32 $0x900, v0;
	v2 =	vld [tilespmem:$0x520]  }
0x18d: {  	v4 =	vor.u32 $0x901, v0  }
0x18e: {  	v5 =	vor.u32 $0x902, v0  }
0x18f: {  	v6 =	vor.u32 $0x903, v0  }
0x190: {  	v7 =	vor.u32 $0x904, v0  }
0x191: {  	v8 =	vor.u32 $0x905, v0;
	[tilespmem:v3+s13+$0x0] =	vst.idx.msk $0xffff, v2;
	v3 =	vadd.s32 $0x186A0, v2  }
0x192: {  	[tilespmem:v4+s13+$0x0] =	vst.idx.msk $0xffff, v3;
	v3 =	vadd.s32 $0x30D40, v2;
	v4 =	vor.u32 $0x906, v0  }
0x193: {  	[tilespmem:v5+s13+$0x0] =	vst.idx.msk $0xffff, v3;
	v3 =	vadd.s32 $0x493E0, v2;
	v5 =	vor.u32 $0x907, v0  }
0x194: {  	[tilespmem:v6+s13+$0x0] =	vst.idx.msk $0xffff, v3;
	v3 =	vadd.s32 $0x61A80, v2  }
0x195: {  	[tilespmem:v7+s13+$0x0] =	vst.idx.msk $0xffff, v3;
	v3 =	vadd.s32 $0x7A120, v2  }
0x196: {  	[tilespmem:v8+s13+$0x0] =	vst.idx.msk $0xffff, v3;
	v3 =	vadd.s32 $0x927C0, v2  }
0x197: {  	v2 =	vadd.s32 $0xAAE60, v2;
	[tilespmem:v4+s13+$0x0] =	vst.idx.msk $0xffff, v3  }
0x198: {  	[tilespmem:v5+s13+$0x0] =	vst.idx.msk $0xffff, v2  }
0x199: {  	v3 =	vor.u32 $0x980, v0;
	v2 =	vld [tilespmem:$0x530]  }
0x19a: {  	v4 =	vor.u32 $0x981, v0  }
0x19b: {  	v5 =	vor.u32 $0x982, v0  }
0x19c: {  	v6 =	vor.u32 $0x983, v0  }
0x19d: {  	v7 =	vor.u32 $0x984, v0  }
0x19e: {  	v8 =	vor.u32 $0x985, v0;
	[tilespmem:v3+s13+$0x0] =	vst.idx.msk $0xffff, v2;
	v3 =	vadd.s32 $0x186A0, v2  }
0x19f: {  	[tilespmem:v4+s13+$0x0] =	vst.idx.msk $0xffff, v3;
	v3 =	vadd.s32 $0x30D40, v2;
	v4 =	vor.u32 $0x986, v0  }
0x1a0: {  	[tilespmem:v5+s13+$0x0] =	vst.idx.msk $0xffff, v3;
	v3 =	vadd.s32 $0x493E0, v2;
	v5 =	vor.u32 $0x987, v0  }
0x1a1: {  	[tilespmem:v6+s13+$0x0] =	vst.idx.msk $0xffff, v3;
	v3 =	vadd.s32 $0x61A80, v2  }
0x1a2: {  	[tilespmem:v7+s13+$0x0] =	vst.idx.msk $0xffff, v3;
	v3 =	vadd.s32 $0x7A120, v2  }
0x1a3: {  	[tilespmem:v8+s13+$0x0] =	vst.idx.msk $0xffff, v3;
	v3 =	vadd.s32 $0x927C0, v2  }
0x1a4: {  	v2 =	vadd.s32 $0xAAE60, v2;
	[tilespmem:v4+s13+$0x0] =	vst.idx.msk $0xffff, v3  }
0x1a5: {  	[tilespmem:v5+s13+$0x0] =	vst.idx.msk $0xffff, v2  }
0x1a6: {  	v3 =	vor.u32 $0xA00, v0;
	v2 =	vld [tilespmem:$0x540]  }
0x1a7: {  	v4 =	vor.u32 $0xA01, v0  }
0x1a8: {  	v5 =	vor.u32 $0xA02, v0  }
0x1a9: {  	v6 =	vor.u32 $0xA03, v0  }
0x1aa: {  	v7 =	vor.u32 $0xA04, v0  }
0x1ab: {  	v8 =	vor.u32 $0xA05, v0;
	[tilespmem:v3+s13+$0x0] =	vst.idx.msk $0xffff, v2;
	v3 =	vadd.s32 $0x186A0, v2  }
0x1ac: {  	[tilespmem:v4+s13+$0x0] =	vst.idx.msk $0xffff, v3;
	v3 =	vadd.s32 $0x30D40, v2;
	v4 =	vor.u32 $0xA06, v0  }
0x1ad: {  	[tilespmem:v5+s13+$0x0] =	vst.idx.msk $0xffff, v3;
	v3 =	vadd.s32 $0x493E0, v2;
	v5 =	vor.u32 $0xA07, v0  }
0x1ae: {  	[tilespmem:v6+s13+$0x0] =	vst.idx.msk $0xffff, v3;
	v3 =	vadd.s32 $0x61A80, v2  }
0x1af: {  	[tilespmem:v7+s13+$0x0] =	vst.idx.msk $0xffff, v3;
	v3 =	vadd.s32 $0x7A120, v2  }
0x1b0: {  	[tilespmem:v8+s13+$0x0] =	vst.idx.msk $0xffff, v3;
	v3 =	vadd.s32 $0x927C0, v2  }
0x1b1: {  	v2 =	vadd.s32 $0xAAE60, v2;
	[tilespmem:v4+s13+$0x0] =	vst.idx.msk $0xffff, v3  }
0x1b2: {  	[tilespmem:v5+s13+$0x0] =	vst.idx.msk $0xffff, v2  }
0x1b3: {  	v3 =	vor.u32 $0xA80, v0;
	v2 =	vld [tilespmem:$0x550]  }
0x1b4: {  	v4 =	vor.u32 $0xA81, v0  }
0x1b5: {  	v5 =	vor.u32 $0xA82, v0  }
0x1b6: {  	v6 =	vor.u32 $0xA83, v0  }
0x1b7: {  	v7 =	vor.u32 $0xA84, v0  }
0x1b8: {  	v8 =	vor.u32 $0xA85, v0;
	[tilespmem:v3+s13+$0x0] =	vst.idx.msk $0xffff, v2;
	v3 =	vadd.s32 $0x186A0, v2  }
0x1b9: {  	[tilespmem:v4+s13+$0x0] =	vst.idx.msk $0xffff, v3;
	v3 =	vadd.s32 $0x30D40, v2;
	v4 =	vor.u32 $0xA86, v0  }
0x1ba: {  	[tilespmem:v5+s13+$0x0] =	vst.idx.msk $0xffff, v3;
	v3 =	vadd.s32 $0x493E0, v2;
	v5 =	vor.u32 $0xA87, v0  }
0x1bb: {  	[tilespmem:v6+s13+$0x0] =	vst.idx.msk $0xffff, v3;
	v3 =	vadd.s32 $0x61A80, v2  }
0x1bc: {  	[tilespmem:v7+s13+$0x0] =	vst.idx.msk $0xffff, v3;
	v3 =	vadd.s32 $0x7A120, v2  }
0x1bd: {  	[tilespmem:v8+s13+$0x0] =	vst.idx.msk $0xffff, v3;
	v3 =	vadd.s32 $0x927C0, v2  }
0x1be: {  	v2 =	vadd.s32 $0xAAE60, v2;
	[tilespmem:v4+s13+$0x0] =	vst.idx.msk $0xffff, v3  }
0x1bf: {  	[tilespmem:v5+s13+$0x0] =	vst.idx.msk $0xffff, v2  }
0x1c0: {  	v3 =	vor.u32 $0xB00, v0;
	v2 =	vld [tilespmem:$0x560]  }
0x1c1: {  	v4 =	vor.u32 $0xB01, v0  }
0x1c2: {  	v5 =	vor.u32 $0xB02, v0  }
0x1c3: {  	v6 =	vor.u32 $0xB03, v0  }
0x1c4: {  	v7 =	vor.u32 $0xB04, v0  }
0x1c5: {  	v8 =	vor.u32 $0xB05, v0;
	[tilespmem:v3+s13+$0x0] =	vst.idx.msk $0xffff, v2;
	v3 =	vadd.s32 $0x186A0, v2  }
0x1c6: {  	[tilespmem:v4+s13+$0x0] =	vst.idx.msk $0xffff, v3;
	v3 =	vadd.s32 $0x30D40, v2;
	v4 =	vor.u32 $0xB06, v0  }
0x1c7: {  	[tilespmem:v5+s13+$0x0] =	vst.idx.msk $0xffff, v3;
	v3 =	vadd.s32 $0x493E0, v2;
	v5 =	vor.u32 $0xB07, v0  }
0x1c8: {  	[tilespmem:v6+s13+$0x0] =	vst.idx.msk $0xffff, v3;
	v3 =	vadd.s32 $0x61A80, v2  }
0x1c9: {  	[tilespmem:v7+s13+$0x0] =	vst.idx.msk $0xffff, v3;
	v3 =	vadd.s32 $0x7A120, v2  }
0x1ca: {  	[tilespmem:v8+s13+$0x0] =	vst.idx.msk $0xffff, v3;
	v3 =	vadd.s32 $0x927C0, v2  }
0x1cb: {  	v2 =	vadd.s32 $0xAAE60, v2;
	[tilespmem:v4+s13+$0x0] =	vst.idx.msk $0xffff, v3  }
0x1cc: {  	[tilespmem:v5+s13+$0x0] =	vst.idx.msk $0xffff, v2  }
0x1cd: {  	v3 =	vor.u32 $0xB80, v0;
	v2 =	vld [tilespmem:$0x570]  }
0x1ce: {  	v4 =	vor.u32 $0xB81, v0  }
0x1cf: {  	v5 =	vor.u32 $0xB82, v0  }
0x1d0: {  	v6 =	vor.u32 $0xB83, v0  }
0x1d1: {  	v7 =	vor.u32 $0xB84, v0  }
0x1d2: {  	v8 =	vor.u32 $0xB85, v0;
	[tilespmem:v3+s13+$0x0] =	vst.idx.msk $0xffff, v2;
	v3 =	vadd.s32 $0x186A0, v2  }
0x1d3: {  	[tilespmem:v4+s13+$0x0] =	vst.idx.msk $0xffff, v3;
	v3 =	vadd.s32 $0x30D40, v2;
	v4 =	vor.u32 $0xB86, v0  }
0x1d4: {  	[tilespmem:v5+s13+$0x0] =	vst.idx.msk $0xffff, v3;
	v3 =	vadd.s32 $0x493E0, v2;
	v5 =	vor.u32 $0xB87, v0  }
0x1d5: {  	[tilespmem:v6+s13+$0x0] =	vst.idx.msk $0xffff, v3;
	v3 =	vadd.s32 $0x61A80, v2  }
0x1d6: {  	[tilespmem:v7+s13+$0x0] =	vst.idx.msk $0xffff, v3;
	v3 =	vadd.s32 $0x7A120, v2  }
0x1d7: {  	[tilespmem:v8+s13+$0x0] =	vst.idx.msk $0xffff, v3;
	v3 =	vadd.s32 $0x927C0, v2  }
0x1d8: {  	v2 =	vadd.s32 $0xAAE60, v2;
	[tilespmem:v4+s13+$0x0] =	vst.idx.msk $0xffff, v3  }
0x1d9: {  	[tilespmem:v5+s13+$0x0] =	vst.idx.msk $0xffff, v2  }
0x1da: {  	v3 =	vor.u32 $0xC00, v0;
	v2 =	vld [tilespmem:$0x580]  }
0x1db: {  	v4 =	vor.u32 $0xC01, v0  }
0x1dc: {  	v5 =	vor.u32 $0xC02, v0  }
0x1dd: {  	v6 =	vor.u32 $0xC03, v0  }
0x1de: {  	v7 =	vor.u32 $0xC04, v0  }
0x1df: {  	v8 =	vor.u32 $0xC05, v0;
	[tilespmem:v3+s13+$0x0] =	vst.idx.msk $0xffff, v2;
	v3 =	vadd.s32 $0x186A0, v2  }
0x1e0: {  	[tilespmem:v4+s13+$0x0] =	vst.idx.msk $0xffff, v3;
	v3 =	vadd.s32 $0x30D40, v2;
	v4 =	vor.u32 $0xC06, v0  }
0x1e1: {  	[tilespmem:v5+s13+$0x0] =	vst.idx.msk $0xffff, v3;
	v3 =	vadd.s32 $0x493E0, v2;
	v5 =	vor.u32 $0xC07, v0  }
0x1e2: {  	[tilespmem:v6+s13+$0x0] =	vst.idx.msk $0xffff, v3;
	v3 =	vadd.s32 $0x61A80, v2  }
0x1e3: {  	[tilespmem:v7+s13+$0x0] =	vst.idx.msk $0xffff, v3;
	v3 =	vadd.s32 $0x7A120, v2  }
0x1e4: {  	[tilespmem:v8+s13+$0x0] =	vst.idx.msk $0xffff, v3;
	v3 =	vadd.s32 $0x927C0, v2  }
0x1e5: {  	v2 =	vadd.s32 $0xAAE60, v2;
	[tilespmem:v4+s13+$0x0] =	vst.idx.msk $0xffff, v3  }
0x1e6: {  	[tilespmem:v5+s13+$0x0] =	vst.idx.msk $0xffff, v2  }
0x1e7: {  	v3 =	vor.u32 $0xC80, v0;
	v2 =	vld [tilespmem:$0x590]  }
0x1e8: {  	v4 =	vor.u32 $0xC81, v0  }
0x1e9: {  	v5 =	vor.u32 $0xC82, v0  }
0x1ea: {  	v6 =	vor.u32 $0xC83, v0  }
0x1eb: {  	v7 =	vor.u32 $0xC84, v0  }
0x1ec: {  	v8 =	vor.u32 $0xC85, v0;
	[tilespmem:v3+s13+$0x0] =	vst.idx.msk $0xffff, v2;
	v3 =	vadd.s32 $0x186A0, v2  }
0x1ed: {  	[tilespmem:v4+s13+$0x0] =	vst.idx.msk $0xffff, v3;
	v3 =	vadd.s32 $0x30D40, v2;
	v4 =	vor.u32 $0xC86, v0  }
0x1ee: {  	[tilespmem:v5+s13+$0x0] =	vst.idx.msk $0xffff, v3;
	v3 =	vadd.s32 $0x493E0, v2;
	v5 =	vor.u32 $0xC87, v0  }
0x1ef: {  	[tilespmem:v6+s13+$0x0] =	vst.idx.msk $0xffff, v3;
	v3 =	vadd.s32 $0x61A80, v2  }
0x1f0: {  	[tilespmem:v7+s13+$0x0] =	vst.idx.msk $0xffff, v3;
	v3 =	vadd.s32 $0x7A120, v2  }
0x1f1: {  	[tilespmem:v8+s13+$0x0] =	vst.idx.msk $0xffff, v3;
	v3 =	vadd.s32 $0x927C0, v2  }
0x1f2: {  	v2 =	vadd.s32 $0xAAE60, v2;
	[tilespmem:v4+s13+$0x0] =	vst.idx.msk $0xffff, v3  }
0x1f3: {  	[tilespmem:v5+s13+$0x0] =	vst.idx.msk $0xffff, v2  }
0x1f4: {  	v3 =	vor.u32 $0xD00, v0;
	v2 =	vld [tilespmem:$0x5A0]  }
0x1f5: {  	v4 =	vor.u32 $0xD01, v0  }
0x1f6: {  	v5 =	vor.u32 $0xD02, v0  }
0x1f7: {  	v6 =	vor.u32 $0xD03, v0  }
0x1f8: {  	v7 =	vor.u32 $0xD04, v0  }
0x1f9: {  	v8 =	vor.u32 $0xD05, v0;
	[tilespmem:v3+s13+$0x0] =	vst.idx.msk $0xffff, v2;
	v3 =	vadd.s32 $0x186A0, v2  }
0x1fa: {  	[tilespmem:v4+s13+$0x0] =	vst.idx.msk $0xffff, v3;
	v3 =	vadd.s32 $0x30D40, v2;
	v4 =	vor.u32 $0xD06, v0  }
0x1fb: {  	[tilespmem:v5+s13+$0x0] =	vst.idx.msk $0xffff, v3;
	v3 =	vadd.s32 $0x493E0, v2;
	v5 =	vor.u32 $0xD07, v0  }
0x1fc: {  	[tilespmem:v6+s13+$0x0] =	vst.idx.msk $0xffff, v3;
	v3 =	vadd.s32 $0x61A80, v2  }
0x1fd: {  	[tilespmem:v7+s13+$0x0] =	vst.idx.msk $0xffff, v3;
	v3 =	vadd.s32 $0x7A120, v2  }
0x1fe: {  	[tilespmem:v8+s13+$0x0] =	vst.idx.msk $0xffff, v3;
	v3 =	vadd.s32 $0x927C0, v2  }
0x1ff: {  	v2 =	vadd.s32 $0xAAE60, v2;
	[tilespmem:v4+s13+$0x0] =	vst.idx.msk $0xffff, v3  }
0x200: {  	[tilespmem:v5+s13+$0x0] =	vst.idx.msk $0xffff, v2  }
0x201: {  	v3 =	vor.u32 $0xD80, v0;
	v2 =	vld [tilespmem:$0x5B0]  }
0x202: {  	v4 =	vor.u32 $0xD81, v0  }
0x203: {  	v5 =	vor.u32 $0xD82, v0  }
0x204: {  	v6 =	vor.u32 $0xD83, v0  }
0x205: {  	v7 =	vor.u32 $0xD84, v0  }
0x206: {  	v8 =	vor.u32 $0xD85, v0;
	[tilespmem:v3+s13+$0x0] =	vst.idx.msk $0xffff, v2;
	v3 =	vadd.s32 $0x186A0, v2  }
0x207: {  	[tilespmem:v4+s13+$0x0] =	vst.idx.msk $0xffff, v3;
	v3 =	vadd.s32 $0x30D40, v2;
	v4 =	vor.u32 $0xD86, v0  }
0x208: {  	[tilespmem:v5+s13+$0x0] =	vst.idx.msk $0xffff, v3;
	v3 =	vadd.s32 $0x493E0, v2;
	v5 =	vor.u32 $0xD87, v0  }
0x209: {  	[tilespmem:v6+s13+$0x0] =	vst.idx.msk $0xffff, v3;
	v3 =	vadd.s32 $0x61A80, v2  }
0x20a: {  	[tilespmem:v7+s13+$0x0] =	vst.idx.msk $0xffff, v3;
	v3 =	vadd.s32 $0x7A120, v2  }
0x20b: {  	[tilespmem:v8+s13+$0x0] =	vst.idx.msk $0xffff, v3;
	v3 =	vadd.s32 $0x927C0, v2  }
0x20c: {  	v2 =	vadd.s32 $0xAAE60, v2;
	[tilespmem:v4+s13+$0x0] =	vst.idx.msk $0xffff, v3  }
0x20d: {  	[tilespmem:v5+s13+$0x0] =	vst.idx.msk $0xffff, v2  }
0x20e: {  	v3 =	vor.u32 $0xE00, v0;
	v2 =	vld [tilespmem:$0x5C0]  }
0x20f: {  	v4 =	vor.u32 $0xE01, v0  }
0x210: {  	v5 =	vor.u32 $0xE02, v0  }
0x211: {  	v6 =	vor.u32 $0xE03, v0  }
0x212: {  	v7 =	vor.u32 $0xE04, v0  }
0x213: {  	v8 =	vor.u32 $0xE05, v0;
	[tilespmem:v3+s13+$0x0] =	vst.idx.msk $0xffff, v2;
	v3 =	vadd.s32 $0x186A0, v2  }
0x214: {  	[tilespmem:v4+s13+$0x0] =	vst.idx.msk $0xffff, v3;
	v3 =	vadd.s32 $0x30D40, v2;
	v4 =	vor.u32 $0xE06, v0  }
0x215: {  	[tilespmem:v5+s13+$0x0] =	vst.idx.msk $0xffff, v3;
	v3 =	vadd.s32 $0x493E0, v2;
	v5 =	vor.u32 $0xE07, v0  }
0x216: {  	[tilespmem:v6+s13+$0x0] =	vst.idx.msk $0xffff, v3;
	v3 =	vadd.s32 $0x61A80, v2  }
0x217: {  	[tilespmem:v7+s13+$0x0] =	vst.idx.msk $0xffff, v3;
	v3 =	vadd.s32 $0x7A120, v2  }
0x218: {  	[tilespmem:v8+s13+$0x0] =	vst.idx.msk $0xffff, v3;
	v3 =	vadd.s32 $0x927C0, v2  }
0x219: {  	v2 =	vadd.s32 $0xAAE60, v2;
	[tilespmem:v4+s13+$0x0] =	vst.idx.msk $0xffff, v3  }
0x21a: {  	[tilespmem:v5+s13+$0x0] =	vst.idx.msk $0xffff, v2  }
0x21b: {  	v3 =	vor.u32 $0xE80, v0;
	v2 =	vld [tilespmem:$0x5D0]  }
0x21c: {  	v4 =	vor.u32 $0xE81, v0  }
0x21d: {  	v5 =	vor.u32 $0xE82, v0  }
0x21e: {  	v6 =	vor.u32 $0xE83, v0  }
0x21f: {  	v7 =	vor.u32 $0xE84, v0  }
0x220: {  	v8 =	vor.u32 $0xE85, v0;
	[tilespmem:v3+s13+$0x0] =	vst.idx.msk $0xffff, v2;
	v3 =	vadd.s32 $0x186A0, v2  }
0x221: {  	[tilespmem:v4+s13+$0x0] =	vst.idx.msk $0xffff, v3;
	v3 =	vadd.s32 $0x30D40, v2;
	v4 =	vor.u32 $0xE86, v0  }
0x222: {  	[tilespmem:v5+s13+$0x0] =	vst.idx.msk $0xffff, v3;
	v3 =	vadd.s32 $0x493E0, v2;
	v5 =	vor.u32 $0xE87, v0  }
0x223: {  	[tilespmem:v6+s13+$0x0] =	vst.idx.msk $0xffff, v3;
	v3 =	vadd.s32 $0x61A80, v2  }
0x224: {  	[tilespmem:v7+s13+$0x0] =	vst.idx.msk $0xffff, v3;
	v3 =	vadd.s32 $0x7A120, v2  }
0x225: {  	[tilespmem:v8+s13+$0x0] =	vst.idx.msk $0xffff, v3;
	v3 =	vadd.s32 $0x927C0, v2  }
0x226: {  	v2 =	vadd.s32 $0xAAE60, v2;
	[tilespmem:v4+s13+$0x0] =	vst.idx.msk $0xffff, v3  }
0x227: {  	[tilespmem:v5+s13+$0x0] =	vst.idx.msk $0xffff, v2  }
0x228: {  	v3 =	vor.u32 $0xF00, v0;
	v2 =	vld [tilespmem:$0x5E0]  }
0x229: {  	v4 =	vor.u32 $0xF01, v0  }
0x22a: {  	v5 =	vor.u32 $0xF02, v0  }
0x22b: {  	v6 =	vor.u32 $0xF03, v0  }
0x22c: {  	v7 =	vor.u32 $0xF04, v0  }
0x22d: {  	v8 =	vor.u32 $0xF05, v0;
	[tilespmem:v3+s13+$0x0] =	vst.idx.msk $0xffff, v2;
	v3 =	vadd.s32 $0x186A0, v2  }
0x22e: {  	[tilespmem:v4+s13+$0x0] =	vst.idx.msk $0xffff, v3;
	v3 =	vadd.s32 $0x30D40, v2;
	v4 =	vor.u32 $0xF06, v0  }
0x22f: {  	[tilespmem:v5+s13+$0x0] =	vst.idx.msk $0xffff, v3;
	v3 =	vadd.s32 $0x493E0, v2;
	v5 =	vor.u32 $0xF07, v0  }
0x230: {  	[tilespmem:v6+s13+$0x0] =	vst.idx.msk $0xffff, v3;
	v3 =	vadd.s32 $0x61A80, v2  }
0x231: {  	[tilespmem:v7+s13+$0x0] =	vst.idx.msk $0xffff, v3;
	v3 =	vadd.s32 $0x7A120, v2  }
0x232: {  	[tilespmem:v8+s13+$0x0] =	vst.idx.msk $0xffff, v3;
	v3 =	vadd.s32 $0x927C0, v2  }
0x233: {  	v2 =	vadd.s32 $0xAAE60, v2;
	[tilespmem:v4+s13+$0x0] =	vst.idx.msk $0xffff, v3  }
0x234: {  	[tilespmem:v5+s13+$0x0] =	vst.idx.msk $0xffff, v2  }
0x235: {  	v3 =	vor.u32 $0xF80, v0;
	v2 =	vld [tilespmem:$0x5F0]  }
0x236: {  	v4 =	vor.u32 $0xF81, v0  }
0x237: {  	v5 =	vor.u32 $0xF82, v0  }
0x238: {  	v6 =	vor.u32 $0xF83, v0  }
0x239: {  	v7 =	vor.u32 $0xF84, v0  }
0x23a: {  	v8 =	vor.u32 $0xF85, v0;
	[tilespmem:v3+s13+$0x0] =	vst.idx.msk $0xffff, v2;
	v3 =	vadd.s32 $0x186A0, v2  }
0x23b: {  	[tilespmem:v4+s13+$0x0] =	vst.idx.msk $0xffff, v3;
	v3 =	vadd.s32 $0x30D40, v2;
	v4 =	vor.u32 $0xF86, v0  }
0x23c: {  	[tilespmem:v5+s13+$0x0] =	vst.idx.msk $0xffff, v3;
	v3 =	vadd.s32 $0x493E0, v2;
	v5 =	vor.u32 $0xF87, v0  }
0x23d: {  	[tilespmem:v6+s13+$0x0] =	vst.idx.msk $0xffff, v3;
	v3 =	vadd.s32 $0x61A80, v2  }
0x23e: {  	[tilespmem:v7+s13+$0x0] =	vst.idx.msk $0xffff, v3;
	v3 =	vadd.s32 $0x7A120, v2  }
0x23f: {  	[tilespmem:v8+s13+$0x0] =	vst.idx.msk $0xffff, v3;
	v3 =	vadd.s32 $0x927C0, v2  }
0x240: {  	v2 =	vadd.s32 $0xAAE60, v2;
	[tilespmem:v4+s13+$0x0] =	vst.idx.msk $0xffff, v3  }
0x241: {  	[tilespmem:v5+s13+$0x0] =	vst.idx.msk $0xffff, v2  }
0x242: {  	v3 =	vor.u32 $0x1000, v0;
	v2 =	vld [tilespmem:$0x600]  }
0x243: {  	v4 =	vor.u32 $0x1001, v0  }
0x244: {  	v5 =	vor.u32 $0x1002, v0  }
0x245: {  	v6 =	vor.u32 $0x1003, v0  }
0x246: {  	v7 =	vor.u32 $0x1004, v0  }
0x247: {  	v8 =	vor.u32 $0x1005, v0;
	[tilespmem:v3+s13+$0x0] =	vst.idx.msk $0xffff, v2;
	v3 =	vadd.s32 $0x186A0, v2  }
0x248: {  	[tilespmem:v4+s13+$0x0] =	vst.idx.msk $0xffff, v3;
	v3 =	vadd.s32 $0x30D40, v2;
	v4 =	vor.u32 $0x1006, v0  }
0x249: {  	[tilespmem:v5+s13+$0x0] =	vst.idx.msk $0xffff, v3;
	v3 =	vadd.s32 $0x493E0, v2;
	v5 =	vor.u32 $0x1007, v0  }
0x24a: {  	[tilespmem:v6+s13+$0x0] =	vst.idx.msk $0xffff, v3;
	v3 =	vadd.s32 $0x61A80, v2  }
0x24b: {  	[tilespmem:v7+s13+$0x0] =	vst.idx.msk $0xffff, v3;
	v3 =	vadd.s32 $0x7A120, v2  }
0x24c: {  	[tilespmem:v8+s13+$0x0] =	vst.idx.msk $0xffff, v3;
	v3 =	vadd.s32 $0x927C0, v2  }
0x24d: {  	v2 =	vadd.s32 $0xAAE60, v2;
	[tilespmem:v4+s13+$0x0] =	vst.idx.msk $0xffff, v3  }
0x24e: {  	[tilespmem:v5+s13+$0x0] =	vst.idx.msk $0xffff, v2  }
0x24f: {  	v3 =	vor.u32 $0x1080, v0;
	v2 =	vld [tilespmem:$0x610]  }
0x250: {  	v4 =	vor.u32 $0x1081, v0  }
0x251: {  	v5 =	vor.u32 $0x1082, v0  }
0x252: {  	v6 =	vor.u32 $0x1083, v0  }
0x253: {  	v7 =	vor.u32 $0x1084, v0  }
0x254: {  	v8 =	vor.u32 $0x1085, v0;
	[tilespmem:v3+s13+$0x0] =	vst.idx.msk $0xffff, v2;
	v3 =	vadd.s32 $0x186A0, v2  }
0x255: {  	[tilespmem:v4+s13+$0x0] =	vst.idx.msk $0xffff, v3;
	v3 =	vadd.s32 $0x30D40, v2;
	v4 =	vor.u32 $0x1086, v0  }
0x256: {  	[tilespmem:v5+s13+$0x0] =	vst.idx.msk $0xffff, v3;
	v3 =	vadd.s32 $0x493E0, v2;
	v5 =	vor.u32 $0x1087, v0  }
0x257: {  	[tilespmem:v6+s13+$0x0] =	vst.idx.msk $0xffff, v3;
	v3 =	vadd.s32 $0x61A80, v2  }
0x258: {  	[tilespmem:v7+s13+$0x0] =	vst.idx.msk $0xffff, v3;
	v3 =	vadd.s32 $0x7A120, v2  }
0x259: {  	[tilespmem:v8+s13+$0x0] =	vst.idx.msk $0xffff, v3;
	v3 =	vadd.s32 $0x927C0, v2  }
0x25a: {  	v2 =	vadd.s32 $0xAAE60, v2;
	[tilespmem:v4+s13+$0x0] =	vst.idx.msk $0xffff, v3  }
0x25b: {  	[tilespmem:v5+s13+$0x0] =	vst.idx.msk $0xffff, v2  }
0x25c: {  	v3 =	vor.u32 $0x1100, v0;
	v2 =	vld [tilespmem:$0x620]  }
0x25d: {  	v4 =	vor.u32 $0x1101, v0  }
0x25e: {  	v5 =	vor.u32 $0x1102, v0  }
0x25f: {  	v6 =	vor.u32 $0x1103, v0  }
0x260: {  	v7 =	vor.u32 $0x1104, v0  }
0x261: {  	v8 =	vor.u32 $0x1105, v0;
	[tilespmem:v3+s13+$0x0] =	vst.idx.msk $0xffff, v2;
	v3 =	vadd.s32 $0x186A0, v2  }
0x262: {  	[tilespmem:v4+s13+$0x0] =	vst.idx.msk $0xffff, v3;
	v3 =	vadd.s32 $0x30D40, v2;
	v4 =	vor.u32 $0x1106, v0  }
0x263: {  	[tilespmem:v5+s13+$0x0] =	vst.idx.msk $0xffff, v3;
	v3 =	vadd.s32 $0x493E0, v2;
	v5 =	vor.u32 $0x1107, v0  }
0x264: {  	[tilespmem:v6+s13+$0x0] =	vst.idx.msk $0xffff, v3;
	v3 =	vadd.s32 $0x61A80, v2  }
0x265: {  	[tilespmem:v7+s13+$0x0] =	vst.idx.msk $0xffff, v3;
	v3 =	vadd.s32 $0x7A120, v2  }
0x266: {  	[tilespmem:v8+s13+$0x0] =	vst.idx.msk $0xffff, v3;
	v3 =	vadd.s32 $0x927C0, v2  }
0x267: {  	v2 =	vadd.s32 $0xAAE60, v2;
	[tilespmem:v4+s13+$0x0] =	vst.idx.msk $0xffff, v3  }
0x268: {  	[tilespmem:v5+s13+$0x0] =	vst.idx.msk $0xffff, v2  }
0x269: {  	v3 =	vor.u32 $0x1180, v0;
	v2 =	vld [tilespmem:$0x630]  }
0x26a: {  	v4 =	vor.u32 $0x1181, v0  }
0x26b: {  	v5 =	vor.u32 $0x1182, v0  }
0x26c: {  	v6 =	vor.u32 $0x1183, v0  }
0x26d: {  	v7 =	vor.u32 $0x1184, v0  }
0x26e: {  	v8 =	vor.u32 $0x1185, v0;
	[tilespmem:v3+s13+$0x0] =	vst.idx.msk $0xffff, v2;
	v3 =	vadd.s32 $0x186A0, v2  }
0x26f: {  	[tilespmem:v4+s13+$0x0] =	vst.idx.msk $0xffff, v3;
	v3 =	vadd.s32 $0x30D40, v2;
	v4 =	vor.u32 $0x1186, v0  }
0x270: {  	[tilespmem:v5+s13+$0x0] =	vst.idx.msk $0xffff, v3;
	v3 =	vadd.s32 $0x493E0, v2;
	v5 =	vor.u32 $0x1187, v0  }
0x271: {  	[tilespmem:v6+s13+$0x0] =	vst.idx.msk $0xffff, v3;
	v3 =	vadd.s32 $0x61A80, v2  }
0x272: {  	[tilespmem:v7+s13+$0x0] =	vst.idx.msk $0xffff, v3;
	v3 =	vadd.s32 $0x7A120, v2  }
0x273: {  	[tilespmem:v8+s13+$0x0] =	vst.idx.msk $0xffff, v3;
	v3 =	vadd.s32 $0x927C0, v2  }
0x274: {  	v2 =	vadd.s32 $0xAAE60, v2;
	[tilespmem:v4+s13+$0x0] =	vst.idx.msk $0xffff, v3  }
0x275: {  	[tilespmem:v5+s13+$0x0] =	vst.idx.msk $0xffff, v2  }
0x276: {  	v3 =	vor.u32 $0x1200, v0;
	v2 =	vld [tilespmem:$0x640]  }
0x277: {  	v4 =	vor.u32 $0x1201, v0  }
0x278: {  	v5 =	vor.u32 $0x1202, v0  }
0x279: {  	v6 =	vor.u32 $0x1203, v0  }
0x27a: {  	v7 =	vor.u32 $0x1204, v0  }
0x27b: {  	v8 =	vor.u32 $0x1205, v0;
	[tilespmem:v3+s13+$0x0] =	vst.idx.msk $0xffff, v2;
	v3 =	vadd.s32 $0x186A0, v2  }
0x27c: {  	[tilespmem:v4+s13+$0x0] =	vst.idx.msk $0xffff, v3;
	v3 =	vadd.s32 $0x30D40, v2;
	v4 =	vor.u32 $0x1206, v0  }
0x27d: {  	[tilespmem:v5+s13+$0x0] =	vst.idx.msk $0xffff, v3;
	v3 =	vadd.s32 $0x493E0, v2;
	v5 =	vor.u32 $0x1207, v0  }
0x27e: {  	[tilespmem:v6+s13+$0x0] =	vst.idx.msk $0xffff, v3;
	v3 =	vadd.s32 $0x61A80, v2  }
0x27f: {  	[tilespmem:v7+s13+$0x0] =	vst.idx.msk $0xffff, v3;
	v3 =	vadd.s32 $0x7A120, v2  }
0x280: {  	[tilespmem:v8+s13+$0x0] =	vst.idx.msk $0xffff, v3;
	v3 =	vadd.s32 $0x927C0, v2  }
0x281: {  	v2 =	vadd.s32 $0xAAE60, v2;
	[tilespmem:v4+s13+$0x0] =	vst.idx.msk $0xffff, v3  }
0x282: {  	[tilespmem:v5+s13+$0x0] =	vst.idx.msk $0xffff, v2  }
0x283: {  	v3 =	vor.u32 $0x1280, v0;
	v2 =	vld [tilespmem:$0x650]  }
0x284: {  	v4 =	vor.u32 $0x1281, v0  }
0x285: {  	v5 =	vor.u32 $0x1282, v0  }
0x286: {  	v6 =	vor.u32 $0x1283, v0  }
0x287: {  	v7 =	vor.u32 $0x1284, v0  }
0x288: {  	v8 =	vor.u32 $0x1285, v0;
	[tilespmem:v3+s13+$0x0] =	vst.idx.msk $0xffff, v2;
	v3 =	vadd.s32 $0x186A0, v2  }
0x289: {  	[tilespmem:v4+s13+$0x0] =	vst.idx.msk $0xffff, v3;
	v3 =	vadd.s32 $0x30D40, v2;
	v4 =	vor.u32 $0x1286, v0  }
0x28a: {  	[tilespmem:v5+s13+$0x0] =	vst.idx.msk $0xffff, v3;
	v3 =	vadd.s32 $0x493E0, v2;
	v5 =	vor.u32 $0x1287, v0  }
0x28b: {  	[tilespmem:v6+s13+$0x0] =	vst.idx.msk $0xffff, v3;
	v3 =	vadd.s32 $0x61A80, v2  }
0x28c: {  	[tilespmem:v7+s13+$0x0] =	vst.idx.msk $0xffff, v3;
	v3 =	vadd.s32 $0x7A120, v2  }
0x28d: {  	[tilespmem:v8+s13+$0x0] =	vst.idx.msk $0xffff, v3;
	v3 =	vadd.s32 $0x927C0, v2  }
0x28e: {  	v2 =	vadd.s32 $0xAAE60, v2;
	[tilespmem:v4+s13+$0x0] =	vst.idx.msk $0xffff, v3  }
0x28f: {  	[tilespmem:v5+s13+$0x0] =	vst.idx.msk $0xffff, v2  }
0x290: {  	v3 =	vor.u32 $0x1300, v0;
	v2 =	vld [tilespmem:$0x660]  }
0x291: {  	v4 =	vor.u32 $0x1301, v0  }
0x292: {  	v5 =	vor.u32 $0x1302, v0  }
0x293: {  	v6 =	vor.u32 $0x1303, v0  }
0x294: {  	v7 =	vor.u32 $0x1304, v0  }
0x295: {  	v8 =	vor.u32 $0x1305, v0;
	[tilespmem:v3+s13+$0x0] =	vst.idx.msk $0xffff, v2;
	v3 =	vadd.s32 $0x186A0, v2  }
0x296: {  	[tilespmem:v4+s13+$0x0] =	vst.idx.msk $0xffff, v3;
	v3 =	vadd.s32 $0x30D40, v2;
	v4 =	vor.u32 $0x1306, v0  }
0x297: {  	[tilespmem:v5+s13+$0x0] =	vst.idx.msk $0xffff, v3;
	v3 =	vadd.s32 $0x493E0, v2;
	v5 =	vor.u32 $0x1307, v0  }
0x298: {  	[tilespmem:v6+s13+$0x0] =	vst.idx.msk $0xffff, v3;
	v3 =	vadd.s32 $0x61A80, v2  }
0x299: {  	[tilespmem:v7+s13+$0x0] =	vst.idx.msk $0xffff, v3;
	v3 =	vadd.s32 $0x7A120, v2  }
0x29a: {  	[tilespmem:v8+s13+$0x0] =	vst.idx.msk $0xffff, v3;
	v3 =	vadd.s32 $0x927C0, v2  }
0x29b: {  	v2 =	vadd.s32 $0xAAE60, v2;
	[tilespmem:v4+s13+$0x0] =	vst.idx.msk $0xffff, v3  }
0x29c: {  	[tilespmem:v5+s13+$0x0] =	vst.idx.msk $0xffff, v2  }
0x29d: {  	v3 =	vor.u32 $0x1380, v0;
	v2 =	vld [tilespmem:$0x670]  }
0x29e: {  	v4 =	vor.u32 $0x1381, v0  }
0x29f: {  	v5 =	vor.u32 $0x1382, v0  }
0x2a0: {  	v6 =	vor.u32 $0x1383, v0  }
0x2a1: {  	v7 =	vor.u32 $0x1384, v0  }
0x2a2: {  	v8 =	vor.u32 $0x1385, v0;
	[tilespmem:v3+s13+$0x0] =	vst.idx.msk $0xffff, v2;
	v3 =	vadd.s32 $0x186A0, v2  }
0x2a3: {  	[tilespmem:v4+s13+$0x0] =	vst.idx.msk $0xffff, v3;
	v3 =	vadd.s32 $0x30D40, v2;
	v4 =	vor.u32 $0x1386, v0  }
0x2a4: {  	[tilespmem:v5+s13+$0x0] =	vst.idx.msk $0xffff, v3;
	v3 =	vadd.s32 $0x493E0, v2;
	v5 =	vor.u32 $0x1387, v0  }
0x2a5: {  	[tilespmem:v6+s13+$0x0] =	vst.idx.msk $0xffff, v3;
	v3 =	vadd.s32 $0x61A80, v2  }
0x2a6: {  	[tilespmem:v7+s13+$0x0] =	vst.idx.msk $0xffff, v3;
	v3 =	vadd.s32 $0x7A120, v2  }
0x2a7: {  	[tilespmem:v8+s13+$0x0] =	vst.idx.msk $0xffff, v3;
	v3 =	vadd.s32 $0x927C0, v2  }
0x2a8: {  	v2 =	vadd.s32 $0xAAE60, v2;
	[tilespmem:v4+s13+$0x0] =	vst.idx.msk $0xffff, v3  }
0x2a9: {  	[tilespmem:v5+s13+$0x0] =	vst.idx.msk $0xffff, v2  }
0x2aa: {  	v3 =	vor.u32 $0x1400, v0;
	v2 =	vld [tilespmem:$0x680]  }
0x2ab: {  	v4 =	vor.u32 $0x1401, v0  }
0x2ac: {  	v5 =	vor.u32 $0x1402, v0  }
0x2ad: {  	v6 =	vor.u32 $0x1403, v0  }
0x2ae: {  	v7 =	vor.u32 $0x1404, v0  }
0x2af: {  	v8 =	vor.u32 $0x1405, v0;
	[tilespmem:v3+s13+$0x0] =	vst.idx.msk $0xffff, v2;
	v3 =	vadd.s32 $0x186A0, v2  }
0x2b0: {  	[tilespmem:v4+s13+$0x0] =	vst.idx.msk $0xffff, v3;
	v3 =	vadd.s32 $0x30D40, v2;
	v4 =	vor.u32 $0x1406, v0  }
0x2b1: {  	[tilespmem:v5+s13+$0x0] =	vst.idx.msk $0xffff, v3;
	v3 =	vadd.s32 $0x493E0, v2;
	v5 =	vor.u32 $0x1407, v0  }
0x2b2: {  	[tilespmem:v6+s13+$0x0] =	vst.idx.msk $0xffff, v3;
	v3 =	vadd.s32 $0x61A80, v2  }
0x2b3: {  	[tilespmem:v7+s13+$0x0] =	vst.idx.msk $0xffff, v3;
	v3 =	vadd.s32 $0x7A120, v2  }
0x2b4: {  	[tilespmem:v8+s13+$0x0] =	vst.idx.msk $0xffff, v3;
	v3 =	vadd.s32 $0x927C0, v2  }
0x2b5: {  	v2 =	vadd.s32 $0xAAE60, v2;
	[tilespmem:v4+s13+$0x0] =	vst.idx.msk $0xffff, v3  }
0x2b6: {  	[tilespmem:v5+s13+$0x0] =	vst.idx.msk $0xffff, v2  }
0x2b7: {  	v3 =	vor.u32 $0x1480, v0;
	v2 =	vld [tilespmem:$0x690]  }
0x2b8: {  	v4 =	vor.u32 $0x1481, v0  }
0x2b9: {  	v5 =	vor.u32 $0x1482, v0  }
0x2ba: {  	v6 =	vor.u32 $0x1483, v0  }
0x2bb: {  	v7 =	vor.u32 $0x1484, v0  }
0x2bc: {  	v8 =	vor.u32 $0x1485, v0;
	[tilespmem:v3+s13+$0x0] =	vst.idx.msk $0xffff, v2;
	v3 =	vadd.s32 $0x186A0, v2  }
0x2bd: {  	[tilespmem:v4+s13+$0x0] =	vst.idx.msk $0xffff, v3;
	v3 =	vadd.s32 $0x30D40, v2;
	v4 =	vor.u32 $0x1486, v0  }
0x2be: {  	[tilespmem:v5+s13+$0x0] =	vst.idx.msk $0xffff, v3;
	v3 =	vadd.s32 $0x493E0, v2;
	v5 =	vor.u32 $0x1487, v0  }
0x2bf: {  	[tilespmem:v6+s13+$0x0] =	vst.idx.msk $0xffff, v3;
	v3 =	vadd.s32 $0x61A80, v2  }
0x2c0: {  	[tilespmem:v7+s13+$0x0] =	vst.idx.msk $0xffff, v3;
	v3 =	vadd.s32 $0x7A120, v2  }
0x2c1: {  	[tilespmem:v8+s13+$0x0] =	vst.idx.msk $0xffff, v3;
	v3 =	vadd.s32 $0x927C0, v2  }
0x2c2: {  	v2 =	vadd.s32 $0xAAE60, v2;
	[tilespmem:v4+s13+$0x0] =	vst.idx.msk $0xffff, v3  }
0x2c3: {  	[tilespmem:v5+s13+$0x0] =	vst.idx.msk $0xffff, v2  }
0x2c4: {  	v3 =	vor.u32 $0x1500, v0;
	v2 =	vld [tilespmem:$0x6A0]  }
0x2c5: {  	v4 =	vor.u32 $0x1501, v0  }
0x2c6: {  	v5 =	vor.u32 $0x1502, v0  }
0x2c7: {  	v6 =	vor.u32 $0x1503, v0  }
0x2c8: {  	v7 =	vor.u32 $0x1504, v0  }
0x2c9: {  	v8 =	vor.u32 $0x1505, v0;
	[tilespmem:v3+s13+$0x0] =	vst.idx.msk $0xffff, v2;
	v3 =	vadd.s32 $0x186A0, v2  }
0x2ca: {  	[tilespmem:v4+s13+$0x0] =	vst.idx.msk $0xffff, v3;
	v3 =	vadd.s32 $0x30D40, v2;
	v4 =	vor.u32 $0x1506, v0  }
0x2cb: {  	[tilespmem:v5+s13+$0x0] =	vst.idx.msk $0xffff, v3;
	v3 =	vadd.s32 $0x493E0, v2;
	v5 =	vor.u32 $0x1507, v0  }
0x2cc: {  	[tilespmem:v6+s13+$0x0] =	vst.idx.msk $0xffff, v3;
	v3 =	vadd.s32 $0x61A80, v2  }
0x2cd: {  	[tilespmem:v7+s13+$0x0] =	vst.idx.msk $0xffff, v3;
	v3 =	vadd.s32 $0x7A120, v2  }
0x2ce: {  	[tilespmem:v8+s13+$0x0] =	vst.idx.msk $0xffff, v3;
	v3 =	vadd.s32 $0x927C0, v2  }
0x2cf: {  	v2 =	vadd.s32 $0xAAE60, v2;
	[tilespmem:v4+s13+$0x0] =	vst.idx.msk $0xffff, v3  }
0x2d0: {  	[tilespmem:v5+s13+$0x0] =	vst.idx.msk $0xffff, v2  }
0x2d1: {  	v3 =	vor.u32 $0x1580, v0;
	v2 =	vld [tilespmem:$0x6B0]  }
0x2d2: {  	v4 =	vor.u32 $0x1581, v0  }
0x2d3: {  	v5 =	vor.u32 $0x1582, v0  }
0x2d4: {  	v6 =	vor.u32 $0x1583, v0  }
0x2d5: {  	v7 =	vor.u32 $0x1584, v0  }
0x2d6: {  	v8 =	vor.u32 $0x1585, v0;
	[tilespmem:v3+s13+$0x0] =	vst.idx.msk $0xffff, v2;
	v3 =	vadd.s32 $0x186A0, v2  }
0x2d7: {  	[tilespmem:v4+s13+$0x0] =	vst.idx.msk $0xffff, v3;
	v3 =	vadd.s32 $0x30D40, v2;
	v4 =	vor.u32 $0x1586, v0  }
0x2d8: {  	[tilespmem:v5+s13+$0x0] =	vst.idx.msk $0xffff, v3;
	v3 =	vadd.s32 $0x493E0, v2;
	v5 =	vor.u32 $0x1587, v0  }
0x2d9: {  	[tilespmem:v6+s13+$0x0] =	vst.idx.msk $0xffff, v3;
	v3 =	vadd.s32 $0x61A80, v2  }
0x2da: {  	[tilespmem:v7+s13+$0x0] =	vst.idx.msk $0xffff, v3;
	v3 =	vadd.s32 $0x7A120, v2  }
0x2db: {  	[tilespmem:v8+s13+$0x0] =	vst.idx.msk $0xffff, v3;
	v3 =	vadd.s32 $0x927C0, v2  }
0x2dc: {  	v2 =	vadd.s32 $0xAAE60, v2;
	[tilespmem:v4+s13+$0x0] =	vst.idx.msk $0xffff, v3  }
0x2dd: {  	[tilespmem:v5+s13+$0x0] =	vst.idx.msk $0xffff, v2  }
0x2de: {  	v3 =	vor.u32 $0x1600, v0;
	v2 =	vld [tilespmem:$0x6C0]  }
0x2df: {  	v4 =	vor.u32 $0x1601, v0  }
0x2e0: {  	v5 =	vor.u32 $0x1602, v0  }
0x2e1: {  	v6 =	vor.u32 $0x1603, v0  }
0x2e2: {  	v7 =	vor.u32 $0x1604, v0  }
0x2e3: {  	v8 =	vor.u32 $0x1605, v0;
	[tilespmem:v3+s13+$0x0] =	vst.idx.msk $0xffff, v2;
	v3 =	vadd.s32 $0x186A0, v2  }
0x2e4: {  	[tilespmem:v4+s13+$0x0] =	vst.idx.msk $0xffff, v3;
	v3 =	vadd.s32 $0x30D40, v2;
	v4 =	vor.u32 $0x1606, v0  }
0x2e5: {  	[tilespmem:v5+s13+$0x0] =	vst.idx.msk $0xffff, v3;
	v3 =	vadd.s32 $0x493E0, v2;
	v5 =	vor.u32 $0x1607, v0  }
0x2e6: {  	[tilespmem:v6+s13+$0x0] =	vst.idx.msk $0xffff, v3;
	v3 =	vadd.s32 $0x61A80, v2  }
0x2e7: {  	[tilespmem:v7+s13+$0x0] =	vst.idx.msk $0xffff, v3;
	v3 =	vadd.s32 $0x7A120, v2  }
0x2e8: {  	[tilespmem:v8+s13+$0x0] =	vst.idx.msk $0xffff, v3;
	v3 =	vadd.s32 $0x927C0, v2  }
0x2e9: {  	v2 =	vadd.s32 $0xAAE60, v2;
	[tilespmem:v4+s13+$0x0] =	vst.idx.msk $0xffff, v3  }
0x2ea: {  	[tilespmem:v5+s13+$0x0] =	vst.idx.msk $0xffff, v2  }
0x2eb: {  	v3 =	vor.u32 $0x1680, v0;
	v2 =	vld [tilespmem:$0x6D0]  }
0x2ec: {  	v4 =	vor.u32 $0x1681, v0  }
0x2ed: {  	v5 =	vor.u32 $0x1682, v0  }
0x2ee: {  	v6 =	vor.u32 $0x1683, v0  }
0x2ef: {  	v7 =	vor.u32 $0x1684, v0  }
0x2f0: {  	v8 =	vor.u32 $0x1685, v0;
	[tilespmem:v3+s13+$0x0] =	vst.idx.msk $0xffff, v2;
	v3 =	vadd.s32 $0x186A0, v2  }
0x2f1: {  	[tilespmem:v4+s13+$0x0] =	vst.idx.msk $0xffff, v3;
	v3 =	vadd.s32 $0x30D40, v2;
	v4 =	vor.u32 $0x1686, v0  }
0x2f2: {  	[tilespmem:v5+s13+$0x0] =	vst.idx.msk $0xffff, v3;
	v3 =	vadd.s32 $0x493E0, v2;
	v5 =	vor.u32 $0x1687, v0  }
0x2f3: {  	[tilespmem:v6+s13+$0x0] =	vst.idx.msk $0xffff, v3;
	v3 =	vadd.s32 $0x61A80, v2  }
0x2f4: {  	[tilespmem:v7+s13+$0x0] =	vst.idx.msk $0xffff, v3;
	v3 =	vadd.s32 $0x7A120, v2  }
0x2f5: {  	[tilespmem:v8+s13+$0x0] =	vst.idx.msk $0xffff, v3;
	v3 =	vadd.s32 $0x927C0, v2  }
0x2f6: {  	v2 =	vadd.s32 $0xAAE60, v2;
	[tilespmem:v4+s13+$0x0] =	vst.idx.msk $0xffff, v3  }
0x2f7: {  	[tilespmem:v5+s13+$0x0] =	vst.idx.msk $0xffff, v2  }
0x2f8: {  	v3 =	vor.u32 $0x1700, v0;
	v2 =	vld [tilespmem:$0x6E0]  }
0x2f9: {  	v4 =	vor.u32 $0x1701, v0  }
0x2fa: {  	v5 =	vor.u32 $0x1702, v0  }
0x2fb: {  	v6 =	vor.u32 $0x1703, v0  }
0x2fc: {  	v7 =	vor.u32 $0x1704, v0  }
0x2fd: {  	v8 =	vor.u32 $0x1705, v0;
	[tilespmem:v3+s13+$0x0] =	vst.idx.msk $0xffff, v2;
	v3 =	vadd.s32 $0x186A0, v2  }
0x2fe: {  	[tilespmem:v4+s13+$0x0] =	vst.idx.msk $0xffff, v3;
	v3 =	vadd.s32 $0x30D40, v2;
	v4 =	vor.u32 $0x1706, v0  }
0x2ff: {  	[tilespmem:v5+s13+$0x0] =	vst.idx.msk $0xffff, v3;
	v3 =	vadd.s32 $0x493E0, v2;
	v5 =	vor.u32 $0x1707, v0  }
0x300: {  	[tilespmem:v6+s13+$0x0] =	vst.idx.msk $0xffff, v3;
	v3 =	vadd.s32 $0x61A80, v2  }
0x301: {  	[tilespmem:v7+s13+$0x0] =	vst.idx.msk $0xffff, v3;
	v3 =	vadd.s32 $0x7A120, v2  }
0x302: {  	[tilespmem:v8+s13+$0x0] =	vst.idx.msk $0xffff, v3;
	v3 =	vadd.s32 $0x927C0, v2  }
0x303: {  	v2 =	vadd.s32 $0xAAE60, v2;
	[tilespmem:v4+s13+$0x0] =	vst.idx.msk $0xffff, v3  }
0x304: {  	[tilespmem:v5+s13+$0x0] =	vst.idx.msk $0xffff, v2  }
0x305: {  	v3 =	vor.u32 $0x1780, v0;
	v2 =	vld [tilespmem:$0x6F0]  }
0x306: {  	v4 =	vor.u32 $0x1781, v0  }
0x307: {  	v5 =	vor.u32 $0x1782, v0  }
0x308: {  	v6 =	vor.u32 $0x1783, v0  }
0x309: {  	v7 =	vor.u32 $0x1784, v0  }
0x30a: {  	v8 =	vor.u32 $0x1785, v0;
	[tilespmem:v3+s13+$0x0] =	vst.idx.msk $0xffff, v2;
	v3 =	vadd.s32 $0x186A0, v2  }
0x30b: {  	[tilespmem:v4+s13+$0x0] =	vst.idx.msk $0xffff, v3;
	v3 =	vadd.s32 $0x30D40, v2;
	v4 =	vor.u32 $0x1786, v0  }
0x30c: {  	[tilespmem:v5+s13+$0x0] =	vst.idx.msk $0xffff, v3;
	v3 =	vadd.s32 $0x493E0, v2;
	v5 =	vor.u32 $0x1787, v0  }
0x30d: {  	[tilespmem:v6+s13+$0x0] =	vst.idx.msk $0xffff, v3;
	v3 =	vadd.s32 $0x61A80, v2  }
0x30e: {  	[tilespmem:v7+s13+$0x0] =	vst.idx.msk $0xffff, v3;
	v3 =	vadd.s32 $0x7A120, v2  }
0x30f: {  	[tilespmem:v8+s13+$0x0] =	vst.idx.msk $0xffff, v3;
	v3 =	vadd.s32 $0x927C0, v2  }
0x310: {  	v2 =	vadd.s32 $0xAAE60, v2;
	[tilespmem:v4+s13+$0x0] =	vst.idx.msk $0xffff, v3  }
0x311: {  	[tilespmem:v5+s13+$0x0] =	vst.idx.msk $0xffff, v2  }
0x312: {  	v3 =	vor.u32 $0x1800, v0;
	v2 =	vld [tilespmem:$0x700]  }
0x313: {  	v4 =	vor.u32 $0x1801, v0  }
0x314: {  	v5 =	vor.u32 $0x1802, v0  }
0x315: {  	v6 =	vor.u32 $0x1803, v0  }
0x316: {  	v7 =	vor.u32 $0x1804, v0  }
0x317: {  	v8 =	vor.u32 $0x1805, v0;
	[tilespmem:v3+s13+$0x0] =	vst.idx.msk $0xffff, v2;
	v3 =	vadd.s32 $0x186A0, v2  }
0x318: {  	[tilespmem:v4+s13+$0x0] =	vst.idx.msk $0xffff, v3;
	v3 =	vadd.s32 $0x30D40, v2;
	v4 =	vor.u32 $0x1806, v0  }
0x319: {  	[tilespmem:v5+s13+$0x0] =	vst.idx.msk $0xffff, v3;
	v3 =	vadd.s32 $0x493E0, v2;
	v5 =	vor.u32 $0x1807, v0  }
0x31a: {  	[tilespmem:v6+s13+$0x0] =	vst.idx.msk $0xffff, v3;
	v3 =	vadd.s32 $0x61A80, v2  }
0x31b: {  	[tilespmem:v7+s13+$0x0] =	vst.idx.msk $0xffff, v3;
	v3 =	vadd.s32 $0x7A120, v2  }
0x31c: {  	[tilespmem:v8+s13+$0x0] =	vst.idx.msk $0xffff, v3;
	v3 =	vadd.s32 $0x927C0, v2  }
0x31d: {  	v2 =	vadd.s32 $0xAAE60, v2;
	[tilespmem:v4+s13+$0x0] =	vst.idx.msk $0xffff, v3  }
0x31e: {  	[tilespmem:v5+s13+$0x0] =	vst.idx.msk $0xffff, v2  }
0x31f: {  	v3 =	vor.u32 $0x1880, v0;
	v2 =	vld [tilespmem:$0x710]  }
0x320: {  	v4 =	vor.u32 $0x1881, v0  }
0x321: {  	v5 =	vor.u32 $0x1882, v0  }
0x322: {  	v6 =	vor.u32 $0x1883, v0  }
0x323: {  	v7 =	vor.u32 $0x1884, v0  }
0x324: {  	v8 =	vor.u32 $0x1885, v0;
	[tilespmem:v3+s13+$0x0] =	vst.idx.msk $0xffff, v2;
	v3 =	vadd.s32 $0x186A0, v2  }
0x325: {  	[tilespmem:v4+s13+$0x0] =	vst.idx.msk $0xffff, v3;
	v3 =	vadd.s32 $0x30D40, v2;
	v4 =	vor.u32 $0x1886, v0  }
0x326: {  	[tilespmem:v5+s13+$0x0] =	vst.idx.msk $0xffff, v3;
	v3 =	vadd.s32 $0x493E0, v2;
	v5 =	vor.u32 $0x1887, v0  }
0x327: {  	[tilespmem:v6+s13+$0x0] =	vst.idx.msk $0xffff, v3;
	v3 =	vadd.s32 $0x61A80, v2  }
0x328: {  	[tilespmem:v7+s13+$0x0] =	vst.idx.msk $0xffff, v3;
	v3 =	vadd.s32 $0x7A120, v2  }
0x329: {  	[tilespmem:v8+s13+$0x0] =	vst.idx.msk $0xffff, v3;
	v3 =	vadd.s32 $0x927C0, v2  }
0x32a: {  	v2 =	vadd.s32 $0xAAE60, v2;
	[tilespmem:v4+s13+$0x0] =	vst.idx.msk $0xffff, v3  }
0x32b: {  	[tilespmem:v5+s13+$0x0] =	vst.idx.msk $0xffff, v2  }
0x32c: {  	v3 =	vor.u32 $0x1900, v0;
	v2 =	vld [tilespmem:$0x720]  }
0x32d: {  	v4 =	vor.u32 $0x1901, v0  }
0x32e: {  	v5 =	vor.u32 $0x1902, v0  }
0x32f: {  	v6 =	vor.u32 $0x1903, v0  }
0x330: {  	v7 =	vor.u32 $0x1904, v0  }
0x331: {  	v8 =	vor.u32 $0x1905, v0;
	[tilespmem:v3+s13+$0x0] =	vst.idx.msk $0xffff, v2;
	v3 =	vadd.s32 $0x186A0, v2  }
0x332: {  	[tilespmem:v4+s13+$0x0] =	vst.idx.msk $0xffff, v3;
	v3 =	vadd.s32 $0x30D40, v2;
	v4 =	vor.u32 $0x1906, v0  }
0x333: {  	[tilespmem:v5+s13+$0x0] =	vst.idx.msk $0xffff, v3;
	v3 =	vadd.s32 $0x493E0, v2;
	v5 =	vor.u32 $0x1907, v0  }
0x334: {  	[tilespmem:v6+s13+$0x0] =	vst.idx.msk $0xffff, v3;
	v3 =	vadd.s32 $0x61A80, v2  }
0x335: {  	[tilespmem:v7+s13+$0x0] =	vst.idx.msk $0xffff, v3;
	v3 =	vadd.s32 $0x7A120, v2  }
0x336: {  	[tilespmem:v8+s13+$0x0] =	vst.idx.msk $0xffff, v3;
	v3 =	vadd.s32 $0x927C0, v2  }
0x337: {  	v2 =	vadd.s32 $0xAAE60, v2;
	[tilespmem:v4+s13+$0x0] =	vst.idx.msk $0xffff, v3  }
0x338: {  	[tilespmem:v5+s13+$0x0] =	vst.idx.msk $0xffff, v2  }
0x339: {  	v3 =	vor.u32 $0x1980, v0;
	v2 =	vld [tilespmem:$0x730]  }
0x33a: {  	v4 =	vor.u32 $0x1981, v0  }
0x33b: {  	v5 =	vor.u32 $0x1982, v0  }
0x33c: {  	v6 =	vor.u32 $0x1983, v0  }
0x33d: {  	v7 =	vor.u32 $0x1984, v0  }
0x33e: {  	v8 =	vor.u32 $0x1985, v0;
	[tilespmem:v3+s13+$0x0] =	vst.idx.msk $0xffff, v2;
	v3 =	vadd.s32 $0x186A0, v2  }
0x33f: {  	[tilespmem:v4+s13+$0x0] =	vst.idx.msk $0xffff, v3;
	v3 =	vadd.s32 $0x30D40, v2;
	v4 =	vor.u32 $0x1986, v0  }
0x340: {  	[tilespmem:v5+s13+$0x0] =	vst.idx.msk $0xffff, v3;
	v3 =	vadd.s32 $0x493E0, v2;
	v5 =	vor.u32 $0x1987, v0  }
0x341: {  	[tilespmem:v6+s13+$0x0] =	vst.idx.msk $0xffff, v3;
	v3 =	vadd.s32 $0x61A80, v2  }
0x342: {  	[tilespmem:v7+s13+$0x0] =	vst.idx.msk $0xffff, v3;
	v3 =	vadd.s32 $0x7A120, v2  }
0x343: {  	[tilespmem:v8+s13+$0x0] =	vst.idx.msk $0xffff, v3;
	v3 =	vadd.s32 $0x927C0, v2  }
0x344: {  	v2 =	vadd.s32 $0xAAE60, v2;
	[tilespmem:v4+s13+$0x0] =	vst.idx.msk $0xffff, v3  }
0x345: {  	[tilespmem:v5+s13+$0x0] =	vst.idx.msk $0xffff, v2  }
0x346: {  	v3 =	vor.u32 $0x1A00, v0;
	v2 =	vld [tilespmem:$0x740]  }
0x347: {  	v4 =	vor.u32 $0x1A01, v0  }
0x348: {  	v5 =	vor.u32 $0x1A02, v0  }
0x349: {  	v6 =	vor.u32 $0x1A03, v0  }
0x34a: {  	v7 =	vor.u32 $0x1A04, v0  }
0x34b: {  	v8 =	vor.u32 $0x1A05, v0;
	[tilespmem:v3+s13+$0x0] =	vst.idx.msk $0xffff, v2;
	v3 =	vadd.s32 $0x186A0, v2  }
0x34c: {  	[tilespmem:v4+s13+$0x0] =	vst.idx.msk $0xffff, v3;
	v3 =	vadd.s32 $0x30D40, v2;
	v4 =	vor.u32 $0x1A06, v0  }
0x34d: {  	[tilespmem:v5+s13+$0x0] =	vst.idx.msk $0xffff, v3;
	v3 =	vadd.s32 $0x493E0, v2;
	v5 =	vor.u32 $0x1A07, v0  }
0x34e: {  	[tilespmem:v6+s13+$0x0] =	vst.idx.msk $0xffff, v3;
	v3 =	vadd.s32 $0x61A80, v2  }
0x34f: {  	[tilespmem:v7+s13+$0x0] =	vst.idx.msk $0xffff, v3;
	v3 =	vadd.s32 $0x7A120, v2  }
0x350: {  	[tilespmem:v8+s13+$0x0] =	vst.idx.msk $0xffff, v3;
	v3 =	vadd.s32 $0x927C0, v2  }
0x351: {  	v2 =	vadd.s32 $0xAAE60, v2;
	[tilespmem:v4+s13+$0x0] =	vst.idx.msk $0xffff, v3  }
0x352: {  	[tilespmem:v5+s13+$0x0] =	vst.idx.msk $0xffff, v2  }
0x353: {  	v3 =	vor.u32 $0x1A80, v0;
	v2 =	vld [tilespmem:$0x750]  }
0x354: {  	v4 =	vor.u32 $0x1A81, v0  }
0x355: {  	v5 =	vor.u32 $0x1A82, v0  }
0x356: {  	v6 =	vor.u32 $0x1A83, v0  }
0x357: {  	v7 =	vor.u32 $0x1A84, v0  }
0x358: {  	v8 =	vor.u32 $0x1A85, v0;
	[tilespmem:v3+s13+$0x0] =	vst.idx.msk $0xffff, v2;
	v3 =	vadd.s32 $0x186A0, v2  }
0x359: {  	[tilespmem:v4+s13+$0x0] =	vst.idx.msk $0xffff, v3;
	v3 =	vadd.s32 $0x30D40, v2;
	v4 =	vor.u32 $0x1A86, v0  }
0x35a: {  	[tilespmem:v5+s13+$0x0] =	vst.idx.msk $0xffff, v3;
	v3 =	vadd.s32 $0x493E0, v2;
	v5 =	vor.u32 $0x1A87, v0  }
0x35b: {  	[tilespmem:v6+s13+$0x0] =	vst.idx.msk $0xffff, v3;
	v3 =	vadd.s32 $0x61A80, v2  }
0x35c: {  	[tilespmem:v7+s13+$0x0] =	vst.idx.msk $0xffff, v3;
	v3 =	vadd.s32 $0x7A120, v2  }
0x35d: {  	[tilespmem:v8+s13+$0x0] =	vst.idx.msk $0xffff, v3;
	v3 =	vadd.s32 $0x927C0, v2  }
0x35e: {  	v2 =	vadd.s32 $0xAAE60, v2;
	[tilespmem:v4+s13+$0x0] =	vst.idx.msk $0xffff, v3  }
0x35f: {  	[tilespmem:v5+s13+$0x0] =	vst.idx.msk $0xffff, v2  }
0x360: {  	v3 =	vor.u32 $0x1B00, v0;
	v2 =	vld [tilespmem:$0x760]  }
0x361: {  	v4 =	vor.u32 $0x1B01, v0  }
0x362: {  	v5 =	vor.u32 $0x1B02, v0  }
0x363: {  	v6 =	vor.u32 $0x1B03, v0  }
0x364: {  	v7 =	vor.u32 $0x1B04, v0  }
0x365: {  	v8 =	vor.u32 $0x1B05, v0;
	[tilespmem:v3+s13+$0x0] =	vst.idx.msk $0xffff, v2;
	v3 =	vadd.s32 $0x186A0, v2  }
0x366: {  	[tilespmem:v4+s13+$0x0] =	vst.idx.msk $0xffff, v3;
	v3 =	vadd.s32 $0x30D40, v2;
	v4 =	vor.u32 $0x1B06, v0  }
0x367: {  	[tilespmem:v5+s13+$0x0] =	vst.idx.msk $0xffff, v3;
	v3 =	vadd.s32 $0x493E0, v2;
	v5 =	vor.u32 $0x1B07, v0  }
0x368: {  	[tilespmem:v6+s13+$0x0] =	vst.idx.msk $0xffff, v3;
	v3 =	vadd.s32 $0x61A80, v2  }
0x369: {  	[tilespmem:v7+s13+$0x0] =	vst.idx.msk $0xffff, v3;
	v3 =	vadd.s32 $0x7A120, v2  }
0x36a: {  	[tilespmem:v8+s13+$0x0] =	vst.idx.msk $0xffff, v3;
	v3 =	vadd.s32 $0x927C0, v2  }
0x36b: {  	v2 =	vadd.s32 $0xAAE60, v2;
	[tilespmem:v4+s13+$0x0] =	vst.idx.msk $0xffff, v3  }
0x36c: {  	[tilespmem:v5+s13+$0x0] =	vst.idx.msk $0xffff, v2  }
0x36d: {  	v3 =	vor.u32 $0x1B80, v0;
	v2 =	vld [tilespmem:$0x770]  }
0x36e: {  	v4 =	vor.u32 $0x1B81, v0  }
0x36f: {  	v5 =	vor.u32 $0x1B82, v0  }
0x370: {  	v6 =	vor.u32 $0x1B83, v0  }
0x371: {  	v7 =	vor.u32 $0x1B84, v0  }
0x372: {  	v8 =	vor.u32 $0x1B85, v0;
	[tilespmem:v3+s13+$0x0] =	vst.idx.msk $0xffff, v2;
	v3 =	vadd.s32 $0x186A0, v2  }
0x373: {  	[tilespmem:v4+s13+$0x0] =	vst.idx.msk $0xffff, v3;
	v3 =	vadd.s32 $0x30D40, v2;
	v4 =	vor.u32 $0x1B86, v0  }
0x374: {  	[tilespmem:v5+s13+$0x0] =	vst.idx.msk $0xffff, v3;
	v3 =	vadd.s32 $0x493E0, v2;
	v5 =	vor.u32 $0x1B87, v0  }
0x375: {  	[tilespmem:v6+s13+$0x0] =	vst.idx.msk $0xffff, v3;
	v3 =	vadd.s32 $0x61A80, v2  }
0x376: {  	[tilespmem:v7+s13+$0x0] =	vst.idx.msk $0xffff, v3;
	v3 =	vadd.s32 $0x7A120, v2  }
0x377: {  	[tilespmem:v8+s13+$0x0] =	vst.idx.msk $0xffff, v3;
	v3 =	vadd.s32 $0x927C0, v2  }
0x378: {  	v2 =	vadd.s32 $0xAAE60, v2;
	[tilespmem:v4+s13+$0x0] =	vst.idx.msk $0xffff, v3  }
0x379: {  	[tilespmem:v5+s13+$0x0] =	vst.idx.msk $0xffff, v2  }
0x37a: {  	v3 =	vor.u32 $0x1C00, v0;
	v2 =	vld [tilespmem:$0x780]  }
0x37b: {  	v4 =	vor.u32 $0x1C01, v0  }
0x37c: {  	v5 =	vor.u32 $0x1C02, v0  }
0x37d: {  	v6 =	vor.u32 $0x1C03, v0  }
0x37e: {  	v7 =	vor.u32 $0x1C04, v0  }
0x37f: {  	v8 =	vor.u32 $0x1C05, v0;
	[tilespmem:v3+s13+$0x0] =	vst.idx.msk $0xffff, v2;
	v3 =	vadd.s32 $0x186A0, v2  }
0x380: {  	[tilespmem:v4+s13+$0x0] =	vst.idx.msk $0xffff, v3;
	v3 =	vadd.s32 $0x30D40, v2;
	v4 =	vor.u32 $0x1C06, v0  }
0x381: {  	[tilespmem:v5+s13+$0x0] =	vst.idx.msk $0xffff, v3;
	v3 =	vadd.s32 $0x493E0, v2;
	v5 =	vor.u32 $0x1C07, v0  }
0x382: {  	[tilespmem:v6+s13+$0x0] =	vst.idx.msk $0xffff, v3;
	v3 =	vadd.s32 $0x61A80, v2  }
0x383: {  	[tilespmem:v7+s13+$0x0] =	vst.idx.msk $0xffff, v3;
	v3 =	vadd.s32 $0x7A120, v2  }
0x384: {  	[tilespmem:v8+s13+$0x0] =	vst.idx.msk $0xffff, v3;
	v3 =	vadd.s32 $0x927C0, v2  }
0x385: {  	v2 =	vadd.s32 $0xAAE60, v2;
	[tilespmem:v4+s13+$0x0] =	vst.idx.msk $0xffff, v3  }
0x386: {  	[tilespmem:v5+s13+$0x0] =	vst.idx.msk $0xffff, v2  }
0x387: {  	v3 =	vor.u32 $0x1C80, v0;
	v2 =	vld [tilespmem:$0x790]  }
0x388: {  	v4 =	vor.u32 $0x1C81, v0  }
0x389: {  	v5 =	vor.u32 $0x1C82, v0  }
0x38a: {  	v6 =	vor.u32 $0x1C83, v0  }
0x38b: {  	v7 =	vor.u32 $0x1C84, v0  }
0x38c: {  	v8 =	vor.u32 $0x1C85, v0;
	[tilespmem:v3+s13+$0x0] =	vst.idx.msk $0xffff, v2;
	v3 =	vadd.s32 $0x186A0, v2  }
0x38d: {  	[tilespmem:v4+s13+$0x0] =	vst.idx.msk $0xffff, v3;
	v3 =	vadd.s32 $0x30D40, v2;
	v4 =	vor.u32 $0x1C86, v0  }
0x38e: {  	[tilespmem:v5+s13+$0x0] =	vst.idx.msk $0xffff, v3;
	v3 =	vadd.s32 $0x493E0, v2;
	v5 =	vor.u32 $0x1C87, v0  }
0x38f: {  	[tilespmem:v6+s13+$0x0] =	vst.idx.msk $0xffff, v3;
	v3 =	vadd.s32 $0x61A80, v2  }
0x390: {  	[tilespmem:v7+s13+$0x0] =	vst.idx.msk $0xffff, v3;
	v3 =	vadd.s32 $0x7A120, v2  }
0x391: {  	[tilespmem:v8+s13+$0x0] =	vst.idx.msk $0xffff, v3;
	v3 =	vadd.s32 $0x927C0, v2  }
0x392: {  	v2 =	vadd.s32 $0xAAE60, v2;
	[tilespmem:v4+s13+$0x0] =	vst.idx.msk $0xffff, v3  }
0x393: {  	[tilespmem:v5+s13+$0x0] =	vst.idx.msk $0xffff, v2  }
0x394: {  	v3 =	vor.u32 $0x1D00, v0;
	v2 =	vld [tilespmem:$0x7A0]  }
0x395: {  	v4 =	vor.u32 $0x1D01, v0  }
0x396: {  	v5 =	vor.u32 $0x1D02, v0  }
0x397: {  	v6 =	vor.u32 $0x1D03, v0  }
0x398: {  	v7 =	vor.u32 $0x1D04, v0  }
0x399: {  	v8 =	vor.u32 $0x1D05, v0;
	[tilespmem:v3+s13+$0x0] =	vst.idx.msk $0xffff, v2;
	v3 =	vadd.s32 $0x186A0, v2  }
0x39a: {  	[tilespmem:v4+s13+$0x0] =	vst.idx.msk $0xffff, v3;
	v3 =	vadd.s32 $0x30D40, v2;
	v4 =	vor.u32 $0x1D06, v0  }
0x39b: {  	[tilespmem:v5+s13+$0x0] =	vst.idx.msk $0xffff, v3;
	v3 =	vadd.s32 $0x493E0, v2;
	v5 =	vor.u32 $0x1D07, v0  }
0x39c: {  	[tilespmem:v6+s13+$0x0] =	vst.idx.msk $0xffff, v3;
	v3 =	vadd.s32 $0x61A80, v2  }
0x39d: {  	[tilespmem:v7+s13+$0x0] =	vst.idx.msk $0xffff, v3;
	v3 =	vadd.s32 $0x7A120, v2  }
0x39e: {  	[tilespmem:v8+s13+$0x0] =	vst.idx.msk $0xffff, v3;
	v3 =	vadd.s32 $0x927C0, v2  }
0x39f: {  	v2 =	vadd.s32 $0xAAE60, v2;
	[tilespmem:v4+s13+$0x0] =	vst.idx.msk $0xffff, v3  }
0x3a0: {  	[tilespmem:v5+s13+$0x0] =	vst.idx.msk $0xffff, v2  }
0x3a1: {  	v3 =	vor.u32 $0x1D80, v0;
	v2 =	vld [tilespmem:$0x7B0]  }
0x3a2: {  	v4 =	vor.u32 $0x1D81, v0  }
0x3a3: {  	v5 =	vor.u32 $0x1D82, v0  }
0x3a4: {  	v6 =	vor.u32 $0x1D83, v0  }
0x3a5: {  	v7 =	vor.u32 $0x1D84, v0  }
0x3a6: {  	v8 =	vor.u32 $0x1D85, v0;
	[tilespmem:v3+s13+$0x0] =	vst.idx.msk $0xffff, v2;
	v3 =	vadd.s32 $0x186A0, v2  }
0x3a7: {  	[tilespmem:v4+s13+$0x0] =	vst.idx.msk $0xffff, v3;
	v3 =	vadd.s32 $0x30D40, v2;
	v4 =	vor.u32 $0x1D86, v0  }
0x3a8: {  	[tilespmem:v5+s13+$0x0] =	vst.idx.msk $0xffff, v3;
	v3 =	vadd.s32 $0x493E0, v2;
	v5 =	vor.u32 $0x1D87, v0  }
0x3a9: {  	[tilespmem:v6+s13+$0x0] =	vst.idx.msk $0xffff, v3;
	v3 =	vadd.s32 $0x61A80, v2  }
0x3aa: {  	[tilespmem:v7+s13+$0x0] =	vst.idx.msk $0xffff, v3;
	v3 =	vadd.s32 $0x7A120, v2  }
0x3ab: {  	[tilespmem:v8+s13+$0x0] =	vst.idx.msk $0xffff, v3;
	v3 =	vadd.s32 $0x927C0, v2  }
0x3ac: {  	v2 =	vadd.s32 $0xAAE60, v2;
	[tilespmem:v4+s13+$0x0] =	vst.idx.msk $0xffff, v3  }
0x3ad: {  	[tilespmem:v5+s13+$0x0] =	vst.idx.msk $0xffff, v2  }
0x3ae: {  	v3 =	vor.u32 $0x1E00, v0;
	v2 =	vld [tilespmem:$0x7C0]  }
0x3af: {  	v4 =	vor.u32 $0x1E01, v0  }
0x3b0: {  	v5 =	vor.u32 $0x1E02, v0  }
0x3b1: {  	v6 =	vor.u32 $0x1E03, v0  }
0x3b2: {  	v7 =	vor.u32 $0x1E04, v0  }
0x3b3: {  	v8 =	vor.u32 $0x1E05, v0;
	[tilespmem:v3+s13+$0x0] =	vst.idx.msk $0xffff, v2;
	v3 =	vadd.s32 $0x186A0, v2  }
0x3b4: {  	[tilespmem:v4+s13+$0x0] =	vst.idx.msk $0xffff, v3;
	v3 =	vadd.s32 $0x30D40, v2;
	v4 =	vor.u32 $0x1E06, v0  }
0x3b5: {  	[tilespmem:v5+s13+$0x0] =	vst.idx.msk $0xffff, v3;
	v3 =	vadd.s32 $0x493E0, v2;
	v5 =	vor.u32 $0x1E07, v0  }
0x3b6: {  	[tilespmem:v6+s13+$0x0] =	vst.idx.msk $0xffff, v3;
	v3 =	vadd.s32 $0x61A80, v2  }
0x3b7: {  	[tilespmem:v7+s13+$0x0] =	vst.idx.msk $0xffff, v3;
	v3 =	vadd.s32 $0x7A120, v2  }
0x3b8: {  	[tilespmem:v8+s13+$0x0] =	vst.idx.msk $0xffff, v3;
	v3 =	vadd.s32 $0x927C0, v2  }
0x3b9: {  	v2 =	vadd.s32 $0xAAE60, v2;
	[tilespmem:v4+s13+$0x0] =	vst.idx.msk $0xffff, v3  }
0x3ba: {  	[tilespmem:v5+s13+$0x0] =	vst.idx.msk $0xffff, v2  }
0x3bb: {  	v3 =	vor.u32 $0x1E80, v0;
	v2 =	vld [tilespmem:$0x7D0]  }
0x3bc: {  	v4 =	vor.u32 $0x1E81, v0  }
0x3bd: {  	v5 =	vor.u32 $0x1E82, v0  }
0x3be: {  	v6 =	vor.u32 $0x1E83, v0  }
0x3bf: {  	v7 =	vor.u32 $0x1E84, v0  }
0x3c0: {  	v8 =	vor.u32 $0x1E85, v0;
	[tilespmem:v3+s13+$0x0] =	vst.idx.msk $0xffff, v2;
	v3 =	vadd.s32 $0x186A0, v2  }
0x3c1: {  	[tilespmem:v4+s13+$0x0] =	vst.idx.msk $0xffff, v3;
	v3 =	vadd.s32 $0x30D40, v2;
	v4 =	vor.u32 $0x1E86, v0  }
0x3c2: {  	[tilespmem:v5+s13+$0x0] =	vst.idx.msk $0xffff, v3;
	v3 =	vadd.s32 $0x493E0, v2;
	v5 =	vor.u32 $0x1E87, v0  }
0x3c3: {  	[tilespmem:v6+s13+$0x0] =	vst.idx.msk $0xffff, v3;
	v3 =	vadd.s32 $0x61A80, v2  }
0x3c4: {  	[tilespmem:v7+s13+$0x0] =	vst.idx.msk $0xffff, v3;
	v3 =	vadd.s32 $0x7A120, v2  }
0x3c5: {  	[tilespmem:v8+s13+$0x0] =	vst.idx.msk $0xffff, v3;
	v3 =	vadd.s32 $0x927C0, v2  }
0x3c6: {  	v2 =	vadd.s32 $0xAAE60, v2;
	[tilespmem:v4+s13+$0x0] =	vst.idx.msk $0xffff, v3  }
0x3c7: {  	[tilespmem:v5+s13+$0x0] =	vst.idx.msk $0xffff, v2  }
0x3c8: {  	v3 =	vor.u32 $0x1F00, v0;
	v2 =	vld [tilespmem:$0x7E0]  }
0x3c9: {  	v4 =	vor.u32 $0x1F01, v0  }
0x3ca: {  	v5 =	vor.u32 $0x1F02, v0  }
0x3cb: {  	v6 =	vor.u32 $0x1F03, v0  }
0x3cc: {  	v7 =	vor.u32 $0x1F04, v0  }
0x3cd: {  	v8 =	vor.u32 $0x1F05, v0;
	[tilespmem:v3+s13+$0x0] =	vst.idx.msk $0xffff, v2;
	v3 =	vadd.s32 $0x186A0, v2  }
0x3ce: {  	[tilespmem:v4+s13+$0x0] =	vst.idx.msk $0xffff, v3;
	v3 =	vadd.s32 $0x30D40, v2;
	v4 =	vor.u32 $0x1F06, v0  }
0x3cf: {  	[tilespmem:v5+s13+$0x0] =	vst.idx.msk $0xffff, v3;
	v3 =	vadd.s32 $0x493E0, v2;
	v5 =	vor.u32 $0x1F07, v0  }
0x3d0: {  	[tilespmem:v6+s13+$0x0] =	vst.idx.msk $0xffff, v3;
	v3 =	vadd.s32 $0x61A80, v2  }
0x3d1: {  	[tilespmem:v7+s13+$0x0] =	vst.idx.msk $0xffff, v3;
	v3 =	vadd.s32 $0x7A120, v2  }
0x3d2: {  	[tilespmem:v8+s13+$0x0] =	vst.idx.msk $0xffff, v3;
	v3 =	vadd.s32 $0x927C0, v2  }
0x3d3: {  	v2 =	vadd.s32 $0xAAE60, v2;
	[tilespmem:v4+s13+$0x0] =	vst.idx.msk $0xffff, v3  }
0x3d4: {  	[tilespmem:v5+s13+$0x0] =	vst.idx.msk $0xffff, v2  }
0x3d5: {  	v3 =	vor.u32 $0x1F80, v0;
	v2 =	vld [tilespmem:$0x7F0]  }
0x3d6: {  	v4 =	vor.u32 $0x1F81, v0  }
0x3d7: {  	v5 =	vor.u32 $0x1F82, v0  }
0x3d8: {  	v6 =	vor.u32 $0x1F83, v0  }
0x3d9: {  	v7 =	vor.u32 $0x1F84, v0  }
0x3da: {  	v8 =	vor.u32 $0x1F85, v0;
	[tilespmem:v3+s13+$0x0] =	vst.idx.msk $0xffff, v2;
	v3 =	vadd.s32 $0x186A0, v2  }
0x3db: {  	[tilespmem:v4+s13+$0x0] =	vst.idx.msk $0xffff, v3;
	v3 =	vadd.s32 $0x30D40, v2;
	v4 =	vor.u32 $0x1F86, v0  }
0x3dc: {  	v0 =	vor.u32 $0x1F87, v0;
	[tilespmem:v5+s13+$0x0] =	vst.idx.msk $0xffff, v3;
	v3 =	vadd.s32 $0x493E0, v2  }
0x3dd: {  	[tilespmem:v6+s13+$0x0] =	vst.idx.msk $0xffff, v3;
	v3 =	vadd.s32 $0x61A80, v2  }
0x3de: {  	[tilespmem:v7+s13+$0x0] =	vst.idx.msk $0xffff, v3;
	v3 =	vadd.s32 $0x7A120, v2  }
0x3df: {  	[tilespmem:v8+s13+$0x0] =	vst.idx.msk $0xffff, v3;
	v3 =	vadd.s32 $0x927C0, v2  }
0x3e0: {  	v2 =	vadd.s32 $0xAAE60, v2;
	[tilespmem:v4+s13+$0x0] =	vst.idx.msk $0xffff, v3  }
0x3e1: {  	[tilespmem:v0+s13+$0x0] =	vst.idx.msk $0xffff, v2  }
0x3e2: {  	[tilespmem:s15], [sflag:$0x1] =	stream.indirect.gather [hbm4b:s4+s14], $0x1, s13, s14, $0xb8;
	[tilespmem:$0x6800] =	vst v63  }
0x3e3: {  	_ =	swait.ge [sflag:s16], $0x2000  }
0x3e4: {  	[sflag:s16] =	ssyncset.done $0x0  }
0x3e5: {  	[sflag:s16] =	ssyncadd.s32 $0xFFFFE000  }
0x3e6: {  	[tilespmem:s17], [sflag:$0x1] =	stream.indirect.gather [hbm4b:s2+s14], $0x1, s15, s14, $0xb8;
	[tilespmem:$0x6800] =	vst v63  }
0x3e7: {  	_ =	swait.ge [sflag:s16], $0x2000  }
0x3e8: {  	[sflag:s16] =	ssyncset.done $0x0  }
0x3e9: {  	[sflag:s16] =	ssyncadd.s32 $0xFFFFE000  }
0x3ea: {  	[hbm4b:s7+s18] =	stream.strided.scatter [tilespmem:s15], [sflag:$0x2], $0x2000, s12, s18, $0x38;
	[tilespmem:$0x6800] =	vst v63  }
0x3eb: {  	_ =	swait.ge [sflag:s10], $0x2000  }
0x3ec: {  	p0 =	sne.s32 s9, $0x1;
	[sflag:s10] =	ssyncset.done $0x0  }
.Ltmp0:
0x3ed: {  	[sflag:s10] =	ssyncadd.s32 $0xFFFFE000;
	(pc) =	sbr.rel @p0 .LBB2_1-.Ltmp0, $4  }
0x3ee: {  	[hbm4b:s8+s18] =	stream.strided.scatter [tilespmem:s17], [sflag:$0x2], $0x2000, s12, s18, $0x38;
	[tilespmem:$0x6800] =	vst v63  }
0x3ef: {  	_ =	swait.ge [sflag:s10], $0x2000  }
0x3f0: {  	[sflag:s10] =	ssyncset.done $0x0  }
0x3f1: {  	s9 =	sadd.s32 $0xFFFFFFFF, s9;
	[sflag:s10] =	ssyncadd.s32 $0xFFFFE000  }
0x3f2: {  	_ =	sfence.sel $0x180000  }
0x3f3: {  	[bflag:$0x0] =	sbarrier.arrive $0xFFFF  }
0x3f4: {  	p0 =	sne.s32 s0, $0x0;
	_ =	strace $0x9000004D  }
0x3f5: {  	s0 =	sadd.s32 @!p0 $0x100000, s1;
	[bflag:$0x2] =	sbarrier.arrive $0xFFFF  }
0x3f6: {  	[sflag:s0] =	ssyncadd.tile.s32 @!p0 $0x1;
	_ =	shalt  }
.Lfunc_end2:
_tile_overlayer_lowered:
.L_overlay_start_2:
0x3f7: {  	(tag) =	ssettag $0x2  }
0x3f8: {  	s0 =	rddreg [dreg:$0x0];
	s2 =	stileid.u32  }
0x3f9: {  	s1 =	rddreg [dreg:$0x1];
	p0 =	sne.s32 s2, $0x0  }
0x3fa: {  	s3 =	rddreg [dreg:$0x2];
	[bflag:$0x3] =	sbarrier.arrive $0xFFFF;
	s2 =	simm.s32 @!p0 $0x1C02  }
0x3fb: {  	[timem:s3], [sflag:s2] =	dma.local @!p0 [hbm:s0], s1  }
0x3fc: {  	s0 =	simm.s32 @!p0 $0x2  }
0x3fd: {  	_ =	swait.ge @!p0 [sflag:s0], s1  }
0x3fe: {  	s1 =	ssub.s32 @!p0 $0x0, s1;
	[sflag:s0] =	ssyncset.done @!p0 $0x0  }
0x3ff: {  	[sflag:s0] =	ssyncadd.s32 @!p0 s1  }
0x400: {  	[bflag:$0x3] =	sbarrier.arrive $0xFFFF  }
0x401: {  	_ =	shalt  }

</sc_bundles>
